<compile_context>
chip_gen: v7x
topology: tpu7x:2x2x1
jax: 0.10.2.dev20260603
libtpu: 0.0.44.dev20260713+nightly
codegen_flags: <defaults>
</compile_context>

<pallas_src>
import functools

import jax
import jax.numpy as jnp
from jax import lax
from jax.experimental import pallas as pl
from jax.experimental.pallas import tpu as pltpu
from jax.experimental.pallas import tpu_sc as plsc

N_NODES = 10000
F = 128
FH = F // 2
N_EDGES = 320000

NC = 2
NS = 16
EPT = N_EDGES // NS
WIN = 128
NWIN = EPT // WIN
TAIL = EPT - NWIN * WIN
N_PAD = 10240
ZROWS = 128
ROWS_PT = N_PAD // NS
DEG_PAD = 10240
DEG_PT = DEG_PAD // NS

_mesh = plsc.VectorSubcoreMesh(core_axis_name="c", subcore_axis_name="s")

_sc_params = pltpu.CompilerParams(
    needs_layout_passes=False, use_tc_tiling_on_sc=False)


@functools.partial(
    pl.kernel,
    out_type=jax.ShapeDtypeStruct((NC, DEG_PAD), jnp.float32),
    mesh=_mesh,
    scratch_types=[
        pltpu.VMEM((EPT // 2,), jnp.int32),
        pltpu.VMEM((DEG_PAD,), jnp.float32),
        pltpu.VMEM((NS, DEG_PT), jnp.float32),
        pltpu.VMEM_SHARED((NS, DEG_PAD), jnp.float32),
    ],
    compiler_params=_sc_params,
)
def _deg_kernel(ei_hbm, deg_out, dst_v, hist_v, stripe_v, stage_sh):
    c = lax.axis_index("c")
    s = lax.axis_index("s")
    g = c * NS + s
    half = EPT // 2
    pltpu.sync_copy(ei_hbm.at[1, pl.ds(g * half, half)], dst_v)

    zero16 = jnp.zeros((16,), jnp.float32)
    ones16 = jnp.ones((16,), jnp.float32)

    @pl.loop(0, DEG_PAD, step=16)
    def _(i):
        hist_v[pl.ds(i, 16)] = zero16

    @pl.loop(0, half, step=16)
    def _(i):
        plsc.addupdate_scatter(hist_v, [dst_v[pl.ds(i, 16)]], ones16)

    pltpu.sync_copy(hist_v, stage_sh.at[s])
    plsc.subcore_barrier()
    for r in range(NS):
        pltpu.sync_copy(stage_sh.at[r, pl.ds(s * DEG_PT, DEG_PT)], stripe_v.at[r])

    @pl.loop(0, DEG_PT, step=16)
    def _(i):
        acc = stripe_v[0, pl.ds(i, 16)]
        for r in range(1, NS):
            acc = acc + stripe_v[r, pl.ds(i, 16)]
        stripe_v[0, pl.ds(i, 16)] = acc

    pltpu.sync_copy(stripe_v.at[0], deg_out.at[c, pl.ds(s * DEG_PT, DEG_PT)])


_NBUF = 4
_LOOK = 3


@functools.partial(
    pl.kernel,
    out_type=jax.ShapeDtypeStruct((N_PAD, F), jnp.float32),
    mesh=_mesh,
    scratch_types=[
        pltpu.VMEM((EPT,), jnp.int32),
        pltpu.VMEM((EPT,), jnp.int32),
        pltpu.VMEM((WIN,), jnp.int32),
        pltpu.VMEM((TAIL,), jnp.int32),
        pltpu.VMEM((_NBUF, WIN, FH), jnp.float32),
        pltpu.VMEM((ZROWS, FH), jnp.float32),
        pltpu.VMEM_SHARED((N_PAD, FH), jnp.float32),
    ]
    + [pltpu.SemaphoreType.DMA] * _NBUF,
    compiler_params=_sc_params,
)
def _agg_kernel(hp_hbm, ei_hbm, out_hbm,
                src_v, dst_v, dwin_v, dtail_v, rows_v, zbuf, agg_sh, *sems):
    gsem = sems
    c = lax.axis_index("c")
    s = lax.axis_index("s")
    pltpu.sync_copy(ei_hbm.at[0, pl.ds(s * EPT, EPT)], src_v)
    pltpu.sync_copy(ei_hbm.at[1, pl.ds(s * EPT, EPT)], dst_v)

    @pl.loop(0, EPT, step=16)
    def _(i):
        src_v[pl.ds(i, 16)] = src_v[pl.ds(i, 16)] * 2 + c

    zero16 = jnp.zeros((16,), jnp.float32)

    @pl.loop(0, ZROWS)
    def _(i):
        for cc in range(FH // 16):
            zbuf[i, pl.ds(cc * 16, 16)] = zero16

    for kk in range(ROWS_PT // ZROWS):
        pltpu.sync_copy(zbuf, agg_sh.at[pl.ds(s * ROWS_PT + kk * ZROWS, ZROWS)])
    plsc.subcore_barrier()

    def g_start(w, j):
        pltpu.async_copy(hp_hbm.at[src_v.at[pl.ds(w * WIN, WIN)]],
                         rows_v.at[j], gsem[j])

    def g_wait(w, j):
        pltpu.make_async_copy(hp_hbm.at[src_v.at[pl.ds(w * WIN, WIN)]],
                              rows_v.at[j], gsem[j]).wait()

    def scat(w, j):
        for i in range(WIN // 16):
            dwin_v[pl.ds(16 * i, 16)] = dst_v[pl.ds(w * WIN + 16 * i, 16)]
        pltpu.sync_copy(rows_v.at[j], agg_sh.at[dwin_v], add=True)

    for w in range(_LOOK):
        g_start(w, w)
    g_start(_LOOK, _LOOK)
    g_wait(0, 0)
    scat(0, 0)

    @pl.loop(0, (NWIN - _NBUF) // _NBUF)
    def _(k):
        w0 = _NBUF * k + 1
        for t in range(_NBUF):
            w = w0 + t
            j = (1 + t) % _NBUF
            g_start(w + _LOOK, (1 + t + _LOOK) % _NBUF)
            g_wait(w, j)
            scat(w, j)

    for w in range(NWIN - _LOOK, NWIN):
        j = w % _NBUF
        g_wait(w, j)
        scat(w, j)

    tb = NWIN * WIN
    for i in range(TAIL // 16):
        dtail_v[pl.ds(16 * i, 16)] = dst_v[pl.ds(tb + 16 * i, 16)]
    pltpu.make_async_copy(hp_hbm.at[src_v.at[pl.ds(tb, TAIL)]],
                          rows_v.at[0].at[pl.ds(0, TAIL)], gsem[0]).start()
    pltpu.make_async_copy(hp_hbm.at[src_v.at[pl.ds(tb, TAIL)]],
                          rows_v.at[0].at[pl.ds(0, TAIL)], gsem[0]).wait()
    pltpu.sync_copy(rows_v.at[0].at[pl.ds(0, TAIL)],
                    agg_sh.at[dtail_v], add=True)
    plsc.subcore_barrier()

    for kk in range(ROWS_PT // ZROWS):
        off = s * ROWS_PT + kk * ZROWS
        pltpu.sync_copy(agg_sh.at[pl.ds(off, ZROWS)],
                        out_hbm.at[pl.ds(off, ZROWS), pl.ds(c * FH, FH)])


_R = 1000


def _mm_scale(x, w_t, b, d0, d1):
    def body(x_ref, w_ref, b_ref, d0_ref, d1_ref, o_ref):
        dinv = lax.rsqrt(d0_ref[...] + d1_ref[...] + 1.0)
        o_ref[...] = dinv * (
            jnp.dot(x_ref[...], w_ref[...], preferred_element_type=jnp.float32)
            + b_ref[...])

    return pl.pallas_call(
        body,
        grid=(N_NODES // _R,),
        in_specs=[
            pl.BlockSpec((_R, F), lambda i: (i, 0)),
            pl.BlockSpec((F, F), lambda i: (0, 0)),
            pl.BlockSpec((1, F), lambda i: (0, 0)),
            pl.BlockSpec((_R, 1), lambda i: (i, 0)),
            pl.BlockSpec((_R, 1), lambda i: (i, 0)),
        ],
        out_specs=pl.BlockSpec((_R, F), lambda i: (i, 0)),
        out_shape=jax.ShapeDtypeStruct((N_NODES, F), jnp.float32),
    )(x, w_t, b, d0, d1)


def _relu_comb_mm(a, hp, w_t, b, d0, d1):
    def body(a_ref, hp_ref, w_ref, b_ref, d0_ref, d1_ref, o_ref):
        dinv = lax.rsqrt(d0_ref[...] + d1_ref[...] + 1.0)
        sblk = jnp.maximum(dinv * (a_ref[...] + hp_ref[...]), 0.0)
        o_ref[...] = dinv * (
            jnp.dot(sblk, w_ref[...], preferred_element_type=jnp.float32)
            + b_ref[...])

    return pl.pallas_call(
        body,
        grid=(N_NODES // _R,),
        in_specs=[
            pl.BlockSpec((_R, F), lambda i: (i, 0)),
            pl.BlockSpec((_R, F), lambda i: (i, 0)),
            pl.BlockSpec((F, F), lambda i: (0, 0)),
            pl.BlockSpec((1, F), lambda i: (0, 0)),
            pl.BlockSpec((_R, 1), lambda i: (i, 0)),
            pl.BlockSpec((_R, 1), lambda i: (i, 0)),
        ],
        out_specs=pl.BlockSpec((_R, F), lambda i: (i, 0)),
        out_shape=jax.ShapeDtypeStruct((N_NODES, F), jnp.float32),
    )(a, hp, w_t, b, d0, d1)


def _final_comb(a, hp, d0, d1):
    def body(a_ref, hp_ref, d0_ref, d1_ref, o_ref):
        dinv = lax.rsqrt(d0_ref[...] + d1_ref[...] + 1.0)
        o_ref[...] = dinv * (a_ref[...] + hp_ref[...])

    return pl.pallas_call(
        body,
        grid=(N_NODES // _R,),
        in_specs=[
            pl.BlockSpec((_R, F), lambda i: (i, 0)),
            pl.BlockSpec((_R, F), lambda i: (i, 0)),
            pl.BlockSpec((_R, 1), lambda i: (i, 0)),
            pl.BlockSpec((_R, 1), lambda i: (i, 0)),
        ],
        out_specs=pl.BlockSpec((_R, F), lambda i: (i, 0)),
        out_shape=jax.ShapeDtypeStruct((N_NODES, F), jnp.float32),
    )(a, hp, d0, d1)


def kernel(x, ei, W1, b1, W2, b2):
    ei = ei.astype(jnp.int32)

    deg = _deg_kernel(ei)
    d0 = deg[0, :N_NODES].reshape(N_NODES, 1)
    d1 = deg[1, :N_NODES].reshape(N_NODES, 1)

    hp1 = _mm_scale(x, W1.T, b1.reshape(1, F), d0, d1)
    a1 = _agg_kernel(hp1.reshape(2 * N_NODES, FH), ei)
    hp2 = _relu_comb_mm(a1, hp1, W2.T, b2.reshape(1, F), d0, d1)
    a2 = _agg_kernel(hp2.reshape(2 * N_NODES, FH), ei)
    return _final_comb(a2, hp2, d0, d1)

# --- scband reference (transcript-rebuilt; emitter-appended) ---
"""Pipeline reference for scband-gcn-67095979098871 (READ-ONLY COPY).

The authoritative reference and input builder live on the scoring server;
editing this copy changes nothing except your own understanding.
"""

import jax, jax.numpy as jnp
import numpy as np

N_NODES = 10000
N_EDGES = 320000
IN_CH = 128
HIDDEN_CH = 128
OUT_CH = 128


def setup_inputs(seed: int = 0) -> dict:
    key = jax.random.key(seed)
    k_x, k_ei, k_w1, k_b1, k_w2, k_b2 = jax.random.split(key, 6)
    x = jax.random.normal(k_x, (N_NODES, IN_CH), dtype=jnp.float32)
    ei = jax.random.randint(k_ei, (2, N_EDGES), 0, N_NODES, dtype=jnp.int64)
    # nn.Linear params (torch convention: W[out, in], y = x @ W.T + b)
    lim1 = 1.0 / np.sqrt(IN_CH)
    W1 = jax.random.uniform(k_w1, (HIDDEN_CH, IN_CH), minval=-lim1, maxval=lim1, dtype=jnp.float32)
    b1 = jax.random.uniform(k_b1, (HIDDEN_CH,), minval=-lim1, maxval=lim1, dtype=jnp.float32)
    lim2 = 1.0 / np.sqrt(HIDDEN_CH)
    W2 = jax.random.uniform(k_w2, (OUT_CH, HIDDEN_CH), minval=-lim2, maxval=lim2, dtype=jnp.float32)
    b2 = jax.random.uniform(k_b2, (OUT_CH,), minval=-lim2, maxval=lim2, dtype=jnp.float32)
    return {"x": x, "ei": ei, "W1": W1, "b1": b1, "W2": W2, "b2": b2}


def _gcn_layer(x, ei):
    n = x.shape[0]
    src, dst = ei[0], ei[1]
    loop = jnp.arange(n, dtype=ei.dtype)
    sa = jnp.concatenate([src, loop])
    da = jnp.concatenate([dst, loop])
    deg = jnp.zeros((n,), dtype=x.dtype).at[da].add(jnp.ones((da.shape[0],), dtype=x.dtype))
    norm = (deg[sa] * deg[da]) ** -0.5
    norm = jnp.where(jnp.isinf(norm), jnp.zeros_like(norm), norm)
    msg = x[sa] * norm[:, None]
    out = jnp.zeros_like(x).at[da].add(msg)
    return out


def reference(x, ei, W1, b1, W2, b2):
    # eval mode: dropout is identity
    h = _gcn_layer(x @ W1.T + b1, ei)
    h = jax.nn.relu(h)
    return _gcn_layer(h @ W2.T + b2, ei)

if __name__ == "__main__":
    import jax
    _d = setup_inputs()
    print(jax.jit(kernel)(*tuple(_d.values())))

</pallas_src>

<mosaic_0001>
#map = affine_map<(d0, d1) -> (0, 0)>
module attributes {stable_mosaic.version = 14 : i64} {
  func.func @_agg_kernel(%arg0: i32, %arg1: i32, %arg2: memref<20000x64xf32, #tpu.memory_space<hbm>>, %arg3: memref<2x320000xi32, #tpu.memory_space<hbm>>, %arg4: memref<10240x128xf32, #tpu.memory_space<hbm>>, %arg5: memref<20000xi32, #tpu.memory_space<vmem>>, %arg6: memref<20000xi32, #tpu.memory_space<vmem>>, %arg7: memref<128xi32, #tpu.memory_space<vmem>>, %arg8: memref<32xi32, #tpu.memory_space<vmem>>, %arg9: memref<4x128x64xf32, #tpu.memory_space<vmem>>, %arg10: memref<128x64xf32, #tpu.memory_space<vmem>>, %arg11: memref<10240x64xf32, #tpu.memory_space<vmem_shared>>, %arg12: memref<!tpu.dma_semaphore, #tpu.memory_space<semaphore_mem>>, %arg13: memref<!tpu.dma_semaphore, #tpu.memory_space<semaphore_mem>>, %arg14: memref<!tpu.dma_semaphore, #tpu.memory_space<semaphore_mem>>, %arg15: memref<!tpu.dma_semaphore, #tpu.memory_space<semaphore_mem>>) attributes {dimension_semantics = [#tpu.dimension_semantics<core_parallel>, #tpu.dimension_semantics<subcore_parallel>], iteration_bounds = array<i64: 2, 16>, scalar_prefetch = 0 : i64, scratch_operands = 11 : i64, tpu.core_type = #tpu.core_type<sc_vector_subcore>, window_params = [{transform_indices = #map}, {transform_indices = #map}, {transform_indices = #map}]} {
    %mul3A = arith.constant 20000 : i32
    %mul3A_0 = arith.muli %arg1, %mul3A : i32
    %run_scoped3A = arith.constant 0 : i32
    "tpu.region"() ({
      %run_scoped3A_312 = tpu.sem_alloc : memref<!tpu.dma_semaphore, #tpu.memory_space<semaphore_mem>>
      %dma_start3A_313 = tpu.memref_slice %arg3[%run_scoped3A, %mul3A_0] : memref<2x320000xi32, #tpu.memory_space<hbm>> -> memref<1x20000xi32, #tpu.memory_space<hbm>>
      %dma_start3A_314 = tpu.memref_squeeze %dma_start3A_313 : memref<1x20000xi32, #tpu.memory_space<hbm>> -> memref<20000xi32, #tpu.memory_space<hbm>>
      %dma_start3A_315 = tpu.memref_slice %arg3[%run_scoped3A, %mul3A_0] : memref<2x320000xi32, #tpu.memory_space<hbm>> -> memref<1x20000xi32, #tpu.memory_space<hbm>>
      %dma_start3A_316 = tpu.memref_squeeze %dma_start3A_315 : memref<1x20000xi32, #tpu.memory_space<hbm>> -> memref<20000xi32, #tpu.memory_space<hbm>>
      tpu.enqueue_dma source(%dma_start3A_316 : memref<20000xi32, #tpu.memory_space<hbm>>) target(%arg5 : memref<20000xi32, #tpu.memory_space<vmem>>) target_semaphore(%run_scoped3A_312 : memref<!tpu.dma_semaphore, #tpu.memory_space<semaphore_mem>>)
      %dma_wait3A_317 = tpu.memref_slice %arg3[%run_scoped3A, %mul3A_0] : memref<2x320000xi32, #tpu.memory_space<hbm>> -> memref<1x20000xi32, #tpu.memory_space<hbm>>
      %dma_wait3A_318 = tpu.memref_squeeze %dma_wait3A_317 : memref<1x20000xi32, #tpu.memory_space<hbm>> -> memref<20000xi32, #tpu.memory_space<hbm>>
      %dma_wait3A_319 = tpu.memref_slice %arg3[%run_scoped3A, %mul3A_0] : memref<2x320000xi32, #tpu.memory_space<hbm>> -> memref<1x20000xi32, #tpu.memory_space<hbm>>
      %dma_wait3A_320 = tpu.memref_squeeze %dma_wait3A_319 : memref<1x20000xi32, #tpu.memory_space<hbm>> -> memref<20000xi32, #tpu.memory_space<hbm>>
      tpu.wait_dma2 semaphore(%run_scoped3A_312 : memref<!tpu.dma_semaphore, #tpu.memory_space<semaphore_mem>>) src(%dma_wait3A_320 : memref<20000xi32, #tpu.memory_space<hbm>>) dst(%arg5 : memref<20000xi32, #tpu.memory_space<vmem>>)
      tpu.yield
    }) : () -> ()
    %mul3A_1 = arith.constant 20000 : i32
    %mul3A_2 = arith.muli %arg1, %mul3A_1 : i32
    %run_scoped3A_3 = arith.constant 1 : i32
    "tpu.region"() ({
      %run_scoped3A_312 = tpu.sem_alloc : memref<!tpu.dma_semaphore, #tpu.memory_space<semaphore_mem>>
      %dma_start3A_313 = tpu.memref_slice %arg3[%run_scoped3A_3, %mul3A_2] : memref<2x320000xi32, #tpu.memory_space<hbm>> -> memref<1x20000xi32, #tpu.memory_space<hbm>>
      %dma_start3A_314 = tpu.memref_squeeze %dma_start3A_313 : memref<1x20000xi32, #tpu.memory_space<hbm>> -> memref<20000xi32, #tpu.memory_space<hbm>>
      %dma_start3A_315 = tpu.memref_slice %arg3[%run_scoped3A_3, %mul3A_2] : memref<2x320000xi32, #tpu.memory_space<hbm>> -> memref<1x20000xi32, #tpu.memory_space<hbm>>
      %dma_start3A_316 = tpu.memref_squeeze %dma_start3A_315 : memref<1x20000xi32, #tpu.memory_space<hbm>> -> memref<20000xi32, #tpu.memory_space<hbm>>
      tpu.enqueue_dma source(%dma_start3A_316 : memref<20000xi32, #tpu.memory_space<hbm>>) target(%arg6 : memref<20000xi32, #tpu.memory_space<vmem>>) target_semaphore(%run_scoped3A_312 : memref<!tpu.dma_semaphore, #tpu.memory_space<semaphore_mem>>)
      %dma_wait3A_317 = tpu.memref_slice %arg3[%run_scoped3A_3, %mul3A_2] : memref<2x320000xi32, #tpu.memory_space<hbm>> -> memref<1x20000xi32, #tpu.memory_space<hbm>>
      %dma_wait3A_318 = tpu.memref_squeeze %dma_wait3A_317 : memref<1x20000xi32, #tpu.memory_space<hbm>> -> memref<20000xi32, #tpu.memory_space<hbm>>
      %dma_wait3A_319 = tpu.memref_slice %arg3[%run_scoped3A_3, %mul3A_2] : memref<2x320000xi32, #tpu.memory_space<hbm>> -> memref<1x20000xi32, #tpu.memory_space<hbm>>
      %dma_wait3A_320 = tpu.memref_squeeze %dma_wait3A_319 : memref<1x20000xi32, #tpu.memory_space<hbm>> -> memref<20000xi32, #tpu.memory_space<hbm>>
      tpu.wait_dma2 semaphore(%run_scoped3A_312 : memref<!tpu.dma_semaphore, #tpu.memory_space<semaphore_mem>>) src(%dma_wait3A_320 : memref<20000xi32, #tpu.memory_space<hbm>>) dst(%arg6 : memref<20000xi32, #tpu.memory_space<vmem>>)
      tpu.yield
    }) : () -> ()
    %scan3A = arith.constant 0 : i32
    %scan3A_4 = arith.constant 1250 : i32
    %scan3A_5 = arith.addi %scan3A, %scan3A_4 : i32
    %scan3A_6 = arith.constant 1 : i32
    scf.for %scan3A_312 = %scan3A to %scan3A_5 step %scan3A_6  : i32 {
      %mul3A_313 = arith.constant 16 : i32
      %mul3A_314 = arith.muli %scan3A_312, %mul3A_313 : i32
      %add3A_315 = arith.constant 0 : i32
      %add3A_316 = arith.addi %add3A_315, %mul3A_314 : i32
      %get3A_317 = arith.index_cast %add3A_316 : i32 to index
      %get3A_318 = tpu.vector_load %arg5[%get3A_317] {strides = array<i32>} : memref<20000xi32, #tpu.memory_space<vmem>>, vector<16xi32>,
      %mul3A_319 = arith.constant 2 : i32
      %mul3A_320 = vector.broadcast %mul3A_319 : i32 to vector<16xi32>
      %mul3A_321 = arith.muli %get3A_318, %mul3A_320 : vector<16xi32>
      %add3A_322 = vector.broadcast %arg0 : i32 to vector<16xi32>
      %add3A_323 = arith.addi %mul3A_321, %add3A_322 : vector<16xi32>
      %swap3A_324 = arith.index_cast %add3A_316 : i32 to index
      %swap3A_325 = tpu.vector_load %arg5[%swap3A_324] {strides = array<i32>} : memref<20000xi32, #tpu.memory_space<vmem>>, vector<16xi32>,
      tpu.vector_store %arg5[%swap3A_324], %add3A_323 {strides = array<i32>} : memref<20000xi32, #tpu.memory_space<vmem>>, vector<16xi32>,
    }
    %scan3A_7 = arith.constant 1250 : i32
    %broadcast_in_dim3A = arith.constant 0.000000e+00 : f32
    %broadcast_in_dim3A_8 = vector.broadcast %broadcast_in_dim3A : f32 to vector<16xf32>
    %scan3A_9 = arith.constant 0 : i32
    %scan3A_10 = arith.constant 128 : i32
    %scan3A_11 = arith.addi %scan3A_9, %scan3A_10 : i32
    %scan3A_12 = arith.constant 1 : i32
    scf.for %scan3A_312 = %scan3A_9 to %scan3A_11 step %scan3A_12  : i32 {
      %mul3A_313 = arith.constant 1 : i32
      %mul3A_314 = arith.muli %scan3A_312, %mul3A_313 : i32
      %add3A_315 = arith.constant 0 : i32
      %add3A_316 = arith.addi %add3A_315, %mul3A_314 : i32
      %swap3A_317 = arith.index_cast %add3A_316 : i32 to index
      %swap3A_318 = arith.constant 0 : index
      %swap3A_319 = tpu.vector_load %arg10[%swap3A_317, %swap3A_318] {strides = array<i32>} : memref<128x64xf32, #tpu.memory_space<vmem>>, vector<16xf32>,
      tpu.vector_store %arg10[%swap3A_317, %swap3A_318], %broadcast_in_dim3A_8 {strides = array<i32>} : memref<128x64xf32, #tpu.memory_space<vmem>>, vector<16xf32>,
      %swap3A_320 = arith.index_cast %add3A_316 : i32 to index
      %swap3A_321 = arith.constant 16 : index
      %swap3A_322 = tpu.vector_load %arg10[%swap3A_320, %swap3A_321] {strides = array<i32>} : memref<128x64xf32, #tpu.memory_space<vmem>>, vector<16xf32>,
      tpu.vector_store %arg10[%swap3A_320, %swap3A_321], %broadcast_in_dim3A_8 {strides = array<i32>} : memref<128x64xf32, #tpu.memory_space<vmem>>, vector<16xf32>,
      %swap3A_323 = arith.index_cast %add3A_316 : i32 to index
      %swap3A_324 = arith.constant 32 : index
      %swap3A_325 = tpu.vector_load %arg10[%swap3A_323, %swap3A_324] {strides = array<i32>} : memref<128x64xf32, #tpu.memory_space<vmem>>, vector<16xf32>,
      tpu.vector_store %arg10[%swap3A_323, %swap3A_324], %broadcast_in_dim3A_8 {strides = array<i32>} : memref<128x64xf32, #tpu.memory_space<vmem>>, vector<16xf32>,
      %swap3A_326 = arith.index_cast %add3A_316 : i32 to index
      %swap3A_327 = arith.constant 48 : index
      %swap3A_328 = tpu.vector_load %arg10[%swap3A_326, %swap3A_327] {strides = array<i32>} : memref<128x64xf32, #tpu.memory_space<vmem>>, vector<16xf32>,
      tpu.vector_store %arg10[%swap3A_326, %swap3A_327], %broadcast_in_dim3A_8 {strides = array<i32>} : memref<128x64xf32, #tpu.memory_space<vmem>>, vector<16xf32>,
    }
    %scan3A_13 = arith.constant 128 : i32
    %mul3A_14 = arith.constant 640 : i32
    %mul3A_15 = arith.muli %arg1, %mul3A_14 : i32
    %add3A = arith.constant 0 : i32
    %add3A_16 = arith.addi %mul3A_15, %add3A : i32
    "tpu.region"() ({
      %run_scoped3A_312 = tpu.sem_alloc : memref<!tpu.dma_semaphore, #tpu.memory_space<semaphore_mem>>
      %dma_start3A_313 = arith.constant 0 : i32
      %dma_start3A_314 = tpu.memref_slice %arg11[%add3A_16, %dma_start3A_313] : memref<10240x64xf32, #tpu.memory_space<vmem_shared>> -> memref<128x64xf32, #tpu.memory_space<vmem_shared>>
      %dma_start3A_315 = arith.constant 0 : i32
      %dma_start3A_316 = tpu.memref_slice %arg11[%add3A_16, %dma_start3A_315] : memref<10240x64xf32, #tpu.memory_space<vmem_shared>> -> memref<128x64xf32, #tpu.memory_space<vmem_shared>>
      tpu.enqueue_dma source(%arg10 : memref<128x64xf32, #tpu.memory_space<vmem>>) target(%dma_start3A_316 : memref<128x64xf32, #tpu.memory_space<vmem_shared>>) target_semaphore(%run_scoped3A_312 : memref<!tpu.dma_semaphore, #tpu.memory_space<semaphore_mem>>)
      %dma_wait3A_317 = arith.constant 0 : i32
      %dma_wait3A_318 = tpu.memref_slice %arg11[%add3A_16, %dma_wait3A_317] : memref<10240x64xf32, #tpu.memory_space<vmem_shared>> -> memref<128x64xf32, #tpu.memory_space<vmem_shared>>
      %dma_wait3A_319 = arith.constant 0 : i32
      %dma_wait3A_320 = tpu.memref_slice %arg11[%add3A_16, %dma_wait3A_319] : memref<10240x64xf32, #tpu.memory_space<vmem_shared>> -> memref<128x64xf32, #tpu.memory_space<vmem_shared>>
      tpu.wait_dma2 semaphore(%run_scoped3A_312 : memref<!tpu.dma_semaphore, #tpu.memory_space<semaphore_mem>>) src(%arg10 : memref<128x64xf32, #tpu.memory_space<vmem>>) dst(%dma_wait3A_320 : memref<128x64xf32, #tpu.memory_space<vmem_shared>>)
      tpu.yield
    }) : () -> ()
    %mul3A_17 = arith.constant 640 : i32
    %mul3A_18 = arith.muli %arg1, %mul3A_17 : i32
    %add3A_19 = arith.constant 128 : i32
    %add3A_20 = arith.addi %mul3A_18, %add3A_19 : i32
    "tpu.region"() ({
      %run_scoped3A_312 = tpu.sem_alloc : memref<!tpu.dma_semaphore, #tpu.memory_space<semaphore_mem>>
      %dma_start3A_313 = arith.constant 0 : i32
      %dma_start3A_314 = tpu.memref_slice %arg11[%add3A_20, %dma_start3A_313] : memref<10240x64xf32, #tpu.memory_space<vmem_shared>> -> memref<128x64xf32, #tpu.memory_space<vmem_shared>>
      %dma_start3A_315 = arith.constant 0 : i32
      %dma_start3A_316 = tpu.memref_slice %arg11[%add3A_20, %dma_start3A_315] : memref<10240x64xf32, #tpu.memory_space<vmem_shared>> -> memref<128x64xf32, #tpu.memory_space<vmem_shared>>
      tpu.enqueue_dma source(%arg10 : memref<128x64xf32, #tpu.memory_space<vmem>>) target(%dma_start3A_316 : memref<128x64xf32, #tpu.memory_space<vmem_shared>>) target_semaphore(%run_scoped3A_312 : memref<!tpu.dma_semaphore, #tpu.memory_space<semaphore_mem>>)
      %dma_wait3A_317 = arith.constant 0 : i32
      %dma_wait3A_318 = tpu.memref_slice %arg11[%add3A_20, %dma_wait3A_317] : memref<10240x64xf32, #tpu.memory_space<vmem_shared>> -> memref<128x64xf32, #tpu.memory_space<vmem_shared>>
      %dma_wait3A_319 = arith.constant 0 : i32
      %dma_wait3A_320 = tpu.memref_slice %arg11[%add3A_20, %dma_wait3A_319] : memref<10240x64xf32, #tpu.memory_space<vmem_shared>> -> memref<128x64xf32, #tpu.memory_space<vmem_shared>>
      tpu.wait_dma2 semaphore(%run_scoped3A_312 : memref<!tpu.dma_semaphore, #tpu.memory_space<semaphore_mem>>) src(%arg10 : memref<128x64xf32, #tpu.memory_space<vmem>>) dst(%dma_wait3A_320 : memref<128x64xf32, #tpu.memory_space<vmem_shared>>)
      tpu.yield
    }) : () -> ()
    %mul3A_21 = arith.constant 640 : i32
    %mul3A_22 = arith.muli %arg1, %mul3A_21 : i32
    %add3A_23 = arith.constant 256 : i32
    %add3A_24 = arith.addi %mul3A_22, %add3A_23 : i32
    "tpu.region"() ({
      %run_scoped3A_312 = tpu.sem_alloc : memref<!tpu.dma_semaphore, #tpu.memory_space<semaphore_mem>>
      %dma_start3A_313 = arith.constant 0 : i32
      %dma_start3A_314 = tpu.memref_slice %arg11[%add3A_24, %dma_start3A_313] : memref<10240x64xf32, #tpu.memory_space<vmem_shared>> -> memref<128x64xf32, #tpu.memory_space<vmem_shared>>
      %dma_start3A_315 = arith.constant 0 : i32
      %dma_start3A_316 = tpu.memref_slice %arg11[%add3A_24, %dma_start3A_315] : memref<10240x64xf32, #tpu.memory_space<vmem_shared>> -> memref<128x64xf32, #tpu.memory_space<vmem_shared>>
      tpu.enqueue_dma source(%arg10 : memref<128x64xf32, #tpu.memory_space<vmem>>) target(%dma_start3A_316 : memref<128x64xf32, #tpu.memory_space<vmem_shared>>) target_semaphore(%run_scoped3A_312 : memref<!tpu.dma_semaphore, #tpu.memory_space<semaphore_mem>>)
      %dma_wait3A_317 = arith.constant 0 : i32
      %dma_wait3A_318 = tpu.memref_slice %arg11[%add3A_24, %dma_wait3A_317] : memref<10240x64xf32, #tpu.memory_space<vmem_shared>> -> memref<128x64xf32, #tpu.memory_space<vmem_shared>>
      %dma_wait3A_319 = arith.constant 0 : i32
      %dma_wait3A_320 = tpu.memref_slice %arg11[%add3A_24, %dma_wait3A_319] : memref<10240x64xf32, #tpu.memory_space<vmem_shared>> -> memref<128x64xf32, #tpu.memory_space<vmem_shared>>
      tpu.wait_dma2 semaphore(%run_scoped3A_312 : memref<!tpu.dma_semaphore, #tpu.memory_space<semaphore_mem>>) src(%arg10 : memref<128x64xf32, #tpu.memory_space<vmem>>) dst(%dma_wait3A_320 : memref<128x64xf32, #tpu.memory_space<vmem_shared>>)
      tpu.yield
    }) : () -> ()
    %mul3A_25 = arith.constant 640 : i32
    %mul3A_26 = arith.muli %arg1, %mul3A_25 : i32
    %add3A_27 = arith.constant 384 : i32
    %add3A_28 = arith.addi %mul3A_26, %add3A_27 : i32
    "tpu.region"() ({
      %run_scoped3A_312 = tpu.sem_alloc : memref<!tpu.dma_semaphore, #tpu.memory_space<semaphore_mem>>
      %dma_start3A_313 = arith.constant 0 : i32
      %dma_start3A_314 = tpu.memref_slice %arg11[%add3A_28, %dma_start3A_313] : memref<10240x64xf32, #tpu.memory_space<vmem_shared>> -> memref<128x64xf32, #tpu.memory_space<vmem_shared>>
      %dma_start3A_315 = arith.constant 0 : i32
      %dma_start3A_316 = tpu.memref_slice %arg11[%add3A_28, %dma_start3A_315] : memref<10240x64xf32, #tpu.memory_space<vmem_shared>> -> memref<128x64xf32, #tpu.memory_space<vmem_shared>>
      tpu.enqueue_dma source(%arg10 : memref<128x64xf32, #tpu.memory_space<vmem>>) target(%dma_start3A_316 : memref<128x64xf32, #tpu.memory_space<vmem_shared>>) target_semaphore(%run_scoped3A_312 : memref<!tpu.dma_semaphore, #tpu.memory_space<semaphore_mem>>)
      %dma_wait3A_317 = arith.constant 0 : i32
      %dma_wait3A_318 = tpu.memref_slice %arg11[%add3A_28, %dma_wait3A_317] : memref<10240x64xf32, #tpu.memory_space<vmem_shared>> -> memref<128x64xf32, #tpu.memory_space<vmem_shared>>
      %dma_wait3A_319 = arith.constant 0 : i32
      %dma_wait3A_320 = tpu.memref_slice %arg11[%add3A_28, %dma_wait3A_319] : memref<10240x64xf32, #tpu.memory_space<vmem_shared>> -> memref<128x64xf32, #tpu.memory_space<vmem_shared>>
      tpu.wait_dma2 semaphore(%run_scoped3A_312 : memref<!tpu.dma_semaphore, #tpu.memory_space<semaphore_mem>>) src(%arg10 : memref<128x64xf32, #tpu.memory_space<vmem>>) dst(%dma_wait3A_320 : memref<128x64xf32, #tpu.memory_space<vmem_shared>>)
      tpu.yield
    }) : () -> ()
    %mul3A_29 = arith.constant 640 : i32
    %mul3A_30 = arith.muli %arg1, %mul3A_29 : i32
    %add3A_31 = arith.constant 512 : i32
    %add3A_32 = arith.addi %mul3A_30, %add3A_31 : i32
    "tpu.region"() ({
      %run_scoped3A_312 = tpu.sem_alloc : memref<!tpu.dma_semaphore, #tpu.memory_space<semaphore_mem>>
      %dma_start3A_313 = arith.constant 0 : i32
      %dma_start3A_314 = tpu.memref_slice %arg11[%add3A_32, %dma_start3A_313] : memref<10240x64xf32, #tpu.memory_space<vmem_shared>> -> memref<128x64xf32, #tpu.memory_space<vmem_shared>>
      %dma_start3A_315 = arith.constant 0 : i32
      %dma_start3A_316 = tpu.memref_slice %arg11[%add3A_32, %dma_start3A_315] : memref<10240x64xf32, #tpu.memory_space<vmem_shared>> -> memref<128x64xf32, #tpu.memory_space<vmem_shared>>
      tpu.enqueue_dma source(%arg10 : memref<128x64xf32, #tpu.memory_space<vmem>>) target(%dma_start3A_316 : memref<128x64xf32, #tpu.memory_space<vmem_shared>>) target_semaphore(%run_scoped3A_312 : memref<!tpu.dma_semaphore, #tpu.memory_space<semaphore_mem>>)
      %dma_wait3A_317 = arith.constant 0 : i32
      %dma_wait3A_318 = tpu.memref_slice %arg11[%add3A_32, %dma_wait3A_317] : memref<10240x64xf32, #tpu.memory_space<vmem_shared>> -> memref<128x64xf32, #tpu.memory_space<vmem_shared>>
      %dma_wait3A_319 = arith.constant 0 : i32
      %dma_wait3A_320 = tpu.memref_slice %arg11[%add3A_32, %dma_wait3A_319] : memref<10240x64xf32, #tpu.memory_space<vmem_shared>> -> memref<128x64xf32, #tpu.memory_space<vmem_shared>>
      tpu.wait_dma2 semaphore(%run_scoped3A_312 : memref<!tpu.dma_semaphore, #tpu.memory_space<semaphore_mem>>) src(%arg10 : memref<128x64xf32, #tpu.memory_space<vmem>>) dst(%dma_wait3A_320 : memref<128x64xf32, #tpu.memory_space<vmem_shared>>)
      tpu.yield
    }) : () -> ()
    %barrier3A = arith.constant 0 : index
    tpu.barrier barrier_id(%barrier3A)
    %dma_start3A = arith.constant 0 : i32
    %dma_start3A_33 = arith.constant 0 : i32
    %dma_start3A_34 = arith.constant 0 : i32
    %dma_start3A_35 = tpu.memref_slice %arg9[%dma_start3A, %dma_start3A_33, %dma_start3A_34] : memref<4x128x64xf32, #tpu.memory_space<vmem>> -> memref<1x128x64xf32, #tpu.memory_space<vmem>>
    %dma_start3A_36 = tpu.memref_squeeze %dma_start3A_35 : memref<1x128x64xf32, #tpu.memory_space<vmem>> -> memref<128x64xf32, #tpu.memory_space<vmem>>
    %dma_start3A_37 = arith.constant 0 : i32
    %dma_start3A_38 = tpu.memref_slice %arg5[%dma_start3A_37] : memref<20000xi32, #tpu.memory_space<vmem>> -> memref<128xi32, #tpu.memory_space<vmem>>
    %dma_start3A_39 = arith.constant 0 : i32
    %dma_start3A_40 = arith.constant 0 : i32
    %dma_start3A_41 = tpu.memref_slice %arg2[%dma_start3A_39, %dma_start3A_40] : memref<20000x64xf32, #tpu.memory_space<hbm>> -> memref<20000x64xf32, #tpu.memory_space<hbm>>
    tpu.enqueue_indirect_dma source(%dma_start3A_41 : memref<20000x64xf32, #tpu.memory_space<hbm>>) target(%dma_start3A_36 : memref<128x64xf32, #tpu.memory_space<vmem>>) offsets(%dma_start3A_38 : memref<128xi32, #tpu.memory_space<vmem>>) semaphore(%arg12 : memref<!tpu.dma_semaphore, #tpu.memory_space<semaphore_mem>>)
    %dma_start3A_42 = arith.constant 1 : i32
    %dma_start3A_43 = arith.constant 0 : i32
    %dma_start3A_44 = arith.constant 0 : i32
    %dma_start3A_45 = tpu.memref_slice %arg9[%dma_start3A_42, %dma_start3A_43, %dma_start3A_44] : memref<4x128x64xf32, #tpu.memory_space<vmem>> -> memref<1x128x64xf32, #tpu.memory_space<vmem>>
    %dma_start3A_46 = tpu.memref_squeeze %dma_start3A_45 : memref<1x128x64xf32, #tpu.memory_space<vmem>> -> memref<128x64xf32, #tpu.memory_space<vmem>>
    %dma_start3A_47 = arith.constant 128 : i32
    %dma_start3A_48 = tpu.memref_slice %arg5[%dma_start3A_47] : memref<20000xi32, #tpu.memory_space<vmem>> -> memref<128xi32, #tpu.memory_space<vmem>>
    %dma_start3A_49 = arith.constant 0 : i32
    %dma_start3A_50 = arith.constant 0 : i32
    %dma_start3A_51 = tpu.memref_slice %arg2[%dma_start3A_49, %dma_start3A_50] : memref<20000x64xf32, #tpu.memory_space<hbm>> -> memref<20000x64xf32, #tpu.memory_space<hbm>>
    tpu.enqueue_indirect_dma source(%dma_start3A_51 : memref<20000x64xf32, #tpu.memory_space<hbm>>) target(%dma_start3A_46 : memref<128x64xf32, #tpu.memory_space<vmem>>) offsets(%dma_start3A_48 : memref<128xi32, #tpu.memory_space<vmem>>) semaphore(%arg13 : memref<!tpu.dma_semaphore, #tpu.memory_space<semaphore_mem>>)
    %dma_start3A_52 = arith.constant 2 : i32
    %dma_start3A_53 = arith.constant 0 : i32
    %dma_start3A_54 = arith.constant 0 : i32
    %dma_start3A_55 = tpu.memref_slice %arg9[%dma_start3A_52, %dma_start3A_53, %dma_start3A_54] : memref<4x128x64xf32, #tpu.memory_space<vmem>> -> memref<1x128x64xf32, #tpu.memory_space<vmem>>
    %dma_start3A_56 = tpu.memref_squeeze %dma_start3A_55 : memref<1x128x64xf32, #tpu.memory_space<vmem>> -> memref<128x64xf32, #tpu.memory_space<vmem>>
    %dma_start3A_57 = arith.constant 256 : i32
    %dma_start3A_58 = tpu.memref_slice %arg5[%dma_start3A_57] : memref<20000xi32, #tpu.memory_space<vmem>> -> memref<128xi32, #tpu.memory_space<vmem>>
    %dma_start3A_59 = arith.constant 0 : i32
    %dma_start3A_60 = arith.constant 0 : i32
    %dma_start3A_61 = tpu.memref_slice %arg2[%dma_start3A_59, %dma_start3A_60] : memref<20000x64xf32, #tpu.memory_space<hbm>> -> memref<20000x64xf32, #tpu.memory_space<hbm>>
    tpu.enqueue_indirect_dma source(%dma_start3A_61 : memref<20000x64xf32, #tpu.memory_space<hbm>>) target(%dma_start3A_56 : memref<128x64xf32, #tpu.memory_space<vmem>>) offsets(%dma_start3A_58 : memref<128xi32, #tpu.memory_space<vmem>>) semaphore(%arg14 : memref<!tpu.dma_semaphore, #tpu.memory_space<semaphore_mem>>)
    %dma_start3A_62 = arith.constant 3 : i32
    %dma_start3A_63 = arith.constant 0 : i32
    %dma_start3A_64 = arith.constant 0 : i32
    %dma_start3A_65 = tpu.memref_slice %arg9[%dma_start3A_62, %dma_start3A_63, %dma_start3A_64] : memref<4x128x64xf32, #tpu.memory_space<vmem>> -> memref<1x128x64xf32, #tpu.memory_space<vmem>>
    %dma_start3A_66 = tpu.memref_squeeze %dma_start3A_65 : memref<1x128x64xf32, #tpu.memory_space<vmem>> -> memref<128x64xf32, #tpu.memory_space<vmem>>
    %dma_start3A_67 = arith.constant 384 : i32
    %dma_start3A_68 = tpu.memref_slice %arg5[%dma_start3A_67] : memref<20000xi32, #tpu.memory_space<vmem>> -> memref<128xi32, #tpu.memory_space<vmem>>
    %dma_start3A_69 = arith.constant 0 : i32
    %dma_start3A_70 = arith.constant 0 : i32
    %dma_start3A_71 = tpu.memref_slice %arg2[%dma_start3A_69, %dma_start3A_70] : memref<20000x64xf32, #tpu.memory_space<hbm>> -> memref<20000x64xf32, #tpu.memory_space<hbm>>
    tpu.enqueue_indirect_dma source(%dma_start3A_71 : memref<20000x64xf32, #tpu.memory_space<hbm>>) target(%dma_start3A_66 : memref<128x64xf32, #tpu.memory_space<vmem>>) offsets(%dma_start3A_68 : memref<128xi32, #tpu.memory_space<vmem>>) semaphore(%arg15 : memref<!tpu.dma_semaphore, #tpu.memory_space<semaphore_mem>>)
    %dma_wait3A = arith.constant 0 : i32
    %dma_wait3A_72 = arith.constant 0 : i32
    %dma_wait3A_73 = arith.constant 0 : i32
    %dma_wait3A_74 = tpu.memref_slice %arg9[%dma_wait3A, %dma_wait3A_72, %dma_wait3A_73] : memref<4x128x64xf32, #tpu.memory_space<vmem>> -> memref<1x128x64xf32, #tpu.memory_space<vmem>>
    %dma_wait3A_75 = tpu.memref_squeeze %dma_wait3A_74 : memref<1x128x64xf32, #tpu.memory_space<vmem>> -> memref<128x64xf32, #tpu.memory_space<vmem>>
    %dma_wait3A_76 = arith.constant 0 : i32
    %dma_wait3A_77 = tpu.memref_slice %arg5[%dma_wait3A_76] : memref<20000xi32, #tpu.memory_space<vmem>> -> memref<128xi32, #tpu.memory_space<vmem>>
    %dma_wait3A_78 = arith.constant 0 : i32
    %dma_wait3A_79 = arith.constant 0 : i32
    %dma_wait3A_80 = tpu.memref_slice %arg2[%dma_wait3A_78, %dma_wait3A_79] : memref<20000x64xf32, #tpu.memory_space<hbm>> -> memref<20000x64xf32, #tpu.memory_space<hbm>>
    tpu.wait_indirect_dma semaphore(%arg12 : memref<!tpu.dma_semaphore, #tpu.memory_space<semaphore_mem>>) src(%dma_wait3A_80 : memref<20000x64xf32, #tpu.memory_space<hbm>>) dst(%dma_wait3A_75 : memref<128x64xf32, #tpu.memory_space<vmem>>)
    %get3A = arith.constant 0 : index
    %get3A_81 = tpu.vector_load %arg6[%get3A] {strides = array<i32>} : memref<20000xi32, #tpu.memory_space<vmem>>, vector<16xi32>,
    %swap3A = arith.constant 0 : index
    %swap3A_82 = tpu.vector_load %arg7[%swap3A] {strides = array<i32>} : memref<128xi32, #tpu.memory_space<vmem>>, vector<16xi32>,
    tpu.vector_store %arg7[%swap3A], %get3A_81 {strides = array<i32>} : memref<128xi32, #tpu.memory_space<vmem>>, vector<16xi32>,
    %get3A_83 = arith.constant 16 : index
    %get3A_84 = tpu.vector_load %arg6[%get3A_83] {strides = array<i32>} : memref<20000xi32, #tpu.memory_space<vmem>>, vector<16xi32>,
    %swap3A_85 = arith.constant 16 : index
    %swap3A_86 = tpu.vector_load %arg7[%swap3A_85] {strides = array<i32>} : memref<128xi32, #tpu.memory_space<vmem>>, vector<16xi32>,
    tpu.vector_store %arg7[%swap3A_85], %get3A_84 {strides = array<i32>} : memref<128xi32, #tpu.memory_space<vmem>>, vector<16xi32>,
    %get3A_87 = arith.constant 32 : index
    %get3A_88 = tpu.vector_load %arg6[%get3A_87] {strides = array<i32>} : memref<20000xi32, #tpu.memory_space<vmem>>, vector<16xi32>,
    %swap3A_89 = arith.constant 32 : index
    %swap3A_90 = tpu.vector_load %arg7[%swap3A_89] {strides = array<i32>} : memref<128xi32, #tpu.memory_space<vmem>>, vector<16xi32>,
    tpu.vector_store %arg7[%swap3A_89], %get3A_88 {strides = array<i32>} : memref<128xi32, #tpu.memory_space<vmem>>, vector<16xi32>,
    %get3A_91 = arith.constant 48 : index
    %get3A_92 = tpu.vector_load %arg6[%get3A_91] {strides = array<i32>} : memref<20000xi32, #tpu.memory_space<vmem>>, vector<16xi32>,
    %swap3A_93 = arith.constant 48 : index
    %swap3A_94 = tpu.vector_load %arg7[%swap3A_93] {strides = array<i32>} : memref<128xi32, #tpu.memory_space<vmem>>, vector<16xi32>,
    tpu.vector_store %arg7[%swap3A_93], %get3A_92 {strides = array<i32>} : memref<128xi32, #tpu.memory_space<vmem>>, vector<16xi32>,
    %get3A_95 = arith.constant 64 : index
    %get3A_96 = tpu.vector_load %arg6[%get3A_95] {strides = array<i32>} : memref<20000xi32, #tpu.memory_space<vmem>>, vector<16xi32>,
    %swap3A_97 = arith.constant 64 : index
    %swap3A_98 = tpu.vector_load %arg7[%swap3A_97] {strides = array<i32>} : memref<128xi32, #tpu.memory_space<vmem>>, vector<16xi32>,
    tpu.vector_store %arg7[%swap3A_97], %get3A_96 {strides = array<i32>} : memref<128xi32, #tpu.memory_space<vmem>>, vector<16xi32>,
    %get3A_99 = arith.constant 80 : index
    %get3A_100 = tpu.vector_load %arg6[%get3A_99] {strides = array<i32>} : memref<20000xi32, #tpu.memory_space<vmem>>, vector<16xi32>,
    %swap3A_101 = arith.constant 80 : index
    %swap3A_102 = tpu.vector_load %arg7[%swap3A_101] {strides = array<i32>} : memref<128xi32, #tpu.memory_space<vmem>>, vector<16xi32>,
    tpu.vector_store %arg7[%swap3A_101], %get3A_100 {strides = array<i32>} : memref<128xi32, #tpu.memory_space<vmem>>, vector<16xi32>,
    %get3A_103 = arith.constant 96 : index
    %get3A_104 = tpu.vector_load %arg6[%get3A_103] {strides = array<i32>} : memref<20000xi32, #tpu.memory_space<vmem>>, vector<16xi32>,
    %swap3A_105 = arith.constant 96 : index
    %swap3A_106 = tpu.vector_load %arg7[%swap3A_105] {strides = array<i32>} : memref<128xi32, #tpu.memory_space<vmem>>, vector<16xi32>,
    tpu.vector_store %arg7[%swap3A_105], %get3A_104 {strides = array<i32>} : memref<128xi32, #tpu.memory_space<vmem>>, vector<16xi32>,
    %get3A_107 = arith.constant 112 : index
    %get3A_108 = tpu.vector_load %arg6[%get3A_107] {strides = array<i32>} : memref<20000xi32, #tpu.memory_space<vmem>>, vector<16xi32>,
    %swap3A_109 = arith.constant 112 : index
    %swap3A_110 = tpu.vector_load %arg7[%swap3A_109] {strides = array<i32>} : memref<128xi32, #tpu.memory_space<vmem>>, vector<16xi32>,
    tpu.vector_store %arg7[%swap3A_109], %get3A_108 {strides = array<i32>} : memref<128xi32, #tpu.memory_space<vmem>>, vector<16xi32>,
    %run_scoped3A_111 = arith.constant 0 : i32
    "tpu.region"() ({
      %run_scoped3A_312 = tpu.sem_alloc : memref<!tpu.dma_semaphore, #tpu.memory_space<semaphore_mem>>
      %dma_start3A_313 = arith.constant 0 : i32
      %dma_start3A_314 = arith.constant 0 : i32
      %dma_start3A_315 = tpu.memref_slice %arg9[%run_scoped3A_111, %dma_start3A_313, %dma_start3A_314] : memref<4x128x64xf32, #tpu.memory_space<vmem>> -> memref<1x128x64xf32, #tpu.memory_space<vmem>>
      %dma_start3A_316 = tpu.memref_squeeze %dma_start3A_315 : memref<1x128x64xf32, #tpu.memory_space<vmem>> -> memref<128x64xf32, #tpu.memory_space<vmem>>
      %dma_start3A_317 = arith.constant 0 : i32
      %dma_start3A_318 = arith.constant 0 : i32
      %dma_start3A_319 = tpu.memref_slice %arg11[%dma_start3A_317, %dma_start3A_318] : memref<10240x64xf32, #tpu.memory_space<vmem_shared>> -> memref<10240x64xf32, #tpu.memory_space<vmem_shared>>
      tpu.enqueue_indirect_dma source(%dma_start3A_316 : memref<128x64xf32, #tpu.memory_space<vmem>>) target(%dma_start3A_319 : memref<10240x64xf32, #tpu.memory_space<vmem_shared>>) offsets(%arg7 : memref<128xi32, #tpu.memory_space<vmem>>) semaphore(%run_scoped3A_312 : memref<!tpu.dma_semaphore, #tpu.memory_space<semaphore_mem>>) {add = true}
      %dma_wait3A_320 = arith.constant 0 : i32
      %dma_wait3A_321 = arith.constant 0 : i32
      %dma_wait3A_322 = tpu.memref_slice %arg9[%run_scoped3A_111, %dma_wait3A_320, %dma_wait3A_321] : memref<4x128x64xf32, #tpu.memory_space<vmem>> -> memref<1x128x64xf32, #tpu.memory_space<vmem>>
      %dma_wait3A_323 = tpu.memref_squeeze %dma_wait3A_322 : memref<1x128x64xf32, #tpu.memory_space<vmem>> -> memref<128x64xf32, #tpu.memory_space<vmem>>
      %dma_wait3A_324 = arith.constant 0 : i32
      %dma_wait3A_325 = arith.constant 0 : i32
      %dma_wait3A_326 = tpu.memref_slice %arg11[%dma_wait3A_324, %dma_wait3A_325] : memref<10240x64xf32, #tpu.memory_space<vmem_shared>> -> memref<10240x64xf32, #tpu.memory_space<vmem_shared>>
      tpu.wait_indirect_dma semaphore(%run_scoped3A_312 : memref<!tpu.dma_semaphore, #tpu.memory_space<semaphore_mem>>) src(%dma_wait3A_323 : memref<128x64xf32, #tpu.memory_space<vmem>>) dst(%dma_wait3A_326 : memref<10240x64xf32, #tpu.memory_space<vmem_shared>>)
      tpu.yield
    }) : () -> ()
    %scan3A_112 = arith.constant 0 : i32
    %scan3A_113 = arith.constant 38 : i32
    %scan3A_114 = arith.addi %scan3A_112, %scan3A_113 : i32
    %scan3A_115 = arith.constant 1 : i32
    scf.for %scan3A_312 = %scan3A_112 to %scan3A_114 step %scan3A_115  : i32 {
      %mul3A_313 = arith.constant 1 : i32
      %mul3A_314 = arith.muli %scan3A_312, %mul3A_313 : i32
      %add3A_315 = arith.constant 0 : i32
      %add3A_316 = arith.addi %add3A_315, %mul3A_314 : i32
      %mul3A_317 = arith.constant 4 : i32
      %mul3A_318 = arith.muli %mul3A_317, %add3A_316 : i32
      %add3A_319 = arith.constant 1 : i32
      %add3A_320 = arith.addi %mul3A_318, %add3A_319 : i32
      %add3A_321 = arith.constant 0 : i32
      %add3A_322 = arith.addi %add3A_320, %add3A_321 : i32
      %add3A_323 = arith.constant 3 : i32
      %add3A_324 = arith.addi %add3A_322, %add3A_323 : i32
      %mul3A_325 = arith.constant 128 : i32
      %mul3A_326 = arith.muli %add3A_324, %mul3A_325 : i32
      %dma_start3A_327 = arith.constant 0 : i32
      %dma_start3A_328 = arith.constant 0 : i32
      %dma_start3A_329 = arith.constant 0 : i32
      %dma_start3A_330 = tpu.memref_slice %arg9[%dma_start3A_327, %dma_start3A_328, %dma_start3A_329] : memref<4x128x64xf32, #tpu.memory_space<vmem>> -> memref<1x128x64xf32, #tpu.memory_space<vmem>>
      %dma_start3A_331 = tpu.memref_squeeze %dma_start3A_330 : memref<1x128x64xf32, #tpu.memory_space<vmem>> -> memref<128x64xf32, #tpu.memory_space<vmem>>
      %dma_start3A_332 = tpu.memref_slice %arg5[%mul3A_326] : memref<20000xi32, #tpu.memory_space<vmem>> -> memref<128xi32, #tpu.memory_space<vmem>>
      %dma_start3A_333 = arith.constant 0 : i32
      %dma_start3A_334 = arith.constant 0 : i32
      %dma_start3A_335 = tpu.memref_slice %arg2[%dma_start3A_333, %dma_start3A_334] : memref<20000x64xf32, #tpu.memory_space<hbm>> -> memref<20000x64xf32, #tpu.memory_space<hbm>>
      tpu.enqueue_indirect_dma source(%dma_start3A_335 : memref<20000x64xf32, #tpu.memory_space<hbm>>) target(%dma_start3A_331 : memref<128x64xf32, #tpu.memory_space<vmem>>) offsets(%dma_start3A_332 : memref<128xi32, #tpu.memory_space<vmem>>) semaphore(%arg12 : memref<!tpu.dma_semaphore, #tpu.memory_space<semaphore_mem>>)
      %mul3A_336 = arith.constant 128 : i32
      %mul3A_337 = arith.muli %add3A_322, %mul3A_336 : i32
      %dma_wait3A_338 = arith.constant 1 : i32
      %dma_wait3A_339 = arith.constant 0 : i32
      %dma_wait3A_340 = arith.constant 0 : i32
      %dma_wait3A_341 = tpu.memref_slice %arg9[%dma_wait3A_338, %dma_wait3A_339, %dma_wait3A_340] : memref<4x128x64xf32, #tpu.memory_space<vmem>> -> memref<1x128x64xf32, #tpu.memory_space<vmem>>
      %dma_wait3A_342 = tpu.memref_squeeze %dma_wait3A_341 : memref<1x128x64xf32, #tpu.memory_space<vmem>> -> memref<128x64xf32, #tpu.memory_space<vmem>>
      %dma_wait3A_343 = tpu.memref_slice %arg5[%mul3A_337] : memref<20000xi32, #tpu.memory_space<vmem>> -> memref<128xi32, #tpu.memory_space<vmem>>
      %dma_wait3A_344 = arith.constant 0 : i32
      %dma_wait3A_345 = arith.constant 0 : i32
      %dma_wait3A_346 = tpu.memref_slice %arg2[%dma_wait3A_344, %dma_wait3A_345] : memref<20000x64xf32, #tpu.memory_space<hbm>> -> memref<20000x64xf32, #tpu.memory_space<hbm>>
      tpu.wait_indirect_dma semaphore(%arg13 : memref<!tpu.dma_semaphore, #tpu.memory_space<semaphore_mem>>) src(%dma_wait3A_346 : memref<20000x64xf32, #tpu.memory_space<hbm>>) dst(%dma_wait3A_342 : memref<128x64xf32, #tpu.memory_space<vmem>>)
      %mul3A_347 = arith.constant 128 : i32
      %mul3A_348 = arith.muli %add3A_322, %mul3A_347 : i32
      %add3A_349 = arith.constant 0 : i32
      %add3A_350 = arith.addi %mul3A_348, %add3A_349 : i32
      %get3A_351 = arith.index_cast %add3A_350 : i32 to index
      %get3A_352 = tpu.vector_load %arg6[%get3A_351] {strides = array<i32>} : memref<20000xi32, #tpu.memory_space<vmem>>, vector<16xi32>,
      %swap3A_353 = arith.constant 0 : index
      %swap3A_354 = tpu.vector_load %arg7[%swap3A_353] {strides = array<i32>} : memref<128xi32, #tpu.memory_space<vmem>>, vector<16xi32>,
      tpu.vector_store %arg7[%swap3A_353], %get3A_352 {strides = array<i32>} : memref<128xi32, #tpu.memory_space<vmem>>, vector<16xi32>,
      %mul3A_355 = arith.constant 128 : i32
      %mul3A_356 = arith.muli %add3A_322, %mul3A_355 : i32
      %add3A_357 = arith.constant 16 : i32
      %add3A_358 = arith.addi %mul3A_356, %add3A_357 : i32
      %get3A_359 = arith.index_cast %add3A_358 : i32 to index
      %get3A_360 = tpu.vector_load %arg6[%get3A_359] {strides = array<i32>} : memref<20000xi32, #tpu.memory_space<vmem>>, vector<16xi32>,
      %swap3A_361 = arith.constant 16 : index
      %swap3A_362 = tpu.vector_load %arg7[%swap3A_361] {strides = array<i32>} : memref<128xi32, #tpu.memory_space<vmem>>, vector<16xi32>,
      tpu.vector_store %arg7[%swap3A_361], %get3A_360 {strides = array<i32>} : memref<128xi32, #tpu.memory_space<vmem>>, vector<16xi32>,
      %mul3A_363 = arith.constant 128 : i32
      %mul3A_364 = arith.muli %add3A_322, %mul3A_363 : i32
      %add3A_365 = arith.constant 32 : i32
      %add3A_366 = arith.addi %mul3A_364, %add3A_365 : i32
      %get3A_367 = arith.index_cast %add3A_366 : i32 to index
      %get3A_368 = tpu.vector_load %arg6[%get3A_367] {strides = array<i32>} : memref<20000xi32, #tpu.memory_space<vmem>>, vector<16xi32>,
      %swap3A_369 = arith.constant 32 : index
      %swap3A_370 = tpu.vector_load %arg7[%swap3A_369] {strides = array<i32>} : memref<128xi32, #tpu.memory_space<vmem>>, vector<16xi32>,
      tpu.vector_store %arg7[%swap3A_369], %get3A_368 {strides = array<i32>} : memref<128xi32, #tpu.memory_space<vmem>>, vector<16xi32>,
      %mul3A_371 = arith.constant 128 : i32
      %mul3A_372 = arith.muli %add3A_322, %mul3A_371 : i32
      %add3A_373 = arith.constant 48 : i32
      %add3A_374 = arith.addi %mul3A_372, %add3A_373 : i32
      %get3A_375 = arith.index_cast %add3A_374 : i32 to index
      %get3A_376 = tpu.vector_load %arg6[%get3A_375] {strides = array<i32>} : memref<20000xi32, #tpu.memory_space<vmem>>, vector<16xi32>,
      %swap3A_377 = arith.constant 48 : index
      %swap3A_378 = tpu.vector_load %arg7[%swap3A_377] {strides = array<i32>} : memref<128xi32, #tpu.memory_space<vmem>>, vector<16xi32>,
      tpu.vector_store %arg7[%swap3A_377], %get3A_376 {strides = array<i32>} : memref<128xi32, #tpu.memory_space<vmem>>, vector<16xi32>,
      %mul3A_379 = arith.constant 128 : i32
      %mul3A_380 = arith.muli %add3A_322, %mul3A_379 : i32
      %add3A_381 = arith.constant 64 : i32
      %add3A_382 = arith.addi %mul3A_380, %add3A_381 : i32
      %get3A_383 = arith.index_cast %add3A_382 : i32 to index
      %get3A_384 = tpu.vector_load %arg6[%get3A_383] {strides = array<i32>} : memref<20000xi32, #tpu.memory_space<vmem>>, vector<16xi32>,
      %swap3A_385 = arith.constant 64 : index
      %swap3A_386 = tpu.vector_load %arg7[%swap3A_385] {strides = array<i32>} : memref<128xi32, #tpu.memory_space<vmem>>, vector<16xi32>,
      tpu.vector_store %arg7[%swap3A_385], %get3A_384 {strides = array<i32>} : memref<128xi32, #tpu.memory_space<vmem>>, vector<16xi32>,
      %mul3A_387 = arith.constant 128 : i32
      %mul3A_388 = arith.muli %add3A_322, %mul3A_387 : i32
      %add3A_389 = arith.constant 80 : i32
      %add3A_390 = arith.addi %mul3A_388, %add3A_389 : i32
      %get3A_391 = arith.index_cast %add3A_390 : i32 to index
      %get3A_392 = tpu.vector_load %arg6[%get3A_391] {strides = array<i32>} : memref<20000xi32, #tpu.memory_space<vmem>>, vector<16xi32>,
      %swap3A_393 = arith.constant 80 : index
      %swap3A_394 = tpu.vector_load %arg7[%swap3A_393] {strides = array<i32>} : memref<128xi32, #tpu.memory_space<vmem>>, vector<16xi32>,
      tpu.vector_store %arg7[%swap3A_393], %get3A_392 {strides = array<i32>} : memref<128xi32, #tpu.memory_space<vmem>>, vector<16xi32>,
      %mul3A_395 = arith.constant 128 : i32
      %mul3A_396 = arith.muli %add3A_322, %mul3A_395 : i32
      %add3A_397 = arith.constant 96 : i32
      %add3A_398 = arith.addi %mul3A_396, %add3A_397 : i32
      %get3A_399 = arith.index_cast %add3A_398 : i32 to index
      %get3A_400 = tpu.vector_load %arg6[%get3A_399] {strides = array<i32>} : memref<20000xi32, #tpu.memory_space<vmem>>, vector<16xi32>,
      %swap3A_401 = arith.constant 96 : index
      %swap3A_402 = tpu.vector_load %arg7[%swap3A_401] {strides = array<i32>} : memref<128xi32, #tpu.memory_space<vmem>>, vector<16xi32>,
      tpu.vector_store %arg7[%swap3A_401], %get3A_400 {strides = array<i32>} : memref<128xi32, #tpu.memory_space<vmem>>, vector<16xi32>,
      %mul3A_403 = arith.constant 128 : i32
      %mul3A_404 = arith.muli %add3A_322, %mul3A_403 : i32
      %add3A_405 = arith.constant 112 : i32
      %add3A_406 = arith.addi %mul3A_404, %add3A_405 : i32
      %get3A_407 = arith.index_cast %add3A_406 : i32 to index
      %get3A_408 = tpu.vector_load %arg6[%get3A_407] {strides = array<i32>} : memref<20000xi32, #tpu.memory_space<vmem>>, vector<16xi32>,
      %swap3A_409 = arith.constant 112 : index
      %swap3A_410 = tpu.vector_load %arg7[%swap3A_409] {strides = array<i32>} : memref<128xi32, #tpu.memory_space<vmem>>, vector<16xi32>,
      tpu.vector_store %arg7[%swap3A_409], %get3A_408 {strides = array<i32>} : memref<128xi32, #tpu.memory_space<vmem>>, vector<16xi32>,
      %run_scoped3A_411 = arith.constant 1 : i32
      "tpu.region"() ({
        %run_scoped3A_685 = tpu.sem_alloc : memref<!tpu.dma_semaphore, #tpu.memory_space<semaphore_mem>>
        %dma_start3A_686 = arith.constant 0 : i32
        %dma_start3A_687 = arith.constant 0 : i32
        %dma_start3A_688 = tpu.memref_slice %arg9[%run_scoped3A_411, %dma_start3A_686, %dma_start3A_687] : memref<4x128x64xf32, #tpu.memory_space<vmem>> -> memref<1x128x64xf32, #tpu.memory_space<vmem>>
        %dma_start3A_689 = tpu.memref_squeeze %dma_start3A_688 : memref<1x128x64xf32, #tpu.memory_space<vmem>> -> memref<128x64xf32, #tpu.memory_space<vmem>>
        %dma_start3A_690 = arith.constant 0 : i32
        %dma_start3A_691 = arith.constant 0 : i32
        %dma_start3A_692 = tpu.memref_slice %arg11[%dma_start3A_690, %dma_start3A_691] : memref<10240x64xf32, #tpu.memory_space<vmem_shared>> -> memref<10240x64xf32, #tpu.memory_space<vmem_shared>>
        tpu.enqueue_indirect_dma source(%dma_start3A_689 : memref<128x64xf32, #tpu.memory_space<vmem>>) target(%dma_start3A_692 : memref<10240x64xf32, #tpu.memory_space<vmem_shared>>) offsets(%arg7 : memref<128xi32, #tpu.memory_space<vmem>>) semaphore(%run_scoped3A_685 : memref<!tpu.dma_semaphore, #tpu.memory_space<semaphore_mem>>) {add = true}
        %dma_wait3A_693 = arith.constant 0 : i32
        %dma_wait3A_694 = arith.constant 0 : i32
        %dma_wait3A_695 = tpu.memref_slice %arg9[%run_scoped3A_411, %dma_wait3A_693, %dma_wait3A_694] : memref<4x128x64xf32, #tpu.memory_space<vmem>> -> memref<1x128x64xf32, #tpu.memory_space<vmem>>
        %dma_wait3A_696 = tpu.memref_squeeze %dma_wait3A_695 : memref<1x128x64xf32, #tpu.memory_space<vmem>> -> memref<128x64xf32, #tpu.memory_space<vmem>>
        %dma_wait3A_697 = arith.constant 0 : i32
        %dma_wait3A_698 = arith.constant 0 : i32
        %dma_wait3A_699 = tpu.memref_slice %arg11[%dma_wait3A_697, %dma_wait3A_698] : memref<10240x64xf32, #tpu.memory_space<vmem_shared>> -> memref<10240x64xf32, #tpu.memory_space<vmem_shared>>
        tpu.wait_indirect_dma semaphore(%run_scoped3A_685 : memref<!tpu.dma_semaphore, #tpu.memory_space<semaphore_mem>>) src(%dma_wait3A_696 : memref<128x64xf32, #tpu.memory_space<vmem>>) dst(%dma_wait3A_699 : memref<10240x64xf32, #tpu.memory_space<vmem_shared>>)
        tpu.yield
      }) : () -> ()
      %add3A_412 = arith.constant 1 : i32
      %add3A_413 = arith.addi %add3A_320, %add3A_412 : i32
      %add3A_414 = arith.constant 3 : i32
      %add3A_415 = arith.addi %add3A_413, %add3A_414 : i32
      %mul3A_416 = arith.constant 128 : i32
      %mul3A_417 = arith.muli %add3A_415, %mul3A_416 : i32
      %dma_start3A_418 = arith.constant 1 : i32
      %dma_start3A_419 = arith.constant 0 : i32
      %dma_start3A_420 = arith.constant 0 : i32
      %dma_start3A_421 = tpu.memref_slice %arg9[%dma_start3A_418, %dma_start3A_419, %dma_start3A_420] : memref<4x128x64xf32, #tpu.memory_space<vmem>> -> memref<1x128x64xf32, #tpu.memory_space<vmem>>
      %dma_start3A_422 = tpu.memref_squeeze %dma_start3A_421 : memref<1x128x64xf32, #tpu.memory_space<vmem>> -> memref<128x64xf32, #tpu.memory_space<vmem>>
      %dma_start3A_423 = tpu.memref_slice %arg5[%mul3A_417] : memref<20000xi32, #tpu.memory_space<vmem>> -> memref<128xi32, #tpu.memory_space<vmem>>
      %dma_start3A_424 = arith.constant 0 : i32
      %dma_start3A_425 = arith.constant 0 : i32
      %dma_start3A_426 = tpu.memref_slice %arg2[%dma_start3A_424, %dma_start3A_425] : memref<20000x64xf32, #tpu.memory_space<hbm>> -> memref<20000x64xf32, #tpu.memory_space<hbm>>
      tpu.enqueue_indirect_dma source(%dma_start3A_426 : memref<20000x64xf32, #tpu.memory_space<hbm>>) target(%dma_start3A_422 : memref<128x64xf32, #tpu.memory_space<vmem>>) offsets(%dma_start3A_423 : memref<128xi32, #tpu.memory_space<vmem>>) semaphore(%arg13 : memref<!tpu.dma_semaphore, #tpu.memory_space<semaphore_mem>>)
      %mul3A_427 = arith.constant 128 : i32
      %mul3A_428 = arith.muli %add3A_413, %mul3A_427 : i32
      %dma_wait3A_429 = arith.constant 2 : i32
      %dma_wait3A_430 = arith.constant 0 : i32
      %dma_wait3A_431 = arith.constant 0 : i32
      %dma_wait3A_432 = tpu.memref_slice %arg9[%dma_wait3A_429, %dma_wait3A_430, %dma_wait3A_431] : memref<4x128x64xf32, #tpu.memory_space<vmem>> -> memref<1x128x64xf32, #tpu.memory_space<vmem>>
      %dma_wait3A_433 = tpu.memref_squeeze %dma_wait3A_432 : memref<1x128x64xf32, #tpu.memory_space<vmem>> -> memref<128x64xf32, #tpu.memory_space<vmem>>
      %dma_wait3A_434 = tpu.memref_slice %arg5[%mul3A_428] : memref<20000xi32, #tpu.memory_space<vmem>> -> memref<128xi32, #tpu.memory_space<vmem>>
      %dma_wait3A_435 = arith.constant 0 : i32
      %dma_wait3A_436 = arith.constant 0 : i32
      %dma_wait3A_437 = tpu.memref_slice %arg2[%dma_wait3A_435, %dma_wait3A_436] : memref<20000x64xf32, #tpu.memory_space<hbm>> -> memref<20000x64xf32, #tpu.memory_space<hbm>>
      tpu.wait_indirect_dma semaphore(%arg14 : memref<!tpu.dma_semaphore, #tpu.memory_space<semaphore_mem>>) src(%dma_wait3A_437 : memref<20000x64xf32, #tpu.memory_space<hbm>>) dst(%dma_wait3A_433 : memref<128x64xf32, #tpu.memory_space<vmem>>)
      %mul3A_438 = arith.constant 128 : i32
      %mul3A_439 = arith.muli %add3A_413, %mul3A_438 : i32
      %add3A_440 = arith.constant 0 : i32
      %add3A_441 = arith.addi %mul3A_439, %add3A_440 : i32
      %get3A_442 = arith.index_cast %add3A_441 : i32 to index
      %get3A_443 = tpu.vector_load %arg6[%get3A_442] {strides = array<i32>} : memref<20000xi32, #tpu.memory_space<vmem>>, vector<16xi32>,
      %swap3A_444 = arith.constant 0 : index
      %swap3A_445 = tpu.vector_load %arg7[%swap3A_444] {strides = array<i32>} : memref<128xi32, #tpu.memory_space<vmem>>, vector<16xi32>,
      tpu.vector_store %arg7[%swap3A_444], %get3A_443 {strides = array<i32>} : memref<128xi32, #tpu.memory_space<vmem>>, vector<16xi32>,
      %mul3A_446 = arith.constant 128 : i32
      %mul3A_447 = arith.muli %add3A_413, %mul3A_446 : i32
      %add3A_448 = arith.constant 16 : i32
      %add3A_449 = arith.addi %mul3A_447, %add3A_448 : i32
      %get3A_450 = arith.index_cast %add3A_449 : i32 to index
      %get3A_451 = tpu.vector_load %arg6[%get3A_450] {strides = array<i32>} : memref<20000xi32, #tpu.memory_space<vmem>>, vector<16xi32>,
      %swap3A_452 = arith.constant 16 : index
      %swap3A_453 = tpu.vector_load %arg7[%swap3A_452] {strides = array<i32>} : memref<128xi32, #tpu.memory_space<vmem>>, vector<16xi32>,
      tpu.vector_store %arg7[%swap3A_452], %get3A_451 {strides = array<i32>} : memref<128xi32, #tpu.memory_space<vmem>>, vector<16xi32>,
      %mul3A_454 = arith.constant 128 : i32
      %mul3A_455 = arith.muli %add3A_413, %mul3A_454 : i32
      %add3A_456 = arith.constant 32 : i32
      %add3A_457 = arith.addi %mul3A_455, %add3A_456 : i32
      %get3A_458 = arith.index_cast %add3A_457 : i32 to index
      %get3A_459 = tpu.vector_load %arg6[%get3A_458] {strides = array<i32>} : memref<20000xi32, #tpu.memory_space<vmem>>, vector<16xi32>,
      %swap3A_460 = arith.constant 32 : index
      %swap3A_461 = tpu.vector_load %arg7[%swap3A_460] {strides = array<i32>} : memref<128xi32, #tpu.memory_space<vmem>>, vector<16xi32>,
      tpu.vector_store %arg7[%swap3A_460], %get3A_459 {strides = array<i32>} : memref<128xi32, #tpu.memory_space<vmem>>, vector<16xi32>,
      %mul3A_462 = arith.constant 128 : i32
      %mul3A_463 = arith.muli %add3A_413, %mul3A_462 : i32
      %add3A_464 = arith.constant 48 : i32
      %add3A_465 = arith.addi %mul3A_463, %add3A_464 : i32
      %get3A_466 = arith.index_cast %add3A_465 : i32 to index
      %get3A_467 = tpu.vector_load %arg6[%get3A_466] {strides = array<i32>} : memref<20000xi32, #tpu.memory_space<vmem>>, vector<16xi32>,
      %swap3A_468 = arith.constant 48 : index
      %swap3A_469 = tpu.vector_load %arg7[%swap3A_468] {strides = array<i32>} : memref<128xi32, #tpu.memory_space<vmem>>, vector<16xi32>,
      tpu.vector_store %arg7[%swap3A_468], %get3A_467 {strides = array<i32>} : memref<128xi32, #tpu.memory_space<vmem>>, vector<16xi32>,
      %mul3A_470 = arith.constant 128 : i32
      %mul3A_471 = arith.muli %add3A_413, %mul3A_470 : i32
      %add3A_472 = arith.constant 64 : i32
      %add3A_473 = arith.addi %mul3A_471, %add3A_472 : i32
      %get3A_474 = arith.index_cast %add3A_473 : i32 to index
      %get3A_475 = tpu.vector_load %arg6[%get3A_474] {strides = array<i32>} : memref<20000xi32, #tpu.memory_space<vmem>>, vector<16xi32>,
      %swap3A_476 = arith.constant 64 : index
      %swap3A_477 = tpu.vector_load %arg7[%swap3A_476] {strides = array<i32>} : memref<128xi32, #tpu.memory_space<vmem>>, vector<16xi32>,
      tpu.vector_store %arg7[%swap3A_476], %get3A_475 {strides = array<i32>} : memref<128xi32, #tpu.memory_space<vmem>>, vector<16xi32>,
      %mul3A_478 = arith.constant 128 : i32
      %mul3A_479 = arith.muli %add3A_413, %mul3A_478 : i32
      %add3A_480 = arith.constant 80 : i32
      %add3A_481 = arith.addi %mul3A_479, %add3A_480 : i32
      %get3A_482 = arith.index_cast %add3A_481 : i32 to index
      %get3A_483 = tpu.vector_load %arg6[%get3A_482] {strides = array<i32>} : memref<20000xi32, #tpu.memory_space<vmem>>, vector<16xi32>,
      %swap3A_484 = arith.constant 80 : index
      %swap3A_485 = tpu.vector_load %arg7[%swap3A_484] {strides = array<i32>} : memref<128xi32, #tpu.memory_space<vmem>>, vector<16xi32>,
      tpu.vector_store %arg7[%swap3A_484], %get3A_483 {strides = array<i32>} : memref<128xi32, #tpu.memory_space<vmem>>, vector<16xi32>,
      %mul3A_486 = arith.constant 128 : i32
      %mul3A_487 = arith.muli %add3A_413, %mul3A_486 : i32
      %add3A_488 = arith.constant 96 : i32
      %add3A_489 = arith.addi %mul3A_487, %add3A_488 : i32
      %get3A_490 = arith.index_cast %add3A_489 : i32 to index
      %get3A_491 = tpu.vector_load %arg6[%get3A_490] {strides = array<i32>} : memref<20000xi32, #tpu.memory_space<vmem>>, vector<16xi32>,
      %swap3A_492 = arith.constant 96 : index
      %swap3A_493 = tpu.vector_load %arg7[%swap3A_492] {strides = array<i32>} : memref<128xi32, #tpu.memory_space<vmem>>, vector<16xi32>,
      tpu.vector_store %arg7[%swap3A_492], %get3A_491 {strides = array<i32>} : memref<128xi32, #tpu.memory_space<vmem>>, vector<16xi32>,
      %mul3A_494 = arith.constant 128 : i32
      %mul3A_495 = arith.muli %add3A_413, %mul3A_494 : i32
      %add3A_496 = arith.constant 112 : i32
      %add3A_497 = arith.addi %mul3A_495, %add3A_496 : i32
      %get3A_498 = arith.index_cast %add3A_497 : i32 to index
      %get3A_499 = tpu.vector_load %arg6[%get3A_498] {strides = array<i32>} : memref<20000xi32, #tpu.memory_space<vmem>>, vector<16xi32>,
      %swap3A_500 = arith.constant 112 : index
      %swap3A_501 = tpu.vector_load %arg7[%swap3A_500] {strides = array<i32>} : memref<128xi32, #tpu.memory_space<vmem>>, vector<16xi32>,
      tpu.vector_store %arg7[%swap3A_500], %get3A_499 {strides = array<i32>} : memref<128xi32, #tpu.memory_space<vmem>>, vector<16xi32>,
      %run_scoped3A_502 = arith.constant 2 : i32
      "tpu.region"() ({
        %run_scoped3A_685 = tpu.sem_alloc : memref<!tpu.dma_semaphore, #tpu.memory_space<semaphore_mem>>
        %dma_start3A_686 = arith.constant 0 : i32
        %dma_start3A_687 = arith.constant 0 : i32
        %dma_start3A_688 = tpu.memref_slice %arg9[%run_scoped3A_502, %dma_start3A_686, %dma_start3A_687] : memref<4x128x64xf32, #tpu.memory_space<vmem>> -> memref<1x128x64xf32, #tpu.memory_space<vmem>>
        %dma_start3A_689 = tpu.memref_squeeze %dma_start3A_688 : memref<1x128x64xf32, #tpu.memory_space<vmem>> -> memref<128x64xf32, #tpu.memory_space<vmem>>
        %dma_start3A_690 = arith.constant 0 : i32
        %dma_start3A_691 = arith.constant 0 : i32
        %dma_start3A_692 = tpu.memref_slice %arg11[%dma_start3A_690, %dma_start3A_691] : memref<10240x64xf32, #tpu.memory_space<vmem_shared>> -> memref<10240x64xf32, #tpu.memory_space<vmem_shared>>
        tpu.enqueue_indirect_dma source(%dma_start3A_689 : memref<128x64xf32, #tpu.memory_space<vmem>>) target(%dma_start3A_692 : memref<10240x64xf32, #tpu.memory_space<vmem_shared>>) offsets(%arg7 : memref<128xi32, #tpu.memory_space<vmem>>) semaphore(%run_scoped3A_685 : memref<!tpu.dma_semaphore, #tpu.memory_space<semaphore_mem>>) {add = true}
        %dma_wait3A_693 = arith.constant 0 : i32
        %dma_wait3A_694 = arith.constant 0 : i32
        %dma_wait3A_695 = tpu.memref_slice %arg9[%run_scoped3A_502, %dma_wait3A_693, %dma_wait3A_694] : memref<4x128x64xf32, #tpu.memory_space<vmem>> -> memref<1x128x64xf32, #tpu.memory_space<vmem>>
        %dma_wait3A_696 = tpu.memref_squeeze %dma_wait3A_695 : memref<1x128x64xf32, #tpu.memory_space<vmem>> -> memref<128x64xf32, #tpu.memory_space<vmem>>
        %dma_wait3A_697 = arith.constant 0 : i32
        %dma_wait3A_698 = arith.constant 0 : i32
        %dma_wait3A_699 = tpu.memref_slice %arg11[%dma_wait3A_697, %dma_wait3A_698] : memref<10240x64xf32, #tpu.memory_space<vmem_shared>> -> memref<10240x64xf32, #tpu.memory_space<vmem_shared>>
        tpu.wait_indirect_dma semaphore(%run_scoped3A_685 : memref<!tpu.dma_semaphore, #tpu.memory_space<semaphore_mem>>) src(%dma_wait3A_696 : memref<128x64xf32, #tpu.memory_space<vmem>>) dst(%dma_wait3A_699 : memref<10240x64xf32, #tpu.memory_space<vmem_shared>>)
        tpu.yield
      }) : () -> ()
      %add3A_503 = arith.constant 2 : i32
      %add3A_504 = arith.addi %add3A_320, %add3A_503 : i32
      %add3A_505 = arith.constant 3 : i32
      %add3A_506 = arith.addi %add3A_504, %add3A_505 : i32
      %mul3A_507 = arith.constant 128 : i32
      %mul3A_508 = arith.muli %add3A_506, %mul3A_507 : i32
      %dma_start3A_509 = arith.constant 2 : i32
      %dma_start3A_510 = arith.constant 0 : i32
      %dma_start3A_511 = arith.constant 0 : i32
      %dma_start3A_512 = tpu.memref_slice %arg9[%dma_start3A_509, %dma_start3A_510, %dma_start3A_511] : memref<4x128x64xf32, #tpu.memory_space<vmem>> -> memref<1x128x64xf32, #tpu.memory_space<vmem>>
      %dma_start3A_513 = tpu.memref_squeeze %dma_start3A_512 : memref<1x128x64xf32, #tpu.memory_space<vmem>> -> memref<128x64xf32, #tpu.memory_space<vmem>>
      %dma_start3A_514 = tpu.memref_slice %arg5[%mul3A_508] : memref<20000xi32, #tpu.memory_space<vmem>> -> memref<128xi32, #tpu.memory_space<vmem>>
      %dma_start3A_515 = arith.constant 0 : i32
      %dma_start3A_516 = arith.constant 0 : i32
      %dma_start3A_517 = tpu.memref_slice %arg2[%dma_start3A_515, %dma_start3A_516] : memref<20000x64xf32, #tpu.memory_space<hbm>> -> memref<20000x64xf32, #tpu.memory_space<hbm>>
      tpu.enqueue_indirect_dma source(%dma_start3A_517 : memref<20000x64xf32, #tpu.memory_space<hbm>>) target(%dma_start3A_513 : memref<128x64xf32, #tpu.memory_space<vmem>>) offsets(%dma_start3A_514 : memref<128xi32, #tpu.memory_space<vmem>>) semaphore(%arg14 : memref<!tpu.dma_semaphore, #tpu.memory_space<semaphore_mem>>)
      %mul3A_518 = arith.constant 128 : i32
      %mul3A_519 = arith.muli %add3A_504, %mul3A_518 : i32
      %dma_wait3A_520 = arith.constant 3 : i32
      %dma_wait3A_521 = arith.constant 0 : i32
      %dma_wait3A_522 = arith.constant 0 : i32
      %dma_wait3A_523 = tpu.memref_slice %arg9[%dma_wait3A_520, %dma_wait3A_521, %dma_wait3A_522] : memref<4x128x64xf32, #tpu.memory_space<vmem>> -> memref<1x128x64xf32, #tpu.memory_space<vmem>>
      %dma_wait3A_524 = tpu.memref_squeeze %dma_wait3A_523 : memref<1x128x64xf32, #tpu.memory_space<vmem>> -> memref<128x64xf32, #tpu.memory_space<vmem>>
      %dma_wait3A_525 = tpu.memref_slice %arg5[%mul3A_519] : memref<20000xi32, #tpu.memory_space<vmem>> -> memref<128xi32, #tpu.memory_space<vmem>>
      %dma_wait3A_526 = arith.constant 0 : i32
      %dma_wait3A_527 = arith.constant 0 : i32
      %dma_wait3A_528 = tpu.memref_slice %arg2[%dma_wait3A_526, %dma_wait3A_527] : memref<20000x64xf32, #tpu.memory_space<hbm>> -> memref<20000x64xf32, #tpu.memory_space<hbm>>
      tpu.wait_indirect_dma semaphore(%arg15 : memref<!tpu.dma_semaphore, #tpu.memory_space<semaphore_mem>>) src(%dma_wait3A_528 : memref<20000x64xf32, #tpu.memory_space<hbm>>) dst(%dma_wait3A_524 : memref<128x64xf32, #tpu.memory_space<vmem>>)
      %mul3A_529 = arith.constant 128 : i32
      %mul3A_530 = arith.muli %add3A_504, %mul3A_529 : i32
      %add3A_531 = arith.constant 0 : i32
      %add3A_532 = arith.addi %mul3A_530, %add3A_531 : i32
      %get3A_533 = arith.index_cast %add3A_532 : i32 to index
      %get3A_534 = tpu.vector_load %arg6[%get3A_533] {strides = array<i32>} : memref<20000xi32, #tpu.memory_space<vmem>>, vector<16xi32>,
      %swap3A_535 = arith.constant 0 : index
      %swap3A_536 = tpu.vector_load %arg7[%swap3A_535] {strides = array<i32>} : memref<128xi32, #tpu.memory_space<vmem>>, vector<16xi32>,
      tpu.vector_store %arg7[%swap3A_535], %get3A_534 {strides = array<i32>} : memref<128xi32, #tpu.memory_space<vmem>>, vector<16xi32>,
      %mul3A_537 = arith.constant 128 : i32
      %mul3A_538 = arith.muli %add3A_504, %mul3A_537 : i32
      %add3A_539 = arith.constant 16 : i32
      %add3A_540 = arith.addi %mul3A_538, %add3A_539 : i32
      %get3A_541 = arith.index_cast %add3A_540 : i32 to index
      %get3A_542 = tpu.vector_load %arg6[%get3A_541] {strides = array<i32>} : memref<20000xi32, #tpu.memory_space<vmem>>, vector<16xi32>,
      %swap3A_543 = arith.constant 16 : index
      %swap3A_544 = tpu.vector_load %arg7[%swap3A_543] {strides = array<i32>} : memref<128xi32, #tpu.memory_space<vmem>>, vector<16xi32>,
      tpu.vector_store %arg7[%swap3A_543], %get3A_542 {strides = array<i32>} : memref<128xi32, #tpu.memory_space<vmem>>, vector<16xi32>,
      %mul3A_545 = arith.constant 128 : i32
      %mul3A_546 = arith.muli %add3A_504, %mul3A_545 : i32
      %add3A_547 = arith.constant 32 : i32
      %add3A_548 = arith.addi %mul3A_546, %add3A_547 : i32
      %get3A_549 = arith.index_cast %add3A_548 : i32 to index
      %get3A_550 = tpu.vector_load %arg6[%get3A_549] {strides = array<i32>} : memref<20000xi32, #tpu.memory_space<vmem>>, vector<16xi32>,
      %swap3A_551 = arith.constant 32 : index
      %swap3A_552 = tpu.vector_load %arg7[%swap3A_551] {strides = array<i32>} : memref<128xi32, #tpu.memory_space<vmem>>, vector<16xi32>,
      tpu.vector_store %arg7[%swap3A_551], %get3A_550 {strides = array<i32>} : memref<128xi32, #tpu.memory_space<vmem>>, vector<16xi32>,
      %mul3A_553 = arith.constant 128 : i32
      %mul3A_554 = arith.muli %add3A_504, %mul3A_553 : i32
      %add3A_555 = arith.constant 48 : i32
      %add3A_556 = arith.addi %mul3A_554, %add3A_555 : i32
      %get3A_557 = arith.index_cast %add3A_556 : i32 to index
      %get3A_558 = tpu.vector_load %arg6[%get3A_557] {strides = array<i32>} : memref<20000xi32, #tpu.memory_space<vmem>>, vector<16xi32>,
      %swap3A_559 = arith.constant 48 : index
      %swap3A_560 = tpu.vector_load %arg7[%swap3A_559] {strides = array<i32>} : memref<128xi32, #tpu.memory_space<vmem>>, vector<16xi32>,
      tpu.vector_store %arg7[%swap3A_559], %get3A_558 {strides = array<i32>} : memref<128xi32, #tpu.memory_space<vmem>>, vector<16xi32>,
      %mul3A_561 = arith.constant 128 : i32
      %mul3A_562 = arith.muli %add3A_504, %mul3A_561 : i32
      %add3A_563 = arith.constant 64 : i32
      %add3A_564 = arith.addi %mul3A_562, %add3A_563 : i32
      %get3A_565 = arith.index_cast %add3A_564 : i32 to index
      %get3A_566 = tpu.vector_load %arg6[%get3A_565] {strides = array<i32>} : memref<20000xi32, #tpu.memory_space<vmem>>, vector<16xi32>,
      %swap3A_567 = arith.constant 64 : index
      %swap3A_568 = tpu.vector_load %arg7[%swap3A_567] {strides = array<i32>} : memref<128xi32, #tpu.memory_space<vmem>>, vector<16xi32>,
      tpu.vector_store %arg7[%swap3A_567], %get3A_566 {strides = array<i32>} : memref<128xi32, #tpu.memory_space<vmem>>, vector<16xi32>,
      %mul3A_569 = arith.constant 128 : i32
      %mul3A_570 = arith.muli %add3A_504, %mul3A_569 : i32
      %add3A_571 = arith.constant 80 : i32
      %add3A_572 = arith.addi %mul3A_570, %add3A_571 : i32
      %get3A_573 = arith.index_cast %add3A_572 : i32 to index
      %get3A_574 = tpu.vector_load %arg6[%get3A_573] {strides = array<i32>} : memref<20000xi32, #tpu.memory_space<vmem>>, vector<16xi32>,
      %swap3A_575 = arith.constant 80 : index
      %swap3A_576 = tpu.vector_load %arg7[%swap3A_575] {strides = array<i32>} : memref<128xi32, #tpu.memory_space<vmem>>, vector<16xi32>,
      tpu.vector_store %arg7[%swap3A_575], %get3A_574 {strides = array<i32>} : memref<128xi32, #tpu.memory_space<vmem>>, vector<16xi32>,
      %mul3A_577 = arith.constant 128 : i32
      %mul3A_578 = arith.muli %add3A_504, %mul3A_577 : i32
      %add3A_579 = arith.constant 96 : i32
      %add3A_580 = arith.addi %mul3A_578, %add3A_579 : i32
      %get3A_581 = arith.index_cast %add3A_580 : i32 to index
      %get3A_582 = tpu.vector_load %arg6[%get3A_581] {strides = array<i32>} : memref<20000xi32, #tpu.memory_space<vmem>>, vector<16xi32>,
      %swap3A_583 = arith.constant 96 : index
      %swap3A_584 = tpu.vector_load %arg7[%swap3A_583] {strides = array<i32>} : memref<128xi32, #tpu.memory_space<vmem>>, vector<16xi32>,
      tpu.vector_store %arg7[%swap3A_583], %get3A_582 {strides = array<i32>} : memref<128xi32, #tpu.memory_space<vmem>>, vector<16xi32>,
      %mul3A_585 = arith.constant 128 : i32
      %mul3A_586 = arith.muli %add3A_504, %mul3A_585 : i32
      %add3A_587 = arith.constant 112 : i32
      %add3A_588 = arith.addi %mul3A_586, %add3A_587 : i32
      %get3A_589 = arith.index_cast %add3A_588 : i32 to index
      %get3A_590 = tpu.vector_load %arg6[%get3A_589] {strides = array<i32>} : memref<20000xi32, #tpu.memory_space<vmem>>, vector<16xi32>,
      %swap3A_591 = arith.constant 112 : index
      %swap3A_592 = tpu.vector_load %arg7[%swap3A_591] {strides = array<i32>} : memref<128xi32, #tpu.memory_space<vmem>>, vector<16xi32>,
      tpu.vector_store %arg7[%swap3A_591], %get3A_590 {strides = array<i32>} : memref<128xi32, #tpu.memory_space<vmem>>, vector<16xi32>,
      %run_scoped3A_593 = arith.constant 3 : i32
      "tpu.region"() ({
        %run_scoped3A_685 = tpu.sem_alloc : memref<!tpu.dma_semaphore, #tpu.memory_space<semaphore_mem>>
        %dma_start3A_686 = arith.constant 0 : i32
        %dma_start3A_687 = arith.constant 0 : i32
        %dma_start3A_688 = tpu.memref_slice %arg9[%run_scoped3A_593, %dma_start3A_686, %dma_start3A_687] : memref<4x128x64xf32, #tpu.memory_space<vmem>> -> memref<1x128x64xf32, #tpu.memory_space<vmem>>
        %dma_start3A_689 = tpu.memref_squeeze %dma_start3A_688 : memref<1x128x64xf32, #tpu.memory_space<vmem>> -> memref<128x64xf32, #tpu.memory_space<vmem>>
        %dma_start3A_690 = arith.constant 0 : i32
        %dma_start3A_691 = arith.constant 0 : i32
        %dma_start3A_692 = tpu.memref_slice %arg11[%dma_start3A_690, %dma_start3A_691] : memref<10240x64xf32, #tpu.memory_space<vmem_shared>> -> memref<10240x64xf32, #tpu.memory_space<vmem_shared>>
        tpu.enqueue_indirect_dma source(%dma_start3A_689 : memref<128x64xf32, #tpu.memory_space<vmem>>) target(%dma_start3A_692 : memref<10240x64xf32, #tpu.memory_space<vmem_shared>>) offsets(%arg7 : memref<128xi32, #tpu.memory_space<vmem>>) semaphore(%run_scoped3A_685 : memref<!tpu.dma_semaphore, #tpu.memory_space<semaphore_mem>>) {add = true}
        %dma_wait3A_693 = arith.constant 0 : i32
        %dma_wait3A_694 = arith.constant 0 : i32
        %dma_wait3A_695 = tpu.memref_slice %arg9[%run_scoped3A_593, %dma_wait3A_693, %dma_wait3A_694] : memref<4x128x64xf32, #tpu.memory_space<vmem>> -> memref<1x128x64xf32, #tpu.memory_space<vmem>>
        %dma_wait3A_696 = tpu.memref_squeeze %dma_wait3A_695 : memref<1x128x64xf32, #tpu.memory_space<vmem>> -> memref<128x64xf32, #tpu.memory_space<vmem>>
        %dma_wait3A_697 = arith.constant 0 : i32
        %dma_wait3A_698 = arith.constant 0 : i32
        %dma_wait3A_699 = tpu.memref_slice %arg11[%dma_wait3A_697, %dma_wait3A_698] : memref<10240x64xf32, #tpu.memory_space<vmem_shared>> -> memref<10240x64xf32, #tpu.memory_space<vmem_shared>>
        tpu.wait_indirect_dma semaphore(%run_scoped3A_685 : memref<!tpu.dma_semaphore, #tpu.memory_space<semaphore_mem>>) src(%dma_wait3A_696 : memref<128x64xf32, #tpu.memory_space<vmem>>) dst(%dma_wait3A_699 : memref<10240x64xf32, #tpu.memory_space<vmem_shared>>)
        tpu.yield
      }) : () -> ()
      %add3A_594 = arith.constant 3 : i32
      %add3A_595 = arith.addi %add3A_320, %add3A_594 : i32
      %add3A_596 = arith.constant 3 : i32
      %add3A_597 = arith.addi %add3A_595, %add3A_596 : i32
      %mul3A_598 = arith.constant 128 : i32
      %mul3A_599 = arith.muli %add3A_597, %mul3A_598 : i32
      %dma_start3A_600 = arith.constant 3 : i32
      %dma_start3A_601 = arith.constant 0 : i32
      %dma_start3A_602 = arith.constant 0 : i32
      %dma_start3A_603 = tpu.memref_slice %arg9[%dma_start3A_600, %dma_start3A_601, %dma_start3A_602] : memref<4x128x64xf32, #tpu.memory_space<vmem>> -> memref<1x128x64xf32, #tpu.memory_space<vmem>>
      %dma_start3A_604 = tpu.memref_squeeze %dma_start3A_603 : memref<1x128x64xf32, #tpu.memory_space<vmem>> -> memref<128x64xf32, #tpu.memory_space<vmem>>
      %dma_start3A_605 = tpu.memref_slice %arg5[%mul3A_599] : memref<20000xi32, #tpu.memory_space<vmem>> -> memref<128xi32, #tpu.memory_space<vmem>>
      %dma_start3A_606 = arith.constant 0 : i32
      %dma_start3A_607 = arith.constant 0 : i32
      %dma_start3A_608 = tpu.memref_slice %arg2[%dma_start3A_606, %dma_start3A_607] : memref<20000x64xf32, #tpu.memory_space<hbm>> -> memref<20000x64xf32, #tpu.memory_space<hbm>>
      tpu.enqueue_indirect_dma source(%dma_start3A_608 : memref<20000x64xf32, #tpu.memory_space<hbm>>) target(%dma_start3A_604 : memref<128x64xf32, #tpu.memory_space<vmem>>) offsets(%dma_start3A_605 : memref<128xi32, #tpu.memory_space<vmem>>) semaphore(%arg15 : memref<!tpu.dma_semaphore, #tpu.memory_space<semaphore_mem>>)
      %mul3A_609 = arith.constant 128 : i32
      %mul3A_610 = arith.muli %add3A_595, %mul3A_609 : i32
      %dma_wait3A_611 = arith.constant 0 : i32
      %dma_wait3A_612 = arith.constant 0 : i32
      %dma_wait3A_613 = arith.constant 0 : i32
      %dma_wait3A_614 = tpu.memref_slice %arg9[%dma_wait3A_611, %dma_wait3A_612, %dma_wait3A_613] : memref<4x128x64xf32, #tpu.memory_space<vmem>> -> memref<1x128x64xf32, #tpu.memory_space<vmem>>
      %dma_wait3A_615 = tpu.memref_squeeze %dma_wait3A_614 : memref<1x128x64xf32, #tpu.memory_space<vmem>> -> memref<128x64xf32, #tpu.memory_space<vmem>>
      %dma_wait3A_616 = tpu.memref_slice %arg5[%mul3A_610] : memref<20000xi32, #tpu.memory_space<vmem>> -> memref<128xi32, #tpu.memory_space<vmem>>
      %dma_wait3A_617 = arith.constant 0 : i32
      %dma_wait3A_618 = arith.constant 0 : i32
      %dma_wait3A_619 = tpu.memref_slice %arg2[%dma_wait3A_617, %dma_wait3A_618] : memref<20000x64xf32, #tpu.memory_space<hbm>> -> memref<20000x64xf32, #tpu.memory_space<hbm>>
      tpu.wait_indirect_dma semaphore(%arg12 : memref<!tpu.dma_semaphore, #tpu.memory_space<semaphore_mem>>) src(%dma_wait3A_619 : memref<20000x64xf32, #tpu.memory_space<hbm>>) dst(%dma_wait3A_615 : memref<128x64xf32, #tpu.memory_space<vmem>>)
      %mul3A_620 = arith.constant 128 : i32
      %mul3A_621 = arith.muli %add3A_595, %mul3A_620 : i32
      %add3A_622 = arith.constant 0 : i32
      %add3A_623 = arith.addi %mul3A_621, %add3A_622 : i32
      %get3A_624 = arith.index_cast %add3A_623 : i32 to index
      %get3A_625 = tpu.vector_load %arg6[%get3A_624] {strides = array<i32>} : memref<20000xi32, #tpu.memory_space<vmem>>, vector<16xi32>,
      %swap3A_626 = arith.constant 0 : index
      %swap3A_627 = tpu.vector_load %arg7[%swap3A_626] {strides = array<i32>} : memref<128xi32, #tpu.memory_space<vmem>>, vector<16xi32>,
      tpu.vector_store %arg7[%swap3A_626], %get3A_625 {strides = array<i32>} : memref<128xi32, #tpu.memory_space<vmem>>, vector<16xi32>,
      %mul3A_628 = arith.constant 128 : i32
      %mul3A_629 = arith.muli %add3A_595, %mul3A_628 : i32
      %add3A_630 = arith.constant 16 : i32
      %add3A_631 = arith.addi %mul3A_629, %add3A_630 : i32
      %get3A_632 = arith.index_cast %add3A_631 : i32 to index
      %get3A_633 = tpu.vector_load %arg6[%get3A_632] {strides = array<i32>} : memref<20000xi32, #tpu.memory_space<vmem>>, vector<16xi32>,
      %swap3A_634 = arith.constant 16 : index
      %swap3A_635 = tpu.vector_load %arg7[%swap3A_634] {strides = array<i32>} : memref<128xi32, #tpu.memory_space<vmem>>, vector<16xi32>,
      tpu.vector_store %arg7[%swap3A_634], %get3A_633 {strides = array<i32>} : memref<128xi32, #tpu.memory_space<vmem>>, vector<16xi32>,
      %mul3A_636 = arith.constant 128 : i32
      %mul3A_637 = arith.muli %add3A_595, %mul3A_636 : i32
      %add3A_638 = arith.constant 32 : i32
      %add3A_639 = arith.addi %mul3A_637, %add3A_638 : i32
      %get3A_640 = arith.index_cast %add3A_639 : i32 to index
      %get3A_641 = tpu.vector_load %arg6[%get3A_640] {strides = array<i32>} : memref<20000xi32, #tpu.memory_space<vmem>>, vector<16xi32>,
      %swap3A_642 = arith.constant 32 : index
      %swap3A_643 = tpu.vector_load %arg7[%swap3A_642] {strides = array<i32>} : memref<128xi32, #tpu.memory_space<vmem>>, vector<16xi32>,
      tpu.vector_store %arg7[%swap3A_642], %get3A_641 {strides = array<i32>} : memref<128xi32, #tpu.memory_space<vmem>>, vector<16xi32>,
      %mul3A_644 = arith.constant 128 : i32
      %mul3A_645 = arith.muli %add3A_595, %mul3A_644 : i32
      %add3A_646 = arith.constant 48 : i32
      %add3A_647 = arith.addi %mul3A_645, %add3A_646 : i32
      %get3A_648 = arith.index_cast %add3A_647 : i32 to index
      %get3A_649 = tpu.vector_load %arg6[%get3A_648] {strides = array<i32>} : memref<20000xi32, #tpu.memory_space<vmem>>, vector<16xi32>,
      %swap3A_650 = arith.constant 48 : index
      %swap3A_651 = tpu.vector_load %arg7[%swap3A_650] {strides = array<i32>} : memref<128xi32, #tpu.memory_space<vmem>>, vector<16xi32>,
      tpu.vector_store %arg7[%swap3A_650], %get3A_649 {strides = array<i32>} : memref<128xi32, #tpu.memory_space<vmem>>, vector<16xi32>,
      %mul3A_652 = arith.constant 128 : i32
      %mul3A_653 = arith.muli %add3A_595, %mul3A_652 : i32
      %add3A_654 = arith.constant 64 : i32
      %add3A_655 = arith.addi %mul3A_653, %add3A_654 : i32
      %get3A_656 = arith.index_cast %add3A_655 : i32 to index
      %get3A_657 = tpu.vector_load %arg6[%get3A_656] {strides = array<i32>} : memref<20000xi32, #tpu.memory_space<vmem>>, vector<16xi32>,
      %swap3A_658 = arith.constant 64 : index
      %swap3A_659 = tpu.vector_load %arg7[%swap3A_658] {strides = array<i32>} : memref<128xi32, #tpu.memory_space<vmem>>, vector<16xi32>,
      tpu.vector_store %arg7[%swap3A_658], %get3A_657 {strides = array<i32>} : memref<128xi32, #tpu.memory_space<vmem>>, vector<16xi32>,
      %mul3A_660 = arith.constant 128 : i32
      %mul3A_661 = arith.muli %add3A_595, %mul3A_660 : i32
      %add3A_662 = arith.constant 80 : i32
      %add3A_663 = arith.addi %mul3A_661, %add3A_662 : i32
      %get3A_664 = arith.index_cast %add3A_663 : i32 to index
      %get3A_665 = tpu.vector_load %arg6[%get3A_664] {strides = array<i32>} : memref<20000xi32, #tpu.memory_space<vmem>>, vector<16xi32>,
      %swap3A_666 = arith.constant 80 : index
      %swap3A_667 = tpu.vector_load %arg7[%swap3A_666] {strides = array<i32>} : memref<128xi32, #tpu.memory_space<vmem>>, vector<16xi32>,
      tpu.vector_store %arg7[%swap3A_666], %get3A_665 {strides = array<i32>} : memref<128xi32, #tpu.memory_space<vmem>>, vector<16xi32>,
      %mul3A_668 = arith.constant 128 : i32
      %mul3A_669 = arith.muli %add3A_595, %mul3A_668 : i32
      %add3A_670 = arith.constant 96 : i32
      %add3A_671 = arith.addi %mul3A_669, %add3A_670 : i32
      %get3A_672 = arith.index_cast %add3A_671 : i32 to index
      %get3A_673 = tpu.vector_load %arg6[%get3A_672] {strides = array<i32>} : memref<20000xi32, #tpu.memory_space<vmem>>, vector<16xi32>,
      %swap3A_674 = arith.constant 96 : index
      %swap3A_675 = tpu.vector_load %arg7[%swap3A_674] {strides = array<i32>} : memref<128xi32, #tpu.memory_space<vmem>>, vector<16xi32>,
      tpu.vector_store %arg7[%swap3A_674], %get3A_673 {strides = array<i32>} : memref<128xi32, #tpu.memory_space<vmem>>, vector<16xi32>,
      %mul3A_676 = arith.constant 128 : i32
      %mul3A_677 = arith.muli %add3A_595, %mul3A_676 : i32
      %add3A_678 = arith.constant 112 : i32
      %add3A_679 = arith.addi %mul3A_677, %add3A_678 : i32
      %get3A_680 = arith.index_cast %add3A_679 : i32 to index
      %get3A_681 = tpu.vector_load %arg6[%get3A_680] {strides = array<i32>} : memref<20000xi32, #tpu.memory_space<vmem>>, vector<16xi32>,
      %swap3A_682 = arith.constant 112 : index
      %swap3A_683 = tpu.vector_load %arg7[%swap3A_682] {strides = array<i32>} : memref<128xi32, #tpu.memory_space<vmem>>, vector<16xi32>,
      tpu.vector_store %arg7[%swap3A_682], %get3A_681 {strides = array<i32>} : memref<128xi32, #tpu.memory_space<vmem>>, vector<16xi32>,
      %run_scoped3A_684 = arith.constant 0 : i32
      "tpu.region"() ({
        %run_scoped3A_685 = tpu.sem_alloc : memref<!tpu.dma_semaphore, #tpu.memory_space<semaphore_mem>>
        %dma_start3A_686 = arith.constant 0 : i32
        %dma_start3A_687 = arith.constant 0 : i32
        %dma_start3A_688 = tpu.memref_slice %arg9[%run_scoped3A_684, %dma_start3A_686, %dma_start3A_687] : memref<4x128x64xf32, #tpu.memory_space<vmem>> -> memref<1x128x64xf32, #tpu.memory_space<vmem>>
        %dma_start3A_689 = tpu.memref_squeeze %dma_start3A_688 : memref<1x128x64xf32, #tpu.memory_space<vmem>> -> memref<128x64xf32, #tpu.memory_space<vmem>>
        %dma_start3A_690 = arith.constant 0 : i32
        %dma_start3A_691 = arith.constant 0 : i32
        %dma_start3A_692 = tpu.memref_slice %arg11[%dma_start3A_690, %dma_start3A_691] : memref<10240x64xf32, #tpu.memory_space<vmem_shared>> -> memref<10240x64xf32, #tpu.memory_space<vmem_shared>>
        tpu.enqueue_indirect_dma source(%dma_start3A_689 : memref<128x64xf32, #tpu.memory_space<vmem>>) target(%dma_start3A_692 : memref<10240x64xf32, #tpu.memory_space<vmem_shared>>) offsets(%arg7 : memref<128xi32, #tpu.memory_space<vmem>>) semaphore(%run_scoped3A_685 : memref<!tpu.dma_semaphore, #tpu.memory_space<semaphore_mem>>) {add = true}
        %dma_wait3A_693 = arith.constant 0 : i32
        %dma_wait3A_694 = arith.constant 0 : i32
        %dma_wait3A_695 = tpu.memref_slice %arg9[%run_scoped3A_684, %dma_wait3A_693, %dma_wait3A_694] : memref<4x128x64xf32, #tpu.memory_space<vmem>> -> memref<1x128x64xf32, #tpu.memory_space<vmem>>
        %dma_wait3A_696 = tpu.memref_squeeze %dma_wait3A_695 : memref<1x128x64xf32, #tpu.memory_space<vmem>> -> memref<128x64xf32, #tpu.memory_space<vmem>>
        %dma_wait3A_697 = arith.constant 0 : i32
        %dma_wait3A_698 = arith.constant 0 : i32
        %dma_wait3A_699 = tpu.memref_slice %arg11[%dma_wait3A_697, %dma_wait3A_698] : memref<10240x64xf32, #tpu.memory_space<vmem_shared>> -> memref<10240x64xf32, #tpu.memory_space<vmem_shared>>
        tpu.wait_indirect_dma semaphore(%run_scoped3A_685 : memref<!tpu.dma_semaphore, #tpu.memory_space<semaphore_mem>>) src(%dma_wait3A_696 : memref<128x64xf32, #tpu.memory_space<vmem>>) dst(%dma_wait3A_699 : memref<10240x64xf32, #tpu.memory_space<vmem_shared>>)
        tpu.yield
      }) : () -> ()
    }
    %scan3A_116 = arith.constant 38 : i32
    %dma_wait3A_117 = arith.constant 1 : i32
    %dma_wait3A_118 = arith.constant 0 : i32
    %dma_wait3A_119 = arith.constant 0 : i32
    %dma_wait3A_120 = tpu.memref_slice %arg9[%dma_wait3A_117, %dma_wait3A_118, %dma_wait3A_119] : memref<4x128x64xf32, #tpu.memory_space<vmem>> -> memref<1x128x64xf32, #tpu.memory_space<vmem>>
    %dma_wait3A_121 = tpu.memref_squeeze %dma_wait3A_120 : memref<1x128x64xf32, #tpu.memory_space<vmem>> -> memref<128x64xf32, #tpu.memory_space<vmem>>
    %dma_wait3A_122 = arith.constant 19584 : i32
    %dma_wait3A_123 = tpu.memref_slice %arg5[%dma_wait3A_122] : memref<20000xi32, #tpu.memory_space<vmem>> -> memref<128xi32, #tpu.memory_space<vmem>>
    %dma_wait3A_124 = arith.constant 0 : i32
    %dma_wait3A_125 = arith.constant 0 : i32
    %dma_wait3A_126 = tpu.memref_slice %arg2[%dma_wait3A_124, %dma_wait3A_125] : memref<20000x64xf32, #tpu.memory_space<hbm>> -> memref<20000x64xf32, #tpu.memory_space<hbm>>
    tpu.wait_indirect_dma semaphore(%arg13 : memref<!tpu.dma_semaphore, #tpu.memory_space<semaphore_mem>>) src(%dma_wait3A_126 : memref<20000x64xf32, #tpu.memory_space<hbm>>) dst(%dma_wait3A_121 : memref<128x64xf32, #tpu.memory_space<vmem>>)
    %get3A_127 = arith.constant 19584 : index
    %get3A_128 = tpu.vector_load %arg6[%get3A_127] {strides = array<i32>} : memref<20000xi32, #tpu.memory_space<vmem>>, vector<16xi32>,
    %swap3A_129 = arith.constant 0 : index
    %swap3A_130 = tpu.vector_load %arg7[%swap3A_129] {strides = array<i32>} : memref<128xi32, #tpu.memory_space<vmem>>, vector<16xi32>,
    tpu.vector_store %arg7[%swap3A_129], %get3A_128 {strides = array<i32>} : memref<128xi32, #tpu.memory_space<vmem>>, vector<16xi32>,
    %get3A_131 = arith.constant 19600 : index
    %get3A_132 = tpu.vector_load %arg6[%get3A_131] {strides = array<i32>} : memref<20000xi32, #tpu.memory_space<vmem>>, vector<16xi32>,
    %swap3A_133 = arith.constant 16 : index
    %swap3A_134 = tpu.vector_load %arg7[%swap3A_133] {strides = array<i32>} : memref<128xi32, #tpu.memory_space<vmem>>, vector<16xi32>,
    tpu.vector_store %arg7[%swap3A_133], %get3A_132 {strides = array<i32>} : memref<128xi32, #tpu.memory_space<vmem>>, vector<16xi32>,
    %get3A_135 = arith.constant 19616 : index
    %get3A_136 = tpu.vector_load %arg6[%get3A_135] {strides = array<i32>} : memref<20000xi32, #tpu.memory_space<vmem>>, vector<16xi32>,
    %swap3A_137 = arith.constant 32 : index
    %swap3A_138 = tpu.vector_load %arg7[%swap3A_137] {strides = array<i32>} : memref<128xi32, #tpu.memory_space<vmem>>, vector<16xi32>,
    tpu.vector_store %arg7[%swap3A_137], %get3A_136 {strides = array<i32>} : memref<128xi32, #tpu.memory_space<vmem>>, vector<16xi32>,
    %get3A_139 = arith.constant 19632 : index
    %get3A_140 = tpu.vector_load %arg6[%get3A_139] {strides = array<i32>} : memref<20000xi32, #tpu.memory_space<vmem>>, vector<16xi32>,
    %swap3A_141 = arith.constant 48 : index
    %swap3A_142 = tpu.vector_load %arg7[%swap3A_141] {strides = array<i32>} : memref<128xi32, #tpu.memory_space<vmem>>, vector<16xi32>,
    tpu.vector_store %arg7[%swap3A_141], %get3A_140 {strides = array<i32>} : memref<128xi32, #tpu.memory_space<vmem>>, vector<16xi32>,
    %get3A_143 = arith.constant 19648 : index
    %get3A_144 = tpu.vector_load %arg6[%get3A_143] {strides = array<i32>} : memref<20000xi32, #tpu.memory_space<vmem>>, vector<16xi32>,
    %swap3A_145 = arith.constant 64 : index
    %swap3A_146 = tpu.vector_load %arg7[%swap3A_145] {strides = array<i32>} : memref<128xi32, #tpu.memory_space<vmem>>, vector<16xi32>,
    tpu.vector_store %arg7[%swap3A_145], %get3A_144 {strides = array<i32>} : memref<128xi32, #tpu.memory_space<vmem>>, vector<16xi32>,
    %get3A_147 = arith.constant 19664 : index
    %get3A_148 = tpu.vector_load %arg6[%get3A_147] {strides = array<i32>} : memref<20000xi32, #tpu.memory_space<vmem>>, vector<16xi32>,
    %swap3A_149 = arith.constant 80 : index
    %swap3A_150 = tpu.vector_load %arg7[%swap3A_149] {strides = array<i32>} : memref<128xi32, #tpu.memory_space<vmem>>, vector<16xi32>,
    tpu.vector_store %arg7[%swap3A_149], %get3A_148 {strides = array<i32>} : memref<128xi32, #tpu.memory_space<vmem>>, vector<16xi32>,
    %get3A_151 = arith.constant 19680 : index
    %get3A_152 = tpu.vector_load %arg6[%get3A_151] {strides = array<i32>} : memref<20000xi32, #tpu.memory_space<vmem>>, vector<16xi32>,
    %swap3A_153 = arith.constant 96 : index
    %swap3A_154 = tpu.vector_load %arg7[%swap3A_153] {strides = array<i32>} : memref<128xi32, #tpu.memory_space<vmem>>, vector<16xi32>,
    tpu.vector_store %arg7[%swap3A_153], %get3A_152 {strides = array<i32>} : memref<128xi32, #tpu.memory_space<vmem>>, vector<16xi32>,
    %get3A_155 = arith.constant 19696 : index
    %get3A_156 = tpu.vector_load %arg6[%get3A_155] {strides = array<i32>} : memref<20000xi32, #tpu.memory_space<vmem>>, vector<16xi32>,
    %swap3A_157 = arith.constant 112 : index
    %swap3A_158 = tpu.vector_load %arg7[%swap3A_157] {strides = array<i32>} : memref<128xi32, #tpu.memory_space<vmem>>, vector<16xi32>,
    tpu.vector_store %arg7[%swap3A_157], %get3A_156 {strides = array<i32>} : memref<128xi32, #tpu.memory_space<vmem>>, vector<16xi32>,
    %run_scoped3A_159 = arith.constant 1 : i32
    "tpu.region"() ({
      %run_scoped3A_312 = tpu.sem_alloc : memref<!tpu.dma_semaphore, #tpu.memory_space<semaphore_mem>>
      %dma_start3A_313 = arith.constant 0 : i32
      %dma_start3A_314 = arith.constant 0 : i32
      %dma_start3A_315 = tpu.memref_slice %arg9[%run_scoped3A_159, %dma_start3A_313, %dma_start3A_314] : memref<4x128x64xf32, #tpu.memory_space<vmem>> -> memref<1x128x64xf32, #tpu.memory_space<vmem>>
      %dma_start3A_316 = tpu.memref_squeeze %dma_start3A_315 : memref<1x128x64xf32, #tpu.memory_space<vmem>> -> memref<128x64xf32, #tpu.memory_space<vmem>>
      %dma_start3A_317 = arith.constant 0 : i32
      %dma_start3A_318 = arith.constant 0 : i32
      %dma_start3A_319 = tpu.memref_slice %arg11[%dma_start3A_317, %dma_start3A_318] : memref<10240x64xf32, #tpu.memory_space<vmem_shared>> -> memref<10240x64xf32, #tpu.memory_space<vmem_shared>>
      tpu.enqueue_indirect_dma source(%dma_start3A_316 : memref<128x64xf32, #tpu.memory_space<vmem>>) target(%dma_start3A_319 : memref<10240x64xf32, #tpu.memory_space<vmem_shared>>) offsets(%arg7 : memref<128xi32, #tpu.memory_space<vmem>>) semaphore(%run_scoped3A_312 : memref<!tpu.dma_semaphore, #tpu.memory_space<semaphore_mem>>) {add = true}
      %dma_wait3A_320 = arith.constant 0 : i32
      %dma_wait3A_321 = arith.constant 0 : i32
      %dma_wait3A_322 = tpu.memref_slice %arg9[%run_scoped3A_159, %dma_wait3A_320, %dma_wait3A_321] : memref<4x128x64xf32, #tpu.memory_space<vmem>> -> memref<1x128x64xf32, #tpu.memory_space<vmem>>
      %dma_wait3A_323 = tpu.memref_squeeze %dma_wait3A_322 : memref<1x128x64xf32, #tpu.memory_space<vmem>> -> memref<128x64xf32, #tpu.memory_space<vmem>>
      %dma_wait3A_324 = arith.constant 0 : i32
      %dma_wait3A_325 = arith.constant 0 : i32
      %dma_wait3A_326 = tpu.memref_slice %arg11[%dma_wait3A_324, %dma_wait3A_325] : memref<10240x64xf32, #tpu.memory_space<vmem_shared>> -> memref<10240x64xf32, #tpu.memory_space<vmem_shared>>
      tpu.wait_indirect_dma semaphore(%run_scoped3A_312 : memref<!tpu.dma_semaphore, #tpu.memory_space<semaphore_mem>>) src(%dma_wait3A_323 : memref<128x64xf32, #tpu.memory_space<vmem>>) dst(%dma_wait3A_326 : memref<10240x64xf32, #tpu.memory_space<vmem_shared>>)
      tpu.yield
    }) : () -> ()
    %dma_wait3A_160 = arith.constant 2 : i32
    %dma_wait3A_161 = arith.constant 0 : i32
    %dma_wait3A_162 = arith.constant 0 : i32
    %dma_wait3A_163 = tpu.memref_slice %arg9[%dma_wait3A_160, %dma_wait3A_161, %dma_wait3A_162] : memref<4x128x64xf32, #tpu.memory_space<vmem>> -> memref<1x128x64xf32, #tpu.memory_space<vmem>>
    %dma_wait3A_164 = tpu.memref_squeeze %dma_wait3A_163 : memref<1x128x64xf32, #tpu.memory_space<vmem>> -> memref<128x64xf32, #tpu.memory_space<vmem>>
    %dma_wait3A_165 = arith.constant 19712 : i32
    %dma_wait3A_166 = tpu.memref_slice %arg5[%dma_wait3A_165] : memref<20000xi32, #tpu.memory_space<vmem>> -> memref<128xi32, #tpu.memory_space<vmem>>
    %dma_wait3A_167 = arith.constant 0 : i32
    %dma_wait3A_168 = arith.constant 0 : i32
    %dma_wait3A_169 = tpu.memref_slice %arg2[%dma_wait3A_167, %dma_wait3A_168] : memref<20000x64xf32, #tpu.memory_space<hbm>> -> memref<20000x64xf32, #tpu.memory_space<hbm>>
    tpu.wait_indirect_dma semaphore(%arg14 : memref<!tpu.dma_semaphore, #tpu.memory_space<semaphore_mem>>) src(%dma_wait3A_169 : memref<20000x64xf32, #tpu.memory_space<hbm>>) dst(%dma_wait3A_164 : memref<128x64xf32, #tpu.memory_space<vmem>>)
    %get3A_170 = arith.constant 19712 : index
    %get3A_171 = tpu.vector_load %arg6[%get3A_170] {strides = array<i32>} : memref<20000xi32, #tpu.memory_space<vmem>>, vector<16xi32>,
    %swap3A_172 = arith.constant 0 : index
    %swap3A_173 = tpu.vector_load %arg7[%swap3A_172] {strides = array<i32>} : memref<128xi32, #tpu.memory_space<vmem>>, vector<16xi32>,
    tpu.vector_store %arg7[%swap3A_172], %get3A_171 {strides = array<i32>} : memref<128xi32, #tpu.memory_space<vmem>>, vector<16xi32>,
    %get3A_174 = arith.constant 19728 : index
    %get3A_175 = tpu.vector_load %arg6[%get3A_174] {strides = array<i32>} : memref<20000xi32, #tpu.memory_space<vmem>>, vector<16xi32>,
    %swap3A_176 = arith.constant 16 : index
    %swap3A_177 = tpu.vector_load %arg7[%swap3A_176] {strides = array<i32>} : memref<128xi32, #tpu.memory_space<vmem>>, vector<16xi32>,
    tpu.vector_store %arg7[%swap3A_176], %get3A_175 {strides = array<i32>} : memref<128xi32, #tpu.memory_space<vmem>>, vector<16xi32>,
    %get3A_178 = arith.constant 19744 : index
    %get3A_179 = tpu.vector_load %arg6[%get3A_178] {strides = array<i32>} : memref<20000xi32, #tpu.memory_space<vmem>>, vector<16xi32>,
    %swap3A_180 = arith.constant 32 : index
    %swap3A_181 = tpu.vector_load %arg7[%swap3A_180] {strides = array<i32>} : memref<128xi32, #tpu.memory_space<vmem>>, vector<16xi32>,
    tpu.vector_store %arg7[%swap3A_180], %get3A_179 {strides = array<i32>} : memref<128xi32, #tpu.memory_space<vmem>>, vector<16xi32>,
    %get3A_182 = arith.constant 19760 : index
    %get3A_183 = tpu.vector_load %arg6[%get3A_182] {strides = array<i32>} : memref<20000xi32, #tpu.memory_space<vmem>>, vector<16xi32>,
    %swap3A_184 = arith.constant 48 : index
    %swap3A_185 = tpu.vector_load %arg7[%swap3A_184] {strides = array<i32>} : memref<128xi32, #tpu.memory_space<vmem>>, vector<16xi32>,
    tpu.vector_store %arg7[%swap3A_184], %get3A_183 {strides = array<i32>} : memref<128xi32, #tpu.memory_space<vmem>>, vector<16xi32>,
    %get3A_186 = arith.constant 19776 : index
    %get3A_187 = tpu.vector_load %arg6[%get3A_186] {strides = array<i32>} : memref<20000xi32, #tpu.memory_space<vmem>>, vector<16xi32>,
    %swap3A_188 = arith.constant 64 : index
    %swap3A_189 = tpu.vector_load %arg7[%swap3A_188] {strides = array<i32>} : memref<128xi32, #tpu.memory_space<vmem>>, vector<16xi32>,
    tpu.vector_store %arg7[%swap3A_188], %get3A_187 {strides = array<i32>} : memref<128xi32, #tpu.memory_space<vmem>>, vector<16xi32>,
    %get3A_190 = arith.constant 19792 : index
    %get3A_191 = tpu.vector_load %arg6[%get3A_190] {strides = array<i32>} : memref<20000xi32, #tpu.memory_space<vmem>>, vector<16xi32>,
    %swap3A_192 = arith.constant 80 : index
    %swap3A_193 = tpu.vector_load %arg7[%swap3A_192] {strides = array<i32>} : memref<128xi32, #tpu.memory_space<vmem>>, vector<16xi32>,
    tpu.vector_store %arg7[%swap3A_192], %get3A_191 {strides = array<i32>} : memref<128xi32, #tpu.memory_space<vmem>>, vector<16xi32>,
    %get3A_194 = arith.constant 19808 : index
    %get3A_195 = tpu.vector_load %arg6[%get3A_194] {strides = array<i32>} : memref<20000xi32, #tpu.memory_space<vmem>>, vector<16xi32>,
    %swap3A_196 = arith.constant 96 : index
    %swap3A_197 = tpu.vector_load %arg7[%swap3A_196] {strides = array<i32>} : memref<128xi32, #tpu.memory_space<vmem>>, vector<16xi32>,
    tpu.vector_store %arg7[%swap3A_196], %get3A_195 {strides = array<i32>} : memref<128xi32, #tpu.memory_space<vmem>>, vector<16xi32>,
    %get3A_198 = arith.constant 19824 : index
    %get3A_199 = tpu.vector_load %arg6[%get3A_198] {strides = array<i32>} : memref<20000xi32, #tpu.memory_space<vmem>>, vector<16xi32>,
    %swap3A_200 = arith.constant 112 : index
    %swap3A_201 = tpu.vector_load %arg7[%swap3A_200] {strides = array<i32>} : memref<128xi32, #tpu.memory_space<vmem>>, vector<16xi32>,
    tpu.vector_store %arg7[%swap3A_200], %get3A_199 {strides = array<i32>} : memref<128xi32, #tpu.memory_space<vmem>>, vector<16xi32>,
    %run_scoped3A_202 = arith.constant 2 : i32
    "tpu.region"() ({
      %run_scoped3A_312 = tpu.sem_alloc : memref<!tpu.dma_semaphore, #tpu.memory_space<semaphore_mem>>
      %dma_start3A_313 = arith.constant 0 : i32
      %dma_start3A_314 = arith.constant 0 : i32
      %dma_start3A_315 = tpu.memref_slice %arg9[%run_scoped3A_202, %dma_start3A_313, %dma_start3A_314] : memref<4x128x64xf32, #tpu.memory_space<vmem>> -> memref<1x128x64xf32, #tpu.memory_space<vmem>>
      %dma_start3A_316 = tpu.memref_squeeze %dma_start3A_315 : memref<1x128x64xf32, #tpu.memory_space<vmem>> -> memref<128x64xf32, #tpu.memory_space<vmem>>
      %dma_start3A_317 = arith.constant 0 : i32
      %dma_start3A_318 = arith.constant 0 : i32
      %dma_start3A_319 = tpu.memref_slice %arg11[%dma_start3A_317, %dma_start3A_318] : memref<10240x64xf32, #tpu.memory_space<vmem_shared>> -> memref<10240x64xf32, #tpu.memory_space<vmem_shared>>
      tpu.enqueue_indirect_dma source(%dma_start3A_316 : memref<128x64xf32, #tpu.memory_space<vmem>>) target(%dma_start3A_319 : memref<10240x64xf32, #tpu.memory_space<vmem_shared>>) offsets(%arg7 : memref<128xi32, #tpu.memory_space<vmem>>) semaphore(%run_scoped3A_312 : memref<!tpu.dma_semaphore, #tpu.memory_space<semaphore_mem>>) {add = true}
      %dma_wait3A_320 = arith.constant 0 : i32
      %dma_wait3A_321 = arith.constant 0 : i32
      %dma_wait3A_322 = tpu.memref_slice %arg9[%run_scoped3A_202, %dma_wait3A_320, %dma_wait3A_321] : memref<4x128x64xf32, #tpu.memory_space<vmem>> -> memref<1x128x64xf32, #tpu.memory_space<vmem>>
      %dma_wait3A_323 = tpu.memref_squeeze %dma_wait3A_322 : memref<1x128x64xf32, #tpu.memory_space<vmem>> -> memref<128x64xf32, #tpu.memory_space<vmem>>
      %dma_wait3A_324 = arith.constant 0 : i32
      %dma_wait3A_325 = arith.constant 0 : i32
      %dma_wait3A_326 = tpu.memref_slice %arg11[%dma_wait3A_324, %dma_wait3A_325] : memref<10240x64xf32, #tpu.memory_space<vmem_shared>> -> memref<10240x64xf32, #tpu.memory_space<vmem_shared>>
      tpu.wait_indirect_dma semaphore(%run_scoped3A_312 : memref<!tpu.dma_semaphore, #tpu.memory_space<semaphore_mem>>) src(%dma_wait3A_323 : memref<128x64xf32, #tpu.memory_space<vmem>>) dst(%dma_wait3A_326 : memref<10240x64xf32, #tpu.memory_space<vmem_shared>>)
      tpu.yield
    }) : () -> ()
    %dma_wait3A_203 = arith.constant 3 : i32
    %dma_wait3A_204 = arith.constant 0 : i32
    %dma_wait3A_205 = arith.constant 0 : i32
    %dma_wait3A_206 = tpu.memref_slice %arg9[%dma_wait3A_203, %dma_wait3A_204, %dma_wait3A_205] : memref<4x128x64xf32, #tpu.memory_space<vmem>> -> memref<1x128x64xf32, #tpu.memory_space<vmem>>
    %dma_wait3A_207 = tpu.memref_squeeze %dma_wait3A_206 : memref<1x128x64xf32, #tpu.memory_space<vmem>> -> memref<128x64xf32, #tpu.memory_space<vmem>>
    %dma_wait3A_208 = arith.constant 19840 : i32
    %dma_wait3A_209 = tpu.memref_slice %arg5[%dma_wait3A_208] : memref<20000xi32, #tpu.memory_space<vmem>> -> memref<128xi32, #tpu.memory_space<vmem>>
    %dma_wait3A_210 = arith.constant 0 : i32
    %dma_wait3A_211 = arith.constant 0 : i32
    %dma_wait3A_212 = tpu.memref_slice %arg2[%dma_wait3A_210, %dma_wait3A_211] : memref<20000x64xf32, #tpu.memory_space<hbm>> -> memref<20000x64xf32, #tpu.memory_space<hbm>>
    tpu.wait_indirect_dma semaphore(%arg15 : memref<!tpu.dma_semaphore, #tpu.memory_space<semaphore_mem>>) src(%dma_wait3A_212 : memref<20000x64xf32, #tpu.memory_space<hbm>>) dst(%dma_wait3A_207 : memref<128x64xf32, #tpu.memory_space<vmem>>)
    %get3A_213 = arith.constant 19840 : index
    %get3A_214 = tpu.vector_load %arg6[%get3A_213] {strides = array<i32>} : memref<20000xi32, #tpu.memory_space<vmem>>, vector<16xi32>,
    %swap3A_215 = arith.constant 0 : index
    %swap3A_216 = tpu.vector_load %arg7[%swap3A_215] {strides = array<i32>} : memref<128xi32, #tpu.memory_space<vmem>>, vector<16xi32>,
    tpu.vector_store %arg7[%swap3A_215], %get3A_214 {strides = array<i32>} : memref<128xi32, #tpu.memory_space<vmem>>, vector<16xi32>,
    %get3A_217 = arith.constant 19856 : index
    %get3A_218 = tpu.vector_load %arg6[%get3A_217] {strides = array<i32>} : memref<20000xi32, #tpu.memory_space<vmem>>, vector<16xi32>,
    %swap3A_219 = arith.constant 16 : index
    %swap3A_220 = tpu.vector_load %arg7[%swap3A_219] {strides = array<i32>} : memref<128xi32, #tpu.memory_space<vmem>>, vector<16xi32>,
    tpu.vector_store %arg7[%swap3A_219], %get3A_218 {strides = array<i32>} : memref<128xi32, #tpu.memory_space<vmem>>, vector<16xi32>,
    %get3A_221 = arith.constant 19872 : index
    %get3A_222 = tpu.vector_load %arg6[%get3A_221] {strides = array<i32>} : memref<20000xi32, #tpu.memory_space<vmem>>, vector<16xi32>,
    %swap3A_223 = arith.constant 32 : index
    %swap3A_224 = tpu.vector_load %arg7[%swap3A_223] {strides = array<i32>} : memref<128xi32, #tpu.memory_space<vmem>>, vector<16xi32>,
    tpu.vector_store %arg7[%swap3A_223], %get3A_222 {strides = array<i32>} : memref<128xi32, #tpu.memory_space<vmem>>, vector<16xi32>,
    %get3A_225 = arith.constant 19888 : index
    %get3A_226 = tpu.vector_load %arg6[%get3A_225] {strides = array<i32>} : memref<20000xi32, #tpu.memory_space<vmem>>, vector<16xi32>,
    %swap3A_227 = arith.constant 48 : index
    %swap3A_228 = tpu.vector_load %arg7[%swap3A_227] {strides = array<i32>} : memref<128xi32, #tpu.memory_space<vmem>>, vector<16xi32>,
    tpu.vector_store %arg7[%swap3A_227], %get3A_226 {strides = array<i32>} : memref<128xi32, #tpu.memory_space<vmem>>, vector<16xi32>,
    %get3A_229 = arith.constant 19904 : index
    %get3A_230 = tpu.vector_load %arg6[%get3A_229] {strides = array<i32>} : memref<20000xi32, #tpu.memory_space<vmem>>, vector<16xi32>,
    %swap3A_231 = arith.constant 64 : index
    %swap3A_232 = tpu.vector_load %arg7[%swap3A_231] {strides = array<i32>} : memref<128xi32, #tpu.memory_space<vmem>>, vector<16xi32>,
    tpu.vector_store %arg7[%swap3A_231], %get3A_230 {strides = array<i32>} : memref<128xi32, #tpu.memory_space<vmem>>, vector<16xi32>,
    %get3A_233 = arith.constant 19920 : index
    %get3A_234 = tpu.vector_load %arg6[%get3A_233] {strides = array<i32>} : memref<20000xi32, #tpu.memory_space<vmem>>, vector<16xi32>,
    %swap3A_235 = arith.constant 80 : index
    %swap3A_236 = tpu.vector_load %arg7[%swap3A_235] {strides = array<i32>} : memref<128xi32, #tpu.memory_space<vmem>>, vector<16xi32>,
    tpu.vector_store %arg7[%swap3A_235], %get3A_234 {strides = array<i32>} : memref<128xi32, #tpu.memory_space<vmem>>, vector<16xi32>,
    %get3A_237 = arith.constant 19936 : index
    %get3A_238 = tpu.vector_load %arg6[%get3A_237] {strides = array<i32>} : memref<20000xi32, #tpu.memory_space<vmem>>, vector<16xi32>,
    %swap3A_239 = arith.constant 96 : index
    %swap3A_240 = tpu.vector_load %arg7[%swap3A_239] {strides = array<i32>} : memref<128xi32, #tpu.memory_space<vmem>>, vector<16xi32>,
    tpu.vector_store %arg7[%swap3A_239], %get3A_238 {strides = array<i32>} : memref<128xi32, #tpu.memory_space<vmem>>, vector<16xi32>,
    %get3A_241 = arith.constant 19952 : index
    %get3A_242 = tpu.vector_load %arg6[%get3A_241] {strides = array<i32>} : memref<20000xi32, #tpu.memory_space<vmem>>, vector<16xi32>,
    %swap3A_243 = arith.constant 112 : index
    %swap3A_244 = tpu.vector_load %arg7[%swap3A_243] {strides = array<i32>} : memref<128xi32, #tpu.memory_space<vmem>>, vector<16xi32>,
    tpu.vector_store %arg7[%swap3A_243], %get3A_242 {strides = array<i32>} : memref<128xi32, #tpu.memory_space<vmem>>, vector<16xi32>,
    %run_scoped3A_245 = arith.constant 3 : i32
    "tpu.region"() ({
      %run_scoped3A_312 = tpu.sem_alloc : memref<!tpu.dma_semaphore, #tpu.memory_space<semaphore_mem>>
      %dma_start3A_313 = arith.constant 0 : i32
      %dma_start3A_314 = arith.constant 0 : i32
      %dma_start3A_315 = tpu.memref_slice %arg9[%run_scoped3A_245, %dma_start3A_313, %dma_start3A_314] : memref<4x128x64xf32, #tpu.memory_space<vmem>> -> memref<1x128x64xf32, #tpu.memory_space<vmem>>
      %dma_start3A_316 = tpu.memref_squeeze %dma_start3A_315 : memref<1x128x64xf32, #tpu.memory_space<vmem>> -> memref<128x64xf32, #tpu.memory_space<vmem>>
      %dma_start3A_317 = arith.constant 0 : i32
      %dma_start3A_318 = arith.constant 0 : i32
      %dma_start3A_319 = tpu.memref_slice %arg11[%dma_start3A_317, %dma_start3A_318] : memref<10240x64xf32, #tpu.memory_space<vmem_shared>> -> memref<10240x64xf32, #tpu.memory_space<vmem_shared>>
      tpu.enqueue_indirect_dma source(%dma_start3A_316 : memref<128x64xf32, #tpu.memory_space<vmem>>) target(%dma_start3A_319 : memref<10240x64xf32, #tpu.memory_space<vmem_shared>>) offsets(%arg7 : memref<128xi32, #tpu.memory_space<vmem>>) semaphore(%run_scoped3A_312 : memref<!tpu.dma_semaphore, #tpu.memory_space<semaphore_mem>>) {add = true}
      %dma_wait3A_320 = arith.constant 0 : i32
      %dma_wait3A_321 = arith.constant 0 : i32
      %dma_wait3A_322 = tpu.memref_slice %arg9[%run_scoped3A_245, %dma_wait3A_320, %dma_wait3A_321] : memref<4x128x64xf32, #tpu.memory_space<vmem>> -> memref<1x128x64xf32, #tpu.memory_space<vmem>>
      %dma_wait3A_323 = tpu.memref_squeeze %dma_wait3A_322 : memref<1x128x64xf32, #tpu.memory_space<vmem>> -> memref<128x64xf32, #tpu.memory_space<vmem>>
      %dma_wait3A_324 = arith.constant 0 : i32
      %dma_wait3A_325 = arith.constant 0 : i32
      %dma_wait3A_326 = tpu.memref_slice %arg11[%dma_wait3A_324, %dma_wait3A_325] : memref<10240x64xf32, #tpu.memory_space<vmem_shared>> -> memref<10240x64xf32, #tpu.memory_space<vmem_shared>>
      tpu.wait_indirect_dma semaphore(%run_scoped3A_312 : memref<!tpu.dma_semaphore, #tpu.memory_space<semaphore_mem>>) src(%dma_wait3A_323 : memref<128x64xf32, #tpu.memory_space<vmem>>) dst(%dma_wait3A_326 : memref<10240x64xf32, #tpu.memory_space<vmem_shared>>)
      tpu.yield
    }) : () -> ()
    %get3A_246 = arith.constant 19968 : index
    %get3A_247 = tpu.vector_load %arg6[%get3A_246] {strides = array<i32>} : memref<20000xi32, #tpu.memory_space<vmem>>, vector<16xi32>,
    %swap3A_248 = arith.constant 0 : index
    %swap3A_249 = tpu.vector_load %arg8[%swap3A_248] {strides = array<i32>} : memref<32xi32, #tpu.memory_space<vmem>>, vector<16xi32>,
    tpu.vector_store %arg8[%swap3A_248], %get3A_247 {strides = array<i32>} : memref<32xi32, #tpu.memory_space<vmem>>, vector<16xi32>,
    %get3A_250 = arith.constant 19984 : index
    %get3A_251 = tpu.vector_load %arg6[%get3A_250] {strides = array<i32>} : memref<20000xi32, #tpu.memory_space<vmem>>, vector<16xi32>,
    %swap3A_252 = arith.constant 16 : index
    %swap3A_253 = tpu.vector_load %arg8[%swap3A_252] {strides = array<i32>} : memref<32xi32, #tpu.memory_space<vmem>>, vector<16xi32>,
    tpu.vector_store %arg8[%swap3A_252], %get3A_251 {strides = array<i32>} : memref<32xi32, #tpu.memory_space<vmem>>, vector<16xi32>,
    %dma_start3A_254 = arith.constant 0 : i32
    %dma_start3A_255 = arith.constant 0 : i32
    %dma_start3A_256 = arith.constant 0 : i32
    %dma_start3A_257 = tpu.memref_slice %arg9[%dma_start3A_254, %dma_start3A_255, %dma_start3A_256] : memref<4x128x64xf32, #tpu.memory_space<vmem>> -> memref<1x128x64xf32, #tpu.memory_space<vmem>>
    %dma_start3A_258 = tpu.memref_squeeze %dma_start3A_257 : memref<1x128x64xf32, #tpu.memory_space<vmem>> -> memref<128x64xf32, #tpu.memory_space<vmem>>
    %dma_start3A_259 = arith.constant 0 : i32
    %dma_start3A_260 = arith.constant 0 : i32
    %dma_start3A_261 = tpu.memref_slice %dma_start3A_258[%dma_start3A_259, %dma_start3A_260] : memref<128x64xf32, #tpu.memory_space<vmem>> -> memref<32x64xf32, #tpu.memory_space<vmem>>
    %dma_start3A_262 = arith.constant 19968 : i32
    %dma_start3A_263 = tpu.memref_slice %arg5[%dma_start3A_262] : memref<20000xi32, #tpu.memory_space<vmem>> -> memref<32xi32, #tpu.memory_space<vmem>>
    %dma_start3A_264 = arith.constant 0 : i32
    %dma_start3A_265 = arith.constant 0 : i32
    %dma_start3A_266 = tpu.memref_slice %arg2[%dma_start3A_264, %dma_start3A_265] : memref<20000x64xf32, #tpu.memory_space<hbm>> -> memref<20000x64xf32, #tpu.memory_space<hbm>>
    tpu.enqueue_indirect_dma source(%dma_start3A_266 : memref<20000x64xf32, #tpu.memory_space<hbm>>) target(%dma_start3A_261 : memref<32x64xf32, #tpu.memory_space<vmem>>) offsets(%dma_start3A_263 : memref<32xi32, #tpu.memory_space<vmem>>) semaphore(%arg12 : memref<!tpu.dma_semaphore, #tpu.memory_space<semaphore_mem>>)
    %dma_wait3A_267 = arith.constant 0 : i32
    %dma_wait3A_268 = arith.constant 0 : i32
    %dma_wait3A_269 = arith.constant 0 : i32
    %dma_wait3A_270 = tpu.memref_slice %arg9[%dma_wait3A_267, %dma_wait3A_268, %dma_wait3A_269] : memref<4x128x64xf32, #tpu.memory_space<vmem>> -> memref<1x128x64xf32, #tpu.memory_space<vmem>>
    %dma_wait3A_271 = tpu.memref_squeeze %dma_wait3A_270 : memref<1x128x64xf32, #tpu.memory_space<vmem>> -> memref<128x64xf32, #tpu.memory_space<vmem>>
    %dma_wait3A_272 = arith.constant 0 : i32
    %dma_wait3A_273 = arith.constant 0 : i32
    %dma_wait3A_274 = tpu.memref_slice %dma_wait3A_271[%dma_wait3A_272, %dma_wait3A_273] : memref<128x64xf32, #tpu.memory_space<vmem>> -> memref<32x64xf32, #tpu.memory_space<vmem>>
    %dma_wait3A_275 = arith.constant 19968 : i32
    %dma_wait3A_276 = tpu.memref_slice %arg5[%dma_wait3A_275] : memref<20000xi32, #tpu.memory_space<vmem>> -> memref<32xi32, #tpu.memory_space<vmem>>
    %dma_wait3A_277 = arith.constant 0 : i32
    %dma_wait3A_278 = arith.constant 0 : i32
    %dma_wait3A_279 = tpu.memref_slice %arg2[%dma_wait3A_277, %dma_wait3A_278] : memref<20000x64xf32, #tpu.memory_space<hbm>> -> memref<20000x64xf32, #tpu.memory_space<hbm>>
    tpu.wait_indirect_dma semaphore(%arg12 : memref<!tpu.dma_semaphore, #tpu.memory_space<semaphore_mem>>) src(%dma_wait3A_279 : memref<20000x64xf32, #tpu.memory_space<hbm>>) dst(%dma_wait3A_274 : memref<32x64xf32, #tpu.memory_space<vmem>>)
    %run_scoped3A_280 = arith.constant 0 : i32
    "tpu.region"() ({
      %run_scoped3A_312 = tpu.sem_alloc : memref<!tpu.dma_semaphore, #tpu.memory_space<semaphore_mem>>
      %dma_start3A_313 = arith.constant 0 : i32
      %dma_start3A_314 = arith.constant 0 : i32
      %dma_start3A_315 = tpu.memref_slice %arg9[%run_scoped3A_280, %dma_start3A_313, %dma_start3A_314] : memref<4x128x64xf32, #tpu.memory_space<vmem>> -> memref<1x128x64xf32, #tpu.memory_space<vmem>>
      %dma_start3A_316 = tpu.memref_squeeze %dma_start3A_315 : memref<1x128x64xf32, #tpu.memory_space<vmem>> -> memref<128x64xf32, #tpu.memory_space<vmem>>
      %dma_start3A_317 = arith.constant 0 : i32
      %dma_start3A_318 = arith.constant 0 : i32
      %dma_start3A_319 = tpu.memref_slice %dma_start3A_316[%dma_start3A_317, %dma_start3A_318] : memref<128x64xf32, #tpu.memory_space<vmem>> -> memref<32x64xf32, #tpu.memory_space<vmem>>
      %dma_start3A_320 = arith.constant 0 : i32
      %dma_start3A_321 = arith.constant 0 : i32
      %dma_start3A_322 = tpu.memref_slice %arg11[%dma_start3A_320, %dma_start3A_321] : memref<10240x64xf32, #tpu.memory_space<vmem_shared>> -> memref<10240x64xf32, #tpu.memory_space<vmem_shared>>
      tpu.enqueue_indirect_dma source(%dma_start3A_319 : memref<32x64xf32, #tpu.memory_space<vmem>>) target(%dma_start3A_322 : memref<10240x64xf32, #tpu.memory_space<vmem_shared>>) offsets(%arg8 : memref<32xi32, #tpu.memory_space<vmem>>) semaphore(%run_scoped3A_312 : memref<!tpu.dma_semaphore, #tpu.memory_space<semaphore_mem>>) {add = true}
      %dma_wait3A_323 = arith.constant 0 : i32
      %dma_wait3A_324 = arith.constant 0 : i32
      %dma_wait3A_325 = tpu.memref_slice %arg9[%run_scoped3A_280, %dma_wait3A_323, %dma_wait3A_324] : memref<4x128x64xf32, #tpu.memory_space<vmem>> -> memref<1x128x64xf32, #tpu.memory_space<vmem>>
      %dma_wait3A_326 = tpu.memref_squeeze %dma_wait3A_325 : memref<1x128x64xf32, #tpu.memory_space<vmem>> -> memref<128x64xf32, #tpu.memory_space<vmem>>
      %dma_wait3A_327 = arith.constant 0 : i32
      %dma_wait3A_328 = arith.constant 0 : i32
      %dma_wait3A_329 = tpu.memref_slice %dma_wait3A_326[%dma_wait3A_327, %dma_wait3A_328] : memref<128x64xf32, #tpu.memory_space<vmem>> -> memref<32x64xf32, #tpu.memory_space<vmem>>
      %dma_wait3A_330 = arith.constant 0 : i32
      %dma_wait3A_331 = arith.constant 0 : i32
      %dma_wait3A_332 = tpu.memref_slice %arg11[%dma_wait3A_330, %dma_wait3A_331] : memref<10240x64xf32, #tpu.memory_space<vmem_shared>> -> memref<10240x64xf32, #tpu.memory_space<vmem_shared>>
      tpu.wait_indirect_dma semaphore(%run_scoped3A_312 : memref<!tpu.dma_semaphore, #tpu.memory_space<semaphore_mem>>) src(%dma_wait3A_329 : memref<32x64xf32, #tpu.memory_space<vmem>>) dst(%dma_wait3A_332 : memref<10240x64xf32, #tpu.memory_space<vmem_shared>>)
      tpu.yield
    }) : () -> ()
    %barrier3A_281 = arith.constant 0 : index
    tpu.barrier barrier_id(%barrier3A_281)
    %mul3A_282 = arith.constant 640 : i32
    %mul3A_283 = arith.muli %arg1, %mul3A_282 : i32
    %add3A_284 = arith.constant 0 : i32
    %add3A_285 = arith.addi %mul3A_283, %add3A_284 : i32
    %mul3A_286 = arith.constant 64 : i32
    %mul3A_287 = arith.muli %arg0, %mul3A_286 : i32
    "tpu.region"() ({
      %run_scoped3A_312 = tpu.sem_alloc : memref<!tpu.dma_semaphore, #tpu.memory_space<semaphore_mem>>
      %dma_start3A_313 = tpu.memref_slice %arg4[%add3A_285, %mul3A_287] : memref<10240x128xf32, #tpu.memory_space<hbm>> -> memref<128x64xf32, #tpu.memory_space<hbm>>
      %dma_start3A_314 = arith.constant 0 : i32
      %dma_start3A_315 = tpu.memref_slice %arg11[%add3A_285, %dma_start3A_314] : memref<10240x64xf32, #tpu.memory_space<vmem_shared>> -> memref<128x64xf32, #tpu.memory_space<vmem_shared>>
      tpu.enqueue_dma source(%dma_start3A_315 : memref<128x64xf32, #tpu.memory_space<vmem_shared>>) target(%dma_start3A_313 : memref<128x64xf32, #tpu.memory_space<hbm>>) target_semaphore(%run_scoped3A_312 : memref<!tpu.dma_semaphore, #tpu.memory_space<semaphore_mem>>)
      %dma_wait3A_316 = tpu.memref_slice %arg4[%add3A_285, %mul3A_287] : memref<10240x128xf32, #tpu.memory_space<hbm>> -> memref<128x64xf32, #tpu.memory_space<hbm>>
      %dma_wait3A_317 = arith.constant 0 : i32
      %dma_wait3A_318 = tpu.memref_slice %arg11[%add3A_285, %dma_wait3A_317] : memref<10240x64xf32, #tpu.memory_space<vmem_shared>> -> memref<128x64xf32, #tpu.memory_space<vmem_shared>>
      tpu.wait_dma2 semaphore(%run_scoped3A_312 : memref<!tpu.dma_semaphore, #tpu.memory_space<semaphore_mem>>) src(%dma_wait3A_318 : memref<128x64xf32, #tpu.memory_space<vmem_shared>>) dst(%dma_wait3A_316 : memref<128x64xf32, #tpu.memory_space<hbm>>)
      tpu.yield
    }) : () -> ()
    %mul3A_288 = arith.constant 640 : i32
    %mul3A_289 = arith.muli %arg1, %mul3A_288 : i32
    %add3A_290 = arith.constant 128 : i32
    %add3A_291 = arith.addi %mul3A_289, %add3A_290 : i32
    %mul3A_292 = arith.constant 64 : i32
    %mul3A_293 = arith.muli %arg0, %mul3A_292 : i32
    "tpu.region"() ({
      %run_scoped3A_312 = tpu.sem_alloc : memref<!tpu.dma_semaphore, #tpu.memory_space<semaphore_mem>>
      %dma_start3A_313 = tpu.memref_slice %arg4[%add3A_291, %mul3A_293] : memref<10240x128xf32, #tpu.memory_space<hbm>> -> memref<128x64xf32, #tpu.memory_space<hbm>>
      %dma_start3A_314 = arith.constant 0 : i32
      %dma_start3A_315 = tpu.memref_slice %arg11[%add3A_291, %dma_start3A_314] : memref<10240x64xf32, #tpu.memory_space<vmem_shared>> -> memref<128x64xf32, #tpu.memory_space<vmem_shared>>
      tpu.enqueue_dma source(%dma_start3A_315 : memref<128x64xf32, #tpu.memory_space<vmem_shared>>) target(%dma_start3A_313 : memref<128x64xf32, #tpu.memory_space<hbm>>) target_semaphore(%run_scoped3A_312 : memref<!tpu.dma_semaphore, #tpu.memory_space<semaphore_mem>>)
      %dma_wait3A_316 = tpu.memref_slice %arg4[%add3A_291, %mul3A_293] : memref<10240x128xf32, #tpu.memory_space<hbm>> -> memref<128x64xf32, #tpu.memory_space<hbm>>
      %dma_wait3A_317 = arith.constant 0 : i32
      %dma_wait3A_318 = tpu.memref_slice %arg11[%add3A_291, %dma_wait3A_317] : memref<10240x64xf32, #tpu.memory_space<vmem_shared>> -> memref<128x64xf32, #tpu.memory_space<vmem_shared>>
      tpu.wait_dma2 semaphore(%run_scoped3A_312 : memref<!tpu.dma_semaphore, #tpu.memory_space<semaphore_mem>>) src(%dma_wait3A_318 : memref<128x64xf32, #tpu.memory_space<vmem_shared>>) dst(%dma_wait3A_316 : memref<128x64xf32, #tpu.memory_space<hbm>>)
      tpu.yield
    }) : () -> ()
    %mul3A_294 = arith.constant 640 : i32
    %mul3A_295 = arith.muli %arg1, %mul3A_294 : i32
    %add3A_296 = arith.constant 256 : i32
    %add3A_297 = arith.addi %mul3A_295, %add3A_296 : i32
    %mul3A_298 = arith.constant 64 : i32
    %mul3A_299 = arith.muli %arg0, %mul3A_298 : i32
    "tpu.region"() ({
      %run_scoped3A_312 = tpu.sem_alloc : memref<!tpu.dma_semaphore, #tpu.memory_space<semaphore_mem>>
      %dma_start3A_313 = tpu.memref_slice %arg4[%add3A_297, %mul3A_299] : memref<10240x128xf32, #tpu.memory_space<hbm>> -> memref<128x64xf32, #tpu.memory_space<hbm>>
      %dma_start3A_314 = arith.constant 0 : i32
      %dma_start3A_315 = tpu.memref_slice %arg11[%add3A_297, %dma_start3A_314] : memref<10240x64xf32, #tpu.memory_space<vmem_shared>> -> memref<128x64xf32, #tpu.memory_space<vmem_shared>>
      tpu.enqueue_dma source(%dma_start3A_315 : memref<128x64xf32, #tpu.memory_space<vmem_shared>>) target(%dma_start3A_313 : memref<128x64xf32, #tpu.memory_space<hbm>>) target_semaphore(%run_scoped3A_312 : memref<!tpu.dma_semaphore, #tpu.memory_space<semaphore_mem>>)
      %dma_wait3A_316 = tpu.memref_slice %arg4[%add3A_297, %mul3A_299] : memref<10240x128xf32, #tpu.memory_space<hbm>> -> memref<128x64xf32, #tpu.memory_space<hbm>>
      %dma_wait3A_317 = arith.constant 0 : i32
      %dma_wait3A_318 = tpu.memref_slice %arg11[%add3A_297, %dma_wait3A_317] : memref<10240x64xf32, #tpu.memory_space<vmem_shared>> -> memref<128x64xf32, #tpu.memory_space<vmem_shared>>
      tpu.wait_dma2 semaphore(%run_scoped3A_312 : memref<!tpu.dma_semaphore, #tpu.memory_space<semaphore_mem>>) src(%dma_wait3A_318 : memref<128x64xf32, #tpu.memory_space<vmem_shared>>) dst(%dma_wait3A_316 : memref<128x64xf32, #tpu.memory_space<hbm>>)
      tpu.yield
    }) : () -> ()
    %mul3A_300 = arith.constant 640 : i32
    %mul3A_301 = arith.muli %arg1, %mul3A_300 : i32
    %add3A_302 = arith.constant 384 : i32
    %add3A_303 = arith.addi %mul3A_301, %add3A_302 : i32
    %mul3A_304 = arith.constant 64 : i32
    %mul3A_305 = arith.muli %arg0, %mul3A_304 : i32
    "tpu.region"() ({
      %run_scoped3A_312 = tpu.sem_alloc : memref<!tpu.dma_semaphore, #tpu.memory_space<semaphore_mem>>
      %dma_start3A_313 = tpu.memref_slice %arg4[%add3A_303, %mul3A_305] : memref<10240x128xf32, #tpu.memory_space<hbm>> -> memref<128x64xf32, #tpu.memory_space<hbm>>
      %dma_start3A_314 = arith.constant 0 : i32
      %dma_start3A_315 = tpu.memref_slice %arg11[%add3A_303, %dma_start3A_314] : memref<10240x64xf32, #tpu.memory_space<vmem_shared>> -> memref<128x64xf32, #tpu.memory_space<vmem_shared>>
      tpu.enqueue_dma source(%dma_start3A_315 : memref<128x64xf32, #tpu.memory_space<vmem_shared>>) target(%dma_start3A_313 : memref<128x64xf32, #tpu.memory_space<hbm>>) target_semaphore(%run_scoped3A_312 : memref<!tpu.dma_semaphore, #tpu.memory_space<semaphore_mem>>)
      %dma_wait3A_316 = tpu.memref_slice %arg4[%add3A_303, %mul3A_305] : memref<10240x128xf32, #tpu.memory_space<hbm>> -> memref<128x64xf32, #tpu.memory_space<hbm>>
      %dma_wait3A_317 = arith.constant 0 : i32
      %dma_wait3A_318 = tpu.memref_slice %arg11[%add3A_303, %dma_wait3A_317] : memref<10240x64xf32, #tpu.memory_space<vmem_shared>> -> memref<128x64xf32, #tpu.memory_space<vmem_shared>>
      tpu.wait_dma2 semaphore(%run_scoped3A_312 : memref<!tpu.dma_semaphore, #tpu.memory_space<semaphore_mem>>) src(%dma_wait3A_318 : memref<128x64xf32, #tpu.memory_space<vmem_shared>>) dst(%dma_wait3A_316 : memref<128x64xf32, #tpu.memory_space<hbm>>)
      tpu.yield
    }) : () -> ()
    %mul3A_306 = arith.constant 640 : i32
    %mul3A_307 = arith.muli %arg1, %mul3A_306 : i32
    %add3A_308 = arith.constant 512 : i32
    %add3A_309 = arith.addi %mul3A_307, %add3A_308 : i32
    %mul3A_310 = arith.constant 64 : i32
    %mul3A_311 = arith.muli %arg0, %mul3A_310 : i32
    "tpu.region"() ({
      %run_scoped3A_312 = tpu.sem_alloc : memref<!tpu.dma_semaphore, #tpu.memory_space<semaphore_mem>>
      %dma_start3A_313 = tpu.memref_slice %arg4[%add3A_309, %mul3A_311] : memref<10240x128xf32, #tpu.memory_space<hbm>> -> memref<128x64xf32, #tpu.memory_space<hbm>>
      %dma_start3A_314 = arith.constant 0 : i32
      %dma_start3A_315 = tpu.memref_slice %arg11[%add3A_309, %dma_start3A_314] : memref<10240x64xf32, #tpu.memory_space<vmem_shared>> -> memref<128x64xf32, #tpu.memory_space<vmem_shared>>
      tpu.enqueue_dma source(%dma_start3A_315 : memref<128x64xf32, #tpu.memory_space<vmem_shared>>) target(%dma_start3A_313 : memref<128x64xf32, #tpu.memory_space<hbm>>) target_semaphore(%run_scoped3A_312 : memref<!tpu.dma_semaphore, #tpu.memory_space<semaphore_mem>>)
      %dma_wait3A_316 = tpu.memref_slice %arg4[%add3A_309, %mul3A_311] : memref<10240x128xf32, #tpu.memory_space<hbm>> -> memref<128x64xf32, #tpu.memory_space<hbm>>
      %dma_wait3A_317 = arith.constant 0 : i32
      %dma_wait3A_318 = tpu.memref_slice %arg11[%add3A_309, %dma_wait3A_317] : memref<10240x64xf32, #tpu.memory_space<vmem_shared>> -> memref<128x64xf32, #tpu.memory_space<vmem_shared>>
      tpu.wait_dma2 semaphore(%run_scoped3A_312 : memref<!tpu.dma_semaphore, #tpu.memory_space<semaphore_mem>>) src(%dma_wait3A_318 : memref<128x64xf32, #tpu.memory_space<vmem_shared>>) dst(%dma_wait3A_316 : memref<128x64xf32, #tpu.memory_space<hbm>>)
      tpu.yield
    }) : () -> ()
    return
  }
}

#map = affine_map<(d0, d1) -> (0, 0)>
module attributes {stable_mosaic.version = 14 : i64} {
  func.func @_deg_kernel(%arg0: i32, %arg1: i32, %arg2: memref<2x320000xi32, #tpu.memory_space<hbm>>, %arg3: memref<2x10240xf32, #tpu.memory_space<hbm>>, %arg4: memref<10000xi32, #tpu.memory_space<vmem>>, %arg5: memref<10240xf32, #tpu.memory_space<vmem>>, %arg6: memref<16x640xf32, #tpu.memory_space<vmem>>, %arg7: memref<16x10240xf32, #tpu.memory_space<vmem_shared>>) attributes {dimension_semantics = [#tpu.dimension_semantics<core_parallel>, #tpu.dimension_semantics<subcore_parallel>], iteration_bounds = array<i64: 2, 16>, scalar_prefetch = 0 : i64, scratch_operands = 4 : i64, tpu.core_type = #tpu.core_type<sc_vector_subcore>, window_params = [{transform_indices = #map}, {transform_indices = #map}]} {
    %mul3A = arith.constant 16 : i32
    %mul3A_0 = arith.muli %arg0, %mul3A : i32
    %add3A = arith.addi %mul3A_0, %arg1 : i32
    %mul3A_1 = arith.constant 10000 : i32
    %mul3A_2 = arith.muli %add3A, %mul3A_1 : i32
    %run_scoped3A = arith.constant 1 : i32
    "tpu.region"() ({
      %run_scoped3A_87 = tpu.sem_alloc : memref<!tpu.dma_semaphore, #tpu.memory_space<semaphore_mem>>
      %dma_start3A = tpu.memref_slice %arg2[%run_scoped3A, %mul3A_2] : memref<2x320000xi32, #tpu.memory_space<hbm>> -> memref<1x10000xi32, #tpu.memory_space<hbm>>
      %dma_start3A_88 = tpu.memref_squeeze %dma_start3A : memref<1x10000xi32, #tpu.memory_space<hbm>> -> memref<10000xi32, #tpu.memory_space<hbm>>
      %dma_start3A_89 = tpu.memref_slice %arg2[%run_scoped3A, %mul3A_2] : memref<2x320000xi32, #tpu.memory_space<hbm>> -> memref<1x10000xi32, #tpu.memory_space<hbm>>
      %dma_start3A_90 = tpu.memref_squeeze %dma_start3A_89 : memref<1x10000xi32, #tpu.memory_space<hbm>> -> memref<10000xi32, #tpu.memory_space<hbm>>
      tpu.enqueue_dma source(%dma_start3A_90 : memref<10000xi32, #tpu.memory_space<hbm>>) target(%arg4 : memref<10000xi32, #tpu.memory_space<vmem>>) target_semaphore(%run_scoped3A_87 : memref<!tpu.dma_semaphore, #tpu.memory_space<semaphore_mem>>)
      %dma_wait3A = tpu.memref_slice %arg2[%run_scoped3A, %mul3A_2] : memref<2x320000xi32, #tpu.memory_space<hbm>> -> memref<1x10000xi32, #tpu.memory_space<hbm>>
      %dma_wait3A_91 = tpu.memref_squeeze %dma_wait3A : memref<1x10000xi32, #tpu.memory_space<hbm>> -> memref<10000xi32, #tpu.memory_space<hbm>>
      %dma_wait3A_92 = tpu.memref_slice %arg2[%run_scoped3A, %mul3A_2] : memref<2x320000xi32, #tpu.memory_space<hbm>> -> memref<1x10000xi32, #tpu.memory_space<hbm>>
      %dma_wait3A_93 = tpu.memref_squeeze %dma_wait3A_92 : memref<1x10000xi32, #tpu.memory_space<hbm>> -> memref<10000xi32, #tpu.memory_space<hbm>>
      tpu.wait_dma2 semaphore(%run_scoped3A_87 : memref<!tpu.dma_semaphore, #tpu.memory_space<semaphore_mem>>) src(%dma_wait3A_93 : memref<10000xi32, #tpu.memory_space<hbm>>) dst(%arg4 : memref<10000xi32, #tpu.memory_space<vmem>>)
      tpu.yield
    }) : () -> ()
    %broadcast_in_dim3A = arith.constant 0.000000e+00 : f32
    %broadcast_in_dim3A_3 = vector.broadcast %broadcast_in_dim3A : f32 to vector<16xf32>
    %broadcast_in_dim3A_4 = arith.constant 1.000000e+00 : f32
    %broadcast_in_dim3A_5 = vector.broadcast %broadcast_in_dim3A_4 : f32 to vector<16xf32>
    %scan3A = arith.constant 0 : i32
    %scan3A_6 = arith.constant 640 : i32
    %scan3A_7 = arith.addi %scan3A, %scan3A_6 : i32
    %scan3A_8 = arith.constant 1 : i32
    scf.for %scan3A_87 = %scan3A to %scan3A_7 step %scan3A_8  : i32 {
      %mul3A_88 = arith.constant 16 : i32
      %mul3A_89 = arith.muli %scan3A_87, %mul3A_88 : i32
      %add3A_90 = arith.constant 0 : i32
      %add3A_91 = arith.addi %add3A_90, %mul3A_89 : i32
      %swap3A = arith.index_cast %add3A_91 : i32 to index
      %swap3A_92 = tpu.vector_load %arg5[%swap3A] {strides = array<i32>} : memref<10240xf32, #tpu.memory_space<vmem>>, vector<16xf32>,
      tpu.vector_store %arg5[%swap3A], %broadcast_in_dim3A_3 {strides = array<i32>} : memref<10240xf32, #tpu.memory_space<vmem>>, vector<16xf32>,
    }
    %scan3A_9 = arith.constant 640 : i32
    %scan3A_10 = arith.constant 0 : i32
    %scan3A_11 = arith.constant 625 : i32
    %scan3A_12 = arith.addi %scan3A_10, %scan3A_11 : i32
    %scan3A_13 = arith.constant 1 : i32
    scf.for %scan3A_87 = %scan3A_10 to %scan3A_12 step %scan3A_13  : i32 {
      %mul3A_88 = arith.constant 16 : i32
      %mul3A_89 = arith.muli %scan3A_87, %mul3A_88 : i32
      %add3A_90 = arith.constant 0 : i32
      %add3A_91 = arith.addi %add3A_90, %mul3A_89 : i32
      %get3A = arith.index_cast %add3A_91 : i32 to index
      %get3A_92 = tpu.vector_load %arg4[%get3A] {strides = array<i32>} : memref<10000xi32, #tpu.memory_space<vmem>>, vector<16xi32>,
      tpu.vector_store_idx %arg5[%get3A_92], %broadcast_in_dim3A_5 {add = true} : memref<10240xf32, #tpu.memory_space<vmem>>[vector<16xi32>], vector<16xf32>,
    }
    %scan3A_14 = arith.constant 625 : i32
    "tpu.region"() ({
      %run_scoped3A_87 = tpu.sem_alloc : memref<!tpu.dma_semaphore, #tpu.memory_space<semaphore_mem>>
      %dma_start3A = arith.constant 0 : i32
      %dma_start3A_88 = tpu.memref_slice %arg7[%arg1, %dma_start3A] : memref<16x10240xf32, #tpu.memory_space<vmem_shared>> -> memref<1x10240xf32, #tpu.memory_space<vmem_shared>>
      %dma_start3A_89 = tpu.memref_squeeze %dma_start3A_88 : memref<1x10240xf32, #tpu.memory_space<vmem_shared>> -> memref<10240xf32, #tpu.memory_space<vmem_shared>>
      %dma_start3A_90 = arith.constant 0 : i32
      %dma_start3A_91 = tpu.memref_slice %arg7[%arg1, %dma_start3A_90] : memref<16x10240xf32, #tpu.memory_space<vmem_shared>> -> memref<1x10240xf32, #tpu.memory_space<vmem_shared>>
      %dma_start3A_92 = tpu.memref_squeeze %dma_start3A_91 : memref<1x10240xf32, #tpu.memory_space<vmem_shared>> -> memref<10240xf32, #tpu.memory_space<vmem_shared>>
      tpu.enqueue_dma source(%arg5 : memref<10240xf32, #tpu.memory_space<vmem>>) target(%dma_start3A_92 : memref<10240xf32, #tpu.memory_space<vmem_shared>>) target_semaphore(%run_scoped3A_87 : memref<!tpu.dma_semaphore, #tpu.memory_space<semaphore_mem>>)
      %dma_wait3A = arith.constant 0 : i32
      %dma_wait3A_93 = tpu.memref_slice %arg7[%arg1, %dma_wait3A] : memref<16x10240xf32, #tpu.memory_space<vmem_shared>> -> memref<1x10240xf32, #tpu.memory_space<vmem_shared>>
      %dma_wait3A_94 = tpu.memref_squeeze %dma_wait3A_93 : memref<1x10240xf32, #tpu.memory_space<vmem_shared>> -> memref<10240xf32, #tpu.memory_space<vmem_shared>>
      %dma_wait3A_95 = arith.constant 0 : i32
      %dma_wait3A_96 = tpu.memref_slice %arg7[%arg1, %dma_wait3A_95] : memref<16x10240xf32, #tpu.memory_space<vmem_shared>> -> memref<1x10240xf32, #tpu.memory_space<vmem_shared>>
      %dma_wait3A_97 = tpu.memref_squeeze %dma_wait3A_96 : memref<1x10240xf32, #tpu.memory_space<vmem_shared>> -> memref<10240xf32, #tpu.memory_space<vmem_shared>>
      tpu.wait_dma2 semaphore(%run_scoped3A_87 : memref<!tpu.dma_semaphore, #tpu.memory_space<semaphore_mem>>) src(%arg5 : memref<10240xf32, #tpu.memory_space<vmem>>) dst(%dma_wait3A_97 : memref<10240xf32, #tpu.memory_space<vmem_shared>>)
      tpu.yield
    }) : () -> ()
    %barrier3A = arith.constant 0 : index
    tpu.barrier barrier_id(%barrier3A)
    %mul3A_15 = arith.constant 640 : i32
    %mul3A_16 = arith.muli %arg1, %mul3A_15 : i32
    %run_scoped3A_17 = arith.constant 0 : i32
    %run_scoped3A_18 = arith.constant 0 : i32
    "tpu.region"() ({
      %run_scoped3A_87 = tpu.sem_alloc : memref<!tpu.dma_semaphore, #tpu.memory_space<semaphore_mem>>
      %dma_start3A = arith.constant 0 : i32
      %dma_start3A_88 = tpu.memref_slice %arg6[%run_scoped3A_18, %dma_start3A] : memref<16x640xf32, #tpu.memory_space<vmem>> -> memref<1x640xf32, #tpu.memory_space<vmem>>
      %dma_start3A_89 = tpu.memref_squeeze %dma_start3A_88 : memref<1x640xf32, #tpu.memory_space<vmem>> -> memref<640xf32, #tpu.memory_space<vmem>>
      %dma_start3A_90 = tpu.memref_slice %arg7[%run_scoped3A_17, %mul3A_16] : memref<16x10240xf32, #tpu.memory_space<vmem_shared>> -> memref<1x640xf32, #tpu.memory_space<vmem_shared>>
      %dma_start3A_91 = tpu.memref_squeeze %dma_start3A_90 : memref<1x640xf32, #tpu.memory_space<vmem_shared>> -> memref<640xf32, #tpu.memory_space<vmem_shared>>
      %dma_start3A_92 = arith.constant 0 : i32
      %dma_start3A_93 = tpu.memref_slice %arg6[%run_scoped3A_18, %dma_start3A_92] : memref<16x640xf32, #tpu.memory_space<vmem>> -> memref<1x640xf32, #tpu.memory_space<vmem>>
      %dma_start3A_94 = tpu.memref_squeeze %dma_start3A_93 : memref<1x640xf32, #tpu.memory_space<vmem>> -> memref<640xf32, #tpu.memory_space<vmem>>
      %dma_start3A_95 = tpu.memref_slice %arg7[%run_scoped3A_17, %mul3A_16] : memref<16x10240xf32, #tpu.memory_space<vmem_shared>> -> memref<1x640xf32, #tpu.memory_space<vmem_shared>>
      %dma_start3A_96 = tpu.memref_squeeze %dma_start3A_95 : memref<1x640xf32, #tpu.memory_space<vmem_shared>> -> memref<640xf32, #tpu.memory_space<vmem_shared>>
      tpu.enqueue_dma source(%dma_start3A_96 : memref<640xf32, #tpu.memory_space<vmem_shared>>) target(%dma_start3A_94 : memref<640xf32, #tpu.memory_space<vmem>>) target_semaphore(%run_scoped3A_87 : memref<!tpu.dma_semaphore, #tpu.memory_space<semaphore_mem>>)
      %dma_wait3A = arith.constant 0 : i32
      %dma_wait3A_97 = tpu.memref_slice %arg6[%run_scoped3A_18, %dma_wait3A] : memref<16x640xf32, #tpu.memory_space<vmem>> -> memref<1x640xf32, #tpu.memory_space<vmem>>
      %dma_wait3A_98 = tpu.memref_squeeze %dma_wait3A_97 : memref<1x640xf32, #tpu.memory_space<vmem>> -> memref<640xf32, #tpu.memory_space<vmem>>
      %dma_wait3A_99 = tpu.memref_slice %arg7[%run_scoped3A_17, %mul3A_16] : memref<16x10240xf32, #tpu.memory_space<vmem_shared>> -> memref<1x640xf32, #tpu.memory_space<vmem_shared>>
      %dma_wait3A_100 = tpu.memref_squeeze %dma_wait3A_99 : memref<1x640xf32, #tpu.memory_space<vmem_shared>> -> memref<640xf32, #tpu.memory_space<vmem_shared>>
      %dma_wait3A_101 = arith.constant 0 : i32
      %dma_wait3A_102 = tpu.memref_slice %arg6[%run_scoped3A_18, %dma_wait3A_101] : memref<16x640xf32, #tpu.memory_space<vmem>> -> memref<1x640xf32, #tpu.memory_space<vmem>>
      %dma_wait3A_103 = tpu.memref_squeeze %dma_wait3A_102 : memref<1x640xf32, #tpu.memory_space<vmem>> -> memref<640xf32, #tpu.memory_space<vmem>>
      %dma_wait3A_104 = tpu.memref_slice %arg7[%run_scoped3A_17, %mul3A_16] : memref<16x10240xf32, #tpu.memory_space<vmem_shared>> -> memref<1x640xf32, #tpu.memory_space<vmem_shared>>
      %dma_wait3A_105 = tpu.memref_squeeze %dma_wait3A_104 : memref<1x640xf32, #tpu.memory_space<vmem_shared>> -> memref<640xf32, #tpu.memory_space<vmem_shared>>
      tpu.wait_dma2 semaphore(%run_scoped3A_87 : memref<!tpu.dma_semaphore, #tpu.memory_space<semaphore_mem>>) src(%dma_wait3A_105 : memref<640xf32, #tpu.memory_space<vmem_shared>>) dst(%dma_wait3A_103 : memref<640xf32, #tpu.memory_space<vmem>>)
      tpu.yield
    }) : () -> ()
    %mul3A_19 = arith.constant 640 : i32
    %mul3A_20 = arith.muli %arg1, %mul3A_19 : i32
    %run_scoped3A_21 = arith.constant 1 : i32
    %run_scoped3A_22 = arith.constant 1 : i32
    "tpu.region"() ({
      %run_scoped3A_87 = tpu.sem_alloc : memref<!tpu.dma_semaphore, #tpu.memory_space<semaphore_mem>>
      %dma_start3A = arith.constant 0 : i32
      %dma_start3A_88 = tpu.memref_slice %arg6[%run_scoped3A_22, %dma_start3A] : memref<16x640xf32, #tpu.memory_space<vmem>> -> memref<1x640xf32, #tpu.memory_space<vmem>>
      %dma_start3A_89 = tpu.memref_squeeze %dma_start3A_88 : memref<1x640xf32, #tpu.memory_space<vmem>> -> memref<640xf32, #tpu.memory_space<vmem>>
      %dma_start3A_90 = tpu.memref_slice %arg7[%run_scoped3A_21, %mul3A_20] : memref<16x10240xf32, #tpu.memory_space<vmem_shared>> -> memref<1x640xf32, #tpu.memory_space<vmem_shared>>
      %dma_start3A_91 = tpu.memref_squeeze %dma_start3A_90 : memref<1x640xf32, #tpu.memory_space<vmem_shared>> -> memref<640xf32, #tpu.memory_space<vmem_shared>>
      %dma_start3A_92 = arith.constant 0 : i32
      %dma_start3A_93 = tpu.memref_slice %arg6[%run_scoped3A_22, %dma_start3A_92] : memref<16x640xf32, #tpu.memory_space<vmem>> -> memref<1x640xf32, #tpu.memory_space<vmem>>
      %dma_start3A_94 = tpu.memref_squeeze %dma_start3A_93 : memref<1x640xf32, #tpu.memory_space<vmem>> -> memref<640xf32, #tpu.memory_space<vmem>>
      %dma_start3A_95 = tpu.memref_slice %arg7[%run_scoped3A_21, %mul3A_20] : memref<16x10240xf32, #tpu.memory_space<vmem_shared>> -> memref<1x640xf32, #tpu.memory_space<vmem_shared>>
      %dma_start3A_96 = tpu.memref_squeeze %dma_start3A_95 : memref<1x640xf32, #tpu.memory_space<vmem_shared>> -> memref<640xf32, #tpu.memory_space<vmem_shared>>
      tpu.enqueue_dma source(%dma_start3A_96 : memref<640xf32, #tpu.memory_space<vmem_shared>>) target(%dma_start3A_94 : memref<640xf32, #tpu.memory_space<vmem>>) target_semaphore(%run_scoped3A_87 : memref<!tpu.dma_semaphore, #tpu.memory_space<semaphore_mem>>)
      %dma_wait3A = arith.constant 0 : i32
      %dma_wait3A_97 = tpu.memref_slice %arg6[%run_scoped3A_22, %dma_wait3A] : memref<16x640xf32, #tpu.memory_space<vmem>> -> memref<1x640xf32, #tpu.memory_space<vmem>>
      %dma_wait3A_98 = tpu.memref_squeeze %dma_wait3A_97 : memref<1x640xf32, #tpu.memory_space<vmem>> -> memref<640xf32, #tpu.memory_space<vmem>>
      %dma_wait3A_99 = tpu.memref_slice %arg7[%run_scoped3A_21, %mul3A_20] : memref<16x10240xf32, #tpu.memory_space<vmem_shared>> -> memref<1x640xf32, #tpu.memory_space<vmem_shared>>
      %dma_wait3A_100 = tpu.memref_squeeze %dma_wait3A_99 : memref<1x640xf32, #tpu.memory_space<vmem_shared>> -> memref<640xf32, #tpu.memory_space<vmem_shared>>
      %dma_wait3A_101 = arith.constant 0 : i32
      %dma_wait3A_102 = tpu.memref_slice %arg6[%run_scoped3A_22, %dma_wait3A_101] : memref<16x640xf32, #tpu.memory_space<vmem>> -> memref<1x640xf32, #tpu.memory_space<vmem>>
      %dma_wait3A_103 = tpu.memref_squeeze %dma_wait3A_102 : memref<1x640xf32, #tpu.memory_space<vmem>> -> memref<640xf32, #tpu.memory_space<vmem>>
      %dma_wait3A_104 = tpu.memref_slice %arg7[%run_scoped3A_21, %mul3A_20] : memref<16x10240xf32, #tpu.memory_space<vmem_shared>> -> memref<1x640xf32, #tpu.memory_space<vmem_shared>>
      %dma_wait3A_105 = tpu.memref_squeeze %dma_wait3A_104 : memref<1x640xf32, #tpu.memory_space<vmem_shared>> -> memref<640xf32, #tpu.memory_space<vmem_shared>>
      tpu.wait_dma2 semaphore(%run_scoped3A_87 : memref<!tpu.dma_semaphore, #tpu.memory_space<semaphore_mem>>) src(%dma_wait3A_105 : memref<640xf32, #tpu.memory_space<vmem_shared>>) dst(%dma_wait3A_103 : memref<640xf32, #tpu.memory_space<vmem>>)
      tpu.yield
    }) : () -> ()
    %mul3A_23 = arith.constant 640 : i32
    %mul3A_24 = arith.muli %arg1, %mul3A_23 : i32
    %run_scoped3A_25 = arith.constant 2 : i32
    %run_scoped3A_26 = arith.constant 2 : i32
    "tpu.region"() ({
      %run_scoped3A_87 = tpu.sem_alloc : memref<!tpu.dma_semaphore, #tpu.memory_space<semaphore_mem>>
      %dma_start3A = arith.constant 0 : i32
      %dma_start3A_88 = tpu.memref_slice %arg6[%run_scoped3A_26, %dma_start3A] : memref<16x640xf32, #tpu.memory_space<vmem>> -> memref<1x640xf32, #tpu.memory_space<vmem>>
      %dma_start3A_89 = tpu.memref_squeeze %dma_start3A_88 : memref<1x640xf32, #tpu.memory_space<vmem>> -> memref<640xf32, #tpu.memory_space<vmem>>
      %dma_start3A_90 = tpu.memref_slice %arg7[%run_scoped3A_25, %mul3A_24] : memref<16x10240xf32, #tpu.memory_space<vmem_shared>> -> memref<1x640xf32, #tpu.memory_space<vmem_shared>>
      %dma_start3A_91 = tpu.memref_squeeze %dma_start3A_90 : memref<1x640xf32, #tpu.memory_space<vmem_shared>> -> memref<640xf32, #tpu.memory_space<vmem_shared>>
      %dma_start3A_92 = arith.constant 0 : i32
      %dma_start3A_93 = tpu.memref_slice %arg6[%run_scoped3A_26, %dma_start3A_92] : memref<16x640xf32, #tpu.memory_space<vmem>> -> memref<1x640xf32, #tpu.memory_space<vmem>>
      %dma_start3A_94 = tpu.memref_squeeze %dma_start3A_93 : memref<1x640xf32, #tpu.memory_space<vmem>> -> memref<640xf32, #tpu.memory_space<vmem>>
      %dma_start3A_95 = tpu.memref_slice %arg7[%run_scoped3A_25, %mul3A_24] : memref<16x10240xf32, #tpu.memory_space<vmem_shared>> -> memref<1x640xf32, #tpu.memory_space<vmem_shared>>
      %dma_start3A_96 = tpu.memref_squeeze %dma_start3A_95 : memref<1x640xf32, #tpu.memory_space<vmem_shared>> -> memref<640xf32, #tpu.memory_space<vmem_shared>>
      tpu.enqueue_dma source(%dma_start3A_96 : memref<640xf32, #tpu.memory_space<vmem_shared>>) target(%dma_start3A_94 : memref<640xf32, #tpu.memory_space<vmem>>) target_semaphore(%run_scoped3A_87 : memref<!tpu.dma_semaphore, #tpu.memory_space<semaphore_mem>>)
      %dma_wait3A = arith.constant 0 : i32
      %dma_wait3A_97 = tpu.memref_slice %arg6[%run_scoped3A_26, %dma_wait3A] : memref<16x640xf32, #tpu.memory_space<vmem>> -> memref<1x640xf32, #tpu.memory_space<vmem>>
      %dma_wait3A_98 = tpu.memref_squeeze %dma_wait3A_97 : memref<1x640xf32, #tpu.memory_space<vmem>> -> memref<640xf32, #tpu.memory_space<vmem>>
      %dma_wait3A_99 = tpu.memref_slice %arg7[%run_scoped3A_25, %mul3A_24] : memref<16x10240xf32, #tpu.memory_space<vmem_shared>> -> memref<1x640xf32, #tpu.memory_space<vmem_shared>>
      %dma_wait3A_100 = tpu.memref_squeeze %dma_wait3A_99 : memref<1x640xf32, #tpu.memory_space<vmem_shared>> -> memref<640xf32, #tpu.memory_space<vmem_shared>>
      %dma_wait3A_101 = arith.constant 0 : i32
      %dma_wait3A_102 = tpu.memref_slice %arg6[%run_scoped3A_26, %dma_wait3A_101] : memref<16x640xf32, #tpu.memory_space<vmem>> -> memref<1x640xf32, #tpu.memory_space<vmem>>
      %dma_wait3A_103 = tpu.memref_squeeze %dma_wait3A_102 : memref<1x640xf32, #tpu.memory_space<vmem>> -> memref<640xf32, #tpu.memory_space<vmem>>
      %dma_wait3A_104 = tpu.memref_slice %arg7[%run_scoped3A_25, %mul3A_24] : memref<16x10240xf32, #tpu.memory_space<vmem_shared>> -> memref<1x640xf32, #tpu.memory_space<vmem_shared>>
      %dma_wait3A_105 = tpu.memref_squeeze %dma_wait3A_104 : memref<1x640xf32, #tpu.memory_space<vmem_shared>> -> memref<640xf32, #tpu.memory_space<vmem_shared>>
      tpu.wait_dma2 semaphore(%run_scoped3A_87 : memref<!tpu.dma_semaphore, #tpu.memory_space<semaphore_mem>>) src(%dma_wait3A_105 : memref<640xf32, #tpu.memory_space<vmem_shared>>) dst(%dma_wait3A_103 : memref<640xf32, #tpu.memory_space<vmem>>)
      tpu.yield
    }) : () -> ()
    %mul3A_27 = arith.constant 640 : i32
    %mul3A_28 = arith.muli %arg1, %mul3A_27 : i32
    %run_scoped3A_29 = arith.constant 3 : i32
    %run_scoped3A_30 = arith.constant 3 : i32
    "tpu.region"() ({
      %run_scoped3A_87 = tpu.sem_alloc : memref<!tpu.dma_semaphore, #tpu.memory_space<semaphore_mem>>
      %dma_start3A = arith.constant 0 : i32
      %dma_start3A_88 = tpu.memref_slice %arg6[%run_scoped3A_30, %dma_start3A] : memref<16x640xf32, #tpu.memory_space<vmem>> -> memref<1x640xf32, #tpu.memory_space<vmem>>
      %dma_start3A_89 = tpu.memref_squeeze %dma_start3A_88 : memref<1x640xf32, #tpu.memory_space<vmem>> -> memref<640xf32, #tpu.memory_space<vmem>>
      %dma_start3A_90 = tpu.memref_slice %arg7[%run_scoped3A_29, %mul3A_28] : memref<16x10240xf32, #tpu.memory_space<vmem_shared>> -> memref<1x640xf32, #tpu.memory_space<vmem_shared>>
      %dma_start3A_91 = tpu.memref_squeeze %dma_start3A_90 : memref<1x640xf32, #tpu.memory_space<vmem_shared>> -> memref<640xf32, #tpu.memory_space<vmem_shared>>
      %dma_start3A_92 = arith.constant 0 : i32
      %dma_start3A_93 = tpu.memref_slice %arg6[%run_scoped3A_30, %dma_start3A_92] : memref<16x640xf32, #tpu.memory_space<vmem>> -> memref<1x640xf32, #tpu.memory_space<vmem>>
      %dma_start3A_94 = tpu.memref_squeeze %dma_start3A_93 : memref<1x640xf32, #tpu.memory_space<vmem>> -> memref<640xf32, #tpu.memory_space<vmem>>
      %dma_start3A_95 = tpu.memref_slice %arg7[%run_scoped3A_29, %mul3A_28] : memref<16x10240xf32, #tpu.memory_space<vmem_shared>> -> memref<1x640xf32, #tpu.memory_space<vmem_shared>>
      %dma_start3A_96 = tpu.memref_squeeze %dma_start3A_95 : memref<1x640xf32, #tpu.memory_space<vmem_shared>> -> memref<640xf32, #tpu.memory_space<vmem_shared>>
      tpu.enqueue_dma source(%dma_start3A_96 : memref<640xf32, #tpu.memory_space<vmem_shared>>) target(%dma_start3A_94 : memref<640xf32, #tpu.memory_space<vmem>>) target_semaphore(%run_scoped3A_87 : memref<!tpu.dma_semaphore, #tpu.memory_space<semaphore_mem>>)
      %dma_wait3A = arith.constant 0 : i32
      %dma_wait3A_97 = tpu.memref_slice %arg6[%run_scoped3A_30, %dma_wait3A] : memref<16x640xf32, #tpu.memory_space<vmem>> -> memref<1x640xf32, #tpu.memory_space<vmem>>
      %dma_wait3A_98 = tpu.memref_squeeze %dma_wait3A_97 : memref<1x640xf32, #tpu.memory_space<vmem>> -> memref<640xf32, #tpu.memory_space<vmem>>
      %dma_wait3A_99 = tpu.memref_slice %arg7[%run_scoped3A_29, %mul3A_28] : memref<16x10240xf32, #tpu.memory_space<vmem_shared>> -> memref<1x640xf32, #tpu.memory_space<vmem_shared>>
      %dma_wait3A_100 = tpu.memref_squeeze %dma_wait3A_99 : memref<1x640xf32, #tpu.memory_space<vmem_shared>> -> memref<640xf32, #tpu.memory_space<vmem_shared>>
      %dma_wait3A_101 = arith.constant 0 : i32
      %dma_wait3A_102 = tpu.memref_slice %arg6[%run_scoped3A_30, %dma_wait3A_101] : memref<16x640xf32, #tpu.memory_space<vmem>> -> memref<1x640xf32, #tpu.memory_space<vmem>>
      %dma_wait3A_103 = tpu.memref_squeeze %dma_wait3A_102 : memref<1x640xf32, #tpu.memory_space<vmem>> -> memref<640xf32, #tpu.memory_space<vmem>>
      %dma_wait3A_104 = tpu.memref_slice %arg7[%run_scoped3A_29, %mul3A_28] : memref<16x10240xf32, #tpu.memory_space<vmem_shared>> -> memref<1x640xf32, #tpu.memory_space<vmem_shared>>
      %dma_wait3A_105 = tpu.memref_squeeze %dma_wait3A_104 : memref<1x640xf32, #tpu.memory_space<vmem_shared>> -> memref<640xf32, #tpu.memory_space<vmem_shared>>
      tpu.wait_dma2 semaphore(%run_scoped3A_87 : memref<!tpu.dma_semaphore, #tpu.memory_space<semaphore_mem>>) src(%dma_wait3A_105 : memref<640xf32, #tpu.memory_space<vmem_shared>>) dst(%dma_wait3A_103 : memref<640xf32, #tpu.memory_space<vmem>>)
      tpu.yield
    }) : () -> ()
    %mul3A_31 = arith.constant 640 : i32
    %mul3A_32 = arith.muli %arg1, %mul3A_31 : i32
    %run_scoped3A_33 = arith.constant 4 : i32
    %run_scoped3A_34 = arith.constant 4 : i32
    "tpu.region"() ({
      %run_scoped3A_87 = tpu.sem_alloc : memref<!tpu.dma_semaphore, #tpu.memory_space<semaphore_mem>>
      %dma_start3A = arith.constant 0 : i32
      %dma_start3A_88 = tpu.memref_slice %arg6[%run_scoped3A_34, %dma_start3A] : memref<16x640xf32, #tpu.memory_space<vmem>> -> memref<1x640xf32, #tpu.memory_space<vmem>>
      %dma_start3A_89 = tpu.memref_squeeze %dma_start3A_88 : memref<1x640xf32, #tpu.memory_space<vmem>> -> memref<640xf32, #tpu.memory_space<vmem>>
      %dma_start3A_90 = tpu.memref_slice %arg7[%run_scoped3A_33, %mul3A_32] : memref<16x10240xf32, #tpu.memory_space<vmem_shared>> -> memref<1x640xf32, #tpu.memory_space<vmem_shared>>
      %dma_start3A_91 = tpu.memref_squeeze %dma_start3A_90 : memref<1x640xf32, #tpu.memory_space<vmem_shared>> -> memref<640xf32, #tpu.memory_space<vmem_shared>>
      %dma_start3A_92 = arith.constant 0 : i32
      %dma_start3A_93 = tpu.memref_slice %arg6[%run_scoped3A_34, %dma_start3A_92] : memref<16x640xf32, #tpu.memory_space<vmem>> -> memref<1x640xf32, #tpu.memory_space<vmem>>
      %dma_start3A_94 = tpu.memref_squeeze %dma_start3A_93 : memref<1x640xf32, #tpu.memory_space<vmem>> -> memref<640xf32, #tpu.memory_space<vmem>>
      %dma_start3A_95 = tpu.memref_slice %arg7[%run_scoped3A_33, %mul3A_32] : memref<16x10240xf32, #tpu.memory_space<vmem_shared>> -> memref<1x640xf32, #tpu.memory_space<vmem_shared>>
      %dma_start3A_96 = tpu.memref_squeeze %dma_start3A_95 : memref<1x640xf32, #tpu.memory_space<vmem_shared>> -> memref<640xf32, #tpu.memory_space<vmem_shared>>
      tpu.enqueue_dma source(%dma_start3A_96 : memref<640xf32, #tpu.memory_space<vmem_shared>>) target(%dma_start3A_94 : memref<640xf32, #tpu.memory_space<vmem>>) target_semaphore(%run_scoped3A_87 : memref<!tpu.dma_semaphore, #tpu.memory_space<semaphore_mem>>)
      %dma_wait3A = arith.constant 0 : i32
      %dma_wait3A_97 = tpu.memref_slice %arg6[%run_scoped3A_34, %dma_wait3A] : memref<16x640xf32, #tpu.memory_space<vmem>> -> memref<1x640xf32, #tpu.memory_space<vmem>>
      %dma_wait3A_98 = tpu.memref_squeeze %dma_wait3A_97 : memref<1x640xf32, #tpu.memory_space<vmem>> -> memref<640xf32, #tpu.memory_space<vmem>>
      %dma_wait3A_99 = tpu.memref_slice %arg7[%run_scoped3A_33, %mul3A_32] : memref<16x10240xf32, #tpu.memory_space<vmem_shared>> -> memref<1x640xf32, #tpu.memory_space<vmem_shared>>
      %dma_wait3A_100 = tpu.memref_squeeze %dma_wait3A_99 : memref<1x640xf32, #tpu.memory_space<vmem_shared>> -> memref<640xf32, #tpu.memory_space<vmem_shared>>
      %dma_wait3A_101 = arith.constant 0 : i32
      %dma_wait3A_102 = tpu.memref_slice %arg6[%run_scoped3A_34, %dma_wait3A_101] : memref<16x640xf32, #tpu.memory_space<vmem>> -> memref<1x640xf32, #tpu.memory_space<vmem>>
      %dma_wait3A_103 = tpu.memref_squeeze %dma_wait3A_102 : memref<1x640xf32, #tpu.memory_space<vmem>> -> memref<640xf32, #tpu.memory_space<vmem>>
      %dma_wait3A_104 = tpu.memref_slice %arg7[%run_scoped3A_33, %mul3A_32] : memref<16x10240xf32, #tpu.memory_space<vmem_shared>> -> memref<1x640xf32, #tpu.memory_space<vmem_shared>>
      %dma_wait3A_105 = tpu.memref_squeeze %dma_wait3A_104 : memref<1x640xf32, #tpu.memory_space<vmem_shared>> -> memref<640xf32, #tpu.memory_space<vmem_shared>>
      tpu.wait_dma2 semaphore(%run_scoped3A_87 : memref<!tpu.dma_semaphore, #tpu.memory_space<semaphore_mem>>) src(%dma_wait3A_105 : memref<640xf32, #tpu.memory_space<vmem_shared>>) dst(%dma_wait3A_103 : memref<640xf32, #tpu.memory_space<vmem>>)
      tpu.yield
    }) : () -> ()
    %mul3A_35 = arith.constant 640 : i32
    %mul3A_36 = arith.muli %arg1, %mul3A_35 : i32
    %run_scoped3A_37 = arith.constant 5 : i32
    %run_scoped3A_38 = arith.constant 5 : i32
    "tpu.region"() ({
      %run_scoped3A_87 = tpu.sem_alloc : memref<!tpu.dma_semaphore, #tpu.memory_space<semaphore_mem>>
      %dma_start3A = arith.constant 0 : i32
      %dma_start3A_88 = tpu.memref_slice %arg6[%run_scoped3A_38, %dma_start3A] : memref<16x640xf32, #tpu.memory_space<vmem>> -> memref<1x640xf32, #tpu.memory_space<vmem>>
      %dma_start3A_89 = tpu.memref_squeeze %dma_start3A_88 : memref<1x640xf32, #tpu.memory_space<vmem>> -> memref<640xf32, #tpu.memory_space<vmem>>
      %dma_start3A_90 = tpu.memref_slice %arg7[%run_scoped3A_37, %mul3A_36] : memref<16x10240xf32, #tpu.memory_space<vmem_shared>> -> memref<1x640xf32, #tpu.memory_space<vmem_shared>>
      %dma_start3A_91 = tpu.memref_squeeze %dma_start3A_90 : memref<1x640xf32, #tpu.memory_space<vmem_shared>> -> memref<640xf32, #tpu.memory_space<vmem_shared>>
      %dma_start3A_92 = arith.constant 0 : i32
      %dma_start3A_93 = tpu.memref_slice %arg6[%run_scoped3A_38, %dma_start3A_92] : memref<16x640xf32, #tpu.memory_space<vmem>> -> memref<1x640xf32, #tpu.memory_space<vmem>>
      %dma_start3A_94 = tpu.memref_squeeze %dma_start3A_93 : memref<1x640xf32, #tpu.memory_space<vmem>> -> memref<640xf32, #tpu.memory_space<vmem>>
      %dma_start3A_95 = tpu.memref_slice %arg7[%run_scoped3A_37, %mul3A_36] : memref<16x10240xf32, #tpu.memory_space<vmem_shared>> -> memref<1x640xf32, #tpu.memory_space<vmem_shared>>
      %dma_start3A_96 = tpu.memref_squeeze %dma_start3A_95 : memref<1x640xf32, #tpu.memory_space<vmem_shared>> -> memref<640xf32, #tpu.memory_space<vmem_shared>>
      tpu.enqueue_dma source(%dma_start3A_96 : memref<640xf32, #tpu.memory_space<vmem_shared>>) target(%dma_start3A_94 : memref<640xf32, #tpu.memory_space<vmem>>) target_semaphore(%run_scoped3A_87 : memref<!tpu.dma_semaphore, #tpu.memory_space<semaphore_mem>>)
      %dma_wait3A = arith.constant 0 : i32
      %dma_wait3A_97 = tpu.memref_slice %arg6[%run_scoped3A_38, %dma_wait3A] : memref<16x640xf32, #tpu.memory_space<vmem>> -> memref<1x640xf32, #tpu.memory_space<vmem>>
      %dma_wait3A_98 = tpu.memref_squeeze %dma_wait3A_97 : memref<1x640xf32, #tpu.memory_space<vmem>> -> memref<640xf32, #tpu.memory_space<vmem>>
      %dma_wait3A_99 = tpu.memref_slice %arg7[%run_scoped3A_37, %mul3A_36] : memref<16x10240xf32, #tpu.memory_space<vmem_shared>> -> memref<1x640xf32, #tpu.memory_space<vmem_shared>>
      %dma_wait3A_100 = tpu.memref_squeeze %dma_wait3A_99 : memref<1x640xf32, #tpu.memory_space<vmem_shared>> -> memref<640xf32, #tpu.memory_space<vmem_shared>>
      %dma_wait3A_101 = arith.constant 0 : i32
      %dma_wait3A_102 = tpu.memref_slice %arg6[%run_scoped3A_38, %dma_wait3A_101] : memref<16x640xf32, #tpu.memory_space<vmem>> -> memref<1x640xf32, #tpu.memory_space<vmem>>
      %dma_wait3A_103 = tpu.memref_squeeze %dma_wait3A_102 : memref<1x640xf32, #tpu.memory_space<vmem>> -> memref<640xf32, #tpu.memory_space<vmem>>
      %dma_wait3A_104 = tpu.memref_slice %arg7[%run_scoped3A_37, %mul3A_36] : memref<16x10240xf32, #tpu.memory_space<vmem_shared>> -> memref<1x640xf32, #tpu.memory_space<vmem_shared>>
      %dma_wait3A_105 = tpu.memref_squeeze %dma_wait3A_104 : memref<1x640xf32, #tpu.memory_space<vmem_shared>> -> memref<640xf32, #tpu.memory_space<vmem_shared>>
      tpu.wait_dma2 semaphore(%run_scoped3A_87 : memref<!tpu.dma_semaphore, #tpu.memory_space<semaphore_mem>>) src(%dma_wait3A_105 : memref<640xf32, #tpu.memory_space<vmem_shared>>) dst(%dma_wait3A_103 : memref<640xf32, #tpu.memory_space<vmem>>)
      tpu.yield
    }) : () -> ()
    %mul3A_39 = arith.constant 640 : i32
    %mul3A_40 = arith.muli %arg1, %mul3A_39 : i32
    %run_scoped3A_41 = arith.constant 6 : i32
    %run_scoped3A_42 = arith.constant 6 : i32
    "tpu.region"() ({
      %run_scoped3A_87 = tpu.sem_alloc : memref<!tpu.dma_semaphore, #tpu.memory_space<semaphore_mem>>
      %dma_start3A = arith.constant 0 : i32
      %dma_start3A_88 = tpu.memref_slice %arg6[%run_scoped3A_42, %dma_start3A] : memref<16x640xf32, #tpu.memory_space<vmem>> -> memref<1x640xf32, #tpu.memory_space<vmem>>
      %dma_start3A_89 = tpu.memref_squeeze %dma_start3A_88 : memref<1x640xf32, #tpu.memory_space<vmem>> -> memref<640xf32, #tpu.memory_space<vmem>>
      %dma_start3A_90 = tpu.memref_slice %arg7[%run_scoped3A_41, %mul3A_40] : memref<16x10240xf32, #tpu.memory_space<vmem_shared>> -> memref<1x640xf32, #tpu.memory_space<vmem_shared>>
      %dma_start3A_91 = tpu.memref_squeeze %dma_start3A_90 : memref<1x640xf32, #tpu.memory_space<vmem_shared>> -> memref<640xf32, #tpu.memory_space<vmem_shared>>
      %dma_start3A_92 = arith.constant 0 : i32
      %dma_start3A_93 = tpu.memref_slice %arg6[%run_scoped3A_42, %dma_start3A_92] : memref<16x640xf32, #tpu.memory_space<vmem>> -> memref<1x640xf32, #tpu.memory_space<vmem>>
      %dma_start3A_94 = tpu.memref_squeeze %dma_start3A_93 : memref<1x640xf32, #tpu.memory_space<vmem>> -> memref<640xf32, #tpu.memory_space<vmem>>
      %dma_start3A_95 = tpu.memref_slice %arg7[%run_scoped3A_41, %mul3A_40] : memref<16x10240xf32, #tpu.memory_space<vmem_shared>> -> memref<1x640xf32, #tpu.memory_space<vmem_shared>>
      %dma_start3A_96 = tpu.memref_squeeze %dma_start3A_95 : memref<1x640xf32, #tpu.memory_space<vmem_shared>> -> memref<640xf32, #tpu.memory_space<vmem_shared>>
      tpu.enqueue_dma source(%dma_start3A_96 : memref<640xf32, #tpu.memory_space<vmem_shared>>) target(%dma_start3A_94 : memref<640xf32, #tpu.memory_space<vmem>>) target_semaphore(%run_scoped3A_87 : memref<!tpu.dma_semaphore, #tpu.memory_space<semaphore_mem>>)
      %dma_wait3A = arith.constant 0 : i32
      %dma_wait3A_97 = tpu.memref_slice %arg6[%run_scoped3A_42, %dma_wait3A] : memref<16x640xf32, #tpu.memory_space<vmem>> -> memref<1x640xf32, #tpu.memory_space<vmem>>
      %dma_wait3A_98 = tpu.memref_squeeze %dma_wait3A_97 : memref<1x640xf32, #tpu.memory_space<vmem>> -> memref<640xf32, #tpu.memory_space<vmem>>
      %dma_wait3A_99 = tpu.memref_slice %arg7[%run_scoped3A_41, %mul3A_40] : memref<16x10240xf32, #tpu.memory_space<vmem_shared>> -> memref<1x640xf32, #tpu.memory_space<vmem_shared>>
      %dma_wait3A_100 = tpu.memref_squeeze %dma_wait3A_99 : memref<1x640xf32, #tpu.memory_space<vmem_shared>> -> memref<640xf32, #tpu.memory_space<vmem_shared>>
      %dma_wait3A_101 = arith.constant 0 : i32
      %dma_wait3A_102 = tpu.memref_slice %arg6[%run_scoped3A_42, %dma_wait3A_101] : memref<16x640xf32, #tpu.memory_space<vmem>> -> memref<1x640xf32, #tpu.memory_space<vmem>>
      %dma_wait3A_103 = tpu.memref_squeeze %dma_wait3A_102 : memref<1x640xf32, #tpu.memory_space<vmem>> -> memref<640xf32, #tpu.memory_space<vmem>>
      %dma_wait3A_104 = tpu.memref_slice %arg7[%run_scoped3A_41, %mul3A_40] : memref<16x10240xf32, #tpu.memory_space<vmem_shared>> -> memref<1x640xf32, #tpu.memory_space<vmem_shared>>
      %dma_wait3A_105 = tpu.memref_squeeze %dma_wait3A_104 : memref<1x640xf32, #tpu.memory_space<vmem_shared>> -> memref<640xf32, #tpu.memory_space<vmem_shared>>
      tpu.wait_dma2 semaphore(%run_scoped3A_87 : memref<!tpu.dma_semaphore, #tpu.memory_space<semaphore_mem>>) src(%dma_wait3A_105 : memref<640xf32, #tpu.memory_space<vmem_shared>>) dst(%dma_wait3A_103 : memref<640xf32, #tpu.memory_space<vmem>>)
      tpu.yield
    }) : () -> ()
    %mul3A_43 = arith.constant 640 : i32
    %mul3A_44 = arith.muli %arg1, %mul3A_43 : i32
    %run_scoped3A_45 = arith.constant 7 : i32
    %run_scoped3A_46 = arith.constant 7 : i32
    "tpu.region"() ({
      %run_scoped3A_87 = tpu.sem_alloc : memref<!tpu.dma_semaphore, #tpu.memory_space<semaphore_mem>>
      %dma_start3A = arith.constant 0 : i32
      %dma_start3A_88 = tpu.memref_slice %arg6[%run_scoped3A_46, %dma_start3A] : memref<16x640xf32, #tpu.memory_space<vmem>> -> memref<1x640xf32, #tpu.memory_space<vmem>>
      %dma_start3A_89 = tpu.memref_squeeze %dma_start3A_88 : memref<1x640xf32, #tpu.memory_space<vmem>> -> memref<640xf32, #tpu.memory_space<vmem>>
      %dma_start3A_90 = tpu.memref_slice %arg7[%run_scoped3A_45, %mul3A_44] : memref<16x10240xf32, #tpu.memory_space<vmem_shared>> -> memref<1x640xf32, #tpu.memory_space<vmem_shared>>
      %dma_start3A_91 = tpu.memref_squeeze %dma_start3A_90 : memref<1x640xf32, #tpu.memory_space<vmem_shared>> -> memref<640xf32, #tpu.memory_space<vmem_shared>>
      %dma_start3A_92 = arith.constant 0 : i32
      %dma_start3A_93 = tpu.memref_slice %arg6[%run_scoped3A_46, %dma_start3A_92] : memref<16x640xf32, #tpu.memory_space<vmem>> -> memref<1x640xf32, #tpu.memory_space<vmem>>
      %dma_start3A_94 = tpu.memref_squeeze %dma_start3A_93 : memref<1x640xf32, #tpu.memory_space<vmem>> -> memref<640xf32, #tpu.memory_space<vmem>>
      %dma_start3A_95 = tpu.memref_slice %arg7[%run_scoped3A_45, %mul3A_44] : memref<16x10240xf32, #tpu.memory_space<vmem_shared>> -> memref<1x640xf32, #tpu.memory_space<vmem_shared>>
      %dma_start3A_96 = tpu.memref_squeeze %dma_start3A_95 : memref<1x640xf32, #tpu.memory_space<vmem_shared>> -> memref<640xf32, #tpu.memory_space<vmem_shared>>
      tpu.enqueue_dma source(%dma_start3A_96 : memref<640xf32, #tpu.memory_space<vmem_shared>>) target(%dma_start3A_94 : memref<640xf32, #tpu.memory_space<vmem>>) target_semaphore(%run_scoped3A_87 : memref<!tpu.dma_semaphore, #tpu.memory_space<semaphore_mem>>)
      %dma_wait3A = arith.constant 0 : i32
      %dma_wait3A_97 = tpu.memref_slice %arg6[%run_scoped3A_46, %dma_wait3A] : memref<16x640xf32, #tpu.memory_space<vmem>> -> memref<1x640xf32, #tpu.memory_space<vmem>>
      %dma_wait3A_98 = tpu.memref_squeeze %dma_wait3A_97 : memref<1x640xf32, #tpu.memory_space<vmem>> -> memref<640xf32, #tpu.memory_space<vmem>>
      %dma_wait3A_99 = tpu.memref_slice %arg7[%run_scoped3A_45, %mul3A_44] : memref<16x10240xf32, #tpu.memory_space<vmem_shared>> -> memref<1x640xf32, #tpu.memory_space<vmem_shared>>
      %dma_wait3A_100 = tpu.memref_squeeze %dma_wait3A_99 : memref<1x640xf32, #tpu.memory_space<vmem_shared>> -> memref<640xf32, #tpu.memory_space<vmem_shared>>
      %dma_wait3A_101 = arith.constant 0 : i32
      %dma_wait3A_102 = tpu.memref_slice %arg6[%run_scoped3A_46, %dma_wait3A_101] : memref<16x640xf32, #tpu.memory_space<vmem>> -> memref<1x640xf32, #tpu.memory_space<vmem>>
      %dma_wait3A_103 = tpu.memref_squeeze %dma_wait3A_102 : memref<1x640xf32, #tpu.memory_space<vmem>> -> memref<640xf32, #tpu.memory_space<vmem>>
      %dma_wait3A_104 = tpu.memref_slice %arg7[%run_scoped3A_45, %mul3A_44] : memref<16x10240xf32, #tpu.memory_space<vmem_shared>> -> memref<1x640xf32, #tpu.memory_space<vmem_shared>>
      %dma_wait3A_105 = tpu.memref_squeeze %dma_wait3A_104 : memref<1x640xf32, #tpu.memory_space<vmem_shared>> -> memref<640xf32, #tpu.memory_space<vmem_shared>>
      tpu.wait_dma2 semaphore(%run_scoped3A_87 : memref<!tpu.dma_semaphore, #tpu.memory_space<semaphore_mem>>) src(%dma_wait3A_105 : memref<640xf32, #tpu.memory_space<vmem_shared>>) dst(%dma_wait3A_103 : memref<640xf32, #tpu.memory_space<vmem>>)
      tpu.yield
    }) : () -> ()
    %mul3A_47 = arith.constant 640 : i32
    %mul3A_48 = arith.muli %arg1, %mul3A_47 : i32
    %run_scoped3A_49 = arith.constant 8 : i32
    %run_scoped3A_50 = arith.constant 8 : i32
    "tpu.region"() ({
      %run_scoped3A_87 = tpu.sem_alloc : memref<!tpu.dma_semaphore, #tpu.memory_space<semaphore_mem>>
      %dma_start3A = arith.constant 0 : i32
      %dma_start3A_88 = tpu.memref_slice %arg6[%run_scoped3A_50, %dma_start3A] : memref<16x640xf32, #tpu.memory_space<vmem>> -> memref<1x640xf32, #tpu.memory_space<vmem>>
      %dma_start3A_89 = tpu.memref_squeeze %dma_start3A_88 : memref<1x640xf32, #tpu.memory_space<vmem>> -> memref<640xf32, #tpu.memory_space<vmem>>
      %dma_start3A_90 = tpu.memref_slice %arg7[%run_scoped3A_49, %mul3A_48] : memref<16x10240xf32, #tpu.memory_space<vmem_shared>> -> memref<1x640xf32, #tpu.memory_space<vmem_shared>>
      %dma_start3A_91 = tpu.memref_squeeze %dma_start3A_90 : memref<1x640xf32, #tpu.memory_space<vmem_shared>> -> memref<640xf32, #tpu.memory_space<vmem_shared>>
      %dma_start3A_92 = arith.constant 0 : i32
      %dma_start3A_93 = tpu.memref_slice %arg6[%run_scoped3A_50, %dma_start3A_92] : memref<16x640xf32, #tpu.memory_space<vmem>> -> memref<1x640xf32, #tpu.memory_space<vmem>>
      %dma_start3A_94 = tpu.memref_squeeze %dma_start3A_93 : memref<1x640xf32, #tpu.memory_space<vmem>> -> memref<640xf32, #tpu.memory_space<vmem>>
      %dma_start3A_95 = tpu.memref_slice %arg7[%run_scoped3A_49, %mul3A_48] : memref<16x10240xf32, #tpu.memory_space<vmem_shared>> -> memref<1x640xf32, #tpu.memory_space<vmem_shared>>
      %dma_start3A_96 = tpu.memref_squeeze %dma_start3A_95 : memref<1x640xf32, #tpu.memory_space<vmem_shared>> -> memref<640xf32, #tpu.memory_space<vmem_shared>>
      tpu.enqueue_dma source(%dma_start3A_96 : memref<640xf32, #tpu.memory_space<vmem_shared>>) target(%dma_start3A_94 : memref<640xf32, #tpu.memory_space<vmem>>) target_semaphore(%run_scoped3A_87 : memref<!tpu.dma_semaphore, #tpu.memory_space<semaphore_mem>>)
      %dma_wait3A = arith.constant 0 : i32
      %dma_wait3A_97 = tpu.memref_slice %arg6[%run_scoped3A_50, %dma_wait3A] : memref<16x640xf32, #tpu.memory_space<vmem>> -> memref<1x640xf32, #tpu.memory_space<vmem>>
      %dma_wait3A_98 = tpu.memref_squeeze %dma_wait3A_97 : memref<1x640xf32, #tpu.memory_space<vmem>> -> memref<640xf32, #tpu.memory_space<vmem>>
      %dma_wait3A_99 = tpu.memref_slice %arg7[%run_scoped3A_49, %mul3A_48] : memref<16x10240xf32, #tpu.memory_space<vmem_shared>> -> memref<1x640xf32, #tpu.memory_space<vmem_shared>>
      %dma_wait3A_100 = tpu.memref_squeeze %dma_wait3A_99 : memref<1x640xf32, #tpu.memory_space<vmem_shared>> -> memref<640xf32, #tpu.memory_space<vmem_shared>>
      %dma_wait3A_101 = arith.constant 0 : i32
      %dma_wait3A_102 = tpu.memref_slice %arg6[%run_scoped3A_50, %dma_wait3A_101] : memref<16x640xf32, #tpu.memory_space<vmem>> -> memref<1x640xf32, #tpu.memory_space<vmem>>
      %dma_wait3A_103 = tpu.memref_squeeze %dma_wait3A_102 : memref<1x640xf32, #tpu.memory_space<vmem>> -> memref<640xf32, #tpu.memory_space<vmem>>
      %dma_wait3A_104 = tpu.memref_slice %arg7[%run_scoped3A_49, %mul3A_48] : memref<16x10240xf32, #tpu.memory_space<vmem_shared>> -> memref<1x640xf32, #tpu.memory_space<vmem_shared>>
      %dma_wait3A_105 = tpu.memref_squeeze %dma_wait3A_104 : memref<1x640xf32, #tpu.memory_space<vmem_shared>> -> memref<640xf32, #tpu.memory_space<vmem_shared>>
      tpu.wait_dma2 semaphore(%run_scoped3A_87 : memref<!tpu.dma_semaphore, #tpu.memory_space<semaphore_mem>>) src(%dma_wait3A_105 : memref<640xf32, #tpu.memory_space<vmem_shared>>) dst(%dma_wait3A_103 : memref<640xf32, #tpu.memory_space<vmem>>)
      tpu.yield
    }) : () -> ()
    %mul3A_51 = arith.constant 640 : i32
    %mul3A_52 = arith.muli %arg1, %mul3A_51 : i32
    %run_scoped3A_53 = arith.constant 9 : i32
    %run_scoped3A_54 = arith.constant 9 : i32
    "tpu.region"() ({
      %run_scoped3A_87 = tpu.sem_alloc : memref<!tpu.dma_semaphore, #tpu.memory_space<semaphore_mem>>
      %dma_start3A = arith.constant 0 : i32
      %dma_start3A_88 = tpu.memref_slice %arg6[%run_scoped3A_54, %dma_start3A] : memref<16x640xf32, #tpu.memory_space<vmem>> -> memref<1x640xf32, #tpu.memory_space<vmem>>
      %dma_start3A_89 = tpu.memref_squeeze %dma_start3A_88 : memref<1x640xf32, #tpu.memory_space<vmem>> -> memref<640xf32, #tpu.memory_space<vmem>>
      %dma_start3A_90 = tpu.memref_slice %arg7[%run_scoped3A_53, %mul3A_52] : memref<16x10240xf32, #tpu.memory_space<vmem_shared>> -> memref<1x640xf32, #tpu.memory_space<vmem_shared>>
      %dma_start3A_91 = tpu.memref_squeeze %dma_start3A_90 : memref<1x640xf32, #tpu.memory_space<vmem_shared>> -> memref<640xf32, #tpu.memory_space<vmem_shared>>
      %dma_start3A_92 = arith.constant 0 : i32
      %dma_start3A_93 = tpu.memref_slice %arg6[%run_scoped3A_54, %dma_start3A_92] : memref<16x640xf32, #tpu.memory_space<vmem>> -> memref<1x640xf32, #tpu.memory_space<vmem>>
      %dma_start3A_94 = tpu.memref_squeeze %dma_start3A_93 : memref<1x640xf32, #tpu.memory_space<vmem>> -> memref<640xf32, #tpu.memory_space<vmem>>
      %dma_start3A_95 = tpu.memref_slice %arg7[%run_scoped3A_53, %mul3A_52] : memref<16x10240xf32, #tpu.memory_space<vmem_shared>> -> memref<1x640xf32, #tpu.memory_space<vmem_shared>>
      %dma_start3A_96 = tpu.memref_squeeze %dma_start3A_95 : memref<1x640xf32, #tpu.memory_space<vmem_shared>> -> memref<640xf32, #tpu.memory_space<vmem_shared>>
      tpu.enqueue_dma source(%dma_start3A_96 : memref<640xf32, #tpu.memory_space<vmem_shared>>) target(%dma_start3A_94 : memref<640xf32, #tpu.memory_space<vmem>>) target_semaphore(%run_scoped3A_87 : memref<!tpu.dma_semaphore, #tpu.memory_space<semaphore_mem>>)
      %dma_wait3A = arith.constant 0 : i32
      %dma_wait3A_97 = tpu.memref_slice %arg6[%run_scoped3A_54, %dma_wait3A] : memref<16x640xf32, #tpu.memory_space<vmem>> -> memref<1x640xf32, #tpu.memory_space<vmem>>
      %dma_wait3A_98 = tpu.memref_squeeze %dma_wait3A_97 : memref<1x640xf32, #tpu.memory_space<vmem>> -> memref<640xf32, #tpu.memory_space<vmem>>
      %dma_wait3A_99 = tpu.memref_slice %arg7[%run_scoped3A_53, %mul3A_52] : memref<16x10240xf32, #tpu.memory_space<vmem_shared>> -> memref<1x640xf32, #tpu.memory_space<vmem_shared>>
      %dma_wait3A_100 = tpu.memref_squeeze %dma_wait3A_99 : memref<1x640xf32, #tpu.memory_space<vmem_shared>> -> memref<640xf32, #tpu.memory_space<vmem_shared>>
      %dma_wait3A_101 = arith.constant 0 : i32
      %dma_wait3A_102 = tpu.memref_slice %arg6[%run_scoped3A_54, %dma_wait3A_101] : memref<16x640xf32, #tpu.memory_space<vmem>> -> memref<1x640xf32, #tpu.memory_space<vmem>>
      %dma_wait3A_103 = tpu.memref_squeeze %dma_wait3A_102 : memref<1x640xf32, #tpu.memory_space<vmem>> -> memref<640xf32, #tpu.memory_space<vmem>>
      %dma_wait3A_104 = tpu.memref_slice %arg7[%run_scoped3A_53, %mul3A_52] : memref<16x10240xf32, #tpu.memory_space<vmem_shared>> -> memref<1x640xf32, #tpu.memory_space<vmem_shared>>
      %dma_wait3A_105 = tpu.memref_squeeze %dma_wait3A_104 : memref<1x640xf32, #tpu.memory_space<vmem_shared>> -> memref<640xf32, #tpu.memory_space<vmem_shared>>
      tpu.wait_dma2 semaphore(%run_scoped3A_87 : memref<!tpu.dma_semaphore, #tpu.memory_space<semaphore_mem>>) src(%dma_wait3A_105 : memref<640xf32, #tpu.memory_space<vmem_shared>>) dst(%dma_wait3A_103 : memref<640xf32, #tpu.memory_space<vmem>>)
      tpu.yield
    }) : () -> ()
    %mul3A_55 = arith.constant 640 : i32
    %mul3A_56 = arith.muli %arg1, %mul3A_55 : i32
    %run_scoped3A_57 = arith.constant 10 : i32
    %run_scoped3A_58 = arith.constant 10 : i32
    "tpu.region"() ({
      %run_scoped3A_87 = tpu.sem_alloc : memref<!tpu.dma_semaphore, #tpu.memory_space<semaphore_mem>>
      %dma_start3A = arith.constant 0 : i32
      %dma_start3A_88 = tpu.memref_slice %arg6[%run_scoped3A_58, %dma_start3A] : memref<16x640xf32, #tpu.memory_space<vmem>> -> memref<1x640xf32, #tpu.memory_space<vmem>>
      %dma_start3A_89 = tpu.memref_squeeze %dma_start3A_88 : memref<1x640xf32, #tpu.memory_space<vmem>> -> memref<640xf32, #tpu.memory_space<vmem>>
      %dma_start3A_90 = tpu.memref_slice %arg7[%run_scoped3A_57, %mul3A_56] : memref<16x10240xf32, #tpu.memory_space<vmem_shared>> -> memref<1x640xf32, #tpu.memory_space<vmem_shared>>
      %dma_start3A_91 = tpu.memref_squeeze %dma_start3A_90 : memref<1x640xf32, #tpu.memory_space<vmem_shared>> -> memref<640xf32, #tpu.memory_space<vmem_shared>>
      %dma_start3A_92 = arith.constant 0 : i32
      %dma_start3A_93 = tpu.memref_slice %arg6[%run_scoped3A_58, %dma_start3A_92] : memref<16x640xf32, #tpu.memory_space<vmem>> -> memref<1x640xf32, #tpu.memory_space<vmem>>
      %dma_start3A_94 = tpu.memref_squeeze %dma_start3A_93 : memref<1x640xf32, #tpu.memory_space<vmem>> -> memref<640xf32, #tpu.memory_space<vmem>>
      %dma_start3A_95 = tpu.memref_slice %arg7[%run_scoped3A_57, %mul3A_56] : memref<16x10240xf32, #tpu.memory_space<vmem_shared>> -> memref<1x640xf32, #tpu.memory_space<vmem_shared>>
      %dma_start3A_96 = tpu.memref_squeeze %dma_start3A_95 : memref<1x640xf32, #tpu.memory_space<vmem_shared>> -> memref<640xf32, #tpu.memory_space<vmem_shared>>
      tpu.enqueue_dma source(%dma_start3A_96 : memref<640xf32, #tpu.memory_space<vmem_shared>>) target(%dma_start3A_94 : memref<640xf32, #tpu.memory_space<vmem>>) target_semaphore(%run_scoped3A_87 : memref<!tpu.dma_semaphore, #tpu.memory_space<semaphore_mem>>)
      %dma_wait3A = arith.constant 0 : i32
      %dma_wait3A_97 = tpu.memref_slice %arg6[%run_scoped3A_58, %dma_wait3A] : memref<16x640xf32, #tpu.memory_space<vmem>> -> memref<1x640xf32, #tpu.memory_space<vmem>>
      %dma_wait3A_98 = tpu.memref_squeeze %dma_wait3A_97 : memref<1x640xf32, #tpu.memory_space<vmem>> -> memref<640xf32, #tpu.memory_space<vmem>>
      %dma_wait3A_99 = tpu.memref_slice %arg7[%run_scoped3A_57, %mul3A_56] : memref<16x10240xf32, #tpu.memory_space<vmem_shared>> -> memref<1x640xf32, #tpu.memory_space<vmem_shared>>
      %dma_wait3A_100 = tpu.memref_squeeze %dma_wait3A_99 : memref<1x640xf32, #tpu.memory_space<vmem_shared>> -> memref<640xf32, #tpu.memory_space<vmem_shared>>
      %dma_wait3A_101 = arith.constant 0 : i32
      %dma_wait3A_102 = tpu.memref_slice %arg6[%run_scoped3A_58, %dma_wait3A_101] : memref<16x640xf32, #tpu.memory_space<vmem>> -> memref<1x640xf32, #tpu.memory_space<vmem>>
      %dma_wait3A_103 = tpu.memref_squeeze %dma_wait3A_102 : memref<1x640xf32, #tpu.memory_space<vmem>> -> memref<640xf32, #tpu.memory_space<vmem>>
      %dma_wait3A_104 = tpu.memref_slice %arg7[%run_scoped3A_57, %mul3A_56] : memref<16x10240xf32, #tpu.memory_space<vmem_shared>> -> memref<1x640xf32, #tpu.memory_space<vmem_shared>>
      %dma_wait3A_105 = tpu.memref_squeeze %dma_wait3A_104 : memref<1x640xf32, #tpu.memory_space<vmem_shared>> -> memref<640xf32, #tpu.memory_space<vmem_shared>>
      tpu.wait_dma2 semaphore(%run_scoped3A_87 : memref<!tpu.dma_semaphore, #tpu.memory_space<semaphore_mem>>) src(%dma_wait3A_105 : memref<640xf32, #tpu.memory_space<vmem_shared>>) dst(%dma_wait3A_103 : memref<640xf32, #tpu.memory_space<vmem>>)
      tpu.yield
    }) : () -> ()
    %mul3A_59 = arith.constant 640 : i32
    %mul3A_60 = arith.muli %arg1, %mul3A_59 : i32
    %run_scoped3A_61 = arith.constant 11 : i32
    %run_scoped3A_62 = arith.constant 11 : i32
    "tpu.region"() ({
      %run_scoped3A_87 = tpu.sem_alloc : memref<!tpu.dma_semaphore, #tpu.memory_space<semaphore_mem>>
      %dma_start3A = arith.constant 0 : i32
      %dma_start3A_88 = tpu.memref_slice %arg6[%run_scoped3A_62, %dma_start3A] : memref<16x640xf32, #tpu.memory_space<vmem>> -> memref<1x640xf32, #tpu.memory_space<vmem>>
      %dma_start3A_89 = tpu.memref_squeeze %dma_start3A_88 : memref<1x640xf32, #tpu.memory_space<vmem>> -> memref<640xf32, #tpu.memory_space<vmem>>
      %dma_start3A_90 = tpu.memref_slice %arg7[%run_scoped3A_61, %mul3A_60] : memref<16x10240xf32, #tpu.memory_space<vmem_shared>> -> memref<1x640xf32, #tpu.memory_space<vmem_shared>>
      %dma_start3A_91 = tpu.memref_squeeze %dma_start3A_90 : memref<1x640xf32, #tpu.memory_space<vmem_shared>> -> memref<640xf32, #tpu.memory_space<vmem_shared>>
      %dma_start3A_92 = arith.constant 0 : i32
      %dma_start3A_93 = tpu.memref_slice %arg6[%run_scoped3A_62, %dma_start3A_92] : memref<16x640xf32, #tpu.memory_space<vmem>> -> memref<1x640xf32, #tpu.memory_space<vmem>>
      %dma_start3A_94 = tpu.memref_squeeze %dma_start3A_93 : memref<1x640xf32, #tpu.memory_space<vmem>> -> memref<640xf32, #tpu.memory_space<vmem>>
      %dma_start3A_95 = tpu.memref_slice %arg7[%run_scoped3A_61, %mul3A_60] : memref<16x10240xf32, #tpu.memory_space<vmem_shared>> -> memref<1x640xf32, #tpu.memory_space<vmem_shared>>
      %dma_start3A_96 = tpu.memref_squeeze %dma_start3A_95 : memref<1x640xf32, #tpu.memory_space<vmem_shared>> -> memref<640xf32, #tpu.memory_space<vmem_shared>>
      tpu.enqueue_dma source(%dma_start3A_96 : memref<640xf32, #tpu.memory_space<vmem_shared>>) target(%dma_start3A_94 : memref<640xf32, #tpu.memory_space<vmem>>) target_semaphore(%run_scoped3A_87 : memref<!tpu.dma_semaphore, #tpu.memory_space<semaphore_mem>>)
      %dma_wait3A = arith.constant 0 : i32
      %dma_wait3A_97 = tpu.memref_slice %arg6[%run_scoped3A_62, %dma_wait3A] : memref<16x640xf32, #tpu.memory_space<vmem>> -> memref<1x640xf32, #tpu.memory_space<vmem>>
      %dma_wait3A_98 = tpu.memref_squeeze %dma_wait3A_97 : memref<1x640xf32, #tpu.memory_space<vmem>> -> memref<640xf32, #tpu.memory_space<vmem>>
      %dma_wait3A_99 = tpu.memref_slice %arg7[%run_scoped3A_61, %mul3A_60] : memref<16x10240xf32, #tpu.memory_space<vmem_shared>> -> memref<1x640xf32, #tpu.memory_space<vmem_shared>>
      %dma_wait3A_100 = tpu.memref_squeeze %dma_wait3A_99 : memref<1x640xf32, #tpu.memory_space<vmem_shared>> -> memref<640xf32, #tpu.memory_space<vmem_shared>>
      %dma_wait3A_101 = arith.constant 0 : i32
      %dma_wait3A_102 = tpu.memref_slice %arg6[%run_scoped3A_62, %dma_wait3A_101] : memref<16x640xf32, #tpu.memory_space<vmem>> -> memref<1x640xf32, #tpu.memory_space<vmem>>
      %dma_wait3A_103 = tpu.memref_squeeze %dma_wait3A_102 : memref<1x640xf32, #tpu.memory_space<vmem>> -> memref<640xf32, #tpu.memory_space<vmem>>
      %dma_wait3A_104 = tpu.memref_slice %arg7[%run_scoped3A_61, %mul3A_60] : memref<16x10240xf32, #tpu.memory_space<vmem_shared>> -> memref<1x640xf32, #tpu.memory_space<vmem_shared>>
      %dma_wait3A_105 = tpu.memref_squeeze %dma_wait3A_104 : memref<1x640xf32, #tpu.memory_space<vmem_shared>> -> memref<640xf32, #tpu.memory_space<vmem_shared>>
      tpu.wait_dma2 semaphore(%run_scoped3A_87 : memref<!tpu.dma_semaphore, #tpu.memory_space<semaphore_mem>>) src(%dma_wait3A_105 : memref<640xf32, #tpu.memory_space<vmem_shared>>) dst(%dma_wait3A_103 : memref<640xf32, #tpu.memory_space<vmem>>)
      tpu.yield
    }) : () -> ()
    %mul3A_63 = arith.constant 640 : i32
    %mul3A_64 = arith.muli %arg1, %mul3A_63 : i32
    %run_scoped3A_65 = arith.constant 12 : i32
    %run_scoped3A_66 = arith.constant 12 : i32
    "tpu.region"() ({
      %run_scoped3A_87 = tpu.sem_alloc : memref<!tpu.dma_semaphore, #tpu.memory_space<semaphore_mem>>
      %dma_start3A = arith.constant 0 : i32
      %dma_start3A_88 = tpu.memref_slice %arg6[%run_scoped3A_66, %dma_start3A] : memref<16x640xf32, #tpu.memory_space<vmem>> -> memref<1x640xf32, #tpu.memory_space<vmem>>
      %dma_start3A_89 = tpu.memref_squeeze %dma_start3A_88 : memref<1x640xf32, #tpu.memory_space<vmem>> -> memref<640xf32, #tpu.memory_space<vmem>>
      %dma_start3A_90 = tpu.memref_slice %arg7[%run_scoped3A_65, %mul3A_64] : memref<16x10240xf32, #tpu.memory_space<vmem_shared>> -> memref<1x640xf32, #tpu.memory_space<vmem_shared>>
      %dma_start3A_91 = tpu.memref_squeeze %dma_start3A_90 : memref<1x640xf32, #tpu.memory_space<vmem_shared>> -> memref<640xf32, #tpu.memory_space<vmem_shared>>
      %dma_start3A_92 = arith.constant 0 : i32
      %dma_start3A_93 = tpu.memref_slice %arg6[%run_scoped3A_66, %dma_start3A_92] : memref<16x640xf32, #tpu.memory_space<vmem>> -> memref<1x640xf32, #tpu.memory_space<vmem>>
      %dma_start3A_94 = tpu.memref_squeeze %dma_start3A_93 : memref<1x640xf32, #tpu.memory_space<vmem>> -> memref<640xf32, #tpu.memory_space<vmem>>
      %dma_start3A_95 = tpu.memref_slice %arg7[%run_scoped3A_65, %mul3A_64] : memref<16x10240xf32, #tpu.memory_space<vmem_shared>> -> memref<1x640xf32, #tpu.memory_space<vmem_shared>>
      %dma_start3A_96 = tpu.memref_squeeze %dma_start3A_95 : memref<1x640xf32, #tpu.memory_space<vmem_shared>> -> memref<640xf32, #tpu.memory_space<vmem_shared>>
      tpu.enqueue_dma source(%dma_start3A_96 : memref<640xf32, #tpu.memory_space<vmem_shared>>) target(%dma_start3A_94 : memref<640xf32, #tpu.memory_space<vmem>>) target_semaphore(%run_scoped3A_87 : memref<!tpu.dma_semaphore, #tpu.memory_space<semaphore_mem>>)
      %dma_wait3A = arith.constant 0 : i32
      %dma_wait3A_97 = tpu.memref_slice %arg6[%run_scoped3A_66, %dma_wait3A] : memref<16x640xf32, #tpu.memory_space<vmem>> -> memref<1x640xf32, #tpu.memory_space<vmem>>
      %dma_wait3A_98 = tpu.memref_squeeze %dma_wait3A_97 : memref<1x640xf32, #tpu.memory_space<vmem>> -> memref<640xf32, #tpu.memory_space<vmem>>
      %dma_wait3A_99 = tpu.memref_slice %arg7[%run_scoped3A_65, %mul3A_64] : memref<16x10240xf32, #tpu.memory_space<vmem_shared>> -> memref<1x640xf32, #tpu.memory_space<vmem_shared>>
      %dma_wait3A_100 = tpu.memref_squeeze %dma_wait3A_99 : memref<1x640xf32, #tpu.memory_space<vmem_shared>> -> memref<640xf32, #tpu.memory_space<vmem_shared>>
      %dma_wait3A_101 = arith.constant 0 : i32
      %dma_wait3A_102 = tpu.memref_slice %arg6[%run_scoped3A_66, %dma_wait3A_101] : memref<16x640xf32, #tpu.memory_space<vmem>> -> memref<1x640xf32, #tpu.memory_space<vmem>>
      %dma_wait3A_103 = tpu.memref_squeeze %dma_wait3A_102 : memref<1x640xf32, #tpu.memory_space<vmem>> -> memref<640xf32, #tpu.memory_space<vmem>>
      %dma_wait3A_104 = tpu.memref_slice %arg7[%run_scoped3A_65, %mul3A_64] : memref<16x10240xf32, #tpu.memory_space<vmem_shared>> -> memref<1x640xf32, #tpu.memory_space<vmem_shared>>
      %dma_wait3A_105 = tpu.memref_squeeze %dma_wait3A_104 : memref<1x640xf32, #tpu.memory_space<vmem_shared>> -> memref<640xf32, #tpu.memory_space<vmem_shared>>
      tpu.wait_dma2 semaphore(%run_scoped3A_87 : memref<!tpu.dma_semaphore, #tpu.memory_space<semaphore_mem>>) src(%dma_wait3A_105 : memref<640xf32, #tpu.memory_space<vmem_shared>>) dst(%dma_wait3A_103 : memref<640xf32, #tpu.memory_space<vmem>>)
      tpu.yield
    }) : () -> ()
    %mul3A_67 = arith.constant 640 : i32
    %mul3A_68 = arith.muli %arg1, %mul3A_67 : i32
    %run_scoped3A_69 = arith.constant 13 : i32
    %run_scoped3A_70 = arith.constant 13 : i32
    "tpu.region"() ({
      %run_scoped3A_87 = tpu.sem_alloc : memref<!tpu.dma_semaphore, #tpu.memory_space<semaphore_mem>>
      %dma_start3A = arith.constant 0 : i32
      %dma_start3A_88 = tpu.memref_slice %arg6[%run_scoped3A_70, %dma_start3A] : memref<16x640xf32, #tpu.memory_space<vmem>> -> memref<1x640xf32, #tpu.memory_space<vmem>>
      %dma_start3A_89 = tpu.memref_squeeze %dma_start3A_88 : memref<1x640xf32, #tpu.memory_space<vmem>> -> memref<640xf32, #tpu.memory_space<vmem>>
      %dma_start3A_90 = tpu.memref_slice %arg7[%run_scoped3A_69, %mul3A_68] : memref<16x10240xf32, #tpu.memory_space<vmem_shared>> -> memref<1x640xf32, #tpu.memory_space<vmem_shared>>
      %dma_start3A_91 = tpu.memref_squeeze %dma_start3A_90 : memref<1x640xf32, #tpu.memory_space<vmem_shared>> -> memref<640xf32, #tpu.memory_space<vmem_shared>>
      %dma_start3A_92 = arith.constant 0 : i32
      %dma_start3A_93 = tpu.memref_slice %arg6[%run_scoped3A_70, %dma_start3A_92] : memref<16x640xf32, #tpu.memory_space<vmem>> -> memref<1x640xf32, #tpu.memory_space<vmem>>
      %dma_start3A_94 = tpu.memref_squeeze %dma_start3A_93 : memref<1x640xf32, #tpu.memory_space<vmem>> -> memref<640xf32, #tpu.memory_space<vmem>>
      %dma_start3A_95 = tpu.memref_slice %arg7[%run_scoped3A_69, %mul3A_68] : memref<16x10240xf32, #tpu.memory_space<vmem_shared>> -> memref<1x640xf32, #tpu.memory_space<vmem_shared>>
      %dma_start3A_96 = tpu.memref_squeeze %dma_start3A_95 : memref<1x640xf32, #tpu.memory_space<vmem_shared>> -> memref<640xf32, #tpu.memory_space<vmem_shared>>
      tpu.enqueue_dma source(%dma_start3A_96 : memref<640xf32, #tpu.memory_space<vmem_shared>>) target(%dma_start3A_94 : memref<640xf32, #tpu.memory_space<vmem>>) target_semaphore(%run_scoped3A_87 : memref<!tpu.dma_semaphore, #tpu.memory_space<semaphore_mem>>)
      %dma_wait3A = arith.constant 0 : i32
      %dma_wait3A_97 = tpu.memref_slice %arg6[%run_scoped3A_70, %dma_wait3A] : memref<16x640xf32, #tpu.memory_space<vmem>> -> memref<1x640xf32, #tpu.memory_space<vmem>>
      %dma_wait3A_98 = tpu.memref_squeeze %dma_wait3A_97 : memref<1x640xf32, #tpu.memory_space<vmem>> -> memref<640xf32, #tpu.memory_space<vmem>>
      %dma_wait3A_99 = tpu.memref_slice %arg7[%run_scoped3A_69, %mul3A_68] : memref<16x10240xf32, #tpu.memory_space<vmem_shared>> -> memref<1x640xf32, #tpu.memory_space<vmem_shared>>
      %dma_wait3A_100 = tpu.memref_squeeze %dma_wait3A_99 : memref<1x640xf32, #tpu.memory_space<vmem_shared>> -> memref<640xf32, #tpu.memory_space<vmem_shared>>
      %dma_wait3A_101 = arith.constant 0 : i32
      %dma_wait3A_102 = tpu.memref_slice %arg6[%run_scoped3A_70, %dma_wait3A_101] : memref<16x640xf32, #tpu.memory_space<vmem>> -> memref<1x640xf32, #tpu.memory_space<vmem>>
      %dma_wait3A_103 = tpu.memref_squeeze %dma_wait3A_102 : memref<1x640xf32, #tpu.memory_space<vmem>> -> memref<640xf32, #tpu.memory_space<vmem>>
      %dma_wait3A_104 = tpu.memref_slice %arg7[%run_scoped3A_69, %mul3A_68] : memref<16x10240xf32, #tpu.memory_space<vmem_shared>> -> memref<1x640xf32, #tpu.memory_space<vmem_shared>>
      %dma_wait3A_105 = tpu.memref_squeeze %dma_wait3A_104 : memref<1x640xf32, #tpu.memory_space<vmem_shared>> -> memref<640xf32, #tpu.memory_space<vmem_shared>>
      tpu.wait_dma2 semaphore(%run_scoped3A_87 : memref<!tpu.dma_semaphore, #tpu.memory_space<semaphore_mem>>) src(%dma_wait3A_105 : memref<640xf32, #tpu.memory_space<vmem_shared>>) dst(%dma_wait3A_103 : memref<640xf32, #tpu.memory_space<vmem>>)
      tpu.yield
    }) : () -> ()
    %mul3A_71 = arith.constant 640 : i32
    %mul3A_72 = arith.muli %arg1, %mul3A_71 : i32
    %run_scoped3A_73 = arith.constant 14 : i32
    %run_scoped3A_74 = arith.constant 14 : i32
    "tpu.region"() ({
      %run_scoped3A_87 = tpu.sem_alloc : memref<!tpu.dma_semaphore, #tpu.memory_space<semaphore_mem>>
      %dma_start3A = arith.constant 0 : i32
      %dma_start3A_88 = tpu.memref_slice %arg6[%run_scoped3A_74, %dma_start3A] : memref<16x640xf32, #tpu.memory_space<vmem>> -> memref<1x640xf32, #tpu.memory_space<vmem>>
      %dma_start3A_89 = tpu.memref_squeeze %dma_start3A_88 : memref<1x640xf32, #tpu.memory_space<vmem>> -> memref<640xf32, #tpu.memory_space<vmem>>
      %dma_start3A_90 = tpu.memref_slice %arg7[%run_scoped3A_73, %mul3A_72] : memref<16x10240xf32, #tpu.memory_space<vmem_shared>> -> memref<1x640xf32, #tpu.memory_space<vmem_shared>>
      %dma_start3A_91 = tpu.memref_squeeze %dma_start3A_90 : memref<1x640xf32, #tpu.memory_space<vmem_shared>> -> memref<640xf32, #tpu.memory_space<vmem_shared>>
      %dma_start3A_92 = arith.constant 0 : i32
      %dma_start3A_93 = tpu.memref_slice %arg6[%run_scoped3A_74, %dma_start3A_92] : memref<16x640xf32, #tpu.memory_space<vmem>> -> memref<1x640xf32, #tpu.memory_space<vmem>>
      %dma_start3A_94 = tpu.memref_squeeze %dma_start3A_93 : memref<1x640xf32, #tpu.memory_space<vmem>> -> memref<640xf32, #tpu.memory_space<vmem>>
      %dma_start3A_95 = tpu.memref_slice %arg7[%run_scoped3A_73, %mul3A_72] : memref<16x10240xf32, #tpu.memory_space<vmem_shared>> -> memref<1x640xf32, #tpu.memory_space<vmem_shared>>
      %dma_start3A_96 = tpu.memref_squeeze %dma_start3A_95 : memref<1x640xf32, #tpu.memory_space<vmem_shared>> -> memref<640xf32, #tpu.memory_space<vmem_shared>>
      tpu.enqueue_dma source(%dma_start3A_96 : memref<640xf32, #tpu.memory_space<vmem_shared>>) target(%dma_start3A_94 : memref<640xf32, #tpu.memory_space<vmem>>) target_semaphore(%run_scoped3A_87 : memref<!tpu.dma_semaphore, #tpu.memory_space<semaphore_mem>>)
      %dma_wait3A = arith.constant 0 : i32
      %dma_wait3A_97 = tpu.memref_slice %arg6[%run_scoped3A_74, %dma_wait3A] : memref<16x640xf32, #tpu.memory_space<vmem>> -> memref<1x640xf32, #tpu.memory_space<vmem>>
      %dma_wait3A_98 = tpu.memref_squeeze %dma_wait3A_97 : memref<1x640xf32, #tpu.memory_space<vmem>> -> memref<640xf32, #tpu.memory_space<vmem>>
      %dma_wait3A_99 = tpu.memref_slice %arg7[%run_scoped3A_73, %mul3A_72] : memref<16x10240xf32, #tpu.memory_space<vmem_shared>> -> memref<1x640xf32, #tpu.memory_space<vmem_shared>>
      %dma_wait3A_100 = tpu.memref_squeeze %dma_wait3A_99 : memref<1x640xf32, #tpu.memory_space<vmem_shared>> -> memref<640xf32, #tpu.memory_space<vmem_shared>>
      %dma_wait3A_101 = arith.constant 0 : i32
      %dma_wait3A_102 = tpu.memref_slice %arg6[%run_scoped3A_74, %dma_wait3A_101] : memref<16x640xf32, #tpu.memory_space<vmem>> -> memref<1x640xf32, #tpu.memory_space<vmem>>
      %dma_wait3A_103 = tpu.memref_squeeze %dma_wait3A_102 : memref<1x640xf32, #tpu.memory_space<vmem>> -> memref<640xf32, #tpu.memory_space<vmem>>
      %dma_wait3A_104 = tpu.memref_slice %arg7[%run_scoped3A_73, %mul3A_72] : memref<16x10240xf32, #tpu.memory_space<vmem_shared>> -> memref<1x640xf32, #tpu.memory_space<vmem_shared>>
      %dma_wait3A_105 = tpu.memref_squeeze %dma_wait3A_104 : memref<1x640xf32, #tpu.memory_space<vmem_shared>> -> memref<640xf32, #tpu.memory_space<vmem_shared>>
      tpu.wait_dma2 semaphore(%run_scoped3A_87 : memref<!tpu.dma_semaphore, #tpu.memory_space<semaphore_mem>>) src(%dma_wait3A_105 : memref<640xf32, #tpu.memory_space<vmem_shared>>) dst(%dma_wait3A_103 : memref<640xf32, #tpu.memory_space<vmem>>)
      tpu.yield
    }) : () -> ()
    %mul3A_75 = arith.constant 640 : i32
    %mul3A_76 = arith.muli %arg1, %mul3A_75 : i32
    %run_scoped3A_77 = arith.constant 15 : i32
    %run_scoped3A_78 = arith.constant 15 : i32
    "tpu.region"() ({
      %run_scoped3A_87 = tpu.sem_alloc : memref<!tpu.dma_semaphore, #tpu.memory_space<semaphore_mem>>
      %dma_start3A = arith.constant 0 : i32
      %dma_start3A_88 = tpu.memref_slice %arg6[%run_scoped3A_78, %dma_start3A] : memref<16x640xf32, #tpu.memory_space<vmem>> -> memref<1x640xf32, #tpu.memory_space<vmem>>
      %dma_start3A_89 = tpu.memref_squeeze %dma_start3A_88 : memref<1x640xf32, #tpu.memory_space<vmem>> -> memref<640xf32, #tpu.memory_space<vmem>>
      %dma_start3A_90 = tpu.memref_slice %arg7[%run_scoped3A_77, %mul3A_76] : memref<16x10240xf32, #tpu.memory_space<vmem_shared>> -> memref<1x640xf32, #tpu.memory_space<vmem_shared>>
      %dma_start3A_91 = tpu.memref_squeeze %dma_start3A_90 : memref<1x640xf32, #tpu.memory_space<vmem_shared>> -> memref<640xf32, #tpu.memory_space<vmem_shared>>
      %dma_start3A_92 = arith.constant 0 : i32
      %dma_start3A_93 = tpu.memref_slice %arg6[%run_scoped3A_78, %dma_start3A_92] : memref<16x640xf32, #tpu.memory_space<vmem>> -> memref<1x640xf32, #tpu.memory_space<vmem>>
      %dma_start3A_94 = tpu.memref_squeeze %dma_start3A_93 : memref<1x640xf32, #tpu.memory_space<vmem>> -> memref<640xf32, #tpu.memory_space<vmem>>
      %dma_start3A_95 = tpu.memref_slice %arg7[%run_scoped3A_77, %mul3A_76] : memref<16x10240xf32, #tpu.memory_space<vmem_shared>> -> memref<1x640xf32, #tpu.memory_space<vmem_shared>>
      %dma_start3A_96 = tpu.memref_squeeze %dma_start3A_95 : memref<1x640xf32, #tpu.memory_space<vmem_shared>> -> memref<640xf32, #tpu.memory_space<vmem_shared>>
      tpu.enqueue_dma source(%dma_start3A_96 : memref<640xf32, #tpu.memory_space<vmem_shared>>) target(%dma_start3A_94 : memref<640xf32, #tpu.memory_space<vmem>>) target_semaphore(%run_scoped3A_87 : memref<!tpu.dma_semaphore, #tpu.memory_space<semaphore_mem>>)
      %dma_wait3A = arith.constant 0 : i32
      %dma_wait3A_97 = tpu.memref_slice %arg6[%run_scoped3A_78, %dma_wait3A] : memref<16x640xf32, #tpu.memory_space<vmem>> -> memref<1x640xf32, #tpu.memory_space<vmem>>
      %dma_wait3A_98 = tpu.memref_squeeze %dma_wait3A_97 : memref<1x640xf32, #tpu.memory_space<vmem>> -> memref<640xf32, #tpu.memory_space<vmem>>
      %dma_wait3A_99 = tpu.memref_slice %arg7[%run_scoped3A_77, %mul3A_76] : memref<16x10240xf32, #tpu.memory_space<vmem_shared>> -> memref<1x640xf32, #tpu.memory_space<vmem_shared>>
      %dma_wait3A_100 = tpu.memref_squeeze %dma_wait3A_99 : memref<1x640xf32, #tpu.memory_space<vmem_shared>> -> memref<640xf32, #tpu.memory_space<vmem_shared>>
      %dma_wait3A_101 = arith.constant 0 : i32
      %dma_wait3A_102 = tpu.memref_slice %arg6[%run_scoped3A_78, %dma_wait3A_101] : memref<16x640xf32, #tpu.memory_space<vmem>> -> memref<1x640xf32, #tpu.memory_space<vmem>>
      %dma_wait3A_103 = tpu.memref_squeeze %dma_wait3A_102 : memref<1x640xf32, #tpu.memory_space<vmem>> -> memref<640xf32, #tpu.memory_space<vmem>>
      %dma_wait3A_104 = tpu.memref_slice %arg7[%run_scoped3A_77, %mul3A_76] : memref<16x10240xf32, #tpu.memory_space<vmem_shared>> -> memref<1x640xf32, #tpu.memory_space<vmem_shared>>
      %dma_wait3A_105 = tpu.memref_squeeze %dma_wait3A_104 : memref<1x640xf32, #tpu.memory_space<vmem_shared>> -> memref<640xf32, #tpu.memory_space<vmem_shared>>
      tpu.wait_dma2 semaphore(%run_scoped3A_87 : memref<!tpu.dma_semaphore, #tpu.memory_space<semaphore_mem>>) src(%dma_wait3A_105 : memref<640xf32, #tpu.memory_space<vmem_shared>>) dst(%dma_wait3A_103 : memref<640xf32, #tpu.memory_space<vmem>>)
      tpu.yield
    }) : () -> ()
    %scan3A_79 = arith.constant 0 : i32
    %scan3A_80 = arith.constant 40 : i32
    %scan3A_81 = arith.addi %scan3A_79, %scan3A_80 : i32
    %scan3A_82 = arith.constant 1 : i32
    scf.for %scan3A_87 = %scan3A_79 to %scan3A_81 step %scan3A_82  : i32 {
      %mul3A_88 = arith.constant 16 : i32
      %mul3A_89 = arith.muli %scan3A_87, %mul3A_88 : i32
      %add3A_90 = arith.constant 0 : i32
      %add3A_91 = arith.addi %add3A_90, %mul3A_89 : i32
      %get3A = arith.constant 0 : i32
      %get3A_92 = arith.index_cast %get3A : i32 to index
      %get3A_93 = arith.index_cast %add3A_91 : i32 to index
      %get3A_94 = tpu.vector_load %arg6[%get3A_92, %get3A_93] {strides = array<i32>} : memref<16x640xf32, #tpu.memory_space<vmem>>, vector<16xf32>,
      %get3A_95 = arith.constant 1 : i32
      %get3A_96 = arith.index_cast %get3A_95 : i32 to index
      %get3A_97 = arith.index_cast %add3A_91 : i32 to index
      %get3A_98 = tpu.vector_load %arg6[%get3A_96, %get3A_97] {strides = array<i32>} : memref<16x640xf32, #tpu.memory_space<vmem>>, vector<16xf32>,
      %add3A_99 = arith.addf %get3A_94, %get3A_98 : vector<16xf32>
      %get3A_100 = arith.constant 2 : i32
      %get3A_101 = arith.index_cast %get3A_100 : i32 to index
      %get3A_102 = arith.index_cast %add3A_91 : i32 to index
      %get3A_103 = tpu.vector_load %arg6[%get3A_101, %get3A_102] {strides = array<i32>} : memref<16x640xf32, #tpu.memory_space<vmem>>, vector<16xf32>,
      %add3A_104 = arith.addf %add3A_99, %get3A_103 : vector<16xf32>
      %get3A_105 = arith.constant 3 : i32
      %get3A_106 = arith.index_cast %get3A_105 : i32 to index
      %get3A_107 = arith.index_cast %add3A_91 : i32 to index
      %get3A_108 = tpu.vector_load %arg6[%get3A_106, %get3A_107] {strides = array<i32>} : memref<16x640xf32, #tpu.memory_space<vmem>>, vector<16xf32>,
      %add3A_109 = arith.addf %add3A_104, %get3A_108 : vector<16xf32>
      %get3A_110 = arith.constant 4 : i32
      %get3A_111 = arith.index_cast %get3A_110 : i32 to index
      %get3A_112 = arith.index_cast %add3A_91 : i32 to index
      %get3A_113 = tpu.vector_load %arg6[%get3A_111, %get3A_112] {strides = array<i32>} : memref<16x640xf32, #tpu.memory_space<vmem>>, vector<16xf32>,
      %add3A_114 = arith.addf %add3A_109, %get3A_113 : vector<16xf32>
      %get3A_115 = arith.constant 5 : i32
      %get3A_116 = arith.index_cast %get3A_115 : i32 to index
      %get3A_117 = arith.index_cast %add3A_91 : i32 to index
      %get3A_118 = tpu.vector_load %arg6[%get3A_116, %get3A_117] {strides = array<i32>} : memref<16x640xf32, #tpu.memory_space<vmem>>, vector<16xf32>,
      %add3A_119 = arith.addf %add3A_114, %get3A_118 : vector<16xf32>
      %get3A_120 = arith.constant 6 : i32
      %get3A_121 = arith.index_cast %get3A_120 : i32 to index
      %get3A_122 = arith.index_cast %add3A_91 : i32 to index
      %get3A_123 = tpu.vector_load %arg6[%get3A_121, %get3A_122] {strides = array<i32>} : memref<16x640xf32, #tpu.memory_space<vmem>>, vector<16xf32>,
      %add3A_124 = arith.addf %add3A_119, %get3A_123 : vector<16xf32>
      %get3A_125 = arith.constant 7 : i32
      %get3A_126 = arith.index_cast %get3A_125 : i32 to index
      %get3A_127 = arith.index_cast %add3A_91 : i32 to index
      %get3A_128 = tpu.vector_load %arg6[%get3A_126, %get3A_127] {strides = array<i32>} : memref<16x640xf32, #tpu.memory_space<vmem>>, vector<16xf32>,
      %add3A_129 = arith.addf %add3A_124, %get3A_128 : vector<16xf32>
      %get3A_130 = arith.constant 8 : i32
      %get3A_131 = arith.index_cast %get3A_130 : i32 to index
      %get3A_132 = arith.index_cast %add3A_91 : i32 to index
      %get3A_133 = tpu.vector_load %arg6[%get3A_131, %get3A_132] {strides = array<i32>} : memref<16x640xf32, #tpu.memory_space<vmem>>, vector<16xf32>,
      %add3A_134 = arith.addf %add3A_129, %get3A_133 : vector<16xf32>
      %get3A_135 = arith.constant 9 : i32
      %get3A_136 = arith.index_cast %get3A_135 : i32 to index
      %get3A_137 = arith.index_cast %add3A_91 : i32 to index
      %get3A_138 = tpu.vector_load %arg6[%get3A_136, %get3A_137] {strides = array<i32>} : memref<16x640xf32, #tpu.memory_space<vmem>>, vector<16xf32>,
      %add3A_139 = arith.addf %add3A_134, %get3A_138 : vector<16xf32>
      %get3A_140 = arith.constant 10 : i32
      %get3A_141 = arith.index_cast %get3A_140 : i32 to index
      %get3A_142 = arith.index_cast %add3A_91 : i32 to index
      %get3A_143 = tpu.vector_load %arg6[%get3A_141, %get3A_142] {strides = array<i32>} : memref<16x640xf32, #tpu.memory_space<vmem>>, vector<16xf32>,
      %add3A_144 = arith.addf %add3A_139, %get3A_143 : vector<16xf32>
      %get3A_145 = arith.constant 11 : i32
      %get3A_146 = arith.index_cast %get3A_145 : i32 to index
      %get3A_147 = arith.index_cast %add3A_91 : i32 to index
      %get3A_148 = tpu.vector_load %arg6[%get3A_146, %get3A_147] {strides = array<i32>} : memref<16x640xf32, #tpu.memory_space<vmem>>, vector<16xf32>,
      %add3A_149 = arith.addf %add3A_144, %get3A_148 : vector<16xf32>
      %get3A_150 = arith.constant 12 : i32
      %get3A_151 = arith.index_cast %get3A_150 : i32 to index
      %get3A_152 = arith.index_cast %add3A_91 : i32 to index
      %get3A_153 = tpu.vector_load %arg6[%get3A_151, %get3A_152] {strides = array<i32>} : memref<16x640xf32, #tpu.memory_space<vmem>>, vector<16xf32>,
      %add3A_154 = arith.addf %add3A_149, %get3A_153 : vector<16xf32>
      %get3A_155 = arith.constant 13 : i32
      %get3A_156 = arith.index_cast %get3A_155 : i32 to index
      %get3A_157 = arith.index_cast %add3A_91 : i32 to index
      %get3A_158 = tpu.vector_load %arg6[%get3A_156, %get3A_157] {strides = array<i32>} : memref<16x640xf32, #tpu.memory_space<vmem>>, vector<16xf32>,
      %add3A_159 = arith.addf %add3A_154, %get3A_158 : vector<16xf32>
      %get3A_160 = arith.constant 14 : i32
      %get3A_161 = arith.index_cast %get3A_160 : i32 to index
      %get3A_162 = arith.index_cast %add3A_91 : i32 to index
      %get3A_163 = tpu.vector_load %arg6[%get3A_161, %get3A_162] {strides = array<i32>} : memref<16x640xf32, #tpu.memory_space<vmem>>, vector<16xf32>,
      %add3A_164 = arith.addf %add3A_159, %get3A_163 : vector<16xf32>
      %get3A_165 = arith.constant 15 : i32
      %get3A_166 = arith.index_cast %get3A_165 : i32 to index
      %get3A_167 = arith.index_cast %add3A_91 : i32 to index
      %get3A_168 = tpu.vector_load %arg6[%get3A_166, %get3A_167] {strides = array<i32>} : memref<16x640xf32, #tpu.memory_space<vmem>>, vector<16xf32>,
      %add3A_169 = arith.addf %add3A_164, %get3A_168 : vector<16xf32>
      %swap3A = arith.constant 0 : i32
      %swap3A_170 = arith.index_cast %swap3A : i32 to index
      %swap3A_171 = arith.index_cast %add3A_91 : i32 to index
      %swap3A_172 = tpu.vector_load %arg6[%swap3A_170, %swap3A_171] {strides = array<i32>} : memref<16x640xf32, #tpu.memory_space<vmem>>, vector<16xf32>,
      tpu.vector_store %arg6[%swap3A_170, %swap3A_171], %add3A_169 {strides = array<i32>} : memref<16x640xf32, #tpu.memory_space<vmem>>, vector<16xf32>,
    }
    %scan3A_83 = arith.constant 40 : i32
    %mul3A_84 = arith.constant 640 : i32
    %mul3A_85 = arith.muli %arg1, %mul3A_84 : i32
    %run_scoped3A_86 = arith.constant 0 : i32
    "tpu.region"() ({
      %run_scoped3A_87 = tpu.sem_alloc : memref<!tpu.dma_semaphore, #tpu.memory_space<semaphore_mem>>
      %dma_start3A = arith.constant 0 : i32
      %dma_start3A_88 = tpu.memref_slice %arg6[%run_scoped3A_86, %dma_start3A] : memref<16x640xf32, #tpu.memory_space<vmem>> -> memref<1x640xf32, #tpu.memory_space<vmem>>
      %dma_start3A_89 = tpu.memref_squeeze %dma_start3A_88 : memref<1x640xf32, #tpu.memory_space<vmem>> -> memref<640xf32, #tpu.memory_space<vmem>>
      %dma_start3A_90 = tpu.memref_slice %arg3[%arg0, %mul3A_85] : memref<2x10240xf32, #tpu.memory_space<hbm>> -> memref<1x640xf32, #tpu.memory_space<hbm>>
      %dma_start3A_91 = tpu.memref_squeeze %dma_start3A_90 : memref<1x640xf32, #tpu.memory_space<hbm>> -> memref<640xf32, #tpu.memory_space<hbm>>
      %dma_start3A_92 = tpu.memref_slice %arg3[%arg0, %mul3A_85] : memref<2x10240xf32, #tpu.memory_space<hbm>> -> memref<1x640xf32, #tpu.memory_space<hbm>>
      %dma_start3A_93 = tpu.memref_squeeze %dma_start3A_92 : memref<1x640xf32, #tpu.memory_space<hbm>> -> memref<640xf32, #tpu.memory_space<hbm>>
      %dma_start3A_94 = arith.constant 0 : i32
      %dma_start3A_95 = tpu.memref_slice %arg6[%run_scoped3A_86, %dma_start3A_94] : memref<16x640xf32, #tpu.memory_space<vmem>> -> memref<1x640xf32, #tpu.memory_space<vmem>>
      %dma_start3A_96 = tpu.memref_squeeze %dma_start3A_95 : memref<1x640xf32, #tpu.memory_space<vmem>> -> memref<640xf32, #tpu.memory_space<vmem>>
      tpu.enqueue_dma source(%dma_start3A_96 : memref<640xf32, #tpu.memory_space<vmem>>) target(%dma_start3A_93 : memref<640xf32, #tpu.memory_space<hbm>>) target_semaphore(%run_scoped3A_87 : memref<!tpu.dma_semaphore, #tpu.memory_space<semaphore_mem>>)
      %dma_wait3A = arith.constant 0 : i32
      %dma_wait3A_97 = tpu.memref_slice %arg6[%run_scoped3A_86, %dma_wait3A] : memref<16x640xf32, #tpu.memory_space<vmem>> -> memref<1x640xf32, #tpu.memory_space<vmem>>
      %dma_wait3A_98 = tpu.memref_squeeze %dma_wait3A_97 : memref<1x640xf32, #tpu.memory_space<vmem>> -> memref<640xf32, #tpu.memory_space<vmem>>
      %dma_wait3A_99 = tpu.memref_slice %arg3[%arg0, %mul3A_85] : memref<2x10240xf32, #tpu.memory_space<hbm>> -> memref<1x640xf32, #tpu.memory_space<hbm>>
      %dma_wait3A_100 = tpu.memref_squeeze %dma_wait3A_99 : memref<1x640xf32, #tpu.memory_space<hbm>> -> memref<640xf32, #tpu.memory_space<hbm>>
      %dma_wait3A_101 = tpu.memref_slice %arg3[%arg0, %mul3A_85] : memref<2x10240xf32, #tpu.memory_space<hbm>> -> memref<1x640xf32, #tpu.memory_space<hbm>>
      %dma_wait3A_102 = tpu.memref_squeeze %dma_wait3A_101 : memref<1x640xf32, #tpu.memory_space<hbm>> -> memref<640xf32, #tpu.memory_space<hbm>>
      %dma_wait3A_103 = arith.constant 0 : i32
      %dma_wait3A_104 = tpu.memref_slice %arg6[%run_scoped3A_86, %dma_wait3A_103] : memref<16x640xf32, #tpu.memory_space<vmem>> -> memref<1x640xf32, #tpu.memory_space<vmem>>
      %dma_wait3A_105 = tpu.memref_squeeze %dma_wait3A_104 : memref<1x640xf32, #tpu.memory_space<vmem>> -> memref<640xf32, #tpu.memory_space<vmem>>
      tpu.wait_dma2 semaphore(%run_scoped3A_87 : memref<!tpu.dma_semaphore, #tpu.memory_space<semaphore_mem>>) src(%dma_wait3A_105 : memref<640xf32, #tpu.memory_space<vmem>>) dst(%dma_wait3A_102 : memref<640xf32, #tpu.memory_space<hbm>>)
      tpu.yield
    }) : () -> ()
    return
  }
}

#map = affine_map<(d0, d1) -> (0, 0)>
module attributes {stable_mosaic.version = 14 : i64} {
  func.func @_agg_kernel(%arg0: i32, %arg1: i32, %arg2: memref<20000x64xf32, #tpu.memory_space<hbm>>, %arg3: memref<2x320000xi32, #tpu.memory_space<hbm>>, %arg4: memref<10240x128xf32, #tpu.memory_space<hbm>>, %arg5: memref<20000xi32, #tpu.memory_space<vmem>>, %arg6: memref<20000xi32, #tpu.memory_space<vmem>>, %arg7: memref<128xi32, #tpu.memory_space<vmem>>, %arg8: memref<32xi32, #tpu.memory_space<vmem>>, %arg9: memref<4x128x64xf32, #tpu.memory_space<vmem>>, %arg10: memref<128x64xf32, #tpu.memory_space<vmem>>, %arg11: memref<10240x64xf32, #tpu.memory_space<vmem_shared>>, %arg12: memref<!tpu.dma_semaphore, #tpu.memory_space<semaphore_mem>>, %arg13: memref<!tpu.dma_semaphore, #tpu.memory_space<semaphore_mem>>, %arg14: memref<!tpu.dma_semaphore, #tpu.memory_space<semaphore_mem>>, %arg15: memref<!tpu.dma_semaphore, #tpu.memory_space<semaphore_mem>>) attributes {dimension_semantics = [#tpu.dimension_semantics<core_parallel>, #tpu.dimension_semantics<subcore_parallel>], iteration_bounds = array<i64: 2, 16>, scalar_prefetch = 0 : i64, scratch_operands = 11 : i64, tpu.core_type = #tpu.core_type<sc_vector_subcore>, window_params = [{transform_indices = #map}, {transform_indices = #map}, {transform_indices = #map}]} {
    %mul3A = arith.constant 20000 : i32
    %mul3A_0 = arith.muli %arg1, %mul3A : i32
    %run_scoped3A = arith.constant 0 : i32
    "tpu.region"() ({
      %run_scoped3A_312 = tpu.sem_alloc : memref<!tpu.dma_semaphore, #tpu.memory_space<semaphore_mem>>
      %dma_start3A_313 = tpu.memref_slice %arg3[%run_scoped3A, %mul3A_0] : memref<2x320000xi32, #tpu.memory_space<hbm>> -> memref<1x20000xi32, #tpu.memory_space<hbm>>
      %dma_start3A_314 = tpu.memref_squeeze %dma_start3A_313 : memref<1x20000xi32, #tpu.memory_space<hbm>> -> memref<20000xi32, #tpu.memory_space<hbm>>
      %dma_start3A_315 = tpu.memref_slice %arg3[%run_scoped3A, %mul3A_0] : memref<2x320000xi32, #tpu.memory_space<hbm>> -> memref<1x20000xi32, #tpu.memory_space<hbm>>
      %dma_start3A_316 = tpu.memref_squeeze %dma_start3A_315 : memref<1x20000xi32, #tpu.memory_space<hbm>> -> memref<20000xi32, #tpu.memory_space<hbm>>
      tpu.enqueue_dma source(%dma_start3A_316 : memref<20000xi32, #tpu.memory_space<hbm>>) target(%arg5 : memref<20000xi32, #tpu.memory_space<vmem>>) target_semaphore(%run_scoped3A_312 : memref<!tpu.dma_semaphore, #tpu.memory_space<semaphore_mem>>)
      %dma_wait3A_317 = tpu.memref_slice %arg3[%run_scoped3A, %mul3A_0] : memref<2x320000xi32, #tpu.memory_space<hbm>> -> memref<1x20000xi32, #tpu.memory_space<hbm>>
      %dma_wait3A_318 = tpu.memref_squeeze %dma_wait3A_317 : memref<1x20000xi32, #tpu.memory_space<hbm>> -> memref<20000xi32, #tpu.memory_space<hbm>>
      %dma_wait3A_319 = tpu.memref_slice %arg3[%run_scoped3A, %mul3A_0] : memref<2x320000xi32, #tpu.memory_space<hbm>> -> memref<1x20000xi32, #tpu.memory_space<hbm>>
      %dma_wait3A_320 = tpu.memref_squeeze %dma_wait3A_319 : memref<1x20000xi32, #tpu.memory_space<hbm>> -> memref<20000xi32, #tpu.memory_space<hbm>>
      tpu.wait_dma2 semaphore(%run_scoped3A_312 : memref<!tpu.dma_semaphore, #tpu.memory_space<semaphore_mem>>) src(%dma_wait3A_320 : memref<20000xi32, #tpu.memory_space<hbm>>) dst(%arg5 : memref<20000xi32, #tpu.memory_space<vmem>>)
      tpu.yield
    }) : () -> ()
    %mul3A_1 = arith.constant 20000 : i32
    %mul3A_2 = arith.muli %arg1, %mul3A_1 : i32
    %run_scoped3A_3 = arith.constant 1 : i32
    "tpu.region"() ({
      %run_scoped3A_312 = tpu.sem_alloc : memref<!tpu.dma_semaphore, #tpu.memory_space<semaphore_mem>>
      %dma_start3A_313 = tpu.memref_slice %arg3[%run_scoped3A_3, %mul3A_2] : memref<2x320000xi32, #tpu.memory_space<hbm>> -> memref<1x20000xi32, #tpu.memory_space<hbm>>
      %dma_start3A_314 = tpu.memref_squeeze %dma_start3A_313 : memref<1x20000xi32, #tpu.memory_space<hbm>> -> memref<20000xi32, #tpu.memory_space<hbm>>
      %dma_start3A_315 = tpu.memref_slice %arg3[%run_scoped3A_3, %mul3A_2] : memref<2x320000xi32, #tpu.memory_space<hbm>> -> memref<1x20000xi32, #tpu.memory_space<hbm>>
      %dma_start3A_316 = tpu.memref_squeeze %dma_start3A_315 : memref<1x20000xi32, #tpu.memory_space<hbm>> -> memref<20000xi32, #tpu.memory_space<hbm>>
      tpu.enqueue_dma source(%dma_start3A_316 : memref<20000xi32, #tpu.memory_space<hbm>>) target(%arg6 : memref<20000xi32, #tpu.memory_space<vmem>>) target_semaphore(%run_scoped3A_312 : memref<!tpu.dma_semaphore, #tpu.memory_space<semaphore_mem>>)
      %dma_wait3A_317 = tpu.memref_slice %arg3[%run_scoped3A_3, %mul3A_2] : memref<2x320000xi32, #tpu.memory_space<hbm>> -> memref<1x20000xi32, #tpu.memory_space<hbm>>
      %dma_wait3A_318 = tpu.memref_squeeze %dma_wait3A_317 : memref<1x20000xi32, #tpu.memory_space<hbm>> -> memref<20000xi32, #tpu.memory_space<hbm>>
      %dma_wait3A_319 = tpu.memref_slice %arg3[%run_scoped3A_3, %mul3A_2] : memref<2x320000xi32, #tpu.memory_space<hbm>> -> memref<1x20000xi32, #tpu.memory_space<hbm>>
      %dma_wait3A_320 = tpu.memref_squeeze %dma_wait3A_319 : memref<1x20000xi32, #tpu.memory_space<hbm>> -> memref<20000xi32, #tpu.memory_space<hbm>>
      tpu.wait_dma2 semaphore(%run_scoped3A_312 : memref<!tpu.dma_semaphore, #tpu.memory_space<semaphore_mem>>) src(%dma_wait3A_320 : memref<20000xi32, #tpu.memory_space<hbm>>) dst(%arg6 : memref<20000xi32, #tpu.memory_space<vmem>>)
      tpu.yield
    }) : () -> ()
    %scan3A = arith.constant 0 : i32
    %scan3A_4 = arith.constant 1250 : i32
    %scan3A_5 = arith.addi %scan3A, %scan3A_4 : i32
    %scan3A_6 = arith.constant 1 : i32
    scf.for %scan3A_312 = %scan3A to %scan3A_5 step %scan3A_6  : i32 {
      %mul3A_313 = arith.constant 16 : i32
      %mul3A_314 = arith.muli %scan3A_312, %mul3A_313 : i32
      %add3A_315 = arith.constant 0 : i32
      %add3A_316 = arith.addi %add3A_315, %mul3A_314 : i32
      %get3A_317 = arith.index_cast %add3A_316 : i32 to index
      %get3A_318 = tpu.vector_load %arg5[%get3A_317] {strides = array<i32>} : memref<20000xi32, #tpu.memory_space<vmem>>, vector<16xi32>,
      %mul3A_319 = arith.constant 2 : i32
      %mul3A_320 = vector.broadcast %mul3A_319 : i32 to vector<16xi32>
      %mul3A_321 = arith.muli %get3A_318, %mul3A_320 : vector<16xi32>
      %add3A_322 = vector.broadcast %arg0 : i32 to vector<16xi32>
      %add3A_323 = arith.addi %mul3A_321, %add3A_322 : vector<16xi32>
      %swap3A_324 = arith.index_cast %add3A_316 : i32 to index
      %swap3A_325 = tpu.vector_load %arg5[%swap3A_324] {strides = array<i32>} : memref<20000xi32, #tpu.memory_space<vmem>>, vector<16xi32>,
      tpu.vector_store %arg5[%swap3A_324], %add3A_323 {strides = array<i32>} : memref<20000xi32, #tpu.memory_space<vmem>>, vector<16xi32>,
    }
    %scan3A_7 = arith.constant 1250 : i32
    %broadcast_in_dim3A = arith.constant 0.000000e+00 : f32
    %broadcast_in_dim3A_8 = vector.broadcast %broadcast_in_dim3A : f32 to vector<16xf32>
    %scan3A_9 = arith.constant 0 : i32
    %scan3A_10 = arith.constant 128 : i32
    %scan3A_11 = arith.addi %scan3A_9, %scan3A_10 : i32
    %scan3A_12 = arith.constant 1 : i32
    scf.for %scan3A_312 = %scan3A_9 to %scan3A_11 step %scan3A_12  : i32 {
      %mul3A_313 = arith.constant 1 : i32
      %mul3A_314 = arith.muli %scan3A_312, %mul3A_313 : i32
      %add3A_315 = arith.constant 0 : i32
      %add3A_316 = arith.addi %add3A_315, %mul3A_314 : i32
      %swap3A_317 = arith.index_cast %add3A_316 : i32 to index
      %swap3A_318 = arith.constant 0 : index
      %swap3A_319 = tpu.vector_load %arg10[%swap3A_317, %swap3A_318] {strides = array<i32>} : memref<128x64xf32, #tpu.memory_space<vmem>>, vector<16xf32>,
      tpu.vector_store %arg10[%swap3A_317, %swap3A_318], %broadcast_in_dim3A_8 {strides = array<i32>} : memref<128x64xf32, #tpu.memory_space<vmem>>, vector<16xf32>,
      %swap3A_320 = arith.index_cast %add3A_316 : i32 to index
      %swap3A_321 = arith.constant 16 : index
      %swap3A_322 = tpu.vector_load %arg10[%swap3A_320, %swap3A_321] {strides = array<i32>} : memref<128x64xf32, #tpu.memory_space<vmem>>, vector<16xf32>,
      tpu.vector_store %arg10[%swap3A_320, %swap3A_321], %broadcast_in_dim3A_8 {strides = array<i32>} : memref<128x64xf32, #tpu.memory_space<vmem>>, vector<16xf32>,
      %swap3A_323 = arith.index_cast %add3A_316 : i32 to index
      %swap3A_324 = arith.constant 32 : index
      %swap3A_325 = tpu.vector_load %arg10[%swap3A_323, %swap3A_324] {strides = array<i32>} : memref<128x64xf32, #tpu.memory_space<vmem>>, vector<16xf32>,
      tpu.vector_store %arg10[%swap3A_323, %swap3A_324], %broadcast_in_dim3A_8 {strides = array<i32>} : memref<128x64xf32, #tpu.memory_space<vmem>>, vector<16xf32>,
      %swap3A_326 = arith.index_cast %add3A_316 : i32 to index
      %swap3A_327 = arith.constant 48 : index
      %swap3A_328 = tpu.vector_load %arg10[%swap3A_326, %swap3A_327] {strides = array<i32>} : memref<128x64xf32, #tpu.memory_space<vmem>>, vector<16xf32>,
      tpu.vector_store %arg10[%swap3A_326, %swap3A_327], %broadcast_in_dim3A_8 {strides = array<i32>} : memref<128x64xf32, #tpu.memory_space<vmem>>, vector<16xf32>,
    }
    %scan3A_13 = arith.constant 128 : i32
    %mul3A_14 = arith.constant 640 : i32
    %mul3A_15 = arith.muli %arg1, %mul3A_14 : i32
    %add3A = arith.constant 0 : i32
    %add3A_16 = arith.addi %mul3A_15, %add3A : i32
    "tpu.region"() ({
      %run_scoped3A_312 = tpu.sem_alloc : memref<!tpu.dma_semaphore, #tpu.memory_space<semaphore_mem>>
      %dma_start3A_313 = arith.constant 0 : i32
      %dma_start3A_314 = tpu.memref_slice %arg11[%add3A_16, %dma_start3A_313] : memref<10240x64xf32, #tpu.memory_space<vmem_shared>> -> memref<128x64xf32, #tpu.memory_space<vmem_shared>>
      %dma_start3A_315 = arith.constant 0 : i32
      %dma_start3A_316 = tpu.memref_slice %arg11[%add3A_16, %dma_start3A_315] : memref<10240x64xf32, #tpu.memory_space<vmem_shared>> -> memref<128x64xf32, #tpu.memory_space<vmem_shared>>
      tpu.enqueue_dma source(%arg10 : memref<128x64xf32, #tpu.memory_space<vmem>>) target(%dma_start3A_316 : memref<128x64xf32, #tpu.memory_space<vmem_shared>>) target_semaphore(%run_scoped3A_312 : memref<!tpu.dma_semaphore, #tpu.memory_space<semaphore_mem>>)
      %dma_wait3A_317 = arith.constant 0 : i32
      %dma_wait3A_318 = tpu.memref_slice %arg11[%add3A_16, %dma_wait3A_317] : memref<10240x64xf32, #tpu.memory_space<vmem_shared>> -> memref<128x64xf32, #tpu.memory_space<vmem_shared>>
      %dma_wait3A_319 = arith.constant 0 : i32
      %dma_wait3A_320 = tpu.memref_slice %arg11[%add3A_16, %dma_wait3A_319] : memref<10240x64xf32, #tpu.memory_space<vmem_shared>> -> memref<128x64xf32, #tpu.memory_space<vmem_shared>>
      tpu.wait_dma2 semaphore(%run_scoped3A_312 : memref<!tpu.dma_semaphore, #tpu.memory_space<semaphore_mem>>) src(%arg10 : memref<128x64xf32, #tpu.memory_space<vmem>>) dst(%dma_wait3A_320 : memref<128x64xf32, #tpu.memory_space<vmem_shared>>)
      tpu.yield
    }) : () -> ()
    %mul3A_17 = arith.constant 640 : i32
    %mul3A_18 = arith.muli %arg1, %mul3A_17 : i32
    %add3A_19 = arith.constant 128 : i32
    %add3A_20 = arith.addi %mul3A_18, %add3A_19 : i32
    "tpu.region"() ({
      %run_scoped3A_312 = tpu.sem_alloc : memref<!tpu.dma_semaphore, #tpu.memory_space<semaphore_mem>>
      %dma_start3A_313 = arith.constant 0 : i32
      %dma_start3A_314 = tpu.memref_slice %arg11[%add3A_20, %dma_start3A_313] : memref<10240x64xf32, #tpu.memory_space<vmem_shared>> -> memref<128x64xf32, #tpu.memory_space<vmem_shared>>
      %dma_start3A_315 = arith.constant 0 : i32
      %dma_start3A_316 = tpu.memref_slice %arg11[%add3A_20, %dma_start3A_315] : memref<10240x64xf32, #tpu.memory_space<vmem_shared>> -> memref<128x64xf32, #tpu.memory_space<vmem_shared>>
      tpu.enqueue_dma source(%arg10 : memref<128x64xf32, #tpu.memory_space<vmem>>) target(%dma_start3A_316 : memref<128x64xf32, #tpu.memory_space<vmem_shared>>) target_semaphore(%run_scoped3A_312 : memref<!tpu.dma_semaphore, #tpu.memory_space<semaphore_mem>>)
      %dma_wait3A_317 = arith.constant 0 : i32
      %dma_wait3A_318 = tpu.memref_slice %arg11[%add3A_20, %dma_wait3A_317] : memref<10240x64xf32, #tpu.memory_space<vmem_shared>> -> memref<128x64xf32, #tpu.memory_space<vmem_shared>>
      %dma_wait3A_319 = arith.constant 0 : i32
      %dma_wait3A_320 = tpu.memref_slice %arg11[%add3A_20, %dma_wait3A_319] : memref<10240x64xf32, #tpu.memory_space<vmem_shared>> -> memref<128x64xf32, #tpu.memory_space<vmem_shared>>
      tpu.wait_dma2 semaphore(%run_scoped3A_312 : memref<!tpu.dma_semaphore, #tpu.memory_space<semaphore_mem>>) src(%arg10 : memref<128x64xf32, #tpu.memory_space<vmem>>) dst(%dma_wait3A_320 : memref<128x64xf32, #tpu.memory_space<vmem_shared>>)
      tpu.yield
    }) : () -> ()
    %mul3A_21 = arith.constant 640 : i32
    %mul3A_22 = arith.muli %arg1, %mul3A_21 : i32
    %add3A_23 = arith.constant 256 : i32
    %add3A_24 = arith.addi %mul3A_22, %add3A_23 : i32
    "tpu.region"() ({
      %run_scoped3A_312 = tpu.sem_alloc : memref<!tpu.dma_semaphore, #tpu.memory_space<semaphore_mem>>
      %dma_start3A_313 = arith.constant 0 : i32
      %dma_start3A_314 = tpu.memref_slice %arg11[%add3A_24, %dma_start3A_313] : memref<10240x64xf32, #tpu.memory_space<vmem_shared>> -> memref<128x64xf32, #tpu.memory_space<vmem_shared>>
      %dma_start3A_315 = arith.constant 0 : i32
      %dma_start3A_316 = tpu.memref_slice %arg11[%add3A_24, %dma_start3A_315] : memref<10240x64xf32, #tpu.memory_space<vmem_shared>> -> memref<128x64xf32, #tpu.memory_space<vmem_shared>>
      tpu.enqueue_dma source(%arg10 : memref<128x64xf32, #tpu.memory_space<vmem>>) target(%dma_start3A_316 : memref<128x64xf32, #tpu.memory_space<vmem_shared>>) target_semaphore(%run_scoped3A_312 : memref<!tpu.dma_semaphore, #tpu.memory_space<semaphore_mem>>)
      %dma_wait3A_317 = arith.constant 0 : i32
      %dma_wait3A_318 = tpu.memref_slice %arg11[%add3A_24, %dma_wait3A_317] : memref<10240x64xf32, #tpu.memory_space<vmem_shared>> -> memref<128x64xf32, #tpu.memory_space<vmem_shared>>
      %dma_wait3A_319 = arith.constant 0 : i32
      %dma_wait3A_320 = tpu.memref_slice %arg11[%add3A_24, %dma_wait3A_319] : memref<10240x64xf32, #tpu.memory_space<vmem_shared>> -> memref<128x64xf32, #tpu.memory_space<vmem_shared>>
      tpu.wait_dma2 semaphore(%run_scoped3A_312 : memref<!tpu.dma_semaphore, #tpu.memory_space<semaphore_mem>>) src(%arg10 : memref<128x64xf32, #tpu.memory_space<vmem>>) dst(%dma_wait3A_320 : memref<128x64xf32, #tpu.memory_space<vmem_shared>>)
      tpu.yield
    }) : () -> ()
    %mul3A_25 = arith.constant 640 : i32
    %mul3A_26 = arith.muli %arg1, %mul3A_25 : i32
    %add3A_27 = arith.constant 384 : i32
    %add3A_28 = arith.addi %mul3A_26, %add3A_27 : i32
    "tpu.region"() ({
      %run_scoped3A_312 = tpu.sem_alloc : memref<!tpu.dma_semaphore, #tpu.memory_space<semaphore_mem>>
      %dma_start3A_313 = arith.constant 0 : i32
      %dma_start3A_314 = tpu.memref_slice %arg11[%add3A_28, %dma_start3A_313] : memref<10240x64xf32, #tpu.memory_space<vmem_shared>> -> memref<128x64xf32, #tpu.memory_space<vmem_shared>>
      %dma_start3A_315 = arith.constant 0 : i32
      %dma_start3A_316 = tpu.memref_slice %arg11[%add3A_28, %dma_start3A_315] : memref<10240x64xf32, #tpu.memory_space<vmem_shared>> -> memref<128x64xf32, #tpu.memory_space<vmem_shared>>
      tpu.enqueue_dma source(%arg10 : memref<128x64xf32, #tpu.memory_space<vmem>>) target(%dma_start3A_316 : memref<128x64xf32, #tpu.memory_space<vmem_shared>>) target_semaphore(%run_scoped3A_312 : memref<!tpu.dma_semaphore, #tpu.memory_space<semaphore_mem>>)
      %dma_wait3A_317 = arith.constant 0 : i32
      %dma_wait3A_318 = tpu.memref_slice %arg11[%add3A_28, %dma_wait3A_317] : memref<10240x64xf32, #tpu.memory_space<vmem_shared>> -> memref<128x64xf32, #tpu.memory_space<vmem_shared>>
      %dma_wait3A_319 = arith.constant 0 : i32
      %dma_wait3A_320 = tpu.memref_slice %arg11[%add3A_28, %dma_wait3A_319] : memref<10240x64xf32, #tpu.memory_space<vmem_shared>> -> memref<128x64xf32, #tpu.memory_space<vmem_shared>>
      tpu.wait_dma2 semaphore(%run_scoped3A_312 : memref<!tpu.dma_semaphore, #tpu.memory_space<semaphore_mem>>) src(%arg10 : memref<128x64xf32, #tpu.memory_space<vmem>>) dst(%dma_wait3A_320 : memref<128x64xf32, #tpu.memory_space<vmem_shared>>)
      tpu.yield
    }) : () -> ()
    %mul3A_29 = arith.constant 640 : i32
    %mul3A_30 = arith.muli %arg1, %mul3A_29 : i32
    %add3A_31 = arith.constant 512 : i32
    %add3A_32 = arith.addi %mul3A_30, %add3A_31 : i32
    "tpu.region"() ({
      %run_scoped3A_312 = tpu.sem_alloc : memref<!tpu.dma_semaphore, #tpu.memory_space<semaphore_mem>>
      %dma_start3A_313 = arith.constant 0 : i32
      %dma_start3A_314 = tpu.memref_slice %arg11[%add3A_32, %dma_start3A_313] : memref<10240x64xf32, #tpu.memory_space<vmem_shared>> -> memref<128x64xf32, #tpu.memory_space<vmem_shared>>
      %dma_start3A_315 = arith.constant 0 : i32
      %dma_start3A_316 = tpu.memref_slice %arg11[%add3A_32, %dma_start3A_315] : memref<10240x64xf32, #tpu.memory_space<vmem_shared>> -> memref<128x64xf32, #tpu.memory_space<vmem_shared>>
      tpu.enqueue_dma source(%arg10 : memref<128x64xf32, #tpu.memory_space<vmem>>) target(%dma_start3A_316 : memref<128x64xf32, #tpu.memory_space<vmem_shared>>) target_semaphore(%run_scoped3A_312 : memref<!tpu.dma_semaphore, #tpu.memory_space<semaphore_mem>>)
      %dma_wait3A_317 = arith.constant 0 : i32
      %dma_wait3A_318 = tpu.memref_slice %arg11[%add3A_32, %dma_wait3A_317] : memref<10240x64xf32, #tpu.memory_space<vmem_shared>> -> memref<128x64xf32, #tpu.memory_space<vmem_shared>>
      %dma_wait3A_319 = arith.constant 0 : i32
      %dma_wait3A_320 = tpu.memref_slice %arg11[%add3A_32, %dma_wait3A_319] : memref<10240x64xf32, #tpu.memory_space<vmem_shared>> -> memref<128x64xf32, #tpu.memory_space<vmem_shared>>
      tpu.wait_dma2 semaphore(%run_scoped3A_312 : memref<!tpu.dma_semaphore, #tpu.memory_space<semaphore_mem>>) src(%arg10 : memref<128x64xf32, #tpu.memory_space<vmem>>) dst(%dma_wait3A_320 : memref<128x64xf32, #tpu.memory_space<vmem_shared>>)
      tpu.yield
    }) : () -> ()
    %barrier3A = arith.constant 0 : index
    tpu.barrier barrier_id(%barrier3A)
    %dma_start3A = arith.constant 0 : i32
    %dma_start3A_33 = arith.constant 0 : i32
    %dma_start3A_34 = arith.constant 0 : i32
    %dma_start3A_35 = tpu.memref_slice %arg9[%dma_start3A, %dma_start3A_33, %dma_start3A_34] : memref<4x128x64xf32, #tpu.memory_space<vmem>> -> memref<1x128x64xf32, #tpu.memory_space<vmem>>
    %dma_start3A_36 = tpu.memref_squeeze %dma_start3A_35 : memref<1x128x64xf32, #tpu.memory_space<vmem>> -> memref<128x64xf32, #tpu.memory_space<vmem>>
    %dma_start3A_37 = arith.constant 0 : i32
    %dma_start3A_38 = tpu.memref_slice %arg5[%dma_start3A_37] : memref<20000xi32, #tpu.memory_space<vmem>> -> memref<128xi32, #tpu.memory_space<vmem>>
    %dma_start3A_39 = arith.constant 0 : i32
    %dma_start3A_40 = arith.constant 0 : i32
    %dma_start3A_41 = tpu.memref_slice %arg2[%dma_start3A_39, %dma_start3A_40] : memref<20000x64xf32, #tpu.memory_space<hbm>> -> memref<20000x64xf32, #tpu.memory_space<hbm>>
    tpu.enqueue_indirect_dma source(%dma_start3A_41 : memref<20000x64xf32, #tpu.memory_space<hbm>>) target(%dma_start3A_36 : memref<128x64xf32, #tpu.memory_space<vmem>>) offsets(%dma_start3A_38 : memref<128xi32, #tpu.memory_space<vmem>>) semaphore(%arg12 : memref<!tpu.dma_semaphore, #tpu.memory_space<semaphore_mem>>)
    %dma_start3A_42 = arith.constant 1 : i32
    %dma_start3A_43 = arith.constant 0 : i32
    %dma_start3A_44 = arith.constant 0 : i32
    %dma_start3A_45 = tpu.memref_slice %arg9[%dma_start3A_42, %dma_start3A_43, %dma_start3A_44] : memref<4x128x64xf32, #tpu.memory_space<vmem>> -> memref<1x128x64xf32, #tpu.memory_space<vmem>>
    %dma_start3A_46 = tpu.memref_squeeze %dma_start3A_45 : memref<1x128x64xf32, #tpu.memory_space<vmem>> -> memref<128x64xf32, #tpu.memory_space<vmem>>
    %dma_start3A_47 = arith.constant 128 : i32
    %dma_start3A_48 = tpu.memref_slice %arg5[%dma_start3A_47] : memref<20000xi32, #tpu.memory_space<vmem>> -> memref<128xi32, #tpu.memory_space<vmem>>
    %dma_start3A_49 = arith.constant 0 : i32
    %dma_start3A_50 = arith.constant 0 : i32
    %dma_start3A_51 = tpu.memref_slice %arg2[%dma_start3A_49, %dma_start3A_50] : memref<20000x64xf32, #tpu.memory_space<hbm>> -> memref<20000x64xf32, #tpu.memory_space<hbm>>
    tpu.enqueue_indirect_dma source(%dma_start3A_51 : memref<20000x64xf32, #tpu.memory_space<hbm>>) target(%dma_start3A_46 : memref<128x64xf32, #tpu.memory_space<vmem>>) offsets(%dma_start3A_48 : memref<128xi32, #tpu.memory_space<vmem>>) semaphore(%arg13 : memref<!tpu.dma_semaphore, #tpu.memory_space<semaphore_mem>>)
    %dma_start3A_52 = arith.constant 2 : i32
    %dma_start3A_53 = arith.constant 0 : i32
    %dma_start3A_54 = arith.constant 0 : i32
    %dma_start3A_55 = tpu.memref_slice %arg9[%dma_start3A_52, %dma_start3A_53, %dma_start3A_54] : memref<4x128x64xf32, #tpu.memory_space<vmem>> -> memref<1x128x64xf32, #tpu.memory_space<vmem>>
    %dma_start3A_56 = tpu.memref_squeeze %dma_start3A_55 : memref<1x128x64xf32, #tpu.memory_space<vmem>> -> memref<128x64xf32, #tpu.memory_space<vmem>>
    %dma_start3A_57 = arith.constant 256 : i32
    %dma_start3A_58 = tpu.memref_slice %arg5[%dma_start3A_57] : memref<20000xi32, #tpu.memory_space<vmem>> -> memref<128xi32, #tpu.memory_space<vmem>>
    %dma_start3A_59 = arith.constant 0 : i32
    %dma_start3A_60 = arith.constant 0 : i32
    %dma_start3A_61 = tpu.memref_slice %arg2[%dma_start3A_59, %dma_start3A_60] : memref<20000x64xf32, #tpu.memory_space<hbm>> -> memref<20000x64xf32, #tpu.memory_space<hbm>>
    tpu.enqueue_indirect_dma source(%dma_start3A_61 : memref<20000x64xf32, #tpu.memory_space<hbm>>) target(%dma_start3A_56 : memref<128x64xf32, #tpu.memory_space<vmem>>) offsets(%dma_start3A_58 : memref<128xi32, #tpu.memory_space<vmem>>) semaphore(%arg14 : memref<!tpu.dma_semaphore, #tpu.memory_space<semaphore_mem>>)
    %dma_start3A_62 = arith.constant 3 : i32
    %dma_start3A_63 = arith.constant 0 : i32
    %dma_start3A_64 = arith.constant 0 : i32
    %dma_start3A_65 = tpu.memref_slice %arg9[%dma_start3A_62, %dma_start3A_63, %dma_start3A_64] : memref<4x128x64xf32, #tpu.memory_space<vmem>> -> memref<1x128x64xf32, #tpu.memory_space<vmem>>
    %dma_start3A_66 = tpu.memref_squeeze %dma_start3A_65 : memref<1x128x64xf32, #tpu.memory_space<vmem>> -> memref<128x64xf32, #tpu.memory_space<vmem>>
    %dma_start3A_67 = arith.constant 384 : i32
    %dma_start3A_68 = tpu.memref_slice %arg5[%dma_start3A_67] : memref<20000xi32, #tpu.memory_space<vmem>> -> memref<128xi32, #tpu.memory_space<vmem>>
    %dma_start3A_69 = arith.constant 0 : i32
    %dma_start3A_70 = arith.constant 0 : i32
    %dma_start3A_71 = tpu.memref_slice %arg2[%dma_start3A_69, %dma_start3A_70] : memref<20000x64xf32, #tpu.memory_space<hbm>> -> memref<20000x64xf32, #tpu.memory_space<hbm>>
    tpu.enqueue_indirect_dma source(%dma_start3A_71 : memref<20000x64xf32, #tpu.memory_space<hbm>>) target(%dma_start3A_66 : memref<128x64xf32, #tpu.memory_space<vmem>>) offsets(%dma_start3A_68 : memref<128xi32, #tpu.memory_space<vmem>>) semaphore(%arg15 : memref<!tpu.dma_semaphore, #tpu.memory_space<semaphore_mem>>)
    %dma_wait3A = arith.constant 0 : i32
    %dma_wait3A_72 = arith.constant 0 : i32
    %dma_wait3A_73 = arith.constant 0 : i32
    %dma_wait3A_74 = tpu.memref_slice %arg9[%dma_wait3A, %dma_wait3A_72, %dma_wait3A_73] : memref<4x128x64xf32, #tpu.memory_space<vmem>> -> memref<1x128x64xf32, #tpu.memory_space<vmem>>
    %dma_wait3A_75 = tpu.memref_squeeze %dma_wait3A_74 : memref<1x128x64xf32, #tpu.memory_space<vmem>> -> memref<128x64xf32, #tpu.memory_space<vmem>>
    %dma_wait3A_76 = arith.constant 0 : i32
    %dma_wait3A_77 = tpu.memref_slice %arg5[%dma_wait3A_76] : memref<20000xi32, #tpu.memory_space<vmem>> -> memref<128xi32, #tpu.memory_space<vmem>>
    %dma_wait3A_78 = arith.constant 0 : i32
    %dma_wait3A_79 = arith.constant 0 : i32
    %dma_wait3A_80 = tpu.memref_slice %arg2[%dma_wait3A_78, %dma_wait3A_79] : memref<20000x64xf32, #tpu.memory_space<hbm>> -> memref<20000x64xf32, #tpu.memory_space<hbm>>
    tpu.wait_indirect_dma semaphore(%arg12 : memref<!tpu.dma_semaphore, #tpu.memory_space<semaphore_mem>>) src(%dma_wait3A_80 : memref<20000x64xf32, #tpu.memory_space<hbm>>) dst(%dma_wait3A_75 : memref<128x64xf32, #tpu.memory_space<vmem>>)
    %get3A = arith.constant 0 : index
    %get3A_81 = tpu.vector_load %arg6[%get3A] {strides = array<i32>} : memref<20000xi32, #tpu.memory_space<vmem>>, vector<16xi32>,
    %swap3A = arith.constant 0 : index
    %swap3A_82 = tpu.vector_load %arg7[%swap3A] {strides = array<i32>} : memref<128xi32, #tpu.memory_space<vmem>>, vector<16xi32>,
    tpu.vector_store %arg7[%swap3A], %get3A_81 {strides = array<i32>} : memref<128xi32, #tpu.memory_space<vmem>>, vector<16xi32>,
    %get3A_83 = arith.constant 16 : index
    %get3A_84 = tpu.vector_load %arg6[%get3A_83] {strides = array<i32>} : memref<20000xi32, #tpu.memory_space<vmem>>, vector<16xi32>,
    %swap3A_85 = arith.constant 16 : index
    %swap3A_86 = tpu.vector_load %arg7[%swap3A_85] {strides = array<i32>} : memref<128xi32, #tpu.memory_space<vmem>>, vector<16xi32>,
    tpu.vector_store %arg7[%swap3A_85], %get3A_84 {strides = array<i32>} : memref<128xi32, #tpu.memory_space<vmem>>, vector<16xi32>,
    %get3A_87 = arith.constant 32 : index
    %get3A_88 = tpu.vector_load %arg6[%get3A_87] {strides = array<i32>} : memref<20000xi32, #tpu.memory_space<vmem>>, vector<16xi32>,
    %swap3A_89 = arith.constant 32 : index
    %swap3A_90 = tpu.vector_load %arg7[%swap3A_89] {strides = array<i32>} : memref<128xi32, #tpu.memory_space<vmem>>, vector<16xi32>,
    tpu.vector_store %arg7[%swap3A_89], %get3A_88 {strides = array<i32>} : memref<128xi32, #tpu.memory_space<vmem>>, vector<16xi32>,
    %get3A_91 = arith.constant 48 : index
    %get3A_92 = tpu.vector_load %arg6[%get3A_91] {strides = array<i32>} : memref<20000xi32, #tpu.memory_space<vmem>>, vector<16xi32>,
    %swap3A_93 = arith.constant 48 : index
    %swap3A_94 = tpu.vector_load %arg7[%swap3A_93] {strides = array<i32>} : memref<128xi32, #tpu.memory_space<vmem>>, vector<16xi32>,
    tpu.vector_store %arg7[%swap3A_93], %get3A_92 {strides = array<i32>} : memref<128xi32, #tpu.memory_space<vmem>>, vector<16xi32>,
    %get3A_95 = arith.constant 64 : index
    %get3A_96 = tpu.vector_load %arg6[%get3A_95] {strides = array<i32>} : memref<20000xi32, #tpu.memory_space<vmem>>, vector<16xi32>,
    %swap3A_97 = arith.constant 64 : index
    %swap3A_98 = tpu.vector_load %arg7[%swap3A_97] {strides = array<i32>} : memref<128xi32, #tpu.memory_space<vmem>>, vector<16xi32>,
    tpu.vector_store %arg7[%swap3A_97], %get3A_96 {strides = array<i32>} : memref<128xi32, #tpu.memory_space<vmem>>, vector<16xi32>,
    %get3A_99 = arith.constant 80 : index
    %get3A_100 = tpu.vector_load %arg6[%get3A_99] {strides = array<i32>} : memref<20000xi32, #tpu.memory_space<vmem>>, vector<16xi32>,
    %swap3A_101 = arith.constant 80 : index
    %swap3A_102 = tpu.vector_load %arg7[%swap3A_101] {strides = array<i32>} : memref<128xi32, #tpu.memory_space<vmem>>, vector<16xi32>,
    tpu.vector_store %arg7[%swap3A_101], %get3A_100 {strides = array<i32>} : memref<128xi32, #tpu.memory_space<vmem>>, vector<16xi32>,
    %get3A_103 = arith.constant 96 : index
    %get3A_104 = tpu.vector_load %arg6[%get3A_103] {strides = array<i32>} : memref<20000xi32, #tpu.memory_space<vmem>>, vector<16xi32>,
    %swap3A_105 = arith.constant 96 : index
    %swap3A_106 = tpu.vector_load %arg7[%swap3A_105] {strides = array<i32>} : memref<128xi32, #tpu.memory_space<vmem>>, vector<16xi32>,
    tpu.vector_store %arg7[%swap3A_105], %get3A_104 {strides = array<i32>} : memref<128xi32, #tpu.memory_space<vmem>>, vector<16xi32>,
    %get3A_107 = arith.constant 112 : index
    %get3A_108 = tpu.vector_load %arg6[%get3A_107] {strides = array<i32>} : memref<20000xi32, #tpu.memory_space<vmem>>, vector<16xi32>,
    %swap3A_109 = arith.constant 112 : index
    %swap3A_110 = tpu.vector_load %arg7[%swap3A_109] {strides = array<i32>} : memref<128xi32, #tpu.memory_space<vmem>>, vector<16xi32>,
    tpu.vector_store %arg7[%swap3A_109], %get3A_108 {strides = array<i32>} : memref<128xi32, #tpu.memory_space<vmem>>, vector<16xi32>,
    %run_scoped3A_111 = arith.constant 0 : i32
    "tpu.region"() ({
      %run_scoped3A_312 = tpu.sem_alloc : memref<!tpu.dma_semaphore, #tpu.memory_space<semaphore_mem>>
      %dma_start3A_313 = arith.constant 0 : i32
      %dma_start3A_314 = arith.constant 0 : i32
      %dma_start3A_315 = tpu.memref_slice %arg9[%run_scoped3A_111, %dma_start3A_313, %dma_start3A_314] : memref<4x128x64xf32, #tpu.memory_space<vmem>> -> memref<1x128x64xf32, #tpu.memory_space<vmem>>
      %dma_start3A_316 = tpu.memref_squeeze %dma_start3A_315 : memref<1x128x64xf32, #tpu.memory_space<vmem>> -> memref<128x64xf32, #tpu.memory_space<vmem>>
      %dma_start3A_317 = arith.constant 0 : i32
      %dma_start3A_318 = arith.constant 0 : i32
      %dma_start3A_319 = tpu.memref_slice %arg11[%dma_start3A_317, %dma_start3A_318] : memref<10240x64xf32, #tpu.memory_space<vmem_shared>> -> memref<10240x64xf32, #tpu.memory_space<vmem_shared>>
      tpu.enqueue_indirect_dma source(%dma_start3A_316 : memref<128x64xf32, #tpu.memory_space<vmem>>) target(%dma_start3A_319 : memref<10240x64xf32, #tpu.memory_space<vmem_shared>>) offsets(%arg7 : memref<128xi32, #tpu.memory_space<vmem>>) semaphore(%run_scoped3A_312 : memref<!tpu.dma_semaphore, #tpu.memory_space<semaphore_mem>>) {add = true}
      %dma_wait3A_320 = arith.constant 0 : i32
      %dma_wait3A_321 = arith.constant 0 : i32
      %dma_wait3A_322 = tpu.memref_slice %arg9[%run_scoped3A_111, %dma_wait3A_320, %dma_wait3A_321] : memref<4x128x64xf32, #tpu.memory_space<vmem>> -> memref<1x128x64xf32, #tpu.memory_space<vmem>>
      %dma_wait3A_323 = tpu.memref_squeeze %dma_wait3A_322 : memref<1x128x64xf32, #tpu.memory_space<vmem>> -> memref<128x64xf32, #tpu.memory_space<vmem>>
      %dma_wait3A_324 = arith.constant 0 : i32
      %dma_wait3A_325 = arith.constant 0 : i32
      %dma_wait3A_326 = tpu.memref_slice %arg11[%dma_wait3A_324, %dma_wait3A_325] : memref<10240x64xf32, #tpu.memory_space<vmem_shared>> -> memref<10240x64xf32, #tpu.memory_space<vmem_shared>>
      tpu.wait_indirect_dma semaphore(%run_scoped3A_312 : memref<!tpu.dma_semaphore, #tpu.memory_space<semaphore_mem>>) src(%dma_wait3A_323 : memref<128x64xf32, #tpu.memory_space<vmem>>) dst(%dma_wait3A_326 : memref<10240x64xf32, #tpu.memory_space<vmem_shared>>)
      tpu.yield
    }) : () -> ()
    %scan3A_112 = arith.constant 0 : i32
    %scan3A_113 = arith.constant 38 : i32
    %scan3A_114 = arith.addi %scan3A_112, %scan3A_113 : i32
    %scan3A_115 = arith.constant 1 : i32
    scf.for %scan3A_312 = %scan3A_112 to %scan3A_114 step %scan3A_115  : i32 {
      %mul3A_313 = arith.constant 1 : i32
      %mul3A_314 = arith.muli %scan3A_312, %mul3A_313 : i32
      %add3A_315 = arith.constant 0 : i32
      %add3A_316 = arith.addi %add3A_315, %mul3A_314 : i32
      %mul3A_317 = arith.constant 4 : i32
      %mul3A_318 = arith.muli %mul3A_317, %add3A_316 : i32
      %add3A_319 = arith.constant 1 : i32
      %add3A_320 = arith.addi %mul3A_318, %add3A_319 : i32
      %add3A_321 = arith.constant 0 : i32
      %add3A_322 = arith.addi %add3A_320, %add3A_321 : i32
      %add3A_323 = arith.constant 3 : i32
      %add3A_324 = arith.addi %add3A_322, %add3A_323 : i32
      %mul3A_325 = arith.constant 128 : i32
      %mul3A_326 = arith.muli %add3A_324, %mul3A_325 : i32
      %dma_start3A_327 = arith.constant 0 : i32
      %dma_start3A_328 = arith.constant 0 : i32
      %dma_start3A_329 = arith.constant 0 : i32
      %dma_start3A_330 = tpu.memref_slice %arg9[%dma_start3A_327, %dma_start3A_328, %dma_start3A_329] : memref<4x128x64xf32, #tpu.memory_space<vmem>> -> memref<1x128x64xf32, #tpu.memory_space<vmem>>
      %dma_start3A_331 = tpu.memref_squeeze %dma_start3A_330 : memref<1x128x64xf32, #tpu.memory_space<vmem>> -> memref<128x64xf32, #tpu.memory_space<vmem>>
      %dma_start3A_332 = tpu.memref_slice %arg5[%mul3A_326] : memref<20000xi32, #tpu.memory_space<vmem>> -> memref<128xi32, #tpu.memory_space<vmem>>
      %dma_start3A_333 = arith.constant 0 : i32
      %dma_start3A_334 = arith.constant 0 : i32
      %dma_start3A_335 = tpu.memref_slice %arg2[%dma_start3A_333, %dma_start3A_334] : memref<20000x64xf32, #tpu.memory_space<hbm>> -> memref<20000x64xf32, #tpu.memory_space<hbm>>
      tpu.enqueue_indirect_dma source(%dma_start3A_335 : memref<20000x64xf32, #tpu.memory_space<hbm>>) target(%dma_start3A_331 : memref<128x64xf32, #tpu.memory_space<vmem>>) offsets(%dma_start3A_332 : memref<128xi32, #tpu.memory_space<vmem>>) semaphore(%arg12 : memref<!tpu.dma_semaphore, #tpu.memory_space<semaphore_mem>>)
      %mul3A_336 = arith.constant 128 : i32
      %mul3A_337 = arith.muli %add3A_322, %mul3A_336 : i32
      %dma_wait3A_338 = arith.constant 1 : i32
      %dma_wait3A_339 = arith.constant 0 : i32
      %dma_wait3A_340 = arith.constant 0 : i32
      %dma_wait3A_341 = tpu.memref_slice %arg9[%dma_wait3A_338, %dma_wait3A_339, %dma_wait3A_340] : memref<4x128x64xf32, #tpu.memory_space<vmem>> -> memref<1x128x64xf32, #tpu.memory_space<vmem>>
      %dma_wait3A_342 = tpu.memref_squeeze %dma_wait3A_341 : memref<1x128x64xf32, #tpu.memory_space<vmem>> -> memref<128x64xf32, #tpu.memory_space<vmem>>
      %dma_wait3A_343 = tpu.memref_slice %arg5[%mul3A_337] : memref<20000xi32, #tpu.memory_space<vmem>> -> memref<128xi32, #tpu.memory_space<vmem>>
      %dma_wait3A_344 = arith.constant 0 : i32
      %dma_wait3A_345 = arith.constant 0 : i32
      %dma_wait3A_346 = tpu.memref_slice %arg2[%dma_wait3A_344, %dma_wait3A_345] : memref<20000x64xf32, #tpu.memory_space<hbm>> -> memref<20000x64xf32, #tpu.memory_space<hbm>>
      tpu.wait_indirect_dma semaphore(%arg13 : memref<!tpu.dma_semaphore, #tpu.memory_space<semaphore_mem>>) src(%dma_wait3A_346 : memref<20000x64xf32, #tpu.memory_space<hbm>>) dst(%dma_wait3A_342 : memref<128x64xf32, #tpu.memory_space<vmem>>)
      %mul3A_347 = arith.constant 128 : i32
      %mul3A_348 = arith.muli %add3A_322, %mul3A_347 : i32
      %add3A_349 = arith.constant 0 : i32
      %add3A_350 = arith.addi %mul3A_348, %add3A_349 : i32
      %get3A_351 = arith.index_cast %add3A_350 : i32 to index
      %get3A_352 = tpu.vector_load %arg6[%get3A_351] {strides = array<i32>} : memref<20000xi32, #tpu.memory_space<vmem>>, vector<16xi32>,
      %swap3A_353 = arith.constant 0 : index
      %swap3A_354 = tpu.vector_load %arg7[%swap3A_353] {strides = array<i32>} : memref<128xi32, #tpu.memory_space<vmem>>, vector<16xi32>,
      tpu.vector_store %arg7[%swap3A_353], %get3A_352 {strides = array<i32>} : memref<128xi32, #tpu.memory_space<vmem>>, vector<16xi32>,
      %mul3A_355 = arith.constant 128 : i32
      %mul3A_356 = arith.muli %add3A_322, %mul3A_355 : i32
      %add3A_357 = arith.constant 16 : i32
      %add3A_358 = arith.addi %mul3A_356, %add3A_357 : i32
      %get3A_359 = arith.index_cast %add3A_358 : i32 to index
      %get3A_360 = tpu.vector_load %arg6[%get3A_359] {strides = array<i32>} : memref<20000xi32, #tpu.memory_space<vmem>>, vector<16xi32>,
      %swap3A_361 = arith.constant 16 : index
      %swap3A_362 = tpu.vector_load %arg7[%swap3A_361] {strides = array<i32>} : memref<128xi32, #tpu.memory_space<vmem>>, vector<16xi32>,
      tpu.vector_store %arg7[%swap3A_361], %get3A_360 {strides = array<i32>} : memref<128xi32, #tpu.memory_space<vmem>>, vector<16xi32>,
      %mul3A_363 = arith.constant 128 : i32
      %mul3A_364 = arith.muli %add3A_322, %mul3A_363 : i32
      %add3A_365 = arith.constant 32 : i32
      %add3A_366 = arith.addi %mul3A_364, %add3A_365 : i32
      %get3A_367 = arith.index_cast %add3A_366 : i32 to index
      %get3A_368 = tpu.vector_load %arg6[%get3A_367] {strides = array<i32>} : memref<20000xi32, #tpu.memory_space<vmem>>, vector<16xi32>,
      %swap3A_369 = arith.constant 32 : index
      %swap3A_370 = tpu.vector_load %arg7[%swap3A_369] {strides = array<i32>} : memref<128xi32, #tpu.memory_space<vmem>>, vector<16xi32>,
      tpu.vector_store %arg7[%swap3A_369], %get3A_368 {strides = array<i32>} : memref<128xi32, #tpu.memory_space<vmem>>, vector<16xi32>,
      %mul3A_371 = arith.constant 128 : i32
      %mul3A_372 = arith.muli %add3A_322, %mul3A_371 : i32
      %add3A_373 = arith.constant 48 : i32
      %add3A_374 = arith.addi %mul3A_372, %add3A_373 : i32
      %get3A_375 = arith.index_cast %add3A_374 : i32 to index
      %get3A_376 = tpu.vector_load %arg6[%get3A_375] {strides = array<i32>} : memref<20000xi32, #tpu.memory_space<vmem>>, vector<16xi32>,
      %swap3A_377 = arith.constant 48 : index
      %swap3A_378 = tpu.vector_load %arg7[%swap3A_377] {strides = array<i32>} : memref<128xi32, #tpu.memory_space<vmem>>, vector<16xi32>,
      tpu.vector_store %arg7[%swap3A_377], %get3A_376 {strides = array<i32>} : memref<128xi32, #tpu.memory_space<vmem>>, vector<16xi32>,
      %mul3A_379 = arith.constant 128 : i32
      %mul3A_380 = arith.muli %add3A_322, %mul3A_379 : i32
      %add3A_381 = arith.constant 64 : i32
      %add3A_382 = arith.addi %mul3A_380, %add3A_381 : i32
      %get3A_383 = arith.index_cast %add3A_382 : i32 to index
      %get3A_384 = tpu.vector_load %arg6[%get3A_383] {strides = array<i32>} : memref<20000xi32, #tpu.memory_space<vmem>>, vector<16xi32>,
      %swap3A_385 = arith.constant 64 : index
      %swap3A_386 = tpu.vector_load %arg7[%swap3A_385] {strides = array<i32>} : memref<128xi32, #tpu.memory_space<vmem>>, vector<16xi32>,
      tpu.vector_store %arg7[%swap3A_385], %get3A_384 {strides = array<i32>} : memref<128xi32, #tpu.memory_space<vmem>>, vector<16xi32>,
      %mul3A_387 = arith.constant 128 : i32
      %mul3A_388 = arith.muli %add3A_322, %mul3A_387 : i32
      %add3A_389 = arith.constant 80 : i32
      %add3A_390 = arith.addi %mul3A_388, %add3A_389 : i32
      %get3A_391 = arith.index_cast %add3A_390 : i32 to index
      %get3A_392 = tpu.vector_load %arg6[%get3A_391] {strides = array<i32>} : memref<20000xi32, #tpu.memory_space<vmem>>, vector<16xi32>,
      %swap3A_393 = arith.constant 80 : index
      %swap3A_394 = tpu.vector_load %arg7[%swap3A_393] {strides = array<i32>} : memref<128xi32, #tpu.memory_space<vmem>>, vector<16xi32>,
      tpu.vector_store %arg7[%swap3A_393], %get3A_392 {strides = array<i32>} : memref<128xi32, #tpu.memory_space<vmem>>, vector<16xi32>,
      %mul3A_395 = arith.constant 128 : i32
      %mul3A_396 = arith.muli %add3A_322, %mul3A_395 : i32
      %add3A_397 = arith.constant 96 : i32
      %add3A_398 = arith.addi %mul3A_396, %add3A_397 : i32
      %get3A_399 = arith.index_cast %add3A_398 : i32 to index
      %get3A_400 = tpu.vector_load %arg6[%get3A_399] {strides = array<i32>} : memref<20000xi32, #tpu.memory_space<vmem>>, vector<16xi32>,
      %swap3A_401 = arith.constant 96 : index
      %swap3A_402 = tpu.vector_load %arg7[%swap3A_401] {strides = array<i32>} : memref<128xi32, #tpu.memory_space<vmem>>, vector<16xi32>,
      tpu.vector_store %arg7[%swap3A_401], %get3A_400 {strides = array<i32>} : memref<128xi32, #tpu.memory_space<vmem>>, vector<16xi32>,
      %mul3A_403 = arith.constant 128 : i32
      %mul3A_404 = arith.muli %add3A_322, %mul3A_403 : i32
      %add3A_405 = arith.constant 112 : i32
      %add3A_406 = arith.addi %mul3A_404, %add3A_405 : i32
      %get3A_407 = arith.index_cast %add3A_406 : i32 to index
      %get3A_408 = tpu.vector_load %arg6[%get3A_407] {strides = array<i32>} : memref<20000xi32, #tpu.memory_space<vmem>>, vector<16xi32>,
      %swap3A_409 = arith.constant 112 : index
      %swap3A_410 = tpu.vector_load %arg7[%swap3A_409] {strides = array<i32>} : memref<128xi32, #tpu.memory_space<vmem>>, vector<16xi32>,
      tpu.vector_store %arg7[%swap3A_409], %get3A_408 {strides = array<i32>} : memref<128xi32, #tpu.memory_space<vmem>>, vector<16xi32>,
      %run_scoped3A_411 = arith.constant 1 : i32
      "tpu.region"() ({
        %run_scoped3A_685 = tpu.sem_alloc : memref<!tpu.dma_semaphore, #tpu.memory_space<semaphore_mem>>
        %dma_start3A_686 = arith.constant 0 : i32
        %dma_start3A_687 = arith.constant 0 : i32
        %dma_start3A_688 = tpu.memref_slice %arg9[%run_scoped3A_411, %dma_start3A_686, %dma_start3A_687] : memref<4x128x64xf32, #tpu.memory_space<vmem>> -> memref<1x128x64xf32, #tpu.memory_space<vmem>>
        %dma_start3A_689 = tpu.memref_squeeze %dma_start3A_688 : memref<1x128x64xf32, #tpu.memory_space<vmem>> -> memref<128x64xf32, #tpu.memory_space<vmem>>
        %dma_start3A_690 = arith.constant 0 : i32
        %dma_start3A_691 = arith.constant 0 : i32
        %dma_start3A_692 = tpu.memref_slice %arg11[%dma_start3A_690, %dma_start3A_691] : memref<10240x64xf32, #tpu.memory_space<vmem_shared>> -> memref<10240x64xf32, #tpu.memory_space<vmem_shared>>
        tpu.enqueue_indirect_dma source(%dma_start3A_689 : memref<128x64xf32, #tpu.memory_space<vmem>>) target(%dma_start3A_692 : memref<10240x64xf32, #tpu.memory_space<vmem_shared>>) offsets(%arg7 : memref<128xi32, #tpu.memory_space<vmem>>) semaphore(%run_scoped3A_685 : memref<!tpu.dma_semaphore, #tpu.memory_space<semaphore_mem>>) {add = true}
        %dma_wait3A_693 = arith.constant 0 : i32
        %dma_wait3A_694 = arith.constant 0 : i32
        %dma_wait3A_695 = tpu.memref_slice %arg9[%run_scoped3A_411, %dma_wait3A_693, %dma_wait3A_694] : memref<4x128x64xf32, #tpu.memory_space<vmem>> -> memref<1x128x64xf32, #tpu.memory_space<vmem>>
        %dma_wait3A_696 = tpu.memref_squeeze %dma_wait3A_695 : memref<1x128x64xf32, #tpu.memory_space<vmem>> -> memref<128x64xf32, #tpu.memory_space<vmem>>
        %dma_wait3A_697 = arith.constant 0 : i32
        %dma_wait3A_698 = arith.constant 0 : i32
        %dma_wait3A_699 = tpu.memref_slice %arg11[%dma_wait3A_697, %dma_wait3A_698] : memref<10240x64xf32, #tpu.memory_space<vmem_shared>> -> memref<10240x64xf32, #tpu.memory_space<vmem_shared>>
        tpu.wait_indirect_dma semaphore(%run_scoped3A_685 : memref<!tpu.dma_semaphore, #tpu.memory_space<semaphore_mem>>) src(%dma_wait3A_696 : memref<128x64xf32, #tpu.memory_space<vmem>>) dst(%dma_wait3A_699 : memref<10240x64xf32, #tpu.memory_space<vmem_shared>>)
        tpu.yield
      }) : () -> ()
      %add3A_412 = arith.constant 1 : i32
      %add3A_413 = arith.addi %add3A_320, %add3A_412 : i32
      %add3A_414 = arith.constant 3 : i32
      %add3A_415 = arith.addi %add3A_413, %add3A_414 : i32
      %mul3A_416 = arith.constant 128 : i32
      %mul3A_417 = arith.muli %add3A_415, %mul3A_416 : i32
      %dma_start3A_418 = arith.constant 1 : i32
      %dma_start3A_419 = arith.constant 0 : i32
      %dma_start3A_420 = arith.constant 0 : i32
      %dma_start3A_421 = tpu.memref_slice %arg9[%dma_start3A_418, %dma_start3A_419, %dma_start3A_420] : memref<4x128x64xf32, #tpu.memory_space<vmem>> -> memref<1x128x64xf32, #tpu.memory_space<vmem>>
      %dma_start3A_422 = tpu.memref_squeeze %dma_start3A_421 : memref<1x128x64xf32, #tpu.memory_space<vmem>> -> memref<128x64xf32, #tpu.memory_space<vmem>>
      %dma_start3A_423 = tpu.memref_slice %arg5[%mul3A_417] : memref<20000xi32, #tpu.memory_space<vmem>> -> memref<128xi32, #tpu.memory_space<vmem>>
      %dma_start3A_424 = arith.constant 0 : i32
      %dma_start3A_425 = arith.constant 0 : i32
      %dma_start3A_426 = tpu.memref_slice %arg2[%dma_start3A_424, %dma_start3A_425] : memref<20000x64xf32, #tpu.memory_space<hbm>> -> memref<20000x64xf32, #tpu.memory_space<hbm>>
      tpu.enqueue_indirect_dma source(%dma_start3A_426 : memref<20000x64xf32, #tpu.memory_space<hbm>>) target(%dma_start3A_422 : memref<128x64xf32, #tpu.memory_space<vmem>>) offsets(%dma_start3A_423 : memref<128xi32, #tpu.memory_space<vmem>>) semaphore(%arg13 : memref<!tpu.dma_semaphore, #tpu.memory_space<semaphore_mem>>)
      %mul3A_427 = arith.constant 128 : i32
      %mul3A_428 = arith.muli %add3A_413, %mul3A_427 : i32
      %dma_wait3A_429 = arith.constant 2 : i32
      %dma_wait3A_430 = arith.constant 0 : i32
      %dma_wait3A_431 = arith.constant 0 : i32
      %dma_wait3A_432 = tpu.memref_slice %arg9[%dma_wait3A_429, %dma_wait3A_430, %dma_wait3A_431] : memref<4x128x64xf32, #tpu.memory_space<vmem>> -> memref<1x128x64xf32, #tpu.memory_space<vmem>>
      %dma_wait3A_433 = tpu.memref_squeeze %dma_wait3A_432 : memref<1x128x64xf32, #tpu.memory_space<vmem>> -> memref<128x64xf32, #tpu.memory_space<vmem>>
      %dma_wait3A_434 = tpu.memref_slice %arg5[%mul3A_428] : memref<20000xi32, #tpu.memory_space<vmem>> -> memref<128xi32, #tpu.memory_space<vmem>>
      %dma_wait3A_435 = arith.constant 0 : i32
      %dma_wait3A_436 = arith.constant 0 : i32
      %dma_wait3A_437 = tpu.memref_slice %arg2[%dma_wait3A_435, %dma_wait3A_436] : memref<20000x64xf32, #tpu.memory_space<hbm>> -> memref<20000x64xf32, #tpu.memory_space<hbm>>
      tpu.wait_indirect_dma semaphore(%arg14 : memref<!tpu.dma_semaphore, #tpu.memory_space<semaphore_mem>>) src(%dma_wait3A_437 : memref<20000x64xf32, #tpu.memory_space<hbm>>) dst(%dma_wait3A_433 : memref<128x64xf32, #tpu.memory_space<vmem>>)
      %mul3A_438 = arith.constant 128 : i32
      %mul3A_439 = arith.muli %add3A_413, %mul3A_438 : i32
      %add3A_440 = arith.constant 0 : i32
      %add3A_441 = arith.addi %mul3A_439, %add3A_440 : i32
      %get3A_442 = arith.index_cast %add3A_441 : i32 to index
      %get3A_443 = tpu.vector_load %arg6[%get3A_442] {strides = array<i32>} : memref<20000xi32, #tpu.memory_space<vmem>>, vector<16xi32>,
      %swap3A_444 = arith.constant 0 : index
      %swap3A_445 = tpu.vector_load %arg7[%swap3A_444] {strides = array<i32>} : memref<128xi32, #tpu.memory_space<vmem>>, vector<16xi32>,
      tpu.vector_store %arg7[%swap3A_444], %get3A_443 {strides = array<i32>} : memref<128xi32, #tpu.memory_space<vmem>>, vector<16xi32>,
      %mul3A_446 = arith.constant 128 : i32
      %mul3A_447 = arith.muli %add3A_413, %mul3A_446 : i32
      %add3A_448 = arith.constant 16 : i32
      %add3A_449 = arith.addi %mul3A_447, %add3A_448 : i32
      %get3A_450 = arith.index_cast %add3A_449 : i32 to index
      %get3A_451 = tpu.vector_load %arg6[%get3A_450] {strides = array<i32>} : memref<20000xi32, #tpu.memory_space<vmem>>, vector<16xi32>,
      %swap3A_452 = arith.constant 16 : index
      %swap3A_453 = tpu.vector_load %arg7[%swap3A_452] {strides = array<i32>} : memref<128xi32, #tpu.memory_space<vmem>>, vector<16xi32>,
      tpu.vector_store %arg7[%swap3A_452], %get3A_451 {strides = array<i32>} : memref<128xi32, #tpu.memory_space<vmem>>, vector<16xi32>,
      %mul3A_454 = arith.constant 128 : i32
      %mul3A_455 = arith.muli %add3A_413, %mul3A_454 : i32
      %add3A_456 = arith.constant 32 : i32
      %add3A_457 = arith.addi %mul3A_455, %add3A_456 : i32
      %get3A_458 = arith.index_cast %add3A_457 : i32 to index
      %get3A_459 = tpu.vector_load %arg6[%get3A_458] {strides = array<i32>} : memref<20000xi32, #tpu.memory_space<vmem>>, vector<16xi32>,
      %swap3A_460 = arith.constant 32 : index
      %swap3A_461 = tpu.vector_load %arg7[%swap3A_460] {strides = array<i32>} : memref<128xi32, #tpu.memory_space<vmem>>, vector<16xi32>,
      tpu.vector_store %arg7[%swap3A_460], %get3A_459 {strides = array<i32>} : memref<128xi32, #tpu.memory_space<vmem>>, vector<16xi32>,
      %mul3A_462 = arith.constant 128 : i32
      %mul3A_463 = arith.muli %add3A_413, %mul3A_462 : i32
      %add3A_464 = arith.constant 48 : i32
      %add3A_465 = arith.addi %mul3A_463, %add3A_464 : i32
      %get3A_466 = arith.index_cast %add3A_465 : i32 to index
      %get3A_467 = tpu.vector_load %arg6[%get3A_466] {strides = array<i32>} : memref<20000xi32, #tpu.memory_space<vmem>>, vector<16xi32>,
      %swap3A_468 = arith.constant 48 : index
      %swap3A_469 = tpu.vector_load %arg7[%swap3A_468] {strides = array<i32>} : memref<128xi32, #tpu.memory_space<vmem>>, vector<16xi32>,
      tpu.vector_store %arg7[%swap3A_468], %get3A_467 {strides = array<i32>} : memref<128xi32, #tpu.memory_space<vmem>>, vector<16xi32>,
      %mul3A_470 = arith.constant 128 : i32
      %mul3A_471 = arith.muli %add3A_413, %mul3A_470 : i32
      %add3A_472 = arith.constant 64 : i32
      %add3A_473 = arith.addi %mul3A_471, %add3A_472 : i32
      %get3A_474 = arith.index_cast %add3A_473 : i32 to index
      %get3A_475 = tpu.vector_load %arg6[%get3A_474] {strides = array<i32>} : memref<20000xi32, #tpu.memory_space<vmem>>, vector<16xi32>,
      %swap3A_476 = arith.constant 64 : index
      %swap3A_477 = tpu.vector_load %arg7[%swap3A_476] {strides = array<i32>} : memref<128xi32, #tpu.memory_space<vmem>>, vector<16xi32>,
      tpu.vector_store %arg7[%swap3A_476], %get3A_475 {strides = array<i32>} : memref<128xi32, #tpu.memory_space<vmem>>, vector<16xi32>,
      %mul3A_478 = arith.constant 128 : i32
      %mul3A_479 = arith.muli %add3A_413, %mul3A_478 : i32
      %add3A_480 = arith.constant 80 : i32
      %add3A_481 = arith.addi %mul3A_479, %add3A_480 : i32
      %get3A_482 = arith.index_cast %add3A_481 : i32 to index
      %get3A_483 = tpu.vector_load %arg6[%get3A_482] {strides = array<i32>} : memref<20000xi32, #tpu.memory_space<vmem>>, vector<16xi32>,
      %swap3A_484 = arith.constant 80 : index
      %swap3A_485 = tpu.vector_load %arg7[%swap3A_484] {strides = array<i32>} : memref<128xi32, #tpu.memory_space<vmem>>, vector<16xi32>,
      tpu.vector_store %arg7[%swap3A_484], %get3A_483 {strides = array<i32>} : memref<128xi32, #tpu.memory_space<vmem>>, vector<16xi32>,
      %mul3A_486 = arith.constant 128 : i32
      %mul3A_487 = arith.muli %add3A_413, %mul3A_486 : i32
      %add3A_488 = arith.constant 96 : i32
      %add3A_489 = arith.addi %mul3A_487, %add3A_488 : i32
      %get3A_490 = arith.index_cast %add3A_489 : i32 to index
      %get3A_491 = tpu.vector_load %arg6[%get3A_490] {strides = array<i32>} : memref<20000xi32, #tpu.memory_space<vmem>>, vector<16xi32>,
      %swap3A_492 = arith.constant 96 : index
      %swap3A_493 = tpu.vector_load %arg7[%swap3A_492] {strides = array<i32>} : memref<128xi32, #tpu.memory_space<vmem>>, vector<16xi32>,
      tpu.vector_store %arg7[%swap3A_492], %get3A_491 {strides = array<i32>} : memref<128xi32, #tpu.memory_space<vmem>>, vector<16xi32>,
      %mul3A_494 = arith.constant 128 : i32
      %mul3A_495 = arith.muli %add3A_413, %mul3A_494 : i32
      %add3A_496 = arith.constant 112 : i32
      %add3A_497 = arith.addi %mul3A_495, %add3A_496 : i32
      %get3A_498 = arith.index_cast %add3A_497 : i32 to index
      %get3A_499 = tpu.vector_load %arg6[%get3A_498] {strides = array<i32>} : memref<20000xi32, #tpu.memory_space<vmem>>, vector<16xi32>,
      %swap3A_500 = arith.constant 112 : index
      %swap3A_501 = tpu.vector_load %arg7[%swap3A_500] {strides = array<i32>} : memref<128xi32, #tpu.memory_space<vmem>>, vector<16xi32>,
      tpu.vector_store %arg7[%swap3A_500], %get3A_499 {strides = array<i32>} : memref<128xi32, #tpu.memory_space<vmem>>, vector<16xi32>,
      %run_scoped3A_502 = arith.constant 2 : i32
      "tpu.region"() ({
        %run_scoped3A_685 = tpu.sem_alloc : memref<!tpu.dma_semaphore, #tpu.memory_space<semaphore_mem>>
        %dma_start3A_686 = arith.constant 0 : i32
        %dma_start3A_687 = arith.constant 0 : i32
        %dma_start3A_688 = tpu.memref_slice %arg9[%run_scoped3A_502, %dma_start3A_686, %dma_start3A_687] : memref<4x128x64xf32, #tpu.memory_space<vmem>> -> memref<1x128x64xf32, #tpu.memory_space<vmem>>
        %dma_start3A_689 = tpu.memref_squeeze %dma_start3A_688 : memref<1x128x64xf32, #tpu.memory_space<vmem>> -> memref<128x64xf32, #tpu.memory_space<vmem>>
        %dma_start3A_690 = arith.constant 0 : i32
        %dma_start3A_691 = arith.constant 0 : i32
        %dma_start3A_692 = tpu.memref_slice %arg11[%dma_start3A_690, %dma_start3A_691] : memref<10240x64xf32, #tpu.memory_space<vmem_shared>> -> memref<10240x64xf32, #tpu.memory_space<vmem_shared>>
        tpu.enqueue_indirect_dma source(%dma_start3A_689 : memref<128x64xf32, #tpu.memory_space<vmem>>) target(%dma_start3A_692 : memref<10240x64xf32, #tpu.memory_space<vmem_shared>>) offsets(%arg7 : memref<128xi32, #tpu.memory_space<vmem>>) semaphore(%run_scoped3A_685 : memref<!tpu.dma_semaphore, #tpu.memory_space<semaphore_mem>>) {add = true}
        %dma_wait3A_693 = arith.constant 0 : i32
        %dma_wait3A_694 = arith.constant 0 : i32
        %dma_wait3A_695 = tpu.memref_slice %arg9[%run_scoped3A_502, %dma_wait3A_693, %dma_wait3A_694] : memref<4x128x64xf32, #tpu.memory_space<vmem>> -> memref<1x128x64xf32, #tpu.memory_space<vmem>>
        %dma_wait3A_696 = tpu.memref_squeeze %dma_wait3A_695 : memref<1x128x64xf32, #tpu.memory_space<vmem>> -> memref<128x64xf32, #tpu.memory_space<vmem>>
        %dma_wait3A_697 = arith.constant 0 : i32
        %dma_wait3A_698 = arith.constant 0 : i32
        %dma_wait3A_699 = tpu.memref_slice %arg11[%dma_wait3A_697, %dma_wait3A_698] : memref<10240x64xf32, #tpu.memory_space<vmem_shared>> -> memref<10240x64xf32, #tpu.memory_space<vmem_shared>>
        tpu.wait_indirect_dma semaphore(%run_scoped3A_685 : memref<!tpu.dma_semaphore, #tpu.memory_space<semaphore_mem>>) src(%dma_wait3A_696 : memref<128x64xf32, #tpu.memory_space<vmem>>) dst(%dma_wait3A_699 : memref<10240x64xf32, #tpu.memory_space<vmem_shared>>)
        tpu.yield
      }) : () -> ()
      %add3A_503 = arith.constant 2 : i32
      %add3A_504 = arith.addi %add3A_320, %add3A_503 : i32
      %add3A_505 = arith.constant 3 : i32
      %add3A_506 = arith.addi %add3A_504, %add3A_505 : i32
      %mul3A_507 = arith.constant 128 : i32
      %mul3A_508 = arith.muli %add3A_506, %mul3A_507 : i32
      %dma_start3A_509 = arith.constant 2 : i32
      %dma_start3A_510 = arith.constant 0 : i32
      %dma_start3A_511 = arith.constant 0 : i32
      %dma_start3A_512 = tpu.memref_slice %arg9[%dma_start3A_509, %dma_start3A_510, %dma_start3A_511] : memref<4x128x64xf32, #tpu.memory_space<vmem>> -> memref<1x128x64xf32, #tpu.memory_space<vmem>>
      %dma_start3A_513 = tpu.memref_squeeze %dma_start3A_512 : memref<1x128x64xf32, #tpu.memory_space<vmem>> -> memref<128x64xf32, #tpu.memory_space<vmem>>
      %dma_start3A_514 = tpu.memref_slice %arg5[%mul3A_508] : memref<20000xi32, #tpu.memory_space<vmem>> -> memref<128xi32, #tpu.memory_space<vmem>>
      %dma_start3A_515 = arith.constant 0 : i32
      %dma_start3A_516 = arith.constant 0 : i32
      %dma_start3A_517 = tpu.memref_slice %arg2[%dma_start3A_515, %dma_start3A_516] : memref<20000x64xf32, #tpu.memory_space<hbm>> -> memref<20000x64xf32, #tpu.memory_space<hbm>>
      tpu.enqueue_indirect_dma source(%dma_start3A_517 : memref<20000x64xf32, #tpu.memory_space<hbm>>) target(%dma_start3A_513 : memref<128x64xf32, #tpu.memory_space<vmem>>) offsets(%dma_start3A_514 : memref<128xi32, #tpu.memory_space<vmem>>) semaphore(%arg14 : memref<!tpu.dma_semaphore, #tpu.memory_space<semaphore_mem>>)
      %mul3A_518 = arith.constant 128 : i32
      %mul3A_519 = arith.muli %add3A_504, %mul3A_518 : i32
      %dma_wait3A_520 = arith.constant 3 : i32
      %dma_wait3A_521 = arith.constant 0 : i32
      %dma_wait3A_522 = arith.constant 0 : i32
      %dma_wait3A_523 = tpu.memref_slice %arg9[%dma_wait3A_520, %dma_wait3A_521, %dma_wait3A_522] : memref<4x128x64xf32, #tpu.memory_space<vmem>> -> memref<1x128x64xf32, #tpu.memory_space<vmem>>
      %dma_wait3A_524 = tpu.memref_squeeze %dma_wait3A_523 : memref<1x128x64xf32, #tpu.memory_space<vmem>> -> memref<128x64xf32, #tpu.memory_space<vmem>>
      %dma_wait3A_525 = tpu.memref_slice %arg5[%mul3A_519] : memref<20000xi32, #tpu.memory_space<vmem>> -> memref<128xi32, #tpu.memory_space<vmem>>
      %dma_wait3A_526 = arith.constant 0 : i32
      %dma_wait3A_527 = arith.constant 0 : i32
      %dma_wait3A_528 = tpu.memref_slice %arg2[%dma_wait3A_526, %dma_wait3A_527] : memref<20000x64xf32, #tpu.memory_space<hbm>> -> memref<20000x64xf32, #tpu.memory_space<hbm>>
      tpu.wait_indirect_dma semaphore(%arg15 : memref<!tpu.dma_semaphore, #tpu.memory_space<semaphore_mem>>) src(%dma_wait3A_528 : memref<20000x64xf32, #tpu.memory_space<hbm>>) dst(%dma_wait3A_524 : memref<128x64xf32, #tpu.memory_space<vmem>>)
      %mul3A_529 = arith.constant 128 : i32
      %mul3A_530 = arith.muli %add3A_504, %mul3A_529 : i32
      %add3A_531 = arith.constant 0 : i32
      %add3A_532 = arith.addi %mul3A_530, %add3A_531 : i32
      %get3A_533 = arith.index_cast %add3A_532 : i32 to index
      %get3A_534 = tpu.vector_load %arg6[%get3A_533] {strides = array<i32>} : memref<20000xi32, #tpu.memory_space<vmem>>, vector<16xi32>,
      %swap3A_535 = arith.constant 0 : index
      %swap3A_536 = tpu.vector_load %arg7[%swap3A_535] {strides = array<i32>} : memref<128xi32, #tpu.memory_space<vmem>>, vector<16xi32>,
      tpu.vector_store %arg7[%swap3A_535], %get3A_534 {strides = array<i32>} : memref<128xi32, #tpu.memory_space<vmem>>, vector<16xi32>,
      %mul3A_537 = arith.constant 128 : i32
      %mul3A_538 = arith.muli %add3A_504, %mul3A_537 : i32
      %add3A_539 = arith.constant 16 : i32
      %add3A_540 = arith.addi %mul3A_538, %add3A_539 : i32
      %get3A_541 = arith.index_cast %add3A_540 : i32 to index
      %get3A_542 = tpu.vector_load %arg6[%get3A_541] {strides = array<i32>} : memref<20000xi32, #tpu.memory_space<vmem>>, vector<16xi32>,
      %swap3A_543 = arith.constant 16 : index
      %swap3A_544 = tpu.vector_load %arg7[%swap3A_543] {strides = array<i32>} : memref<128xi32, #tpu.memory_space<vmem>>, vector<16xi32>,
      tpu.vector_store %arg7[%swap3A_543], %get3A_542 {strides = array<i32>} : memref<128xi32, #tpu.memory_space<vmem>>, vector<16xi32>,
      %mul3A_545 = arith.constant 128 : i32
      %mul3A_546 = arith.muli %add3A_504, %mul3A_545 : i32
      %add3A_547 = arith.constant 32 : i32
      %add3A_548 = arith.addi %mul3A_546, %add3A_547 : i32
      %get3A_549 = arith.index_cast %add3A_548 : i32 to index
      %get3A_550 = tpu.vector_load %arg6[%get3A_549] {strides = array<i32>} : memref<20000xi32, #tpu.memory_space<vmem>>, vector<16xi32>,
      %swap3A_551 = arith.constant 32 : index
      %swap3A_552 = tpu.vector_load %arg7[%swap3A_551] {strides = array<i32>} : memref<128xi32, #tpu.memory_space<vmem>>, vector<16xi32>,
      tpu.vector_store %arg7[%swap3A_551], %get3A_550 {strides = array<i32>} : memref<128xi32, #tpu.memory_space<vmem>>, vector<16xi32>,
      %mul3A_553 = arith.constant 128 : i32
      %mul3A_554 = arith.muli %add3A_504, %mul3A_553 : i32
      %add3A_555 = arith.constant 48 : i32
      %add3A_556 = arith.addi %mul3A_554, %add3A_555 : i32
      %get3A_557 = arith.index_cast %add3A_556 : i32 to index
      %get3A_558 = tpu.vector_load %arg6[%get3A_557] {strides = array<i32>} : memref<20000xi32, #tpu.memory_space<vmem>>, vector<16xi32>,
      %swap3A_559 = arith.constant 48 : index
      %swap3A_560 = tpu.vector_load %arg7[%swap3A_559] {strides = array<i32>} : memref<128xi32, #tpu.memory_space<vmem>>, vector<16xi32>,
      tpu.vector_store %arg7[%swap3A_559], %get3A_558 {strides = array<i32>} : memref<128xi32, #tpu.memory_space<vmem>>, vector<16xi32>,
      %mul3A_561 = arith.constant 128 : i32
      %mul3A_562 = arith.muli %add3A_504, %mul3A_561 : i32
      %add3A_563 = arith.constant 64 : i32
      %add3A_564 = arith.addi %mul3A_562, %add3A_563 : i32
      %get3A_565 = arith.index_cast %add3A_564 : i32 to index
      %get3A_566 = tpu.vector_load %arg6[%get3A_565] {strides = array<i32>} : memref<20000xi32, #tpu.memory_space<vmem>>, vector<16xi32>,
      %swap3A_567 = arith.constant 64 : index
      %swap3A_568 = tpu.vector_load %arg7[%swap3A_567] {strides = array<i32>} : memref<128xi32, #tpu.memory_space<vmem>>, vector<16xi32>,
      tpu.vector_store %arg7[%swap3A_567], %get3A_566 {strides = array<i32>} : memref<128xi32, #tpu.memory_space<vmem>>, vector<16xi32>,
      %mul3A_569 = arith.constant 128 : i32
      %mul3A_570 = arith.muli %add3A_504, %mul3A_569 : i32
      %add3A_571 = arith.constant 80 : i32
      %add3A_572 = arith.addi %mul3A_570, %add3A_571 : i32
      %get3A_573 = arith.index_cast %add3A_572 : i32 to index
      %get3A_574 = tpu.vector_load %arg6[%get3A_573] {strides = array<i32>} : memref<20000xi32, #tpu.memory_space<vmem>>, vector<16xi32>,
      %swap3A_575 = arith.constant 80 : index
      %swap3A_576 = tpu.vector_load %arg7[%swap3A_575] {strides = array<i32>} : memref<128xi32, #tpu.memory_space<vmem>>, vector<16xi32>,
      tpu.vector_store %arg7[%swap3A_575], %get3A_574 {strides = array<i32>} : memref<128xi32, #tpu.memory_space<vmem>>, vector<16xi32>,
      %mul3A_577 = arith.constant 128 : i32
      %mul3A_578 = arith.muli %add3A_504, %mul3A_577 : i32
      %add3A_579 = arith.constant 96 : i32
      %add3A_580 = arith.addi %mul3A_578, %add3A_579 : i32
      %get3A_581 = arith.index_cast %add3A_580 : i32 to index
      %get3A_582 = tpu.vector_load %arg6[%get3A_581] {strides = array<i32>} : memref<20000xi32, #tpu.memory_space<vmem>>, vector<16xi32>,
      %swap3A_583 = arith.constant 96 : index
      %swap3A_584 = tpu.vector_load %arg7[%swap3A_583] {strides = array<i32>} : memref<128xi32, #tpu.memory_space<vmem>>, vector<16xi32>,
      tpu.vector_store %arg7[%swap3A_583], %get3A_582 {strides = array<i32>} : memref<128xi32, #tpu.memory_space<vmem>>, vector<16xi32>,
      %mul3A_585 = arith.constant 128 : i32
      %mul3A_586 = arith.muli %add3A_504, %mul3A_585 : i32
      %add3A_587 = arith.constant 112 : i32
      %add3A_588 = arith.addi %mul3A_586, %add3A_587 : i32
      %get3A_589 = arith.index_cast %add3A_588 : i32 to index
      %get3A_590 = tpu.vector_load %arg6[%get3A_589] {strides = array<i32>} : memref<20000xi32, #tpu.memory_space<vmem>>, vector<16xi32>,
      %swap3A_591 = arith.constant 112 : index
      %swap3A_592 = tpu.vector_load %arg7[%swap3A_591] {strides = array<i32>} : memref<128xi32, #tpu.memory_space<vmem>>, vector<16xi32>,
      tpu.vector_store %arg7[%swap3A_591], %get3A_590 {strides = array<i32>} : memref<128xi32, #tpu.memory_space<vmem>>, vector<16xi32>,
      %run_scoped3A_593 = arith.constant 3 : i32
      "tpu.region"() ({
        %run_scoped3A_685 = tpu.sem_alloc : memref<!tpu.dma_semaphore, #tpu.memory_space<semaphore_mem>>
        %dma_start3A_686 = arith.constant 0 : i32
        %dma_start3A_687 = arith.constant 0 : i32
        %dma_start3A_688 = tpu.memref_slice %arg9[%run_scoped3A_593, %dma_start3A_686, %dma_start3A_687] : memref<4x128x64xf32, #tpu.memory_space<vmem>> -> memref<1x128x64xf32, #tpu.memory_space<vmem>>
        %dma_start3A_689 = tpu.memref_squeeze %dma_start3A_688 : memref<1x128x64xf32, #tpu.memory_space<vmem>> -> memref<128x64xf32, #tpu.memory_space<vmem>>
        %dma_start3A_690 = arith.constant 0 : i32
        %dma_start3A_691 = arith.constant 0 : i32
        %dma_start3A_692 = tpu.memref_slice %arg11[%dma_start3A_690, %dma_start3A_691] : memref<10240x64xf32, #tpu.memory_space<vmem_shared>> -> memref<10240x64xf32, #tpu.memory_space<vmem_shared>>
        tpu.enqueue_indirect_dma source(%dma_start3A_689 : memref<128x64xf32, #tpu.memory_space<vmem>>) target(%dma_start3A_692 : memref<10240x64xf32, #tpu.memory_space<vmem_shared>>) offsets(%arg7 : memref<128xi32, #tpu.memory_space<vmem>>) semaphore(%run_scoped3A_685 : memref<!tpu.dma_semaphore, #tpu.memory_space<semaphore_mem>>) {add = true}
        %dma_wait3A_693 = arith.constant 0 : i32
        %dma_wait3A_694 = arith.constant 0 : i32
        %dma_wait3A_695 = tpu.memref_slice %arg9[%run_scoped3A_593, %dma_wait3A_693, %dma_wait3A_694] : memref<4x128x64xf32, #tpu.memory_space<vmem>> -> memref<1x128x64xf32, #tpu.memory_space<vmem>>
        %dma_wait3A_696 = tpu.memref_squeeze %dma_wait3A_695 : memref<1x128x64xf32, #tpu.memory_space<vmem>> -> memref<128x64xf32, #tpu.memory_space<vmem>>
        %dma_wait3A_697 = arith.constant 0 : i32
        %dma_wait3A_698 = arith.constant 0 : i32
        %dma_wait3A_699 = tpu.memref_slice %arg11[%dma_wait3A_697, %dma_wait3A_698] : memref<10240x64xf32, #tpu.memory_space<vmem_shared>> -> memref<10240x64xf32, #tpu.memory_space<vmem_shared>>
        tpu.wait_indirect_dma semaphore(%run_scoped3A_685 : memref<!tpu.dma_semaphore, #tpu.memory_space<semaphore_mem>>) src(%dma_wait3A_696 : memref<128x64xf32, #tpu.memory_space<vmem>>) dst(%dma_wait3A_699 : memref<10240x64xf32, #tpu.memory_space<vmem_shared>>)
        tpu.yield
      }) : () -> ()
      %add3A_594 = arith.constant 3 : i32
      %add3A_595 = arith.addi %add3A_320, %add3A_594 : i32
      %add3A_596 = arith.constant 3 : i32
      %add3A_597 = arith.addi %add3A_595, %add3A_596 : i32
      %mul3A_598 = arith.constant 128 : i32
      %mul3A_599 = arith.muli %add3A_597, %mul3A_598 : i32
      %dma_start3A_600 = arith.constant 3 : i32
      %dma_start3A_601 = arith.constant 0 : i32
      %dma_start3A_602 = arith.constant 0 : i32
      %dma_start3A_603 = tpu.memref_slice %arg9[%dma_start3A_600, %dma_start3A_601, %dma_start3A_602] : memref<4x128x64xf32, #tpu.memory_space<vmem>> -> memref<1x128x64xf32, #tpu.memory_space<vmem>>
      %dma_start3A_604 = tpu.memref_squeeze %dma_start3A_603 : memref<1x128x64xf32, #tpu.memory_space<vmem>> -> memref<128x64xf32, #tpu.memory_space<vmem>>
      %dma_start3A_605 = tpu.memref_slice %arg5[%mul3A_599] : memref<20000xi32, #tpu.memory_space<vmem>> -> memref<128xi32, #tpu.memory_space<vmem>>
      %dma_start3A_606 = arith.constant 0 : i32
      %dma_start3A_607 = arith.constant 0 : i32
      %dma_start3A_608 = tpu.memref_slice %arg2[%dma_start3A_606, %dma_start3A_607] : memref<20000x64xf32, #tpu.memory_space<hbm>> -> memref<20000x64xf32, #tpu.memory_space<hbm>>
      tpu.enqueue_indirect_dma source(%dma_start3A_608 : memref<20000x64xf32, #tpu.memory_space<hbm>>) target(%dma_start3A_604 : memref<128x64xf32, #tpu.memory_space<vmem>>) offsets(%dma_start3A_605 : memref<128xi32, #tpu.memory_space<vmem>>) semaphore(%arg15 : memref<!tpu.dma_semaphore, #tpu.memory_space<semaphore_mem>>)
      %mul3A_609 = arith.constant 128 : i32
      %mul3A_610 = arith.muli %add3A_595, %mul3A_609 : i32
      %dma_wait3A_611 = arith.constant 0 : i32
      %dma_wait3A_612 = arith.constant 0 : i32
      %dma_wait3A_613 = arith.constant 0 : i32
      %dma_wait3A_614 = tpu.memref_slice %arg9[%dma_wait3A_611, %dma_wait3A_612, %dma_wait3A_613] : memref<4x128x64xf32, #tpu.memory_space<vmem>> -> memref<1x128x64xf32, #tpu.memory_space<vmem>>
      %dma_wait3A_615 = tpu.memref_squeeze %dma_wait3A_614 : memref<1x128x64xf32, #tpu.memory_space<vmem>> -> memref<128x64xf32, #tpu.memory_space<vmem>>
      %dma_wait3A_616 = tpu.memref_slice %arg5[%mul3A_610] : memref<20000xi32, #tpu.memory_space<vmem>> -> memref<128xi32, #tpu.memory_space<vmem>>
      %dma_wait3A_617 = arith.constant 0 : i32
      %dma_wait3A_618 = arith.constant 0 : i32
      %dma_wait3A_619 = tpu.memref_slice %arg2[%dma_wait3A_617, %dma_wait3A_618] : memref<20000x64xf32, #tpu.memory_space<hbm>> -> memref<20000x64xf32, #tpu.memory_space<hbm>>
      tpu.wait_indirect_dma semaphore(%arg12 : memref<!tpu.dma_semaphore, #tpu.memory_space<semaphore_mem>>) src(%dma_wait3A_619 : memref<20000x64xf32, #tpu.memory_space<hbm>>) dst(%dma_wait3A_615 : memref<128x64xf32, #tpu.memory_space<vmem>>)
      %mul3A_620 = arith.constant 128 : i32
      %mul3A_621 = arith.muli %add3A_595, %mul3A_620 : i32
      %add3A_622 = arith.constant 0 : i32
      %add3A_623 = arith.addi %mul3A_621, %add3A_622 : i32
      %get3A_624 = arith.index_cast %add3A_623 : i32 to index
      %get3A_625 = tpu.vector_load %arg6[%get3A_624] {strides = array<i32>} : memref<20000xi32, #tpu.memory_space<vmem>>, vector<16xi32>,
      %swap3A_626 = arith.constant 0 : index
      %swap3A_627 = tpu.vector_load %arg7[%swap3A_626] {strides = array<i32>} : memref<128xi32, #tpu.memory_space<vmem>>, vector<16xi32>,
      tpu.vector_store %arg7[%swap3A_626], %get3A_625 {strides = array<i32>} : memref<128xi32, #tpu.memory_space<vmem>>, vector<16xi32>,
      %mul3A_628 = arith.constant 128 : i32
      %mul3A_629 = arith.muli %add3A_595, %mul3A_628 : i32
      %add3A_630 = arith.constant 16 : i32
      %add3A_631 = arith.addi %mul3A_629, %add3A_630 : i32
      %get3A_632 = arith.index_cast %add3A_631 : i32 to index
      %get3A_633 = tpu.vector_load %arg6[%get3A_632] {strides = array<i32>} : memref<20000xi32, #tpu.memory_space<vmem>>, vector<16xi32>,
      %swap3A_634 = arith.constant 16 : index
      %swap3A_635 = tpu.vector_load %arg7[%swap3A_634] {strides = array<i32>} : memref<128xi32, #tpu.memory_space<vmem>>, vector<16xi32>,
      tpu.vector_store %arg7[%swap3A_634], %get3A_633 {strides = array<i32>} : memref<128xi32, #tpu.memory_space<vmem>>, vector<16xi32>,
      %mul3A_636 = arith.constant 128 : i32
      %mul3A_637 = arith.muli %add3A_595, %mul3A_636 : i32
      %add3A_638 = arith.constant 32 : i32
      %add3A_639 = arith.addi %mul3A_637, %add3A_638 : i32
      %get3A_640 = arith.index_cast %add3A_639 : i32 to index
      %get3A_641 = tpu.vector_load %arg6[%get3A_640] {strides = array<i32>} : memref<20000xi32, #tpu.memory_space<vmem>>, vector<16xi32>,
      %swap3A_642 = arith.constant 32 : index
      %swap3A_643 = tpu.vector_load %arg7[%swap3A_642] {strides = array<i32>} : memref<128xi32, #tpu.memory_space<vmem>>, vector<16xi32>,
      tpu.vector_store %arg7[%swap3A_642], %get3A_641 {strides = array<i32>} : memref<128xi32, #tpu.memory_space<vmem>>, vector<16xi32>,
      %mul3A_644 = arith.constant 128 : i32
      %mul3A_645 = arith.muli %add3A_595, %mul3A_644 : i32
      %add3A_646 = arith.constant 48 : i32
      %add3A_647 = arith.addi %mul3A_645, %add3A_646 : i32
      %get3A_648 = arith.index_cast %add3A_647 : i32 to index
      %get3A_649 = tpu.vector_load %arg6[%get3A_648] {strides = array<i32>} : memref<20000xi32, #tpu.memory_space<vmem>>, vector<16xi32>,
      %swap3A_650 = arith.constant 48 : index
      %swap3A_651 = tpu.vector_load %arg7[%swap3A_650] {strides = array<i32>} : memref<128xi32, #tpu.memory_space<vmem>>, vector<16xi32>,
      tpu.vector_store %arg7[%swap3A_650], %get3A_649 {strides = array<i32>} : memref<128xi32, #tpu.memory_space<vmem>>, vector<16xi32>,
      %mul3A_652 = arith.constant 128 : i32
      %mul3A_653 = arith.muli %add3A_595, %mul3A_652 : i32
      %add3A_654 = arith.constant 64 : i32
      %add3A_655 = arith.addi %mul3A_653, %add3A_654 : i32
      %get3A_656 = arith.index_cast %add3A_655 : i32 to index
      %get3A_657 = tpu.vector_load %arg6[%get3A_656] {strides = array<i32>} : memref<20000xi32, #tpu.memory_space<vmem>>, vector<16xi32>,
      %swap3A_658 = arith.constant 64 : index
      %swap3A_659 = tpu.vector_load %arg7[%swap3A_658] {strides = array<i32>} : memref<128xi32, #tpu.memory_space<vmem>>, vector<16xi32>,
      tpu.vector_store %arg7[%swap3A_658], %get3A_657 {strides = array<i32>} : memref<128xi32, #tpu.memory_space<vmem>>, vector<16xi32>,
      %mul3A_660 = arith.constant 128 : i32
      %mul3A_661 = arith.muli %add3A_595, %mul3A_660 : i32
      %add3A_662 = arith.constant 80 : i32
      %add3A_663 = arith.addi %mul3A_661, %add3A_662 : i32
      %get3A_664 = arith.index_cast %add3A_663 : i32 to index
      %get3A_665 = tpu.vector_load %arg6[%get3A_664] {strides = array<i32>} : memref<20000xi32, #tpu.memory_space<vmem>>, vector<16xi32>,
      %swap3A_666 = arith.constant 80 : index
      %swap3A_667 = tpu.vector_load %arg7[%swap3A_666] {strides = array<i32>} : memref<128xi32, #tpu.memory_space<vmem>>, vector<16xi32>,
      tpu.vector_store %arg7[%swap3A_666], %get3A_665 {strides = array<i32>} : memref<128xi32, #tpu.memory_space<vmem>>, vector<16xi32>,
      %mul3A_668 = arith.constant 128 : i32
      %mul3A_669 = arith.muli %add3A_595, %mul3A_668 : i32
      %add3A_670 = arith.constant 96 : i32
      %add3A_671 = arith.addi %mul3A_669, %add3A_670 : i32
      %get3A_672 = arith.index_cast %add3A_671 : i32 to index
      %get3A_673 = tpu.vector_load %arg6[%get3A_672] {strides = array<i32>} : memref<20000xi32, #tpu.memory_space<vmem>>, vector<16xi32>,
      %swap3A_674 = arith.constant 96 : index
      %swap3A_675 = tpu.vector_load %arg7[%swap3A_674] {strides = array<i32>} : memref<128xi32, #tpu.memory_space<vmem>>, vector<16xi32>,
      tpu.vector_store %arg7[%swap3A_674], %get3A_673 {strides = array<i32>} : memref<128xi32, #tpu.memory_space<vmem>>, vector<16xi32>,
      %mul3A_676 = arith.constant 128 : i32
      %mul3A_677 = arith.muli %add3A_595, %mul3A_676 : i32
      %add3A_678 = arith.constant 112 : i32
      %add3A_679 = arith.addi %mul3A_677, %add3A_678 : i32
      %get3A_680 = arith.index_cast %add3A_679 : i32 to index
      %get3A_681 = tpu.vector_load %arg6[%get3A_680] {strides = array<i32>} : memref<20000xi32, #tpu.memory_space<vmem>>, vector<16xi32>,
      %swap3A_682 = arith.constant 112 : index
      %swap3A_683 = tpu.vector_load %arg7[%swap3A_682] {strides = array<i32>} : memref<128xi32, #tpu.memory_space<vmem>>, vector<16xi32>,
      tpu.vector_store %arg7[%swap3A_682], %get3A_681 {strides = array<i32>} : memref<128xi32, #tpu.memory_space<vmem>>, vector<16xi32>,
      %run_scoped3A_684 = arith.constant 0 : i32
      "tpu.region"() ({
        %run_scoped3A_685 = tpu.sem_alloc : memref<!tpu.dma_semaphore, #tpu.memory_space<semaphore_mem>>
        %dma_start3A_686 = arith.constant 0 : i32
        %dma_start3A_687 = arith.constant 0 : i32
        %dma_start3A_688 = tpu.memref_slice %arg9[%run_scoped3A_684, %dma_start3A_686, %dma_start3A_687] : memref<4x128x64xf32, #tpu.memory_space<vmem>> -> memref<1x128x64xf32, #tpu.memory_space<vmem>>
        %dma_start3A_689 = tpu.memref_squeeze %dma_start3A_688 : memref<1x128x64xf32, #tpu.memory_space<vmem>> -> memref<128x64xf32, #tpu.memory_space<vmem>>
        %dma_start3A_690 = arith.constant 0 : i32
        %dma_start3A_691 = arith.constant 0 : i32
        %dma_start3A_692 = tpu.memref_slice %arg11[%dma_start3A_690, %dma_start3A_691] : memref<10240x64xf32, #tpu.memory_space<vmem_shared>> -> memref<10240x64xf32, #tpu.memory_space<vmem_shared>>
        tpu.enqueue_indirect_dma source(%dma_start3A_689 : memref<128x64xf32, #tpu.memory_space<vmem>>) target(%dma_start3A_692 : memref<10240x64xf32, #tpu.memory_space<vmem_shared>>) offsets(%arg7 : memref<128xi32, #tpu.memory_space<vmem>>) semaphore(%run_scoped3A_685 : memref<!tpu.dma_semaphore, #tpu.memory_space<semaphore_mem>>) {add = true}
        %dma_wait3A_693 = arith.constant 0 : i32
        %dma_wait3A_694 = arith.constant 0 : i32
        %dma_wait3A_695 = tpu.memref_slice %arg9[%run_scoped3A_684, %dma_wait3A_693, %dma_wait3A_694] : memref<4x128x64xf32, #tpu.memory_space<vmem>> -> memref<1x128x64xf32, #tpu.memory_space<vmem>>
        %dma_wait3A_696 = tpu.memref_squeeze %dma_wait3A_695 : memref<1x128x64xf32, #tpu.memory_space<vmem>> -> memref<128x64xf32, #tpu.memory_space<vmem>>
        %dma_wait3A_697 = arith.constant 0 : i32
        %dma_wait3A_698 = arith.constant 0 : i32
        %dma_wait3A_699 = tpu.memref_slice %arg11[%dma_wait3A_697, %dma_wait3A_698] : memref<10240x64xf32, #tpu.memory_space<vmem_shared>> -> memref<10240x64xf32, #tpu.memory_space<vmem_shared>>
        tpu.wait_indirect_dma semaphore(%run_scoped3A_685 : memref<!tpu.dma_semaphore, #tpu.memory_space<semaphore_mem>>) src(%dma_wait3A_696 : memref<128x64xf32, #tpu.memory_space<vmem>>) dst(%dma_wait3A_699 : memref<10240x64xf32, #tpu.memory_space<vmem_shared>>)
        tpu.yield
      }) : () -> ()
    }
    %scan3A_116 = arith.constant 38 : i32
    %dma_wait3A_117 = arith.constant 1 : i32
    %dma_wait3A_118 = arith.constant 0 : i32
    %dma_wait3A_119 = arith.constant 0 : i32
    %dma_wait3A_120 = tpu.memref_slice %arg9[%dma_wait3A_117, %dma_wait3A_118, %dma_wait3A_119] : memref<4x128x64xf32, #tpu.memory_space<vmem>> -> memref<1x128x64xf32, #tpu.memory_space<vmem>>
    %dma_wait3A_121 = tpu.memref_squeeze %dma_wait3A_120 : memref<1x128x64xf32, #tpu.memory_space<vmem>> -> memref<128x64xf32, #tpu.memory_space<vmem>>
    %dma_wait3A_122 = arith.constant 19584 : i32
    %dma_wait3A_123 = tpu.memref_slice %arg5[%dma_wait3A_122] : memref<20000xi32, #tpu.memory_space<vmem>> -> memref<128xi32, #tpu.memory_space<vmem>>
    %dma_wait3A_124 = arith.constant 0 : i32
    %dma_wait3A_125 = arith.constant 0 : i32
    %dma_wait3A_126 = tpu.memref_slice %arg2[%dma_wait3A_124, %dma_wait3A_125] : memref<20000x64xf32, #tpu.memory_space<hbm>> -> memref<20000x64xf32, #tpu.memory_space<hbm>>
    tpu.wait_indirect_dma semaphore(%arg13 : memref<!tpu.dma_semaphore, #tpu.memory_space<semaphore_mem>>) src(%dma_wait3A_126 : memref<20000x64xf32, #tpu.memory_space<hbm>>) dst(%dma_wait3A_121 : memref<128x64xf32, #tpu.memory_space<vmem>>)
    %get3A_127 = arith.constant 19584 : index
    %get3A_128 = tpu.vector_load %arg6[%get3A_127] {strides = array<i32>} : memref<20000xi32, #tpu.memory_space<vmem>>, vector<16xi32>,
    %swap3A_129 = arith.constant 0 : index
    %swap3A_130 = tpu.vector_load %arg7[%swap3A_129] {strides = array<i32>} : memref<128xi32, #tpu.memory_space<vmem>>, vector<16xi32>,
    tpu.vector_store %arg7[%swap3A_129], %get3A_128 {strides = array<i32>} : memref<128xi32, #tpu.memory_space<vmem>>, vector<16xi32>,
    %get3A_131 = arith.constant 19600 : index
    %get3A_132 = tpu.vector_load %arg6[%get3A_131] {strides = array<i32>} : memref<20000xi32, #tpu.memory_space<vmem>>, vector<16xi32>,
    %swap3A_133 = arith.constant 16 : index
    %swap3A_134 = tpu.vector_load %arg7[%swap3A_133] {strides = array<i32>} : memref<128xi32, #tpu.memory_space<vmem>>, vector<16xi32>,
    tpu.vector_store %arg7[%swap3A_133], %get3A_132 {strides = array<i32>} : memref<128xi32, #tpu.memory_space<vmem>>, vector<16xi32>,
    %get3A_135 = arith.constant 19616 : index
    %get3A_136 = tpu.vector_load %arg6[%get3A_135] {strides = array<i32>} : memref<20000xi32, #tpu.memory_space<vmem>>, vector<16xi32>,
    %swap3A_137 = arith.constant 32 : index
    %swap3A_138 = tpu.vector_load %arg7[%swap3A_137] {strides = array<i32>} : memref<128xi32, #tpu.memory_space<vmem>>, vector<16xi32>,
    tpu.vector_store %arg7[%swap3A_137], %get3A_136 {strides = array<i32>} : memref<128xi32, #tpu.memory_space<vmem>>, vector<16xi32>,
    %get3A_139 = arith.constant 19632 : index
    %get3A_140 = tpu.vector_load %arg6[%get3A_139] {strides = array<i32>} : memref<20000xi32, #tpu.memory_space<vmem>>, vector<16xi32>,
    %swap3A_141 = arith.constant 48 : index
    %swap3A_142 = tpu.vector_load %arg7[%swap3A_141] {strides = array<i32>} : memref<128xi32, #tpu.memory_space<vmem>>, vector<16xi32>,
    tpu.vector_store %arg7[%swap3A_141], %get3A_140 {strides = array<i32>} : memref<128xi32, #tpu.memory_space<vmem>>, vector<16xi32>,
    %get3A_143 = arith.constant 19648 : index
    %get3A_144 = tpu.vector_load %arg6[%get3A_143] {strides = array<i32>} : memref<20000xi32, #tpu.memory_space<vmem>>, vector<16xi32>,
    %swap3A_145 = arith.constant 64 : index
    %swap3A_146 = tpu.vector_load %arg7[%swap3A_145] {strides = array<i32>} : memref<128xi32, #tpu.memory_space<vmem>>, vector<16xi32>,
    tpu.vector_store %arg7[%swap3A_145], %get3A_144 {strides = array<i32>} : memref<128xi32, #tpu.memory_space<vmem>>, vector<16xi32>,
    %get3A_147 = arith.constant 19664 : index
    %get3A_148 = tpu.vector_load %arg6[%get3A_147] {strides = array<i32>} : memref<20000xi32, #tpu.memory_space<vmem>>, vector<16xi32>,
    %swap3A_149 = arith.constant 80 : index
    %swap3A_150 = tpu.vector_load %arg7[%swap3A_149] {strides = array<i32>} : memref<128xi32, #tpu.memory_space<vmem>>, vector<16xi32>,
    tpu.vector_store %arg7[%swap3A_149], %get3A_148 {strides = array<i32>} : memref<128xi32, #tpu.memory_space<vmem>>, vector<16xi32>,
    %get3A_151 = arith.constant 19680 : index
    %get3A_152 = tpu.vector_load %arg6[%get3A_151] {strides = array<i32>} : memref<20000xi32, #tpu.memory_space<vmem>>, vector<16xi32>,
    %swap3A_153 = arith.constant 96 : index
    %swap3A_154 = tpu.vector_load %arg7[%swap3A_153] {strides = array<i32>} : memref<128xi32, #tpu.memory_space<vmem>>, vector<16xi32>,
    tpu.vector_store %arg7[%swap3A_153], %get3A_152 {strides = array<i32>} : memref<128xi32, #tpu.memory_space<vmem>>, vector<16xi32>,
    %get3A_155 = arith.constant 19696 : index
    %get3A_156 = tpu.vector_load %arg6[%get3A_155] {strides = array<i32>} : memref<20000xi32, #tpu.memory_space<vmem>>, vector<16xi32>,
    %swap3A_157 = arith.constant 112 : index
    %swap3A_158 = tpu.vector_load %arg7[%swap3A_157] {strides = array<i32>} : memref<128xi32, #tpu.memory_space<vmem>>, vector<16xi32>,
    tpu.vector_store %arg7[%swap3A_157], %get3A_156 {strides = array<i32>} : memref<128xi32, #tpu.memory_space<vmem>>, vector<16xi32>,
    %run_scoped3A_159 = arith.constant 1 : i32
    "tpu.region"() ({
      %run_scoped3A_312 = tpu.sem_alloc : memref<!tpu.dma_semaphore, #tpu.memory_space<semaphore_mem>>
      %dma_start3A_313 = arith.constant 0 : i32
      %dma_start3A_314 = arith.constant 0 : i32
      %dma_start3A_315 = tpu.memref_slice %arg9[%run_scoped3A_159, %dma_start3A_313, %dma_start3A_314] : memref<4x128x64xf32, #tpu.memory_space<vmem>> -> memref<1x128x64xf32, #tpu.memory_space<vmem>>
      %dma_start3A_316 = tpu.memref_squeeze %dma_start3A_315 : memref<1x128x64xf32, #tpu.memory_space<vmem>> -> memref<128x64xf32, #tpu.memory_space<vmem>>
      %dma_start3A_317 = arith.constant 0 : i32
      %dma_start3A_318 = arith.constant 0 : i32
      %dma_start3A_319 = tpu.memref_slice %arg11[%dma_start3A_317, %dma_start3A_318] : memref<10240x64xf32, #tpu.memory_space<vmem_shared>> -> memref<10240x64xf32, #tpu.memory_space<vmem_shared>>
      tpu.enqueue_indirect_dma source(%dma_start3A_316 : memref<128x64xf32, #tpu.memory_space<vmem>>) target(%dma_start3A_319 : memref<10240x64xf32, #tpu.memory_space<vmem_shared>>) offsets(%arg7 : memref<128xi32, #tpu.memory_space<vmem>>) semaphore(%run_scoped3A_312 : memref<!tpu.dma_semaphore, #tpu.memory_space<semaphore_mem>>) {add = true}
      %dma_wait3A_320 = arith.constant 0 : i32
      %dma_wait3A_321 = arith.constant 0 : i32
      %dma_wait3A_322 = tpu.memref_slice %arg9[%run_scoped3A_159, %dma_wait3A_320, %dma_wait3A_321] : memref<4x128x64xf32, #tpu.memory_space<vmem>> -> memref<1x128x64xf32, #tpu.memory_space<vmem>>
      %dma_wait3A_323 = tpu.memref_squeeze %dma_wait3A_322 : memref<1x128x64xf32, #tpu.memory_space<vmem>> -> memref<128x64xf32, #tpu.memory_space<vmem>>
      %dma_wait3A_324 = arith.constant 0 : i32
      %dma_wait3A_325 = arith.constant 0 : i32
      %dma_wait3A_326 = tpu.memref_slice %arg11[%dma_wait3A_324, %dma_wait3A_325] : memref<10240x64xf32, #tpu.memory_space<vmem_shared>> -> memref<10240x64xf32, #tpu.memory_space<vmem_shared>>
      tpu.wait_indirect_dma semaphore(%run_scoped3A_312 : memref<!tpu.dma_semaphore, #tpu.memory_space<semaphore_mem>>) src(%dma_wait3A_323 : memref<128x64xf32, #tpu.memory_space<vmem>>) dst(%dma_wait3A_326 : memref<10240x64xf32, #tpu.memory_space<vmem_shared>>)
      tpu.yield
    }) : () -> ()
    %dma_wait3A_160 = arith.constant 2 : i32
    %dma_wait3A_161 = arith.constant 0 : i32
    %dma_wait3A_162 = arith.constant 0 : i32
    %dma_wait3A_163 = tpu.memref_slice %arg9[%dma_wait3A_160, %dma_wait3A_161, %dma_wait3A_162] : memref<4x128x64xf32, #tpu.memory_space<vmem>> -> memref<1x128x64xf32, #tpu.memory_space<vmem>>
    %dma_wait3A_164 = tpu.memref_squeeze %dma_wait3A_163 : memref<1x128x64xf32, #tpu.memory_space<vmem>> -> memref<128x64xf32, #tpu.memory_space<vmem>>
    %dma_wait3A_165 = arith.constant 19712 : i32
    %dma_wait3A_166 = tpu.memref_slice %arg5[%dma_wait3A_165] : memref<20000xi32, #tpu.memory_space<vmem>> -> memref<128xi32, #tpu.memory_space<vmem>>
    %dma_wait3A_167 = arith.constant 0 : i32
    %dma_wait3A_168 = arith.constant 0 : i32
    %dma_wait3A_169 = tpu.memref_slice %arg2[%dma_wait3A_167, %dma_wait3A_168] : memref<20000x64xf32, #tpu.memory_space<hbm>> -> memref<20000x64xf32, #tpu.memory_space<hbm>>
    tpu.wait_indirect_dma semaphore(%arg14 : memref<!tpu.dma_semaphore, #tpu.memory_space<semaphore_mem>>) src(%dma_wait3A_169 : memref<20000x64xf32, #tpu.memory_space<hbm>>) dst(%dma_wait3A_164 : memref<128x64xf32, #tpu.memory_space<vmem>>)
    %get3A_170 = arith.constant 19712 : index
    %get3A_171 = tpu.vector_load %arg6[%get3A_170] {strides = array<i32>} : memref<20000xi32, #tpu.memory_space<vmem>>, vector<16xi32>,
    %swap3A_172 = arith.constant 0 : index
    %swap3A_173 = tpu.vector_load %arg7[%swap3A_172] {strides = array<i32>} : memref<128xi32, #tpu.memory_space<vmem>>, vector<16xi32>,
    tpu.vector_store %arg7[%swap3A_172], %get3A_171 {strides = array<i32>} : memref<128xi32, #tpu.memory_space<vmem>>, vector<16xi32>,
    %get3A_174 = arith.constant 19728 : index
    %get3A_175 = tpu.vector_load %arg6[%get3A_174] {strides = array<i32>} : memref<20000xi32, #tpu.memory_space<vmem>>, vector<16xi32>,
    %swap3A_176 = arith.constant 16 : index
    %swap3A_177 = tpu.vector_load %arg7[%swap3A_176] {strides = array<i32>} : memref<128xi32, #tpu.memory_space<vmem>>, vector<16xi32>,
    tpu.vector_store %arg7[%swap3A_176], %get3A_175 {strides = array<i32>} : memref<128xi32, #tpu.memory_space<vmem>>, vector<16xi32>,
    %get3A_178 = arith.constant 19744 : index
    %get3A_179 = tpu.vector_load %arg6[%get3A_178] {strides = array<i32>} : memref<20000xi32, #tpu.memory_space<vmem>>, vector<16xi32>,
    %swap3A_180 = arith.constant 32 : index
    %swap3A_181 = tpu.vector_load %arg7[%swap3A_180] {strides = array<i32>} : memref<128xi32, #tpu.memory_space<vmem>>, vector<16xi32>,
    tpu.vector_store %arg7[%swap3A_180], %get3A_179 {strides = array<i32>} : memref<128xi32, #tpu.memory_space<vmem>>, vector<16xi32>,
    %get3A_182 = arith.constant 19760 : index
    %get3A_183 = tpu.vector_load %arg6[%get3A_182] {strides = array<i32>} : memref<20000xi32, #tpu.memory_space<vmem>>, vector<16xi32>,
    %swap3A_184 = arith.constant 48 : index
    %swap3A_185 = tpu.vector_load %arg7[%swap3A_184] {strides = array<i32>} : memref<128xi32, #tpu.memory_space<vmem>>, vector<16xi32>,
    tpu.vector_store %arg7[%swap3A_184], %get3A_183 {strides = array<i32>} : memref<128xi32, #tpu.memory_space<vmem>>, vector<16xi32>,
    %get3A_186 = arith.constant 19776 : index
    %get3A_187 = tpu.vector_load %arg6[%get3A_186] {strides = array<i32>} : memref<20000xi32, #tpu.memory_space<vmem>>, vector<16xi32>,
    %swap3A_188 = arith.constant 64 : index
    %swap3A_189 = tpu.vector_load %arg7[%swap3A_188] {strides = array<i32>} : memref<128xi32, #tpu.memory_space<vmem>>, vector<16xi32>,
    tpu.vector_store %arg7[%swap3A_188], %get3A_187 {strides = array<i32>} : memref<128xi32, #tpu.memory_space<vmem>>, vector<16xi32>,
    %get3A_190 = arith.constant 19792 : index
    %get3A_191 = tpu.vector_load %arg6[%get3A_190] {strides = array<i32>} : memref<20000xi32, #tpu.memory_space<vmem>>, vector<16xi32>,
    %swap3A_192 = arith.constant 80 : index
    %swap3A_193 = tpu.vector_load %arg7[%swap3A_192] {strides = array<i32>} : memref<128xi32, #tpu.memory_space<vmem>>, vector<16xi32>,
    tpu.vector_store %arg7[%swap3A_192], %get3A_191 {strides = array<i32>} : memref<128xi32, #tpu.memory_space<vmem>>, vector<16xi32>,
    %get3A_194 = arith.constant 19808 : index
    %get3A_195 = tpu.vector_load %arg6[%get3A_194] {strides = array<i32>} : memref<20000xi32, #tpu.memory_space<vmem>>, vector<16xi32>,
    %swap3A_196 = arith.constant 96 : index
    %swap3A_197 = tpu.vector_load %arg7[%swap3A_196] {strides = array<i32>} : memref<128xi32, #tpu.memory_space<vmem>>, vector<16xi32>,
    tpu.vector_store %arg7[%swap3A_196], %get3A_195 {strides = array<i32>} : memref<128xi32, #tpu.memory_space<vmem>>, vector<16xi32>,
    %get3A_198 = arith.constant 19824 : index
    %get3A_199 = tpu.vector_load %arg6[%get3A_198] {strides = array<i32>} : memref<20000xi32, #tpu.memory_space<vmem>>, vector<16xi32>,
    %swap3A_200 = arith.constant 112 : index
    %swap3A_201 = tpu.vector_load %arg7[%swap3A_200] {strides = array<i32>} : memref<128xi32, #tpu.memory_space<vmem>>, vector<16xi32>,
    tpu.vector_store %arg7[%swap3A_200], %get3A_199 {strides = array<i32>} : memref<128xi32, #tpu.memory_space<vmem>>, vector<16xi32>,
    %run_scoped3A_202 = arith.constant 2 : i32
    "tpu.region"() ({
      %run_scoped3A_312 = tpu.sem_alloc : memref<!tpu.dma_semaphore, #tpu.memory_space<semaphore_mem>>
      %dma_start3A_313 = arith.constant 0 : i32
      %dma_start3A_314 = arith.constant 0 : i32
      %dma_start3A_315 = tpu.memref_slice %arg9[%run_scoped3A_202, %dma_start3A_313, %dma_start3A_314] : memref<4x128x64xf32, #tpu.memory_space<vmem>> -> memref<1x128x64xf32, #tpu.memory_space<vmem>>
      %dma_start3A_316 = tpu.memref_squeeze %dma_start3A_315 : memref<1x128x64xf32, #tpu.memory_space<vmem>> -> memref<128x64xf32, #tpu.memory_space<vmem>>
      %dma_start3A_317 = arith.constant 0 : i32
      %dma_start3A_318 = arith.constant 0 : i32
      %dma_start3A_319 = tpu.memref_slice %arg11[%dma_start3A_317, %dma_start3A_318] : memref<10240x64xf32, #tpu.memory_space<vmem_shared>> -> memref<10240x64xf32, #tpu.memory_space<vmem_shared>>
      tpu.enqueue_indirect_dma source(%dma_start3A_316 : memref<128x64xf32, #tpu.memory_space<vmem>>) target(%dma_start3A_319 : memref<10240x64xf32, #tpu.memory_space<vmem_shared>>) offsets(%arg7 : memref<128xi32, #tpu.memory_space<vmem>>) semaphore(%run_scoped3A_312 : memref<!tpu.dma_semaphore, #tpu.memory_space<semaphore_mem>>) {add = true}
      %dma_wait3A_320 = arith.constant 0 : i32
      %dma_wait3A_321 = arith.constant 0 : i32
      %dma_wait3A_322 = tpu.memref_slice %arg9[%run_scoped3A_202, %dma_wait3A_320, %dma_wait3A_321] : memref<4x128x64xf32, #tpu.memory_space<vmem>> -> memref<1x128x64xf32, #tpu.memory_space<vmem>>
      %dma_wait3A_323 = tpu.memref_squeeze %dma_wait3A_322 : memref<1x128x64xf32, #tpu.memory_space<vmem>> -> memref<128x64xf32, #tpu.memory_space<vmem>>
      %dma_wait3A_324 = arith.constant 0 : i32
      %dma_wait3A_325 = arith.constant 0 : i32
      %dma_wait3A_326 = tpu.memref_slice %arg11[%dma_wait3A_324, %dma_wait3A_325] : memref<10240x64xf32, #tpu.memory_space<vmem_shared>> -> memref<10240x64xf32, #tpu.memory_space<vmem_shared>>
      tpu.wait_indirect_dma semaphore(%run_scoped3A_312 : memref<!tpu.dma_semaphore, #tpu.memory_space<semaphore_mem>>) src(%dma_wait3A_323 : memref<128x64xf32, #tpu.memory_space<vmem>>) dst(%dma_wait3A_326 : memref<10240x64xf32, #tpu.memory_space<vmem_shared>>)
      tpu.yield
    }) : () -> ()
    %dma_wait3A_203 = arith.constant 3 : i32
    %dma_wait3A_204 = arith.constant 0 : i32
    %dma_wait3A_205 = arith.constant 0 : i32
    %dma_wait3A_206 = tpu.memref_slice %arg9[%dma_wait3A_203, %dma_wait3A_204, %dma_wait3A_205] : memref<4x128x64xf32, #tpu.memory_space<vmem>> -> memref<1x128x64xf32, #tpu.memory_space<vmem>>
    %dma_wait3A_207 = tpu.memref_squeeze %dma_wait3A_206 : memref<1x128x64xf32, #tpu.memory_space<vmem>> -> memref<128x64xf32, #tpu.memory_space<vmem>>
    %dma_wait3A_208 = arith.constant 19840 : i32
    %dma_wait3A_209 = tpu.memref_slice %arg5[%dma_wait3A_208] : memref<20000xi32, #tpu.memory_space<vmem>> -> memref<128xi32, #tpu.memory_space<vmem>>
    %dma_wait3A_210 = arith.constant 0 : i32
    %dma_wait3A_211 = arith.constant 0 : i32
    %dma_wait3A_212 = tpu.memref_slice %arg2[%dma_wait3A_210, %dma_wait3A_211] : memref<20000x64xf32, #tpu.memory_space<hbm>> -> memref<20000x64xf32, #tpu.memory_space<hbm>>
    tpu.wait_indirect_dma semaphore(%arg15 : memref<!tpu.dma_semaphore, #tpu.memory_space<semaphore_mem>>) src(%dma_wait3A_212 : memref<20000x64xf32, #tpu.memory_space<hbm>>) dst(%dma_wait3A_207 : memref<128x64xf32, #tpu.memory_space<vmem>>)
    %get3A_213 = arith.constant 19840 : index
    %get3A_214 = tpu.vector_load %arg6[%get3A_213] {strides = array<i32>} : memref<20000xi32, #tpu.memory_space<vmem>>, vector<16xi32>,
    %swap3A_215 = arith.constant 0 : index
    %swap3A_216 = tpu.vector_load %arg7[%swap3A_215] {strides = array<i32>} : memref<128xi32, #tpu.memory_space<vmem>>, vector<16xi32>,
    tpu.vector_store %arg7[%swap3A_215], %get3A_214 {strides = array<i32>} : memref<128xi32, #tpu.memory_space<vmem>>, vector<16xi32>,
    %get3A_217 = arith.constant 19856 : index
    %get3A_218 = tpu.vector_load %arg6[%get3A_217] {strides = array<i32>} : memref<20000xi32, #tpu.memory_space<vmem>>, vector<16xi32>,
    %swap3A_219 = arith.constant 16 : index
    %swap3A_220 = tpu.vector_load %arg7[%swap3A_219] {strides = array<i32>} : memref<128xi32, #tpu.memory_space<vmem>>, vector<16xi32>,
    tpu.vector_store %arg7[%swap3A_219], %get3A_218 {strides = array<i32>} : memref<128xi32, #tpu.memory_space<vmem>>, vector<16xi32>,
    %get3A_221 = arith.constant 19872 : index
    %get3A_222 = tpu.vector_load %arg6[%get3A_221] {strides = array<i32>} : memref<20000xi32, #tpu.memory_space<vmem>>, vector<16xi32>,
    %swap3A_223 = arith.constant 32 : index
    %swap3A_224 = tpu.vector_load %arg7[%swap3A_223] {strides = array<i32>} : memref<128xi32, #tpu.memory_space<vmem>>, vector<16xi32>,
    tpu.vector_store %arg7[%swap3A_223], %get3A_222 {strides = array<i32>} : memref<128xi32, #tpu.memory_space<vmem>>, vector<16xi32>,
    %get3A_225 = arith.constant 19888 : index
    %get3A_226 = tpu.vector_load %arg6[%get3A_225] {strides = array<i32>} : memref<20000xi32, #tpu.memory_space<vmem>>, vector<16xi32>,
    %swap3A_227 = arith.constant 48 : index
    %swap3A_228 = tpu.vector_load %arg7[%swap3A_227] {strides = array<i32>} : memref<128xi32, #tpu.memory_space<vmem>>, vector<16xi32>,
    tpu.vector_store %arg7[%swap3A_227], %get3A_226 {strides = array<i32>} : memref<128xi32, #tpu.memory_space<vmem>>, vector<16xi32>,
    %get3A_229 = arith.constant 19904 : index
    %get3A_230 = tpu.vector_load %arg6[%get3A_229] {strides = array<i32>} : memref<20000xi32, #tpu.memory_space<vmem>>, vector<16xi32>,
    %swap3A_231 = arith.constant 64 : index
    %swap3A_232 = tpu.vector_load %arg7[%swap3A_231] {strides = array<i32>} : memref<128xi32, #tpu.memory_space<vmem>>, vector<16xi32>,
    tpu.vector_store %arg7[%swap3A_231], %get3A_230 {strides = array<i32>} : memref<128xi32, #tpu.memory_space<vmem>>, vector<16xi32>,
    %get3A_233 = arith.constant 19920 : index
    %get3A_234 = tpu.vector_load %arg6[%get3A_233] {strides = array<i32>} : memref<20000xi32, #tpu.memory_space<vmem>>, vector<16xi32>,
    %swap3A_235 = arith.constant 80 : index
    %swap3A_236 = tpu.vector_load %arg7[%swap3A_235] {strides = array<i32>} : memref<128xi32, #tpu.memory_space<vmem>>, vector<16xi32>,
    tpu.vector_store %arg7[%swap3A_235], %get3A_234 {strides = array<i32>} : memref<128xi32, #tpu.memory_space<vmem>>, vector<16xi32>,
    %get3A_237 = arith.constant 19936 : index
    %get3A_238 = tpu.vector_load %arg6[%get3A_237] {strides = array<i32>} : memref<20000xi32, #tpu.memory_space<vmem>>, vector<16xi32>,
    %swap3A_239 = arith.constant 96 : index
    %swap3A_240 = tpu.vector_load %arg7[%swap3A_239] {strides = array<i32>} : memref<128xi32, #tpu.memory_space<vmem>>, vector<16xi32>,
    tpu.vector_store %arg7[%swap3A_239], %get3A_238 {strides = array<i32>} : memref<128xi32, #tpu.memory_space<vmem>>, vector<16xi32>,
    %get3A_241 = arith.constant 19952 : index
    %get3A_242 = tpu.vector_load %arg6[%get3A_241] {strides = array<i32>} : memref<20000xi32, #tpu.memory_space<vmem>>, vector<16xi32>,
    %swap3A_243 = arith.constant 112 : index
    %swap3A_244 = tpu.vector_load %arg7[%swap3A_243] {strides = array<i32>} : memref<128xi32, #tpu.memory_space<vmem>>, vector<16xi32>,
    tpu.vector_store %arg7[%swap3A_243], %get3A_242 {strides = array<i32>} : memref<128xi32, #tpu.memory_space<vmem>>, vector<16xi32>,
    %run_scoped3A_245 = arith.constant 3 : i32
    "tpu.region"() ({
      %run_scoped3A_312 = tpu.sem_alloc : memref<!tpu.dma_semaphore, #tpu.memory_space<semaphore_mem>>
      %dma_start3A_313 = arith.constant 0 : i32
      %dma_start3A_314 = arith.constant 0 : i32
      %dma_start3A_315 = tpu.memref_slice %arg9[%run_scoped3A_245, %dma_start3A_313, %dma_start3A_314] : memref<4x128x64xf32, #tpu.memory_space<vmem>> -> memref<1x128x64xf32, #tpu.memory_space<vmem>>
      %dma_start3A_316 = tpu.memref_squeeze %dma_start3A_315 : memref<1x128x64xf32, #tpu.memory_space<vmem>> -> memref<128x64xf32, #tpu.memory_space<vmem>>
      %dma_start3A_317 = arith.constant 0 : i32
      %dma_start3A_318 = arith.constant 0 : i32
      %dma_start3A_319 = tpu.memref_slice %arg11[%dma_start3A_317, %dma_start3A_318] : memref<10240x64xf32, #tpu.memory_space<vmem_shared>> -> memref<10240x64xf32, #tpu.memory_space<vmem_shared>>
      tpu.enqueue_indirect_dma source(%dma_start3A_316 : memref<128x64xf32, #tpu.memory_space<vmem>>) target(%dma_start3A_319 : memref<10240x64xf32, #tpu.memory_space<vmem_shared>>) offsets(%arg7 : memref<128xi32, #tpu.memory_space<vmem>>) semaphore(%run_scoped3A_312 : memref<!tpu.dma_semaphore, #tpu.memory_space<semaphore_mem>>) {add = true}
      %dma_wait3A_320 = arith.constant 0 : i32
      %dma_wait3A_321 = arith.constant 0 : i32
      %dma_wait3A_322 = tpu.memref_slice %arg9[%run_scoped3A_245, %dma_wait3A_320, %dma_wait3A_321] : memref<4x128x64xf32, #tpu.memory_space<vmem>> -> memref<1x128x64xf32, #tpu.memory_space<vmem>>
      %dma_wait3A_323 = tpu.memref_squeeze %dma_wait3A_322 : memref<1x128x64xf32, #tpu.memory_space<vmem>> -> memref<128x64xf32, #tpu.memory_space<vmem>>
      %dma_wait3A_324 = arith.constant 0 : i32
      %dma_wait3A_325 = arith.constant 0 : i32
      %dma_wait3A_326 = tpu.memref_slice %arg11[%dma_wait3A_324, %dma_wait3A_325] : memref<10240x64xf32, #tpu.memory_space<vmem_shared>> -> memref<10240x64xf32, #tpu.memory_space<vmem_shared>>
      tpu.wait_indirect_dma semaphore(%run_scoped3A_312 : memref<!tpu.dma_semaphore, #tpu.memory_space<semaphore_mem>>) src(%dma_wait3A_323 : memref<128x64xf32, #tpu.memory_space<vmem>>) dst(%dma_wait3A_326 : memref<10240x64xf32, #tpu.memory_space<vmem_shared>>)
      tpu.yield
    }) : () -> ()
    %get3A_246 = arith.constant 19968 : index
    %get3A_247 = tpu.vector_load %arg6[%get3A_246] {strides = array<i32>} : memref<20000xi32, #tpu.memory_space<vmem>>, vector<16xi32>,
    %swap3A_248 = arith.constant 0 : index
    %swap3A_249 = tpu.vector_load %arg8[%swap3A_248] {strides = array<i32>} : memref<32xi32, #tpu.memory_space<vmem>>, vector<16xi32>,
    tpu.vector_store %arg8[%swap3A_248], %get3A_247 {strides = array<i32>} : memref<32xi32, #tpu.memory_space<vmem>>, vector<16xi32>,
    %get3A_250 = arith.constant 19984 : index
    %get3A_251 = tpu.vector_load %arg6[%get3A_250] {strides = array<i32>} : memref<20000xi32, #tpu.memory_space<vmem>>, vector<16xi32>,
    %swap3A_252 = arith.constant 16 : index
    %swap3A_253 = tpu.vector_load %arg8[%swap3A_252] {strides = array<i32>} : memref<32xi32, #tpu.memory_space<vmem>>, vector<16xi32>,
    tpu.vector_store %arg8[%swap3A_252], %get3A_251 {strides = array<i32>} : memref<32xi32, #tpu.memory_space<vmem>>, vector<16xi32>,
    %dma_start3A_254 = arith.constant 0 : i32
    %dma_start3A_255 = arith.constant 0 : i32
    %dma_start3A_256 = arith.constant 0 : i32
    %dma_start3A_257 = tpu.memref_slice %arg9[%dma_start3A_254, %dma_start3A_255, %dma_start3A_256] : memref<4x128x64xf32, #tpu.memory_space<vmem>> -> memref<1x128x64xf32, #tpu.memory_space<vmem>>
    %dma_start3A_258 = tpu.memref_squeeze %dma_start3A_257 : memref<1x128x64xf32, #tpu.memory_space<vmem>> -> memref<128x64xf32, #tpu.memory_space<vmem>>
    %dma_start3A_259 = arith.constant 0 : i32
    %dma_start3A_260 = arith.constant 0 : i32
    %dma_start3A_261 = tpu.memref_slice %dma_start3A_258[%dma_start3A_259, %dma_start3A_260] : memref<128x64xf32, #tpu.memory_space<vmem>> -> memref<32x64xf32, #tpu.memory_space<vmem>>
    %dma_start3A_262 = arith.constant 19968 : i32
    %dma_start3A_263 = tpu.memref_slice %arg5[%dma_start3A_262] : memref<20000xi32, #tpu.memory_space<vmem>> -> memref<32xi32, #tpu.memory_space<vmem>>
    %dma_start3A_264 = arith.constant 0 : i32
    %dma_start3A_265 = arith.constant 0 : i32
    %dma_start3A_266 = tpu.memref_slice %arg2[%dma_start3A_264, %dma_start3A_265] : memref<20000x64xf32, #tpu.memory_space<hbm>> -> memref<20000x64xf32, #tpu.memory_space<hbm>>
    tpu.enqueue_indirect_dma source(%dma_start3A_266 : memref<20000x64xf32, #tpu.memory_space<hbm>>) target(%dma_start3A_261 : memref<32x64xf32, #tpu.memory_space<vmem>>) offsets(%dma_start3A_263 : memref<32xi32, #tpu.memory_space<vmem>>) semaphore(%arg12 : memref<!tpu.dma_semaphore, #tpu.memory_space<semaphore_mem>>)
    %dma_wait3A_267 = arith.constant 0 : i32
    %dma_wait3A_268 = arith.constant 0 : i32
    %dma_wait3A_269 = arith.constant 0 : i32
    %dma_wait3A_270 = tpu.memref_slice %arg9[%dma_wait3A_267, %dma_wait3A_268, %dma_wait3A_269] : memref<4x128x64xf32, #tpu.memory_space<vmem>> -> memref<1x128x64xf32, #tpu.memory_space<vmem>>
    %dma_wait3A_271 = tpu.memref_squeeze %dma_wait3A_270 : memref<1x128x64xf32, #tpu.memory_space<vmem>> -> memref<128x64xf32, #tpu.memory_space<vmem>>
    %dma_wait3A_272 = arith.constant 0 : i32
    %dma_wait3A_273 = arith.constant 0 : i32
    %dma_wait3A_274 = tpu.memref_slice %dma_wait3A_271[%dma_wait3A_272, %dma_wait3A_273] : memref<128x64xf32, #tpu.memory_space<vmem>> -> memref<32x64xf32, #tpu.memory_space<vmem>>
    %dma_wait3A_275 = arith.constant 19968 : i32
    %dma_wait3A_276 = tpu.memref_slice %arg5[%dma_wait3A_275] : memref<20000xi32, #tpu.memory_space<vmem>> -> memref<32xi32, #tpu.memory_space<vmem>>
    %dma_wait3A_277 = arith.constant 0 : i32
    %dma_wait3A_278 = arith.constant 0 : i32
    %dma_wait3A_279 = tpu.memref_slice %arg2[%dma_wait3A_277, %dma_wait3A_278] : memref<20000x64xf32, #tpu.memory_space<hbm>> -> memref<20000x64xf32, #tpu.memory_space<hbm>>
    tpu.wait_indirect_dma semaphore(%arg12 : memref<!tpu.dma_semaphore, #tpu.memory_space<semaphore_mem>>) src(%dma_wait3A_279 : memref<20000x64xf32, #tpu.memory_space<hbm>>) dst(%dma_wait3A_274 : memref<32x64xf32, #tpu.memory_space<vmem>>)
    %run_scoped3A_280 = arith.constant 0 : i32
    "tpu.region"() ({
      %run_scoped3A_312 = tpu.sem_alloc : memref<!tpu.dma_semaphore, #tpu.memory_space<semaphore_mem>>
      %dma_start3A_313 = arith.constant 0 : i32
      %dma_start3A_314 = arith.constant 0 : i32
      %dma_start3A_315 = tpu.memref_slice %arg9[%run_scoped3A_280, %dma_start3A_313, %dma_start3A_314] : memref<4x128x64xf32, #tpu.memory_space<vmem>> -> memref<1x128x64xf32, #tpu.memory_space<vmem>>
      %dma_start3A_316 = tpu.memref_squeeze %dma_start3A_315 : memref<1x128x64xf32, #tpu.memory_space<vmem>> -> memref<128x64xf32, #tpu.memory_space<vmem>>
      %dma_start3A_317 = arith.constant 0 : i32
      %dma_start3A_318 = arith.constant 0 : i32
      %dma_start3A_319 = tpu.memref_slice %dma_start3A_316[%dma_start3A_317, %dma_start3A_318] : memref<128x64xf32, #tpu.memory_space<vmem>> -> memref<32x64xf32, #tpu.memory_space<vmem>>
      %dma_start3A_320 = arith.constant 0 : i32
      %dma_start3A_321 = arith.constant 0 : i32
      %dma_start3A_322 = tpu.memref_slice %arg11[%dma_start3A_320, %dma_start3A_321] : memref<10240x64xf32, #tpu.memory_space<vmem_shared>> -> memref<10240x64xf32, #tpu.memory_space<vmem_shared>>
      tpu.enqueue_indirect_dma source(%dma_start3A_319 : memref<32x64xf32, #tpu.memory_space<vmem>>) target(%dma_start3A_322 : memref<10240x64xf32, #tpu.memory_space<vmem_shared>>) offsets(%arg8 : memref<32xi32, #tpu.memory_space<vmem>>) semaphore(%run_scoped3A_312 : memref<!tpu.dma_semaphore, #tpu.memory_space<semaphore_mem>>) {add = true}
      %dma_wait3A_323 = arith.constant 0 : i32
      %dma_wait3A_324 = arith.constant 0 : i32
      %dma_wait3A_325 = tpu.memref_slice %arg9[%run_scoped3A_280, %dma_wait3A_323, %dma_wait3A_324] : memref<4x128x64xf32, #tpu.memory_space<vmem>> -> memref<1x128x64xf32, #tpu.memory_space<vmem>>
      %dma_wait3A_326 = tpu.memref_squeeze %dma_wait3A_325 : memref<1x128x64xf32, #tpu.memory_space<vmem>> -> memref<128x64xf32, #tpu.memory_space<vmem>>
      %dma_wait3A_327 = arith.constant 0 : i32
      %dma_wait3A_328 = arith.constant 0 : i32
      %dma_wait3A_329 = tpu.memref_slice %dma_wait3A_326[%dma_wait3A_327, %dma_wait3A_328] : memref<128x64xf32, #tpu.memory_space<vmem>> -> memref<32x64xf32, #tpu.memory_space<vmem>>
      %dma_wait3A_330 = arith.constant 0 : i32
      %dma_wait3A_331 = arith.constant 0 : i32
      %dma_wait3A_332 = tpu.memref_slice %arg11[%dma_wait3A_330, %dma_wait3A_331] : memref<10240x64xf32, #tpu.memory_space<vmem_shared>> -> memref<10240x64xf32, #tpu.memory_space<vmem_shared>>
      tpu.wait_indirect_dma semaphore(%run_scoped3A_312 : memref<!tpu.dma_semaphore, #tpu.memory_space<semaphore_mem>>) src(%dma_wait3A_329 : memref<32x64xf32, #tpu.memory_space<vmem>>) dst(%dma_wait3A_332 : memref<10240x64xf32, #tpu.memory_space<vmem_shared>>)
      tpu.yield
    }) : () -> ()
    %barrier3A_281 = arith.constant 0 : index
    tpu.barrier barrier_id(%barrier3A_281)
    %mul3A_282 = arith.constant 640 : i32
    %mul3A_283 = arith.muli %arg1, %mul3A_282 : i32
    %add3A_284 = arith.constant 0 : i32
    %add3A_285 = arith.addi %mul3A_283, %add3A_284 : i32
    %mul3A_286 = arith.constant 64 : i32
    %mul3A_287 = arith.muli %arg0, %mul3A_286 : i32
    "tpu.region"() ({
      %run_scoped3A_312 = tpu.sem_alloc : memref<!tpu.dma_semaphore, #tpu.memory_space<semaphore_mem>>
      %dma_start3A_313 = tpu.memref_slice %arg4[%add3A_285, %mul3A_287] : memref<10240x128xf32, #tpu.memory_space<hbm>> -> memref<128x64xf32, #tpu.memory_space<hbm>>
      %dma_start3A_314 = arith.constant 0 : i32
      %dma_start3A_315 = tpu.memref_slice %arg11[%add3A_285, %dma_start3A_314] : memref<10240x64xf32, #tpu.memory_space<vmem_shared>> -> memref<128x64xf32, #tpu.memory_space<vmem_shared>>
      tpu.enqueue_dma source(%dma_start3A_315 : memref<128x64xf32, #tpu.memory_space<vmem_shared>>) target(%dma_start3A_313 : memref<128x64xf32, #tpu.memory_space<hbm>>) target_semaphore(%run_scoped3A_312 : memref<!tpu.dma_semaphore, #tpu.memory_space<semaphore_mem>>)
      %dma_wait3A_316 = tpu.memref_slice %arg4[%add3A_285, %mul3A_287] : memref<10240x128xf32, #tpu.memory_space<hbm>> -> memref<128x64xf32, #tpu.memory_space<hbm>>
      %dma_wait3A_317 = arith.constant 0 : i32
      %dma_wait3A_318 = tpu.memref_slice %arg11[%add3A_285, %dma_wait3A_317] : memref<10240x64xf32, #tpu.memory_space<vmem_shared>> -> memref<128x64xf32, #tpu.memory_space<vmem_shared>>
      tpu.wait_dma2 semaphore(%run_scoped3A_312 : memref<!tpu.dma_semaphore, #tpu.memory_space<semaphore_mem>>) src(%dma_wait3A_318 : memref<128x64xf32, #tpu.memory_space<vmem_shared>>) dst(%dma_wait3A_316 : memref<128x64xf32, #tpu.memory_space<hbm>>)
      tpu.yield
    }) : () -> ()
    %mul3A_288 = arith.constant 640 : i32
    %mul3A_289 = arith.muli %arg1, %mul3A_288 : i32
    %add3A_290 = arith.constant 128 : i32
    %add3A_291 = arith.addi %mul3A_289, %add3A_290 : i32
    %mul3A_292 = arith.constant 64 : i32
    %mul3A_293 = arith.muli %arg0, %mul3A_292 : i32
    "tpu.region"() ({
      %run_scoped3A_312 = tpu.sem_alloc : memref<!tpu.dma_semaphore, #tpu.memory_space<semaphore_mem>>
      %dma_start3A_313 = tpu.memref_slice %arg4[%add3A_291, %mul3A_293] : memref<10240x128xf32, #tpu.memory_space<hbm>> -> memref<128x64xf32, #tpu.memory_space<hbm>>
      %dma_start3A_314 = arith.constant 0 : i32
      %dma_start3A_315 = tpu.memref_slice %arg11[%add3A_291, %dma_start3A_314] : memref<10240x64xf32, #tpu.memory_space<vmem_shared>> -> memref<128x64xf32, #tpu.memory_space<vmem_shared>>
      tpu.enqueue_dma source(%dma_start3A_315 : memref<128x64xf32, #tpu.memory_space<vmem_shared>>) target(%dma_start3A_313 : memref<128x64xf32, #tpu.memory_space<hbm>>) target_semaphore(%run_scoped3A_312 : memref<!tpu.dma_semaphore, #tpu.memory_space<semaphore_mem>>)
      %dma_wait3A_316 = tpu.memref_slice %arg4[%add3A_291, %mul3A_293] : memref<10240x128xf32, #tpu.memory_space<hbm>> -> memref<128x64xf32, #tpu.memory_space<hbm>>
      %dma_wait3A_317 = arith.constant 0 : i32
      %dma_wait3A_318 = tpu.memref_slice %arg11[%add3A_291, %dma_wait3A_317] : memref<10240x64xf32, #tpu.memory_space<vmem_shared>> -> memref<128x64xf32, #tpu.memory_space<vmem_shared>>
      tpu.wait_dma2 semaphore(%run_scoped3A_312 : memref<!tpu.dma_semaphore, #tpu.memory_space<semaphore_mem>>) src(%dma_wait3A_318 : memref<128x64xf32, #tpu.memory_space<vmem_shared>>) dst(%dma_wait3A_316 : memref<128x64xf32, #tpu.memory_space<hbm>>)
      tpu.yield
    }) : () -> ()
    %mul3A_294 = arith.constant 640 : i32
    %mul3A_295 = arith.muli %arg1, %mul3A_294 : i32
    %add3A_296 = arith.constant 256 : i32
    %add3A_297 = arith.addi %mul3A_295, %add3A_296 : i32
    %mul3A_298 = arith.constant 64 : i32
    %mul3A_299 = arith.muli %arg0, %mul3A_298 : i32
    "tpu.region"() ({
      %run_scoped3A_312 = tpu.sem_alloc : memref<!tpu.dma_semaphore, #tpu.memory_space<semaphore_mem>>
      %dma_start3A_313 = tpu.memref_slice %arg4[%add3A_297, %mul3A_299] : memref<10240x128xf32, #tpu.memory_space<hbm>> -> memref<128x64xf32, #tpu.memory_space<hbm>>
      %dma_start3A_314 = arith.constant 0 : i32
      %dma_start3A_315 = tpu.memref_slice %arg11[%add3A_297, %dma_start3A_314] : memref<10240x64xf32, #tpu.memory_space<vmem_shared>> -> memref<128x64xf32, #tpu.memory_space<vmem_shared>>
      tpu.enqueue_dma source(%dma_start3A_315 : memref<128x64xf32, #tpu.memory_space<vmem_shared>>) target(%dma_start3A_313 : memref<128x64xf32, #tpu.memory_space<hbm>>) target_semaphore(%run_scoped3A_312 : memref<!tpu.dma_semaphore, #tpu.memory_space<semaphore_mem>>)
      %dma_wait3A_316 = tpu.memref_slice %arg4[%add3A_297, %mul3A_299] : memref<10240x128xf32, #tpu.memory_space<hbm>> -> memref<128x64xf32, #tpu.memory_space<hbm>>
      %dma_wait3A_317 = arith.constant 0 : i32
      %dma_wait3A_318 = tpu.memref_slice %arg11[%add3A_297, %dma_wait3A_317] : memref<10240x64xf32, #tpu.memory_space<vmem_shared>> -> memref<128x64xf32, #tpu.memory_space<vmem_shared>>
      tpu.wait_dma2 semaphore(%run_scoped3A_312 : memref<!tpu.dma_semaphore, #tpu.memory_space<semaphore_mem>>) src(%dma_wait3A_318 : memref<128x64xf32, #tpu.memory_space<vmem_shared>>) dst(%dma_wait3A_316 : memref<128x64xf32, #tpu.memory_space<hbm>>)
      tpu.yield
    }) : () -> ()
    %mul3A_300 = arith.constant 640 : i32
    %mul3A_301 = arith.muli %arg1, %mul3A_300 : i32
    %add3A_302 = arith.constant 384 : i32
    %add3A_303 = arith.addi %mul3A_301, %add3A_302 : i32
    %mul3A_304 = arith.constant 64 : i32
    %mul3A_305 = arith.muli %arg0, %mul3A_304 : i32
    "tpu.region"() ({
      %run_scoped3A_312 = tpu.sem_alloc : memref<!tpu.dma_semaphore, #tpu.memory_space<semaphore_mem>>
      %dma_start3A_313 = tpu.memref_slice %arg4[%add3A_303, %mul3A_305] : memref<10240x128xf32, #tpu.memory_space<hbm>> -> memref<128x64xf32, #tpu.memory_space<hbm>>
      %dma_start3A_314 = arith.constant 0 : i32
      %dma_start3A_315 = tpu.memref_slice %arg11[%add3A_303, %dma_start3A_314] : memref<10240x64xf32, #tpu.memory_space<vmem_shared>> -> memref<128x64xf32, #tpu.memory_space<vmem_shared>>
      tpu.enqueue_dma source(%dma_start3A_315 : memref<128x64xf32, #tpu.memory_space<vmem_shared>>) target(%dma_start3A_313 : memref<128x64xf32, #tpu.memory_space<hbm>>) target_semaphore(%run_scoped3A_312 : memref<!tpu.dma_semaphore, #tpu.memory_space<semaphore_mem>>)
      %dma_wait3A_316 = tpu.memref_slice %arg4[%add3A_303, %mul3A_305] : memref<10240x128xf32, #tpu.memory_space<hbm>> -> memref<128x64xf32, #tpu.memory_space<hbm>>
      %dma_wait3A_317 = arith.constant 0 : i32
      %dma_wait3A_318 = tpu.memref_slice %arg11[%add3A_303, %dma_wait3A_317] : memref<10240x64xf32, #tpu.memory_space<vmem_shared>> -> memref<128x64xf32, #tpu.memory_space<vmem_shared>>
      tpu.wait_dma2 semaphore(%run_scoped3A_312 : memref<!tpu.dma_semaphore, #tpu.memory_space<semaphore_mem>>) src(%dma_wait3A_318 : memref<128x64xf32, #tpu.memory_space<vmem_shared>>) dst(%dma_wait3A_316 : memref<128x64xf32, #tpu.memory_space<hbm>>)
      tpu.yield
    }) : () -> ()
    %mul3A_306 = arith.constant 640 : i32
    %mul3A_307 = arith.muli %arg1, %mul3A_306 : i32
    %add3A_308 = arith.constant 512 : i32
    %add3A_309 = arith.addi %mul3A_307, %add3A_308 : i32
    %mul3A_310 = arith.constant 64 : i32
    %mul3A_311 = arith.muli %arg0, %mul3A_310 : i32
    "tpu.region"() ({
      %run_scoped3A_312 = tpu.sem_alloc : memref<!tpu.dma_semaphore, #tpu.memory_space<semaphore_mem>>
      %dma_start3A_313 = tpu.memref_slice %arg4[%add3A_309, %mul3A_311] : memref<10240x128xf32, #tpu.memory_space<hbm>> -> memref<128x64xf32, #tpu.memory_space<hbm>>
      %dma_start3A_314 = arith.constant 0 : i32
      %dma_start3A_315 = tpu.memref_slice %arg11[%add3A_309, %dma_start3A_314] : memref<10240x64xf32, #tpu.memory_space<vmem_shared>> -> memref<128x64xf32, #tpu.memory_space<vmem_shared>>
      tpu.enqueue_dma source(%dma_start3A_315 : memref<128x64xf32, #tpu.memory_space<vmem_shared>>) target(%dma_start3A_313 : memref<128x64xf32, #tpu.memory_space<hbm>>) target_semaphore(%run_scoped3A_312 : memref<!tpu.dma_semaphore, #tpu.memory_space<semaphore_mem>>)
      %dma_wait3A_316 = tpu.memref_slice %arg4[%add3A_309, %mul3A_311] : memref<10240x128xf32, #tpu.memory_space<hbm>> -> memref<128x64xf32, #tpu.memory_space<hbm>>
      %dma_wait3A_317 = arith.constant 0 : i32
      %dma_wait3A_318 = tpu.memref_slice %arg11[%add3A_309, %dma_wait3A_317] : memref<10240x64xf32, #tpu.memory_space<vmem_shared>> -> memref<128x64xf32, #tpu.memory_space<vmem_shared>>
      tpu.wait_dma2 semaphore(%run_scoped3A_312 : memref<!tpu.dma_semaphore, #tpu.memory_space<semaphore_mem>>) src(%dma_wait3A_318 : memref<128x64xf32, #tpu.memory_space<vmem_shared>>) dst(%dma_wait3A_316 : memref<128x64xf32, #tpu.memory_space<hbm>>)
      tpu.yield
    }) : () -> ()
    return
  }
}

module attributes {stable_mosaic.version = 14 : i64} {
  func.func @body(%arg0: i32, %arg1: memref<1000x128xf32, #tpu.memory_space<vmem>>, %arg2: memref<128x128xf32, #tpu.memory_space<vmem>>, %arg3: memref<1x128xf32, #tpu.memory_space<vmem>>, %arg4: memref<1000x1xf32, #tpu.memory_space<vmem>>, %arg5: memref<1000x1xf32, #tpu.memory_space<vmem>>, %arg6: memref<1000x128xf32, #tpu.memory_space<vmem>>) attributes {dimension_semantics = [#tpu.dimension_semantics<arbitrary>], iteration_bounds = array<i64: 10>, scalar_prefetch = 0 : i64, scratch_operands = 0 : i64, tpu.core_type = #tpu.core_type<tc>, window_params = [{transform_indices = @transform_0, window_bounds = array<i64: 1000, 128>}, {pipeline_mode = #tpu.pipeline_mode<synchronous>, transform_indices = @transform_1, window_bounds = array<i64: 128, 128>}, {pipeline_mode = #tpu.pipeline_mode<synchronous>, transform_indices = @transform_2, window_bounds = array<i64: 1, 128>}, {transform_indices = @transform_3, window_bounds = array<i64: 1000, 1>}, {transform_indices = @transform_4, window_bounds = array<i64: 1000, 1>}, {transform_indices = @transform_5, window_bounds = array<i64: 1000, 128>}]} {
    %get3A = arith.constant 0 : index
    %get3A_0 = arith.constant 0 : index
    %get3A_1 = vector.load %arg4[%get3A, %get3A_0] : memref<1000x1xf32, #tpu.memory_space<vmem>>, vector<1000x1xf32>
    %get3A_2 = arith.constant 0 : index
    %get3A_3 = arith.constant 0 : index
    %get3A_4 = vector.load %arg5[%get3A_2, %get3A_3] : memref<1000x1xf32, #tpu.memory_space<vmem>>, vector<1000x1xf32>
    %add3A = arith.addf %get3A_1, %get3A_4 : vector<1000x1xf32>
    %add3A_5 = arith.constant 1.000000e+00 : f32
    %add3A_6 = vector.broadcast %add3A_5 : f32 to vector<1000x1xf32>
    %add3A_7 = arith.addf %add3A, %add3A_6 : vector<1000x1xf32>
    %rsqrt3A = math.rsqrt %add3A_7 : vector<1000x1xf32>
    %get3A_8 = arith.constant 0 : index
    %get3A_9 = arith.constant 0 : index
    %get3A_10 = vector.load %arg1[%get3A_8, %get3A_9] : memref<1000x128xf32, #tpu.memory_space<vmem>>, vector<1000x128xf32>
    %get3A_11 = arith.constant 0 : index
    %get3A_12 = arith.constant 0 : index
    %get3A_13 = vector.load %arg2[%get3A_11, %get3A_12] : memref<128x128xf32, #tpu.memory_space<vmem>>, vector<128x128xf32>
    %dot_general3A = arith.constant dense<0.000000e+00> : vector<1000x128xf32>
    %dot_general3A_14 = tpu.matmul %get3A_10, %get3A_13, %dot_general3A {dimension_numbers = #tpu.dot_dimension_numbers<[1], [0], [0], [1], [0, 0, 1, 1], [], []>, transpose_lhs_hint = false} : vector<1000x128xf32>, vector<128x128xf32>, vector<1000x128xf32> -> vector<1000x128xf32>
    %get3A_15 = arith.constant 0 : index
    %get3A_16 = arith.constant 0 : index
    %get3A_17 = vector.load %arg3[%get3A_15, %get3A_16] : memref<1x128xf32, #tpu.memory_space<vmem>>, vector<1x128xf32>
    %add3A_18 = vector.broadcast %get3A_17 : vector<1x128xf32> to vector<1000x128xf32>
    %add3A_19 = arith.addf %dot_general3A_14, %add3A_18 : vector<1000x128xf32>
    %mul3A = vector.broadcast %rsqrt3A : vector<1000x1xf32> to vector<1000x128xf32>
    %mul3A_20 = arith.mulf %mul3A, %add3A_19 : vector<1000x128xf32>
    %swap3A = arith.constant 0 : index
    %swap3A_21 = arith.constant 0 : index
    %swap3A_22 = vector.load %arg6[%swap3A, %swap3A_21] : memref<1000x128xf32, #tpu.memory_space<vmem>>, vector<1000x128xf32>
    tpu.vector_store %arg6[%swap3A, %swap3A_21], %mul3A_20 {strides = array<i32>} : memref<1000x128xf32, #tpu.memory_space<vmem>>, vector<1000x128xf32>,
    return
  }
  func.func @transform_0(%arg0: i32) -> (i32, i32) {
    %c0_i32 = arith.constant 0 : i32
    %c0_i32_0 = arith.constant 0 : i32
    return %arg0, %c0_i32 : i32, i32
  }
  func.func @transform_1(%arg0: i32) -> (i32, i32) {
    %c0_i32 = arith.constant 0 : i32
    %c0_i32_0 = arith.constant 0 : i32
    %c0_i32_1 = arith.constant 0 : i32
    return %c0_i32, %c0_i32_0 : i32, i32
  }
  func.func @transform_2(%arg0: i32) -> (i32, i32) {
    %c0_i32 = arith.constant 0 : i32
    %c0_i32_0 = arith.constant 0 : i32
    %c0_i32_1 = arith.constant 0 : i32
    return %c0_i32, %c0_i32_0 : i32, i32
  }
  func.func @transform_3(%arg0: i32) -> (i32, i32) {
    %c0_i32 = arith.constant 0 : i32
    %c0_i32_0 = arith.constant 0 : i32
    return %arg0, %c0_i32 : i32, i32
  }
  func.func @transform_4(%arg0: i32) -> (i32, i32) {
    %c0_i32 = arith.constant 0 : i32
    %c0_i32_0 = arith.constant 0 : i32
    return %arg0, %c0_i32 : i32, i32
  }
  func.func @transform_5(%arg0: i32) -> (i32, i32) {
    %c0_i32 = arith.constant 0 : i32
    %c0_i32_0 = arith.constant 0 : i32
    return %arg0, %c0_i32 : i32, i32
  }
}

module attributes {stable_mosaic.version = 14 : i64} {
  func.func @body(%arg0: i32, %arg1: memref<1000x128xf32, #tpu.memory_space<vmem>>, %arg2: memref<1000x128xf32, #tpu.memory_space<vmem>>, %arg3: memref<128x128xf32, #tpu.memory_space<vmem>>, %arg4: memref<1x128xf32, #tpu.memory_space<vmem>>, %arg5: memref<1000x1xf32, #tpu.memory_space<vmem>>, %arg6: memref<1000x1xf32, #tpu.memory_space<vmem>>, %arg7: memref<1000x128xf32, #tpu.memory_space<vmem>>) attributes {dimension_semantics = [#tpu.dimension_semantics<arbitrary>], iteration_bounds = array<i64: 10>, scalar_prefetch = 0 : i64, scratch_operands = 0 : i64, tpu.core_type = #tpu.core_type<tc>, window_params = [{transform_indices = @transform_0, window_bounds = array<i64: 1000, 128>}, {transform_indices = @transform_1, window_bounds = array<i64: 1000, 128>}, {pipeline_mode = #tpu.pipeline_mode<synchronous>, transform_indices = @transform_2, window_bounds = array<i64: 128, 128>}, {pipeline_mode = #tpu.pipeline_mode<synchronous>, transform_indices = @transform_3, window_bounds = array<i64: 1, 128>}, {transform_indices = @transform_4, window_bounds = array<i64: 1000, 1>}, {transform_indices = @transform_5, window_bounds = array<i64: 1000, 1>}, {transform_indices = @transform_6, window_bounds = array<i64: 1000, 128>}]} {
    %get3A = arith.constant 0 : index
    %get3A_0 = arith.constant 0 : index
    %get3A_1 = vector.load %arg5[%get3A, %get3A_0] : memref<1000x1xf32, #tpu.memory_space<vmem>>, vector<1000x1xf32>
    %get3A_2 = arith.constant 0 : index
    %get3A_3 = arith.constant 0 : index
    %get3A_4 = vector.load %arg6[%get3A_2, %get3A_3] : memref<1000x1xf32, #tpu.memory_space<vmem>>, vector<1000x1xf32>
    %add3A = arith.addf %get3A_1, %get3A_4 : vector<1000x1xf32>
    %add3A_5 = arith.constant 1.000000e+00 : f32
    %add3A_6 = vector.broadcast %add3A_5 : f32 to vector<1000x1xf32>
    %add3A_7 = arith.addf %add3A, %add3A_6 : vector<1000x1xf32>
    %rsqrt3A = math.rsqrt %add3A_7 : vector<1000x1xf32>
    %get3A_8 = arith.constant 0 : index
    %get3A_9 = arith.constant 0 : index
    %get3A_10 = vector.load %arg1[%get3A_8, %get3A_9] : memref<1000x128xf32, #tpu.memory_space<vmem>>, vector<1000x128xf32>
    %get3A_11 = arith.constant 0 : index
    %get3A_12 = arith.constant 0 : index
    %get3A_13 = vector.load %arg2[%get3A_11, %get3A_12] : memref<1000x128xf32, #tpu.memory_space<vmem>>, vector<1000x128xf32>
    %add3A_14 = arith.addf %get3A_10, %get3A_13 : vector<1000x128xf32>
    %mul3A = vector.broadcast %rsqrt3A : vector<1000x1xf32> to vector<1000x128xf32>
    %mul3A_15 = arith.mulf %mul3A, %add3A_14 : vector<1000x128xf32>
    %max3A = arith.constant 0.000000e+00 : f32
    %max3A_16 = vector.broadcast %max3A : f32 to vector<1000x128xf32>
    %max3A_17 = arith.maximumf %mul3A_15, %max3A_16 : vector<1000x128xf32>
    %get3A_18 = arith.constant 0 : index
    %get3A_19 = arith.constant 0 : index
    %get3A_20 = vector.load %arg3[%get3A_18, %get3A_19] : memref<128x128xf32, #tpu.memory_space<vmem>>, vector<128x128xf32>
    %dot_general3A = arith.constant dense<0.000000e+00> : vector<1000x128xf32>
    %dot_general3A_21 = tpu.matmul %max3A_17, %get3A_20, %dot_general3A {dimension_numbers = #tpu.dot_dimension_numbers<[1], [0], [0], [1], [0, 0, 1, 1], [], []>, transpose_lhs_hint = false} : vector<1000x128xf32>, vector<128x128xf32>, vector<1000x128xf32> -> vector<1000x128xf32>
    %get3A_22 = arith.constant 0 : index
    %get3A_23 = arith.constant 0 : index
    %get3A_24 = vector.load %arg4[%get3A_22, %get3A_23] : memref<1x128xf32, #tpu.memory_space<vmem>>, vector<1x128xf32>
    %add3A_25 = vector.broadcast %get3A_24 : vector<1x128xf32> to vector<1000x128xf32>
    %add3A_26 = arith.addf %dot_general3A_21, %add3A_25 : vector<1000x128xf32>
    %mul3A_27 = vector.broadcast %rsqrt3A : vector<1000x1xf32> to vector<1000x128xf32>
    %mul3A_28 = arith.mulf %mul3A_27, %add3A_26 : vector<1000x128xf32>
    %swap3A = arith.constant 0 : index
    %swap3A_29 = arith.constant 0 : index
    %swap3A_30 = vector.load %arg7[%swap3A, %swap3A_29] : memref<1000x128xf32, #tpu.memory_space<vmem>>, vector<1000x128xf32>
    tpu.vector_store %arg7[%swap3A, %swap3A_29], %mul3A_28 {strides = array<i32>} : memref<1000x128xf32, #tpu.memory_space<vmem>>, vector<1000x128xf32>,
    return
  }
  func.func @transform_0(%arg0: i32) -> (i32, i32) {
    %c0_i32 = arith.constant 0 : i32
    %c0_i32_0 = arith.constant 0 : i32
    return %arg0, %c0_i32 : i32, i32
  }
  func.func @transform_1(%arg0: i32) -> (i32, i32) {
    %c0_i32 = arith.constant 0 : i32
    %c0_i32_0 = arith.constant 0 : i32
    return %arg0, %c0_i32 : i32, i32
  }
  func.func @transform_2(%arg0: i32) -> (i32, i32) {
    %c0_i32 = arith.constant 0 : i32
    %c0_i32_0 = arith.constant 0 : i32
    %c0_i32_1 = arith.constant 0 : i32
    return %c0_i32, %c0_i32_0 : i32, i32
  }
  func.func @transform_3(%arg0: i32) -> (i32, i32) {
    %c0_i32 = arith.constant 0 : i32
    %c0_i32_0 = arith.constant 0 : i32
    %c0_i32_1 = arith.constant 0 : i32
    return %c0_i32, %c0_i32_0 : i32, i32
  }
  func.func @transform_4(%arg0: i32) -> (i32, i32) {
    %c0_i32 = arith.constant 0 : i32
    %c0_i32_0 = arith.constant 0 : i32
    return %arg0, %c0_i32 : i32, i32
  }
  func.func @transform_5(%arg0: i32) -> (i32, i32) {
    %c0_i32 = arith.constant 0 : i32
    %c0_i32_0 = arith.constant 0 : i32
    return %arg0, %c0_i32 : i32, i32
  }
  func.func @transform_6(%arg0: i32) -> (i32, i32) {
    %c0_i32 = arith.constant 0 : i32
    %c0_i32_0 = arith.constant 0 : i32
    return %arg0, %c0_i32 : i32, i32
  }
}

module attributes {stable_mosaic.version = 14 : i64} {
  func.func @body(%arg0: i32, %arg1: memref<1000x128xf32, #tpu.memory_space<vmem>>, %arg2: memref<1000x128xf32, #tpu.memory_space<vmem>>, %arg3: memref<1000x1xf32, #tpu.memory_space<vmem>>, %arg4: memref<1000x1xf32, #tpu.memory_space<vmem>>, %arg5: memref<1000x128xf32, #tpu.memory_space<vmem>>) attributes {dimension_semantics = [#tpu.dimension_semantics<arbitrary>], iteration_bounds = array<i64: 10>, scalar_prefetch = 0 : i64, scratch_operands = 0 : i64, tpu.core_type = #tpu.core_type<tc>, window_params = [{transform_indices = @transform_0, window_bounds = array<i64: 1000, 128>}, {transform_indices = @transform_1, window_bounds = array<i64: 1000, 128>}, {transform_indices = @transform_2, window_bounds = array<i64: 1000, 1>}, {transform_indices = @transform_3, window_bounds = array<i64: 1000, 1>}, {transform_indices = @transform_4, window_bounds = array<i64: 1000, 128>}]} {
    %get3A = arith.constant 0 : index
    %get3A_0 = arith.constant 0 : index
    %get3A_1 = vector.load %arg3[%get3A, %get3A_0] : memref<1000x1xf32, #tpu.memory_space<vmem>>, vector<1000x1xf32>
    %get3A_2 = arith.constant 0 : index
    %get3A_3 = arith.constant 0 : index
    %get3A_4 = vector.load %arg4[%get3A_2, %get3A_3] : memref<1000x1xf32, #tpu.memory_space<vmem>>, vector<1000x1xf32>
    %add3A = arith.addf %get3A_1, %get3A_4 : vector<1000x1xf32>
    %add3A_5 = arith.constant 1.000000e+00 : f32
    %add3A_6 = vector.broadcast %add3A_5 : f32 to vector<1000x1xf32>
    %add3A_7 = arith.addf %add3A, %add3A_6 : vector<1000x1xf32>
    %rsqrt3A = math.rsqrt %add3A_7 : vector<1000x1xf32>
    %get3A_8 = arith.constant 0 : index
    %get3A_9 = arith.constant 0 : index
    %get3A_10 = vector.load %arg1[%get3A_8, %get3A_9] : memref<1000x128xf32, #tpu.memory_space<vmem>>, vector<1000x128xf32>
    %get3A_11 = arith.constant 0 : index
    %get3A_12 = arith.constant 0 : index
    %get3A_13 = vector.load %arg2[%get3A_11, %get3A_12] : memref<1000x128xf32, #tpu.memory_space<vmem>>, vector<1000x128xf32>
    %add3A_14 = arith.addf %get3A_10, %get3A_13 : vector<1000x128xf32>
    %mul3A = vector.broadcast %rsqrt3A : vector<1000x1xf32> to vector<1000x128xf32>
    %mul3A_15 = arith.mulf %mul3A, %add3A_14 : vector<1000x128xf32>
    %swap3A = arith.constant 0 : index
    %swap3A_16 = arith.constant 0 : index
    %swap3A_17 = vector.load %arg5[%swap3A, %swap3A_16] : memref<1000x128xf32, #tpu.memory_space<vmem>>, vector<1000x128xf32>
    tpu.vector_store %arg5[%swap3A, %swap3A_16], %mul3A_15 {strides = array<i32>} : memref<1000x128xf32, #tpu.memory_space<vmem>>, vector<1000x128xf32>,
    return
  }
  func.func @transform_0(%arg0: i32) -> (i32, i32) {
    %c0_i32 = arith.constant 0 : i32
    %c0_i32_0 = arith.constant 0 : i32
    return %arg0, %c0_i32 : i32, i32
  }
  func.func @transform_1(%arg0: i32) -> (i32, i32) {
    %c0_i32 = arith.constant 0 : i32
    %c0_i32_0 = arith.constant 0 : i32
    return %arg0, %c0_i32 : i32, i32
  }
  func.func @transform_2(%arg0: i32) -> (i32, i32) {
    %c0_i32 = arith.constant 0 : i32
    %c0_i32_0 = arith.constant 0 : i32
    return %arg0, %c0_i32 : i32, i32
  }
  func.func @transform_3(%arg0: i32) -> (i32, i32) {
    %c0_i32 = arith.constant 0 : i32
    %c0_i32_0 = arith.constant 0 : i32
    return %arg0, %c0_i32 : i32, i32
  }
  func.func @transform_4(%arg0: i32) -> (i32, i32) {
    %c0_i32 = arith.constant 0 : i32
    %c0_i32_0 = arith.constant 0 : i32
    return %arg0, %c0_i32 : i32, i32
  }
}

</mosaic_0001>

<sc_bundles>
// kernel: kernel.11.cloned.1.call-start
scs
__scs_entry_jumppad:
0x0: {  	(pc) =	sbr.rel $0x88, $3  }
0x1: {  	(tag) =	ssettag $0x0;
	lr =	simm.s32 $0x1  }
0x2: {  	[smem:$0x3F9B] =	sst lr;
	_ =	strace $0xD0000000  }
0x3: {  	_ = 	snop  }
0x4: {  	_ = 	snop  }
0x5: {  	_ = 	snop  }
0x6: {  	_ = 	snop  }
0x7: {  	_ = 	snop  }
__scs_overlays_trampoline_lowered:
0x8: {  	[smem:$0x3FAA] =	sst s0  }
0x9: {  	[smem:$0x3FAB] =	sst s1  }
0xa: {  	[smem:$0x3FAC] =	sst s2  }
0xb: {  	[smem:$0x3FAD] =	sst s3  }
0xc: {  	[smem:$0x3FAE] =	sst s4  }
0xd: {  	[smem:$0x3FAF] =	sst s5  }
0xe: {  	[smem:$0x3FB0] =	sst s6  }
0xf: {  	[smem:$0x3FB1] =	sst s7  }
0x10: {  	[smem:$0x3FB2] =	sst s8  }
0x11: {  	[smem:$0x3FB3] =	sst s9;
	s0 =	simm.s32 @!p0 $0x0  }
0x12: {  	s1 =	sld [smem:$0x3F99];
	s0 =	simm.s32 @p0 $0x1  }
0x13: {  	[smem:$0x3FB4] =	sst s0;
	s0 =	simm.s32 @!p1 $0x0  }
0x14: {  	s2 =	sld [smem:$0x3F98];
	s0 =	simm.s32 @p1 $0x1  }
0x15: {  	[smem:$0x3FB5] =	sst s0;
	s0 =	simm.s32 @!p2 $0x0  }
0x16: {  	s3 =	sld [smem:$0x3FDB];
	s0 =	simm.s32 @p2 $0x1  }
0x17: {  	s4 =	simm.s32 $0x1BF5;
	[smem:$0x3FB7] =	sst s0  }
0x18: {  	s0 =	sld [smem:$0x3F9A];
	_ =	swait.ge [sflag:s4], $0x0  }
0x19: {  	s7 =	sld [smem:$0x3F9B]  }
0x1a: {  	s8 =	sadd.s32 $0xFFFFE003, lr  }
0x1b: {  	s9 =	sadd.s32 $0xFFFFFEF7, lr;
	s5 =	simm.s32 $0xFFFFFFFF;
	p2 =	slt.u32 s8, $0xFFFFF086  }
0x1c: {  	p1 =	slt.u32 s9, $0xF7A;
	s5 =	simm.s32 @!p2 $0x0  }
0x1d: {  	s5 =	simm.s32 @p1 $0x1;
	p0 =	seq.s32 s7, s2  }
0x1e: {  	s7 =	smul.u32 @!p0 $0xF7A, s2;
	p2 =	seq.s32 @!p0 s5, $0x0  }
0x1f: {  	s9 =	smul.u32 $0xF7A, s1;
	s8 =	simm.s32 @!p0 $0x1BF5;
	p2 =	por !p2, p0  }
0x20: {  	[sflag:s8] =	ssyncset.s32 @!p0 $0xFFFFF086;
	s6 =	sadd.s32 @!p0 s3, s7;
	s7 =	simm.s32 @!p0 $0x108  }
0x21: {  	s3 =	sadd.s32 s3, s9;
	s6 =	sadd.s32 @!p0 $0x88, s6;
	s7 =	simm.s32 @p2 $0x1082  }
0x22: {  	[simem:s7], [sflag:s8] =	dma.local @!p0 [hbm:s6], $0xF7A  }
0x23: {  	s9 =	sor.u32 $0xD0000000, s2;
	s6 =	simm.s32 $0x108;
	_ =	swait.ge @!p0 [sflag:s8], $0x0  }
0x24: {  	s3 =	sadd.s32 $0x88, s3;
	s6 =	simm.s32 @!p1 $0x1082;
	[sflag:s4] =	ssyncset.s32 $0xFFFFF086  }
0x25: {  	[simem:s6], [sflag:s4] =	dma.local [hbm:s3], $0xF7A  }
0x26: {  	[smem:$0x3F9B] =	sst s1;
	(tag) =	ssettag s2;
	_ =	strace s9  }
0x27: {  	s1 =	sld [smem:$0x3FAB]  }
0x28: {  	s2 =	sld [smem:$0x3FAC]  }
0x29: {  	s4 =	sld [smem:$0x3FAE]  }
0x2a: {  	p0 =	seq.s32 s5, $0x0;
	s5 =	sld [smem:$0x3FAF]  }
0x2b: {  	s6 =	sld [smem:$0x3FB0]  }
0x2c: {  	s7 =	sld [smem:$0x3FB1]  }
0x2d: {  	s3 =	simm.s32 $0x108;
	s8 =	sld [smem:$0x3FB2]  }
0x2e: {  	s3 =	simm.s32 @!p0 $0x1082;
	s9 =	sld [smem:$0x3FB3]  }
0x2f: {  	lr =	sadd.s32 s0, s3;
	s0 =	sld [smem:$0x3FAA]  }
0x30: {  	s3 =	sld [smem:$0x3FAD]  }
0x31: {  	[smem:$0x3FB6] =	sst s10  }
0x32: {  	s10 =	sld [smem:$0x3FB4];
	_ =	sdelay $0x3  }
0x33: {  	p0 =	seq.s32 s10, $0x1;
	s10 =	sld [smem:$0x3FB6];
	_ =	sdelay $0x3  }
0x34: {  	[smem:$0x3FB6] =	sst s10  }
0x35: {  	s10 =	sld [smem:$0x3FB5];
	_ =	sdelay $0x3  }
0x36: {  	p1 =	seq.s32 s10, $0x1;
	s10 =	sld [smem:$0x3FB6];
	_ =	sdelay $0x3  }
0x37: {  	[smem:$0x3FB6] =	sst s10  }
0x38: {  	s10 =	sld [smem:$0x3FB7]  }
0x39: {  	_ = 	snop;
	(pc) =	sbr.ind lr, $3  }
0x3a: {  	_ = 	snop  }
0x3b: {  	_ = 	snop  }
0x3c: {  	p2 =	seq.s32 s10, $0x1;
	s10 =	sld [smem:$0x3FB6]  }
0x3d: {  	_ =	shalt  }
0x3e: {  	_ =	shalt  }
0x3f: {  	_ =	shalt  }
0x40: {  	_ =	shalt  }
0x41: {  	_ =	shalt  }
0x42: {  	_ =	shalt  }
0x43: {  	_ =	shalt  }
0x44: {  	_ =	shalt  }
0x45: {  	_ =	shalt  }
0x46: {  	_ =	shalt  }
0x47: {  	_ =	shalt  }
0x48: {  	_ =	shalt  }
0x49: {  	_ =	shalt  }
0x4a: {  	_ =	shalt  }
0x4b: {  	_ =	shalt  }
0x4c: {  	_ =	shalt  }
0x4d: {  	_ =	shalt  }
0x4e: {  	_ =	shalt  }
0x4f: {  	_ =	shalt  }
0x50: {  	_ =	shalt  }
0x51: {  	_ =	shalt  }
0x52: {  	_ =	shalt  }
0x53: {  	_ =	shalt  }
0x54: {  	_ =	shalt  }
0x55: {  	_ =	shalt  }
0x56: {  	_ =	shalt  }
0x57: {  	_ =	shalt  }
0x58: {  	_ =	shalt  }
0x59: {  	_ =	shalt  }
0x5a: {  	_ =	shalt  }
0x5b: {  	_ =	shalt  }
0x5c: {  	_ =	shalt  }
0x5d: {  	_ =	shalt  }
0x5e: {  	_ =	shalt  }
0x5f: {  	_ =	shalt  }
0x60: {  	_ =	shalt  }
0x61: {  	_ =	shalt  }
0x62: {  	_ =	shalt  }
0x63: {  	_ =	shalt  }
0x64: {  	_ =	shalt  }
0x65: {  	_ =	shalt  }
0x66: {  	_ =	shalt  }
0x67: {  	_ =	shalt  }
0x68: {  	_ =	shalt  }
0x69: {  	_ =	shalt  }
0x6a: {  	_ =	shalt  }
0x6b: {  	_ =	shalt  }
0x6c: {  	_ =	shalt  }
0x6d: {  	_ =	shalt  }
0x6e: {  	_ =	shalt  }
0x6f: {  	_ =	shalt  }
0x70: {  	_ =	shalt  }
0x71: {  	_ =	shalt  }
0x72: {  	_ =	shalt  }
0x73: {  	_ =	shalt  }
0x74: {  	_ =	shalt  }
0x75: {  	_ =	shalt  }
0x76: {  	_ =	shalt  }
0x77: {  	_ =	shalt  }
0x78: {  	_ =	shalt  }
0x79: {  	_ =	shalt  }
0x7a: {  	_ =	shalt  }
0x7b: {  	_ =	shalt  }
0x7c: {  	_ =	shalt  }
0x7d: {  	_ =	shalt  }
0x7e: {  	_ =	shalt  }
0x7f: {  	_ =	shalt  }
0x80: {  	_ =	shalt  }
0x81: {  	_ =	shalt  }
0x82: {  	_ =	shalt  }
0x83: {  	_ =	shalt  }
0x84: {  	_ =	shalt  }
0x85: {  	_ =	shalt  }
0x86: {  	_ =	shalt  }
0x87: {  	_ =	shalt  }
.Lfunc_end0:
.L_simem_size_0:
called_computation.1_lowered:
.L_overlay_start_0:
0x88: {  	s2 =	sld [smem:$0x3FD9]  }
0x89: {  	s3 =	sld [smem:$0x3FFE];
	_ =	sdelay $0x1  }
0x8a: {  	s1 =	srdreg.scid  }
0x8b: {  	s0 =	sand.u32 $0x1, s1  }
0x8c: {  	s17 =	sshll.u32 s0, $0xA;
	s2 =	sadd.s32 s3, s2  }
0x8d: {  	s2 =	sadd.s32 s2, s17  }
0x8e: {  	[smem:$0x3FC2] =	sst s2  }
0x8f: {  	_ = 	snop  }
0x90: {  	s2 =	sld [smem:$0x3FD0];
	(tm) =	ssettm $0x1  }
0x91: {  	s18 =	sld [smem:$0x3FFB];
	_ =	sdelay $0x3  }
0x92: {  	_ =	strace s18  }
0x93: {  	s3 =	sld [smem:$0x3FFC];
	_ =	sdelay $0x3  }
0x94: {  	_ =	strace s3  }
0x95: {  	s3 =	sld [smem:$0x3FFD];
	_ =	sdelay $0x3  }
0x96: {  	_ =	strace s3  }
0x97: {  	_ =	strace $0x8FFFFFFF  }
0x98: {  	s19 =	sld [smem:$0x3FDB];
	_ =	sdelay $0x1  }
0x99: {  	s4 =	simm.s32 $_scs_section_size  }
0x9a: {  	s5 =	simm.s32 $_size__tile_overlayer_lowered;
	s6 =	simm.s32 $_tile_overlayer_lowered  }
0x9b: {  	s22 =	simm.s32 $0x1BFF;
	s21 =	sshll.u32 s6, $0x1;
	s3 =	sadd.s32 s4, s19  }
0x9c: {  	s7 =	simm.s32 $0x0;
	s20 =	sshll.u32 s5, $0x1;
	s5 =	sadd.s32 s21, s3  }
0x9d: {  	[timem:s7], [sflag:s22] =	dma.local [hbm:s5], s20  }
0x9e: {  	_ =	swait.ge [sflag:s22], s20  }
0x9f: {  	s4 =	ssub.s32 $0x0, s20;
	[sflag:s22] =	ssyncset.done $0x0  }
0xa0: {  	[sflag:s22] =	ssyncadd.s32 s4;
	_ =	sdelay $0x1  }
0xa1: {  	s23 =	simm.s32 $0x1B8B  }
0xa2: {  	_ =	swait.ge [sflag:s23], $0x1  }
0xa3: {  	[sflag:s23] =	ssyncset.done $0x0  }
0xa4: {  	s25 =	simm.s32 $0x1B8E;
	s24 =	sld [smem:$0x3FFE];
	[sflag:s23] =	ssyncadd.s32 $0xFFFFFFFF  }
0xa5: {  	s26 =	simm.s32 $execute0_lowered;
	[smem:$0x3FD2] =	sst s25  }
0xa6: {  	s5 =	sshll.u32 s26, $0x1;
	_ =	strace $0x80000049;
	[dreg:$0x1] =	wrdreg $0xFFFFFFFF  }
0xa7: {  	s28 =	simm.s32 $_size_execute0_lowered;
	s3 =	sadd.s32 s3, s5;
	[dreg:$0x0] =	wrdreg $0x0  }
0xa8: {  	s5 =	sshll.u32 s28, $0x1;
	[dreg:$0x2] =	wrdreg s3  }
0xa9: {  	[dreg:$0x3] =	wrdreg s5  }
0xaa: {  	[dreg:$0x4] =	wrdreg $0xC0  }
0xab: {  	_ =	task [dreg:s7], $0x5FFFF  }
0xac: {  	[dreg:$0x1] =	wrdreg $0xFFFFFFFF  }
0xad: {  	[dreg:$0x0] =	wrdreg $0x60  }
0xae: {  	[dreg:$0x2] =	wrdreg s2  }
0xaf: {  	[dreg:$0x3] =	wrdreg s24  }
0xb0: {  	[dreg:$0x4] =	wrdreg $0x13CE00  }
0xb1: {  	[dreg:$0x5] =	wrdreg $0x9  }
0xb2: {  	_ =	task.clear_ibuf [dreg:s7], $0x6FFFF;
	_ =	strace $0x90000049  }
0xb3: {  	s29 =	simm.s32 $0x9;
	_ =	strace $0x8000004B  }
0xb4: {  	_ =	swait.ge [sflag:s29], $0x1  }
0xb5: {  	[sflag:s29] =	ssyncadd.s32 $0xFFFFFFFF  }
0xb6: {  	_ =	strace $0x9000004B  }
0xb7: {  	_ =	sfence  }
0xb8: {  	s30 =	sld [smem:$0x0];
	_ =	sdelay $0x2  }
0xb9: {  	s31 =	sshll.u32 s1, $0xD;
	s1 =	sshrl.u32 s1, $0x2  }
0xba: {  	s3 =	sand.u32 $0x4000, s31;
	s1 =	sadd.s32 s1, s30  }
0xbb: {  	s0 =	sor.u32 s3, s0;
	s1 =	sshll.u32 s1, $0x11  }
0xbc: {  	s0 =	sor.u32 s1, s0  }
0xbd: {  	s0 =	sadd.s32 $0x8F2B, s0  }
0xbe: {  	[sflag:s0] =	ssyncadd.remote.s32 $0x1  }
0xbf: {  	_ =	sfence.sel $0xFFFF  }
0xc0: {  	[dreg:$0x0] =	wrdreg $0xFFFFFFFF;
	(pc) =	sbr.abs _section_cstart, $3  }
0xc1: {  	[dreg:$0x1] =	wrdreg $0xFFFFFFFF  }
0xc2: {  	_ =	task.clear_ibuf [dreg:s7], $0x2FFFF;
	_ =	strace $0x9FFFFFFF  }
0xc3: {  	(tm) =	ssettm $0x7FFFFFFF  }
tec
execute0_lowered:
.L_overlay_start_1:
0x0: {  	(tag) =	ssettag $0x1  }
0x1: {  	s2 =	rddreg [dreg:$0x0]  }
0x2: {  	s0 =	rddreg [dreg:$0x1]  }
0x3: {  	s3 =	rddreg [dreg:$0x2];
	s14 =	stileid.u32;
	s4 =	simm.s32 $0x0  }
0x4: {  	s12 =	srdreg.scid;
	s28 =	simm.s32 $0xFCE0;
	s1 =	smul.u32 $0x4E20, s14  }
0x5: {  	s29 =	simm.s32 $0x1;
	s30 =	simm.s32 $0x9C40;
	s6 =	smul.u32 $0x28000, s14  }
0x6: {  	s31 =	simm.s32 $0x2;
	[smem:$0x7FF] =	sst s4;
	s11 =	smul.u32 $0x280, s14  }
0x7: {  	s20 =	smul.u32 $0x14000, s14;
	_ =	strace $0x8000004A;
	s5 =	sshrl.u32 s1, $0x3  }
0x8: {  	s1 =	sand.u32 $0x1, s12;
	s6 =	sshrl.u32 s6, $0x2;
	s17 =	sadd.s32 $0x80, s11  }
0x9: {  	s12 =	sadd.s32 $0x100, s11;
	s21 =	sadd.s32 $0x200, s11;
	s13 =	sadd.s32 s5, s0  }
0xa: {  	s15 =	ssub.s32 $0x2, s1;
	s0 =	sadd.s32 $0x16200, s0;
	s18 =	sshll.u32 s17, $0x6  }
0xb: {  	s19 =	sshll.u32 s12, $0x6;
	s22 =	sshll.u32 s12, $0x7;
	s24 =	sshll.u32 s21, $0x7  }
0xc: {  	s7 =	sshrl.u32 s15, $0x1;
	s16 =	sadd.s32 $0x2800, s13;
	s4 =	sadd.s32 $0xC440, s13  }
0xd: {  	s13 =	sadd.s32 $0x180, s11;
	s8 =	sadd.s32 s18, s3;
	s9 =	sadd.s32 s19, s3  }
0xe: {  	s11 =	sshll.u32 s21, $0x6;
	s18 =	simm.s32 $0x5;
	s21 =	simm.s32 $0x80  }
0xf: {  	s19 =	simm.s32 $0x4;
	s5 =	ssub.s32 s15, s7;
	[dreg:$0x4] =	wrdreg s16  }
0x10: {  	[dreg:$0x5] =	wrdreg s4;
	s7 =	sadd.s32 s6, s3;
	s10 =	sshll.u32 s13, $0x6  }
0x11: {  	s15 =	sshll.u32 s1, $0x6;
	s4 =	sshll.u32 s17, $0x7;
	s11 =	sadd.s32 s11, s3  }
0x12: {  	v0 =	vmov s1;
	s23 =	sshll.u32 s13, $0x7;
	s1 =	simm.s32 $0x8;
	s10 =	sadd.s32 s10, s3  }
0x13: {  	s6 =	sor.u32 s15, s20;
	s4 =	sor.u32 s15, s4;
	s12 =	sor.u32 s15, s24  }
0x14: {  	s17 =	smax.u32 s5, $0x1;
	s20 =	simm.s32 $0x11CE0;
	s6 =	sshrl.u32 s6, $0x3  }
0x15: {  	s24 =	simm.s32 $0x20;
	s4 =	sshrl.u32 s4, $0x3;
	s6 =	sadd.s32 s0, s6  }
0x16: {  	s26 =	sshrl.u32 s12, $0x3;
	s4 =	sadd.s32 s0, s4;
	[dreg:$0x6] =	wrdreg s6  }
0x17: {  	s16 =	sadd.s32 s0, s26;
	s26 =	simm.s32 $0x10;
	[dreg:$0x7] =	wrdreg s4  }
0x18: {  	s4 =	sor.u32 s15, s22;
	s6 =	sor.u32 s15, s23;
	s22 =	simm.s32 $0x9CE0  }
0x19: {  	s23 =	simm.s32 $0xBCE0;
	s4 =	sshrl.u32 s4, $0x3;
	s25 =	sshrl.u32 s6, $0x3  }
0x1a: {  	s4 =	sadd.s32 s0, s4;
	s15 =	sadd.s32 s0, s25;
	s25 =	simm.s32 $0xDCE0  }
0x1b: {  	v1 =	vimm.f32 $0.0e+00;
	s0 =	simm.s32 $0x3;
	[dreg:$0x8] =	wrdreg s4;
	s4 =	simm.s32 $0x0  }
.LBB2_1:
0x1c: {  	s5 =	simm.s32 $0x0;
	s6 =	rddreg [dreg:$0x4]  }
0x1d: {  	[tilespmem:s5], [sflag:$0x5] =	stream.linear.gather [hbm4b:s6+s5], $0x4E20, $0x38;
	[tilespmem:$0x1DCE0] =	vst v63  }
0x1e: {  	_ =	swait.ge [sflag:s18], $0x4E20  }
0x1f: {  	[sflag:s18] =	ssyncset.done $0x0  }
0x20: {  	s12 =	simm.s32 $0x4E20;
	s14 =	rddreg [dreg:$0x5];
	[sflag:s18] =	ssyncadd.s32 $0xFFFFB1E0  }
0x21: {  	[tilespmem:s12], [sflag:$0x5] =	stream.linear.gather [hbm4b:s14+s5], $0x4E20, $0x38;
	[tilespmem:$0x1DCE0] =	vst v63  }
0x22: {  	_ =	swait.ge [sflag:s18], $0x4E20  }
0x23: {  	[sflag:s18] =	ssyncset.done $0x0  }
0x24: {  	s6 =	simm.s32 $0x40;
	s5 =	simm.s32 $0x0;
	[sflag:s18] =	ssyncadd.s32 $0xFFFFB1E0  }
.LBB2_2:
0x25: {  	p0 =	sne.s32 s6, $0x13840;
	v2 =	vld [tilespmem:s5+$0x0];
	_ =	sdelay $0x2  }
.Ltmp0:
0x26: {  	(pc) =	sbr.rel @p0 .LBB2_2-.Ltmp0, $4  }
0x27: {  	_ = 	snop  }
0x28: {  	v2 =	vshll.u32 v2, $0x1  }
0x29: {  	v2 =	vor.u32 v0, v2  }
0x2a: {  	[tilespmem:s5+$0x0] =	vst v2;
	s5 =	sshra.s32 s6, $0x2;
	s6 =	sadd.s32 $0x40, s6  }
0x2b: {  	v2 =	vld [tilespmem:s5+$0x0];
	_ =	sdelay $0x4  }
0x2c: {  	v2 =	vshll.u32 v2, $0x1  }
0x2d: {  	v2 =	vor.u32 v0, v2  }
0x2e: {  	s6 =	simm.s32 $0x100;
	[tilespmem:s5+$0x0] =	vst v2;
	s5 =	simm.s32 $0x0  }
.LBB2_4:
0x2f: {  	p0 =	sne.s32 s6, $0x7F00;
	[tilespmem:s5+$0x11D10] =	vst v1;
	s12 =	smov.u32 s6;
	s6 =	sadd.s32 $0x100, s6  }
.Ltmp1:
0x30: {  	[tilespmem:s5+$0x11D00] =	vst v1;
	(pc) =	sbr.rel @p0 .LBB2_4-.Ltmp1, $3  }
0x31: {  	[tilespmem:s5+$0x11CE0] =	vst v1  }
0x32: {  	[tilespmem:s5+$0x11CF0] =	vst v1;
	_ =	sdelay $0x1  }
0x33: {  	s5 =	sshra.s32 s12, $0x2  }
0x34: {  	[tilespmem:s5+$0x11D10] =	vst v1  }
0x35: {  	[tilespmem:s5+$0x11D00] =	vst v1  }
0x36: {  	[tilespmem:s5+$0x11CE0] =	vst v1  }
0x37: {  	[tilespmem:s5+$0x11CF0] =	vst v1  }
0x38: {  	[spmem:s7] =	stream.linear.scatter [tilespmem:s20], [sflag:$0x5], $0x2000, $0x38;
	[tilespmem:$0x1DCE0] =	vst v63  }
0x39: {  	_ =	swait.ge [sflag:s18], $0x2000  }
0x3a: {  	[sflag:s18] =	ssyncset.done $0x0  }
0x3b: {  	[sflag:s18] =	ssyncadd.s32 $0xFFFFE000  }
0x3c: {  	[spmem:s8] =	stream.linear.scatter [tilespmem:s20], [sflag:$0x5], $0x2000, $0x38;
	[tilespmem:$0x1DCE0] =	vst v63  }
0x3d: {  	_ =	swait.ge [sflag:s18], $0x2000  }
0x3e: {  	[sflag:s18] =	ssyncset.done $0x0  }
0x3f: {  	[sflag:s18] =	ssyncadd.s32 $0xFFFFE000  }
0x40: {  	[spmem:s9] =	stream.linear.scatter [tilespmem:s20], [sflag:$0x5], $0x2000, $0x38;
	[tilespmem:$0x1DCE0] =	vst v63  }
0x41: {  	_ =	swait.ge [sflag:s18], $0x2000  }
0x42: {  	[sflag:s18] =	ssyncset.done $0x0  }
0x43: {  	[sflag:s18] =	ssyncadd.s32 $0xFFFFE000  }
0x44: {  	[spmem:s10] =	stream.linear.scatter [tilespmem:s20], [sflag:$0x5], $0x2000, $0x38;
	[tilespmem:$0x1DCE0] =	vst v63  }
0x45: {  	_ =	swait.ge [sflag:s18], $0x2000  }
0x46: {  	[sflag:s18] =	ssyncset.done $0x0  }
0x47: {  	[sflag:s18] =	ssyncadd.s32 $0xFFFFE000  }
0x48: {  	[spmem:s11] =	stream.linear.scatter [tilespmem:s20], [sflag:$0x5], $0x2000, $0x38;
	[tilespmem:$0x1DCE0] =	vst v63  }
0x49: {  	_ =	swait.ge [sflag:s18], $0x2000  }
0x4a: {  	[sflag:s18] =	ssyncset.done $0x0  }
0x4b: {  	[sflag:s18] =	ssyncadd.s32 $0xFFFFE000  }
0x4c: {  	s12 =	simm.s32 $0x0;
	[bflag:$0x0] =	sbarrier.arrive $0xFFFF  }
0x4d: {  	[tilespmem:s22], [sflag:$0x1] =	stream.indirect.gather [hbm4b:s2+s21], $0x40, s12, s21, $0xb8;
	[tilespmem:$0x1DCE0] =	vst v63  }
0x4e: {  	_ = 	snop  }
0x4f: {  	[tilespmem:s23], [sflag:$0x2] =	stream.indirect.gather [hbm4b:s2+s21], $0x40, s21, s21, $0xb8;
	[tilespmem:$0x1DCE0] =	vst v63  }
0x50: {  	s13 =	simm.s32 $0x100  }
0x51: {  	[tilespmem:s25], [sflag:$0x3] =	stream.indirect.gather [hbm4b:s2+s21], $0x40, s13, s21, $0xb8;
	[tilespmem:$0x1DCE0] =	vst v63  }
0x52: {  	s14 =	simm.s32 $0x180  }
0x53: {  	[tilespmem:s28], [sflag:$0x4] =	stream.indirect.gather [hbm4b:s2+s21], $0x40, s14, s21, $0xb8;
	[tilespmem:$0x1DCE0] =	vst v63  }
0x54: {  	_ =	swait.ge [sflag:s29], $0x2000  }
0x55: {  	[sflag:s29] =	ssyncset.done $0x0  }
0x56: {  	[sflag:s29] =	ssyncadd.s32 $0xFFFFE000  }
0x57: {  	v2 =	vld [tilespmem:$0x4E20]  }
0x58: {  	v3 =	vld [tilespmem:$0x4E30]  }
0x59: {  	v4 =	vld [tilespmem:$0x4E40]  }
0x5a: {  	v5 =	vld [tilespmem:$0x4E50]  }
0x5b: {  	v6 =	vld [tilespmem:$0x4E60]  }
0x5c: {  	v63 =	vld [tilespmem:$0x4E90];
	[tilespmem:$0x9C40] =	vst v2  }
0x5d: {  	v2 =	vld [tilespmem:$0x4E70];
	[tilespmem:$0x9C50] =	vst v3  }
0x5e: {  	v3 =	vld [tilespmem:$0x4E80];
	[tilespmem:$0x9C60] =	vst v4  }
0x5f: {  	[tilespmem:$0x9C70] =	vst v5  }
0x60: {  	[tilespmem:$0x9C80] =	vst v6  }
0x61: {  	[tilespmem:$0x9CB0] =	vst v63  }
0x62: {  	[tilespmem:$0x9C90] =	vst v2  }
0x63: {  	[tilespmem:$0x9CA0] =	vst v3  }
0x64: {  	[spmem:s3] =	stream.indirect.scatter.add.f32 [tilespmem:s22], [sflag:$0x5], $0x40, s30, s21, $0xb8;
	[tilespmem:$0x1DCE0] =	vst v63  }
0x65: {  	_ =	swait.ge [sflag:s18], $0x2000  }
0x66: {  	[sflag:s18] =	ssyncset.done $0x0  }
0x67: {  	s6 =	simm.s32 $0x200;
	[sflag:s18] =	ssyncadd.s32 $0xFFFFE000  }
0x68: {  	[tilespmem:s22], [sflag:$0x1] =	stream.indirect.gather [hbm4b:s2+s21], $0x40, s6, s21, $0xb8;
	[tilespmem:$0x1DCE0] =	vst v63  }
0x69: {  	_ =	swait.ge [sflag:s31], $0x2000  }
0x6a: {  	[sflag:s31] =	ssyncset.done $0x0  }
0x6b: {  	s12 =	simm.s32 $0x0;
	[sflag:s31] =	ssyncadd.s32 $0xFFFFE000  }
0x6c: {  	v2 =	vld [tilespmem:s12+$0x4EA0];
	_ =	sdelay $0x4  }
0x6d: {  	[tilespmem:$0x9C40] =	vst v2  }
0x6e: {  	v2 =	vld [tilespmem:s12+$0x4EB0];
	_ =	sdelay $0x4  }
0x6f: {  	[tilespmem:$0x9C50] =	vst v2  }
0x70: {  	v2 =	vld [tilespmem:s12+$0x4EC0];
	_ =	sdelay $0x4  }
0x71: {  	[tilespmem:$0x9C60] =	vst v2  }
0x72: {  	v2 =	vld [tilespmem:s12+$0x4ED0];
	_ =	sdelay $0x4  }
0x73: {  	[tilespmem:$0x9C70] =	vst v2  }
0x74: {  	v2 =	vld [tilespmem:s12+$0x4EE0];
	_ =	sdelay $0x4  }
0x75: {  	[tilespmem:$0x9C80] =	vst v2  }
0x76: {  	v2 =	vld [tilespmem:s12+$0x4EF0];
	_ =	sdelay $0x4  }
0x77: {  	[tilespmem:$0x9C90] =	vst v2  }
0x78: {  	v2 =	vld [tilespmem:s12+$0x4F00];
	_ =	sdelay $0x4  }
0x79: {  	[tilespmem:$0x9CA0] =	vst v2  }
0x7a: {  	v2 =	vld [tilespmem:s12+$0x4F10];
	_ =	sdelay $0x4  }
0x7b: {  	[tilespmem:$0x9CB0] =	vst v2  }
0x7c: {  	[spmem:s3] =	stream.indirect.scatter.add.f32 [tilespmem:s23], [sflag:$0x5], $0x40, s30, s21, $0xb8;
	[tilespmem:$0x1DCE0] =	vst v63  }
0x7d: {  	_ =	swait.ge [sflag:s18], $0x2000  }
0x7e: {  	[sflag:s18] =	ssyncset.done $0x0  }
0x7f: {  	s6 =	simm.s32 $0x280;
	[sflag:s18] =	ssyncadd.s32 $0xFFFFE000  }
0x80: {  	[tilespmem:s23], [sflag:$0x2] =	stream.indirect.gather [hbm4b:s2+s21], $0x40, s6, s21, $0xb8;
	[tilespmem:$0x1DCE0] =	vst v63  }
0x81: {  	_ =	swait.ge [sflag:s0], $0x2000  }
0x82: {  	[sflag:s0] =	ssyncset.done $0x0  }
0x83: {  	[sflag:s0] =	ssyncadd.s32 $0xFFFFE000  }
0x84: {  	v2 =	vld [tilespmem:s12+$0x4F20];
	_ =	sdelay $0x4  }
0x85: {  	[tilespmem:$0x9C40] =	vst v2  }
0x86: {  	v2 =	vld [tilespmem:s12+$0x4F30];
	_ =	sdelay $0x4  }
0x87: {  	[tilespmem:$0x9C50] =	vst v2  }
0x88: {  	v2 =	vld [tilespmem:s12+$0x4F40];
	_ =	sdelay $0x4  }
0x89: {  	[tilespmem:$0x9C60] =	vst v2  }
0x8a: {  	v2 =	vld [tilespmem:s12+$0x4F50];
	_ =	sdelay $0x4  }
0x8b: {  	[tilespmem:$0x9C70] =	vst v2  }
0x8c: {  	v2 =	vld [tilespmem:s12+$0x4F60];
	_ =	sdelay $0x4  }
0x8d: {  	[tilespmem:$0x9C80] =	vst v2  }
0x8e: {  	v2 =	vld [tilespmem:s12+$0x4F70];
	_ =	sdelay $0x4  }
0x8f: {  	[tilespmem:$0x9C90] =	vst v2  }
0x90: {  	v2 =	vld [tilespmem:s12+$0x4F80];
	_ =	sdelay $0x4  }
0x91: {  	[tilespmem:$0x9CA0] =	vst v2  }
0x92: {  	v2 =	vld [tilespmem:s12+$0x4F90];
	_ =	sdelay $0x4  }
0x93: {  	[tilespmem:$0x9CB0] =	vst v2  }
0x94: {  	[spmem:s3] =	stream.indirect.scatter.add.f32 [tilespmem:s25], [sflag:$0x5], $0x40, s30, s21, $0xb8;
	[tilespmem:$0x1DCE0] =	vst v63  }
0x95: {  	_ =	swait.ge [sflag:s18], $0x2000  }
0x96: {  	[sflag:s18] =	ssyncset.done $0x0  }
0x97: {  	s13 =	simm.s32 $0x300;
	[sflag:s18] =	ssyncadd.s32 $0xFFFFE000  }
0x98: {  	[tilespmem:s25], [sflag:$0x3] =	stream.indirect.gather [hbm4b:s2+s21], $0x40, s13, s21, $0xb8;
	[tilespmem:$0x1DCE0] =	vst v63  }
0x99: {  	_ =	swait.ge [sflag:s19], $0x2000  }
0x9a: {  	[sflag:s19] =	ssyncset.done $0x0  }
0x9b: {  	[sflag:s19] =	ssyncadd.s32 $0xFFFFE000  }
0x9c: {  	v2 =	vld [tilespmem:s12+$0x4FA0];
	_ =	sdelay $0x4  }
0x9d: {  	[tilespmem:$0x9C40] =	vst v2  }
0x9e: {  	v2 =	vld [tilespmem:s12+$0x4FB0];
	_ =	sdelay $0x4  }
0x9f: {  	[tilespmem:$0x9C50] =	vst v2  }
0xa0: {  	v2 =	vld [tilespmem:s12+$0x4FC0];
	_ =	sdelay $0x4  }
0xa1: {  	[tilespmem:$0x9C60] =	vst v2  }
0xa2: {  	v2 =	vld [tilespmem:s12+$0x4FD0];
	_ =	sdelay $0x4  }
0xa3: {  	[tilespmem:$0x9C70] =	vst v2  }
0xa4: {  	v2 =	vld [tilespmem:s12+$0x4FE0];
	_ =	sdelay $0x4  }
0xa5: {  	[tilespmem:$0x9C80] =	vst v2  }
0xa6: {  	v2 =	vld [tilespmem:s12+$0x4FF0];
	_ =	sdelay $0x4  }
0xa7: {  	[tilespmem:$0x9C90] =	vst v2  }
0xa8: {  	v2 =	vld [tilespmem:s12+$0x5000];
	_ =	sdelay $0x4  }
0xa9: {  	[tilespmem:$0x9CA0] =	vst v2  }
0xaa: {  	v2 =	vld [tilespmem:s12+$0x5010];
	_ =	sdelay $0x4  }
0xab: {  	[tilespmem:$0x9CB0] =	vst v2  }
0xac: {  	[spmem:s3] =	stream.indirect.scatter.add.f32 [tilespmem:s28], [sflag:$0x5], $0x40, s30, s21, $0xb8;
	[tilespmem:$0x1DCE0] =	vst v63  }
0xad: {  	_ =	swait.ge [sflag:s18], $0x2000  }
0xae: {  	[sflag:s18] =	ssyncset.done $0x0  }
0xaf: {  	s14 =	simm.s32 $0x380;
	[sflag:s18] =	ssyncadd.s32 $0xFFFFE000  }
0xb0: {  	[tilespmem:s28], [sflag:$0x4] =	stream.indirect.gather [hbm4b:s2+s21], $0x40, s14, s21, $0xb8;
	[tilespmem:$0x1DCE0] =	vst v63  }
0xb1: {  	_ =	swait.ge [sflag:s29], $0x2000  }
0xb2: {  	[sflag:s29] =	ssyncset.done $0x0  }
0xb3: {  	[sflag:s29] =	ssyncadd.s32 $0xFFFFE000  }
0xb4: {  	v2 =	vld [tilespmem:s12+$0x5020];
	_ =	sdelay $0x4  }
0xb5: {  	[tilespmem:$0x9C40] =	vst v2  }
0xb6: {  	v2 =	vld [tilespmem:s12+$0x5030];
	_ =	sdelay $0x4  }
0xb7: {  	[tilespmem:$0x9C50] =	vst v2  }
0xb8: {  	v2 =	vld [tilespmem:s12+$0x5040];
	_ =	sdelay $0x4  }
0xb9: {  	[tilespmem:$0x9C60] =	vst v2  }
0xba: {  	v2 =	vld [tilespmem:s12+$0x5050];
	_ =	sdelay $0x4  }
0xbb: {  	[tilespmem:$0x9C70] =	vst v2  }
0xbc: {  	v2 =	vld [tilespmem:s12+$0x5060];
	_ =	sdelay $0x4  }
0xbd: {  	[tilespmem:$0x9C80] =	vst v2  }
0xbe: {  	v2 =	vld [tilespmem:s12+$0x5070];
	_ =	sdelay $0x4  }
0xbf: {  	[tilespmem:$0x9C90] =	vst v2  }
0xc0: {  	v2 =	vld [tilespmem:s12+$0x5080];
	_ =	sdelay $0x4  }
0xc1: {  	[tilespmem:$0x9CA0] =	vst v2  }
0xc2: {  	v2 =	vld [tilespmem:s12+$0x5090];
	_ =	sdelay $0x4  }
0xc3: {  	[tilespmem:$0x9CB0] =	vst v2  }
0xc4: {  	[spmem:s3] =	stream.indirect.scatter.add.f32 [tilespmem:s22], [sflag:$0x5], $0x40, s30, s21, $0xb8;
	[tilespmem:$0x1DCE0] =	vst v63  }
0xc5: {  	_ =	swait.ge [sflag:s18], $0x2000  }
0xc6: {  	s5 =	simm.s32 $0x200;
	s6 =	simm.s32 $0x1000;
	[sflag:s18] =	ssyncset.done $0x0  }
.LBB2_6:
0xc7: {  	s14 =	sadd.s32 $0x200, s5  }
0xc8: {  	[sflag:s18] =	ssyncadd.s32 $0xFFFFE000;
	s12 =	smov.u32 s6;
	s13 =	sadd.s32 $0x800, s6  }
0xc9: {  	[tilespmem:s22], [sflag:$0x1] =	stream.indirect.gather [hbm4b:s2+s21], $0x40, s14, s21, $0xb8;
	[tilespmem:$0x1DCE0] =	vst v63  }
0xca: {  	p0 =	sne.s32 s6, $0x12800;
	_ =	swait.ge [sflag:s31], $0x2000  }
0xcb: {  	[sflag:s31] =	ssyncset.done $0x0  }
0xcc: {  	[sflag:s31] =	ssyncadd.s32 $0xFFFFE000  }
0xcd: {  	v2 =	vld [tilespmem:s5+$0x4EA0];
	_ =	sdelay $0x4  }
0xce: {  	[tilespmem:$0x9C40] =	vst v2  }
0xcf: {  	v2 =	vld [tilespmem:s5+$0x4EB0];
	_ =	sdelay $0x4  }
0xd0: {  	[tilespmem:$0x9C50] =	vst v2  }
0xd1: {  	v2 =	vld [tilespmem:s5+$0x4EC0];
	_ =	sdelay $0x4  }
0xd2: {  	[tilespmem:$0x9C60] =	vst v2  }
0xd3: {  	v2 =	vld [tilespmem:s5+$0x4ED0];
	_ =	sdelay $0x4  }
0xd4: {  	[tilespmem:$0x9C70] =	vst v2  }
0xd5: {  	v2 =	vld [tilespmem:s5+$0x4EE0];
	_ =	sdelay $0x4  }
0xd6: {  	[tilespmem:$0x9C80] =	vst v2  }
0xd7: {  	v2 =	vld [tilespmem:s5+$0x4EF0];
	_ =	sdelay $0x4  }
0xd8: {  	[tilespmem:$0x9C90] =	vst v2  }
0xd9: {  	v2 =	vld [tilespmem:s5+$0x4F00];
	_ =	sdelay $0x4  }
0xda: {  	[tilespmem:$0x9CA0] =	vst v2  }
0xdb: {  	v2 =	vld [tilespmem:s5+$0x4F10];
	_ =	sdelay $0x4  }
0xdc: {  	[tilespmem:$0x9CB0] =	vst v2  }
0xdd: {  	[spmem:s3] =	stream.indirect.scatter.add.f32 [tilespmem:s23], [sflag:$0x5], $0x40, s30, s21, $0xb8;
	[tilespmem:$0x1DCE0] =	vst v63  }
0xde: {  	_ =	swait.ge [sflag:s18], $0x2000  }
0xdf: {  	[sflag:s18] =	ssyncset.done $0x0  }
0xe0: {  	s6 =	sadd.s32 $0x280, s5;
	[sflag:s18] =	ssyncadd.s32 $0xFFFFE000  }
0xe1: {  	[tilespmem:s23], [sflag:$0x2] =	stream.indirect.gather [hbm4b:s2+s21], $0x40, s6, s21, $0xb8;
	[tilespmem:$0x1DCE0] =	vst v63  }
0xe2: {  	_ =	swait.ge [sflag:s0], $0x2000  }
0xe3: {  	[sflag:s0] =	ssyncset.done $0x0  }
0xe4: {  	[sflag:s0] =	ssyncadd.s32 $0xFFFFE000  }
0xe5: {  	v2 =	vld [tilespmem:s5+$0x4F20];
	_ =	sdelay $0x4  }
0xe6: {  	[tilespmem:$0x9C40] =	vst v2  }
0xe7: {  	v2 =	vld [tilespmem:s5+$0x4F30];
	_ =	sdelay $0x4  }
0xe8: {  	[tilespmem:$0x9C50] =	vst v2  }
0xe9: {  	v2 =	vld [tilespmem:s5+$0x4F40];
	_ =	sdelay $0x4  }
0xea: {  	[tilespmem:$0x9C60] =	vst v2  }
0xeb: {  	v2 =	vld [tilespmem:s5+$0x4F50];
	_ =	sdelay $0x4  }
0xec: {  	[tilespmem:$0x9C70] =	vst v2  }
0xed: {  	v2 =	vld [tilespmem:s5+$0x4F60];
	_ =	sdelay $0x4  }
0xee: {  	[tilespmem:$0x9C80] =	vst v2  }
0xef: {  	v2 =	vld [tilespmem:s5+$0x4F70];
	_ =	sdelay $0x4  }
0xf0: {  	[tilespmem:$0x9C90] =	vst v2  }
0xf1: {  	v2 =	vld [tilespmem:s5+$0x4F80];
	_ =	sdelay $0x4  }
0xf2: {  	[tilespmem:$0x9CA0] =	vst v2  }
0xf3: {  	v2 =	vld [tilespmem:s5+$0x4F90];
	_ =	sdelay $0x4  }
0xf4: {  	[tilespmem:$0x9CB0] =	vst v2  }
0xf5: {  	[spmem:s3] =	stream.indirect.scatter.add.f32 [tilespmem:s25], [sflag:$0x5], $0x40, s30, s21, $0xb8;
	[tilespmem:$0x1DCE0] =	vst v63  }
0xf6: {  	_ =	swait.ge [sflag:s18], $0x2000  }
0xf7: {  	[sflag:s18] =	ssyncset.done $0x0  }
0xf8: {  	s6 =	sadd.s32 $0x300, s5;
	[sflag:s18] =	ssyncadd.s32 $0xFFFFE000  }
0xf9: {  	[tilespmem:s25], [sflag:$0x3] =	stream.indirect.gather [hbm4b:s2+s21], $0x40, s6, s21, $0xb8;
	[tilespmem:$0x1DCE0] =	vst v63  }
0xfa: {  	_ =	swait.ge [sflag:s19], $0x2000  }
0xfb: {  	[sflag:s19] =	ssyncset.done $0x0  }
0xfc: {  	[sflag:s19] =	ssyncadd.s32 $0xFFFFE000  }
0xfd: {  	v2 =	vld [tilespmem:s5+$0x4FA0];
	_ =	sdelay $0x4  }
0xfe: {  	[tilespmem:$0x9C40] =	vst v2  }
0xff: {  	v2 =	vld [tilespmem:s5+$0x4FB0];
	_ =	sdelay $0x4  }
0x100: {  	[tilespmem:$0x9C50] =	vst v2  }
0x101: {  	v2 =	vld [tilespmem:s5+$0x4FC0];
	_ =	sdelay $0x4  }
0x102: {  	[tilespmem:$0x9C60] =	vst v2  }
0x103: {  	v2 =	vld [tilespmem:s5+$0x4FD0];
	_ =	sdelay $0x4  }
0x104: {  	[tilespmem:$0x9C70] =	vst v2  }
0x105: {  	v2 =	vld [tilespmem:s5+$0x4FE0];
	_ =	sdelay $0x4  }
0x106: {  	[tilespmem:$0x9C80] =	vst v2  }
0x107: {  	v2 =	vld [tilespmem:s5+$0x4FF0];
	_ =	sdelay $0x4  }
0x108: {  	[tilespmem:$0x9C90] =	vst v2  }
0x109: {  	v2 =	vld [tilespmem:s5+$0x5000];
	_ =	sdelay $0x4  }
0x10a: {  	[tilespmem:$0x9CA0] =	vst v2  }
0x10b: {  	v2 =	vld [tilespmem:s5+$0x5010];
	_ =	sdelay $0x4  }
0x10c: {  	[tilespmem:$0x9CB0] =	vst v2  }
0x10d: {  	[spmem:s3] =	stream.indirect.scatter.add.f32 [tilespmem:s28], [sflag:$0x5], $0x40, s30, s21, $0xb8;
	[tilespmem:$0x1DCE0] =	vst v63  }
0x10e: {  	_ =	swait.ge [sflag:s18], $0x2000  }
0x10f: {  	[sflag:s18] =	ssyncset.done $0x0  }
0x110: {  	s6 =	sadd.s32 $0x380, s5;
	[sflag:s18] =	ssyncadd.s32 $0xFFFFE000  }
0x111: {  	[tilespmem:s28], [sflag:$0x4] =	stream.indirect.gather [hbm4b:s2+s21], $0x40, s6, s21, $0xb8;
	[tilespmem:$0x1DCE0] =	vst v63  }
0x112: {  	_ =	swait.ge [sflag:s29], $0x2000  }
0x113: {  	[sflag:s29] =	ssyncset.done $0x0  }
0x114: {  	[sflag:s29] =	ssyncadd.s32 $0xFFFFE000  }
0x115: {  	v2 =	vld [tilespmem:s5+$0x5020];
	_ =	sdelay $0x4  }
0x116: {  	[tilespmem:$0x9C40] =	vst v2  }
0x117: {  	v2 =	vld [tilespmem:s5+$0x5030];
	_ =	sdelay $0x4  }
0x118: {  	[tilespmem:$0x9C50] =	vst v2  }
0x119: {  	v2 =	vld [tilespmem:s5+$0x5040];
	_ =	sdelay $0x4  }
0x11a: {  	[tilespmem:$0x9C60] =	vst v2  }
0x11b: {  	v2 =	vld [tilespmem:s5+$0x5050];
	_ =	sdelay $0x4  }
0x11c: {  	[tilespmem:$0x9C70] =	vst v2  }
0x11d: {  	v2 =	vld [tilespmem:s5+$0x5060];
	_ =	sdelay $0x4  }
0x11e: {  	[tilespmem:$0x9C80] =	vst v2  }
0x11f: {  	v2 =	vld [tilespmem:s5+$0x5070];
	_ =	sdelay $0x4  }
0x120: {  	[tilespmem:$0x9C90] =	vst v2  }
0x121: {  	v2 =	vld [tilespmem:s5+$0x5080];
	_ =	sdelay $0x4  }
0x122: {  	[tilespmem:$0x9CA0] =	vst v2  }
0x123: {  	v2 =	vld [tilespmem:s5+$0x5090];
	_ =	sdelay $0x3  }
.Ltmp2:
0x124: {  	(pc) =	sbr.rel @p0 .LBB2_6-.Ltmp2, $4  }
0x125: {  	[tilespmem:$0x9CB0] =	vst v2  }
0x126: {  	[spmem:s3] =	stream.indirect.scatter.add.f32 [tilespmem:s22], [sflag:$0x5], $0x40, s30, s21, $0xb8;
	[tilespmem:$0x1DCE0] =	vst v63  }
0x127: {  	_ =	swait.ge [sflag:s18], $0x2000  }
0x128: {  	s6 =	smov.u32 s13;
	s5 =	sshra.s32 s12, $0x2;
	[sflag:s18] =	ssyncset.done $0x0  }
0x129: {  	s6 =	sadd.s32 $0x200, s5;
	[sflag:s18] =	ssyncadd.s32 $0xFFFFE000  }
0x12a: {  	[tilespmem:s22], [sflag:$0x1] =	stream.indirect.gather [hbm4b:s2+s21], $0x40, s6, s21, $0xb8;
	[tilespmem:$0x1DCE0] =	vst v63  }
0x12b: {  	_ =	swait.ge [sflag:s31], $0x2000  }
0x12c: {  	[sflag:s31] =	ssyncset.done $0x0  }
0x12d: {  	[sflag:s31] =	ssyncadd.s32 $0xFFFFE000  }
0x12e: {  	v2 =	vld [tilespmem:s5+$0x4EA0];
	_ =	sdelay $0x4  }
0x12f: {  	[tilespmem:$0x9C40] =	vst v2  }
0x130: {  	v2 =	vld [tilespmem:s5+$0x4EB0];
	_ =	sdelay $0x4  }
0x131: {  	[tilespmem:$0x9C50] =	vst v2  }
0x132: {  	v2 =	vld [tilespmem:s5+$0x4EC0];
	_ =	sdelay $0x4  }
0x133: {  	[tilespmem:$0x9C60] =	vst v2  }
0x134: {  	v2 =	vld [tilespmem:s5+$0x4ED0];
	_ =	sdelay $0x4  }
0x135: {  	[tilespmem:$0x9C70] =	vst v2  }
0x136: {  	v2 =	vld [tilespmem:s5+$0x4EE0];
	_ =	sdelay $0x4  }
0x137: {  	[tilespmem:$0x9C80] =	vst v2  }
0x138: {  	v2 =	vld [tilespmem:s5+$0x4EF0];
	_ =	sdelay $0x4  }
0x139: {  	[tilespmem:$0x9C90] =	vst v2  }
0x13a: {  	v2 =	vld [tilespmem:s5+$0x4F00];
	_ =	sdelay $0x4  }
0x13b: {  	[tilespmem:$0x9CA0] =	vst v2  }
0x13c: {  	v2 =	vld [tilespmem:s5+$0x4F10];
	_ =	sdelay $0x4  }
0x13d: {  	[tilespmem:$0x9CB0] =	vst v2  }
0x13e: {  	[spmem:s3] =	stream.indirect.scatter.add.f32 [tilespmem:s23], [sflag:$0x5], $0x40, s30, s21, $0xb8;
	[tilespmem:$0x1DCE0] =	vst v63  }
0x13f: {  	_ =	swait.ge [sflag:s18], $0x2000  }
0x140: {  	[sflag:s18] =	ssyncset.done $0x0  }
0x141: {  	s12 =	sadd.s32 $0x280, s5;
	[sflag:s18] =	ssyncadd.s32 $0xFFFFE000  }
0x142: {  	[tilespmem:s23], [sflag:$0x2] =	stream.indirect.gather [hbm4b:s2+s21], $0x40, s12, s21, $0xb8;
	[tilespmem:$0x1DCE0] =	vst v63  }
0x143: {  	_ =	swait.ge [sflag:s0], $0x2000  }
0x144: {  	[sflag:s0] =	ssyncset.done $0x0  }
0x145: {  	[sflag:s0] =	ssyncadd.s32 $0xFFFFE000  }
0x146: {  	v2 =	vld [tilespmem:s5+$0x4F20];
	_ =	sdelay $0x4  }
0x147: {  	[tilespmem:$0x9C40] =	vst v2  }
0x148: {  	v2 =	vld [tilespmem:s5+$0x4F30];
	_ =	sdelay $0x4  }
0x149: {  	[tilespmem:$0x9C50] =	vst v2  }
0x14a: {  	v2 =	vld [tilespmem:s5+$0x4F40];
	_ =	sdelay $0x4  }
0x14b: {  	[tilespmem:$0x9C60] =	vst v2  }
0x14c: {  	v2 =	vld [tilespmem:s5+$0x4F50];
	_ =	sdelay $0x4  }
0x14d: {  	[tilespmem:$0x9C70] =	vst v2  }
0x14e: {  	v2 =	vld [tilespmem:s5+$0x4F60];
	_ =	sdelay $0x4  }
0x14f: {  	[tilespmem:$0x9C80] =	vst v2  }
0x150: {  	v2 =	vld [tilespmem:s5+$0x4F70];
	_ =	sdelay $0x4  }
0x151: {  	[tilespmem:$0x9C90] =	vst v2  }
0x152: {  	v2 =	vld [tilespmem:s5+$0x4F80];
	_ =	sdelay $0x4  }
0x153: {  	[tilespmem:$0x9CA0] =	vst v2  }
0x154: {  	v2 =	vld [tilespmem:s5+$0x4F90];
	_ =	sdelay $0x4  }
0x155: {  	[tilespmem:$0x9CB0] =	vst v2  }
0x156: {  	[spmem:s3] =	stream.indirect.scatter.add.f32 [tilespmem:s25], [sflag:$0x5], $0x40, s30, s21, $0xb8;
	[tilespmem:$0x1DCE0] =	vst v63  }
0x157: {  	_ =	swait.ge [sflag:s18], $0x2000  }
0x158: {  	[sflag:s18] =	ssyncset.done $0x0  }
0x159: {  	s13 =	sadd.s32 $0x300, s5;
	[sflag:s18] =	ssyncadd.s32 $0xFFFFE000  }
0x15a: {  	[tilespmem:s25], [sflag:$0x3] =	stream.indirect.gather [hbm4b:s2+s21], $0x40, s13, s21, $0xb8;
	[tilespmem:$0x1DCE0] =	vst v63  }
0x15b: {  	_ =	swait.ge [sflag:s19], $0x2000  }
0x15c: {  	[sflag:s19] =	ssyncset.done $0x0  }
0x15d: {  	[sflag:s19] =	ssyncadd.s32 $0xFFFFE000  }
0x15e: {  	v2 =	vld [tilespmem:s5+$0x4FA0];
	_ =	sdelay $0x4  }
0x15f: {  	[tilespmem:$0x9C40] =	vst v2  }
0x160: {  	v2 =	vld [tilespmem:s5+$0x4FB0];
	_ =	sdelay $0x4  }
0x161: {  	[tilespmem:$0x9C50] =	vst v2  }
0x162: {  	v2 =	vld [tilespmem:s5+$0x4FC0];
	_ =	sdelay $0x4  }
0x163: {  	[tilespmem:$0x9C60] =	vst v2  }
0x164: {  	v2 =	vld [tilespmem:s5+$0x4FD0];
	_ =	sdelay $0x4  }
0x165: {  	[tilespmem:$0x9C70] =	vst v2  }
0x166: {  	v2 =	vld [tilespmem:s5+$0x4FE0];
	_ =	sdelay $0x4  }
0x167: {  	[tilespmem:$0x9C80] =	vst v2  }
0x168: {  	v2 =	vld [tilespmem:s5+$0x4FF0];
	_ =	sdelay $0x4  }
0x169: {  	[tilespmem:$0x9C90] =	vst v2  }
0x16a: {  	v2 =	vld [tilespmem:s5+$0x5000];
	_ =	sdelay $0x4  }
0x16b: {  	[tilespmem:$0x9CA0] =	vst v2  }
0x16c: {  	v2 =	vld [tilespmem:s5+$0x5010];
	_ =	sdelay $0x4  }
0x16d: {  	[tilespmem:$0x9CB0] =	vst v2  }
0x16e: {  	[spmem:s3] =	stream.indirect.scatter.add.f32 [tilespmem:s28], [sflag:$0x5], $0x40, s30, s21, $0xb8;
	[tilespmem:$0x1DCE0] =	vst v63  }
0x16f: {  	_ =	swait.ge [sflag:s18], $0x2000  }
0x170: {  	[sflag:s18] =	ssyncset.done $0x0  }
0x171: {  	s14 =	sadd.s32 $0x380, s5;
	[sflag:s18] =	ssyncadd.s32 $0xFFFFE000  }
0x172: {  	[tilespmem:s28], [sflag:$0x4] =	stream.indirect.gather [hbm4b:s2+s21], $0x40, s14, s21, $0xb8;
	[tilespmem:$0x1DCE0] =	vst v63  }
0x173: {  	_ =	swait.ge [sflag:s29], $0x2000  }
0x174: {  	[sflag:s29] =	ssyncset.done $0x0  }
0x175: {  	[sflag:s29] =	ssyncadd.s32 $0xFFFFE000  }
0x176: {  	v2 =	vld [tilespmem:s5+$0x5020];
	_ =	sdelay $0x4  }
0x177: {  	[tilespmem:$0x9C40] =	vst v2  }
0x178: {  	v2 =	vld [tilespmem:s5+$0x5030];
	_ =	sdelay $0x4  }
0x179: {  	[tilespmem:$0x9C50] =	vst v2  }
0x17a: {  	v2 =	vld [tilespmem:s5+$0x5040];
	_ =	sdelay $0x4  }
0x17b: {  	[tilespmem:$0x9C60] =	vst v2  }
0x17c: {  	v2 =	vld [tilespmem:s5+$0x5050];
	_ =	sdelay $0x4  }
0x17d: {  	[tilespmem:$0x9C70] =	vst v2  }
0x17e: {  	v2 =	vld [tilespmem:s5+$0x5060];
	_ =	sdelay $0x4  }
0x17f: {  	[tilespmem:$0x9C80] =	vst v2  }
0x180: {  	v2 =	vld [tilespmem:s5+$0x5070];
	_ =	sdelay $0x4  }
0x181: {  	[tilespmem:$0x9C90] =	vst v2  }
0x182: {  	v2 =	vld [tilespmem:s5+$0x5080];
	_ =	sdelay $0x4  }
0x183: {  	[tilespmem:$0x9CA0] =	vst v2  }
0x184: {  	v2 =	vld [tilespmem:s5+$0x5090];
	_ =	sdelay $0x4  }
0x185: {  	[tilespmem:$0x9CB0] =	vst v2  }
0x186: {  	[spmem:s3] =	stream.indirect.scatter.add.f32 [tilespmem:s22], [sflag:$0x5], $0x40, s30, s21, $0xb8;
	[tilespmem:$0x1DCE0] =	vst v63  }
0x187: {  	_ =	swait.ge [sflag:s18], $0x2000  }
0x188: {  	[sflag:s18] =	ssyncset.done $0x0  }
0x189: {  	[sflag:s18] =	ssyncadd.s32 $0xFFFFE000  }
0x18a: {  	_ =	swait.ge [sflag:s31], $0x2000  }
0x18b: {  	[sflag:s31] =	ssyncset.done $0x0  }
0x18c: {  	[sflag:s31] =	ssyncadd.s32 $0xFFFFE000  }
0x18d: {  	v2 =	vld [tilespmem:$0x9AA0]  }
0x18e: {  	v3 =	vld [tilespmem:$0x9AB0]  }
0x18f: {  	v4 =	vld [tilespmem:$0x9AC0]  }
0x190: {  	v5 =	vld [tilespmem:$0x9AD0]  }
0x191: {  	v6 =	vld [tilespmem:$0x9AE0]  }
0x192: {  	v55 =	vld [tilespmem:$0x9B10];
	[tilespmem:$0x9C40] =	vst v2  }
0x193: {  	v2 =	vld [tilespmem:$0x9AF0];
	[tilespmem:$0x9C50] =	vst v3  }
0x194: {  	v3 =	vld [tilespmem:$0x9B00];
	[tilespmem:$0x9C60] =	vst v4  }
0x195: {  	[tilespmem:$0x9C70] =	vst v5  }
0x196: {  	[tilespmem:$0x9C80] =	vst v6  }
0x197: {  	[tilespmem:$0x9CB0] =	vst v55  }
0x198: {  	[tilespmem:$0x9C90] =	vst v2  }
0x199: {  	[tilespmem:$0x9CA0] =	vst v3  }
0x19a: {  	[spmem:s3] =	stream.indirect.scatter.add.f32 [tilespmem:s23], [sflag:$0x5], $0x40, s30, s21, $0xb8;
	[tilespmem:$0x1DCE0] =	vst v63  }
0x19b: {  	_ =	swait.ge [sflag:s18], $0x2000  }
0x19c: {  	[sflag:s18] =	ssyncset.done $0x0  }
0x19d: {  	[sflag:s18] =	ssyncadd.s32 $0xFFFFE000  }
0x19e: {  	_ =	swait.ge [sflag:s0], $0x2000  }
0x19f: {  	[sflag:s0] =	ssyncset.done $0x0  }
0x1a0: {  	[sflag:s0] =	ssyncadd.s32 $0xFFFFE000  }
0x1a1: {  	v2 =	vld [tilespmem:$0x9B20]  }
0x1a2: {  	v3 =	vld [tilespmem:$0x9B30]  }
0x1a3: {  	v56 =	vld [tilespmem:$0x9B40]  }
0x1a4: {  	v57 =	vld [tilespmem:$0x9B50]  }
0x1a5: {  	v58 =	vld [tilespmem:$0x9B60]  }
0x1a6: {  	v59 =	vld [tilespmem:$0x9B90];
	[tilespmem:$0x9C40] =	vst v2  }
0x1a7: {  	v2 =	vld [tilespmem:$0x9B70];
	[tilespmem:$0x9C50] =	vst v3  }
0x1a8: {  	v3 =	vld [tilespmem:$0x9B80];
	[tilespmem:$0x9C60] =	vst v56  }
0x1a9: {  	[tilespmem:$0x9C70] =	vst v57  }
0x1aa: {  	[tilespmem:$0x9C80] =	vst v58  }
0x1ab: {  	[tilespmem:$0x9CB0] =	vst v59  }
0x1ac: {  	[tilespmem:$0x9C90] =	vst v2  }
0x1ad: {  	[tilespmem:$0x9CA0] =	vst v3  }
0x1ae: {  	[spmem:s3] =	stream.indirect.scatter.add.f32 [tilespmem:s25], [sflag:$0x5], $0x40, s30, s21, $0xb8;
	[tilespmem:$0x1DCE0] =	vst v63  }
0x1af: {  	_ =	swait.ge [sflag:s18], $0x2000  }
0x1b0: {  	[sflag:s18] =	ssyncset.done $0x0  }
0x1b1: {  	[sflag:s18] =	ssyncadd.s32 $0xFFFFE000  }
0x1b2: {  	_ =	swait.ge [sflag:s19], $0x2000  }
0x1b3: {  	[sflag:s19] =	ssyncset.done $0x0  }
0x1b4: {  	[sflag:s19] =	ssyncadd.s32 $0xFFFFE000  }
0x1b5: {  	v2 =	vld [tilespmem:$0x9BA0]  }
0x1b6: {  	v3 =	vld [tilespmem:$0x9BB0]  }
0x1b7: {  	v60 =	vld [tilespmem:$0x9BC0]  }
0x1b8: {  	v61 =	vld [tilespmem:$0x9BD0]  }
0x1b9: {  	v62 =	vld [tilespmem:$0x9BE0]  }
0x1ba: {  	v63 =	vld [tilespmem:$0x9C10];
	[tilespmem:$0x9C40] =	vst v2  }
0x1bb: {  	v2 =	vld [tilespmem:$0x9BF0];
	[tilespmem:$0x9C50] =	vst v3  }
0x1bc: {  	v3 =	vld [tilespmem:$0x9C00];
	[tilespmem:$0x9C60] =	vst v60  }
0x1bd: {  	[tilespmem:$0x9C70] =	vst v61  }
0x1be: {  	[tilespmem:$0x9C80] =	vst v62  }
0x1bf: {  	[tilespmem:$0x9CB0] =	vst v63  }
0x1c0: {  	[tilespmem:$0x9C90] =	vst v2  }
0x1c1: {  	[tilespmem:$0x9CA0] =	vst v3  }
0x1c2: {  	[spmem:s3] =	stream.indirect.scatter.add.f32 [tilespmem:s28], [sflag:$0x5], $0x40, s30, s21, $0xb8;
	[tilespmem:$0x1DCE0] =	vst v63  }
0x1c3: {  	_ =	swait.ge [sflag:s18], $0x2000  }
0x1c4: {  	[sflag:s18] =	ssyncset.done $0x0  }
0x1c5: {  	[sflag:s18] =	ssyncadd.s32 $0xFFFFE000  }
0x1c6: {  	v2 =	vld [tilespmem:$0x9C20]  }
0x1c7: {  	v3 =	vld [tilespmem:$0x9C30];
	_ =	sdelay $0x3  }
0x1c8: {  	[tilespmem:$0x9CC0] =	vst v2  }
0x1c9: {  	s6 =	simm.s32 $0x4E00;
	[tilespmem:$0x9CD0] =	vst v3  }
0x1ca: {  	[tilespmem:s22], [sflag:$0x1] =	stream.indirect.gather [hbm4b:s2+s24], $0x40, s6, s24, $0xb8;
	[tilespmem:$0x1DCE0] =	vst v63  }
0x1cb: {  	_ =	swait.ge [sflag:s29], $0x800  }
0x1cc: {  	[sflag:s29] =	ssyncset.done $0x0  }
0x1cd: {  	s12 =	simm.s32 $0x9CC0;
	[sflag:s29] =	ssyncadd.s32 $0xFFFFF800  }
0x1ce: {  	[spmem:s3] =	stream.indirect.scatter.add.f32 [tilespmem:s22], [sflag:$0x5], $0x40, s12, s24, $0xb8;
	[tilespmem:$0x1DCE0] =	vst v63  }
0x1cf: {  	_ =	swait.ge [sflag:s18], $0x800  }
0x1d0: {  	[sflag:s18] =	ssyncset.done $0x0  }
0x1d1: {  	s13 =	stileid.u32;
	[sflag:s18] =	ssyncadd.s32 $0xFFFFF800  }
0x1d2: {  	s5 =	sshll.u32 s13, $0x6;
	[bflag:$0x0] =	sbarrier.arrive $0xFFFF  }
0x1d3: {  	s14 =	sshrl.u32 s7, $0x3;
	s5 =	sor.u32 $0x1C05, s5;
	s12 =	rddreg [dreg:$0x6]  }
0x1d4: {  	[hbm:s12@s26], [sflag:s5] =	dma.strided [spmem:s14@s1], $0x400, s29, $0x8   }
0x1d5: {  	_ =	swait.ge [sflag:s18], $0x400  }
0x1d6: {  	[sflag:s18] =	ssyncset.done $0x0  }
0x1d7: {  	s13 =	sshrl.u32 s8, $0x3;
	s14 =	rddreg [dreg:$0x7];
	[sflag:s18] =	ssyncadd.s32 $0xFFFFFC00  }
0x1d8: {  	[hbm:s14@s26], [sflag:s5] =	dma.strided [spmem:s13@s1], $0x400, s29, $0x8   }
0x1d9: {  	_ =	swait.ge [sflag:s18], $0x400  }
0x1da: {  	[sflag:s18] =	ssyncset.done $0x0  }
0x1db: {  	s13 =	sshrl.u32 s9, $0x3;
	s14 =	rddreg [dreg:$0x8];
	[sflag:s18] =	ssyncadd.s32 $0xFFFFFC00  }
0x1dc: {  	[hbm:s14@s26], [sflag:s5] =	dma.strided [spmem:s13@s1], $0x400, s29, $0x8   }
0x1dd: {  	_ =	swait.ge [sflag:s18], $0x400  }
0x1de: {  	[sflag:s18] =	ssyncset.done $0x0  }
0x1df: {  	s13 =	sshrl.u32 s10, $0x3;
	[sflag:s18] =	ssyncadd.s32 $0xFFFFFC00  }
0x1e0: {  	[hbm:s15@s26], [sflag:s5] =	dma.strided [spmem:s13@s1], $0x400, s29, $0x8   }
0x1e1: {  	s4 =	sadd.s32 $0x1, s4;
	_ =	swait.ge [sflag:s18], $0x400  }
0x1e2: {  	p0 =	sne.s32 s4, s17;
	[sflag:s18] =	ssyncset.done $0x0  }
.Ltmp3:
0x1e3: {  	s14 =	sshrl.u32 s11, $0x3;
	[sflag:s18] =	ssyncadd.s32 $0xFFFFFC00;
	(pc) =	sbr.rel @p0 .LBB2_1-.Ltmp3, $4  }
0x1e4: {  	[hbm:s16@s26], [sflag:s5] =	dma.strided [spmem:s14@s1], $0x400, s29, $0x8   }
0x1e5: {  	_ =	swait.ge [sflag:s18], $0x400  }
0x1e6: {  	[sflag:s18] =	ssyncset.done $0x0  }
0x1e7: {  	[sflag:s18] =	ssyncadd.s32 $0xFFFFFC00  }
0x1e8: {  	_ =	sfence.sel $0x180000  }
0x1e9: {  	[bflag:$0x0] =	sbarrier.arrive $0xFFFF  }
0x1ea: {  	_ =	strace $0x9000004A  }
0x1eb: {  	s0 =	stileid.u32;
	[bflag:$0x2] =	sbarrier.arrive $0xFFFF  }
0x1ec: {  	p0 =	sne.s32 s0, $0x0;
	s0 =	rddreg [dreg:$0x3]  }
0x1ed: {  	s0 =	sadd.s32 @!p0 $0x100000, s0  }
0x1ee: {  	[sflag:s0] =	ssyncadd.tile.s32 @!p0 $0x1;
	_ =	shalt  }
.Lfunc_end2:
_tile_overlayer_lowered:
.L_overlay_start_2:
0x1ef: {  	(tag) =	ssettag $0x2  }
0x1f0: {  	s0 =	rddreg [dreg:$0x0];
	s2 =	stileid.u32  }
0x1f1: {  	s1 =	rddreg [dreg:$0x1];
	p0 =	sne.s32 s2, $0x0  }
0x1f2: {  	s3 =	rddreg [dreg:$0x2];
	[bflag:$0x3] =	sbarrier.arrive $0xFFFF;
	s2 =	simm.s32 @!p0 $0x1C05  }
0x1f3: {  	[timem:s3], [sflag:s2] =	dma.local @!p0 [hbm:s0], s1  }
0x1f4: {  	s0 =	simm.s32 @!p0 $0x5  }
0x1f5: {  	_ =	swait.ge @!p0 [sflag:s0], s1  }
0x1f6: {  	s1 =	ssub.s32 @!p0 $0x0, s1;
	[sflag:s0] =	ssyncset.done @!p0 $0x0  }
0x1f7: {  	[sflag:s0] =	ssyncadd.s32 @!p0 s1  }
0x1f8: {  	[bflag:$0x3] =	sbarrier.arrive $0xFFFF  }
0x1f9: {  	_ =	shalt  }

// kernel: kernel.14.cloned.1.call-start
scs
__scs_entry_jumppad:
0x0: {  	(pc) =	sbr.rel $0x88, $3  }
0x1: {  	(tag) =	ssettag $0x0;
	lr =	simm.s32 $0x1  }
0x2: {  	[smem:$0x3F9B] =	sst lr;
	_ =	strace $0xD0000000  }
0x3: {  	_ = 	snop  }
0x4: {  	_ = 	snop  }
0x5: {  	_ = 	snop  }
0x6: {  	_ = 	snop  }
0x7: {  	_ = 	snop  }
__scs_overlays_trampoline_lowered:
0x8: {  	[smem:$0x3FAA] =	sst s0  }
0x9: {  	[smem:$0x3FAB] =	sst s1  }
0xa: {  	[smem:$0x3FAC] =	sst s2  }
0xb: {  	[smem:$0x3FAD] =	sst s3  }
0xc: {  	[smem:$0x3FAE] =	sst s4  }
0xd: {  	[smem:$0x3FAF] =	sst s5  }
0xe: {  	[smem:$0x3FB0] =	sst s6  }
0xf: {  	[smem:$0x3FB1] =	sst s7  }
0x10: {  	[smem:$0x3FB2] =	sst s8  }
0x11: {  	[smem:$0x3FB3] =	sst s9;
	s0 =	simm.s32 @!p0 $0x0  }
0x12: {  	s1 =	sld [smem:$0x3F99];
	s0 =	simm.s32 @p0 $0x1  }
0x13: {  	[smem:$0x3FB4] =	sst s0;
	s0 =	simm.s32 @!p1 $0x0  }
0x14: {  	s2 =	sld [smem:$0x3F98];
	s0 =	simm.s32 @p1 $0x1  }
0x15: {  	[smem:$0x3FB5] =	sst s0;
	s0 =	simm.s32 @!p2 $0x0  }
0x16: {  	s3 =	sld [smem:$0x3FDB];
	s0 =	simm.s32 @p2 $0x1  }
0x17: {  	s4 =	simm.s32 $0x1BF5;
	[smem:$0x3FB7] =	sst s0  }
0x18: {  	s0 =	sld [smem:$0x3F9A];
	_ =	swait.ge [sflag:s4], $0x0  }
0x19: {  	s7 =	sld [smem:$0x3F9B]  }
0x1a: {  	s8 =	sadd.s32 $0xFFFFE003, lr  }
0x1b: {  	s9 =	sadd.s32 $0xFFFFFEF7, lr;
	s5 =	simm.s32 $0xFFFFFFFF;
	p2 =	slt.u32 s8, $0xFFFFF086  }
0x1c: {  	p1 =	slt.u32 s9, $0xF7A;
	s5 =	simm.s32 @!p2 $0x0  }
0x1d: {  	s5 =	simm.s32 @p1 $0x1;
	p0 =	seq.s32 s7, s2  }
0x1e: {  	s7 =	smul.u32 @!p0 $0xF7A, s2;
	p2 =	seq.s32 @!p0 s5, $0x0  }
0x1f: {  	s9 =	smul.u32 $0xF7A, s1;
	s8 =	simm.s32 @!p0 $0x1BF5;
	p2 =	por !p2, p0  }
0x20: {  	[sflag:s8] =	ssyncset.s32 @!p0 $0xFFFFF086;
	s6 =	sadd.s32 @!p0 s3, s7;
	s7 =	simm.s32 @!p0 $0x108  }
0x21: {  	s3 =	sadd.s32 s3, s9;
	s6 =	sadd.s32 @!p0 $0x88, s6;
	s7 =	simm.s32 @p2 $0x1082  }
0x22: {  	[simem:s7], [sflag:s8] =	dma.local @!p0 [hbm:s6], $0xF7A  }
0x23: {  	s9 =	sor.u32 $0xD0000000, s2;
	s6 =	simm.s32 $0x108;
	_ =	swait.ge @!p0 [sflag:s8], $0x0  }
0x24: {  	s3 =	sadd.s32 $0x88, s3;
	s6 =	simm.s32 @!p1 $0x1082;
	[sflag:s4] =	ssyncset.s32 $0xFFFFF086  }
0x25: {  	[simem:s6], [sflag:s4] =	dma.local [hbm:s3], $0xF7A  }
0x26: {  	[smem:$0x3F9B] =	sst s1;
	(tag) =	ssettag s2;
	_ =	strace s9  }
0x27: {  	s1 =	sld [smem:$0x3FAB]  }
0x28: {  	s2 =	sld [smem:$0x3FAC]  }
0x29: {  	s4 =	sld [smem:$0x3FAE]  }
0x2a: {  	p0 =	seq.s32 s5, $0x0;
	s5 =	sld [smem:$0x3FAF]  }
0x2b: {  	s6 =	sld [smem:$0x3FB0]  }
0x2c: {  	s7 =	sld [smem:$0x3FB1]  }
0x2d: {  	s3 =	simm.s32 $0x108;
	s8 =	sld [smem:$0x3FB2]  }
0x2e: {  	s3 =	simm.s32 @!p0 $0x1082;
	s9 =	sld [smem:$0x3FB3]  }
0x2f: {  	lr =	sadd.s32 s0, s3;
	s0 =	sld [smem:$0x3FAA]  }
0x30: {  	s3 =	sld [smem:$0x3FAD]  }
0x31: {  	[smem:$0x3FB6] =	sst s10  }
0x32: {  	s10 =	sld [smem:$0x3FB4];
	_ =	sdelay $0x3  }
0x33: {  	p0 =	seq.s32 s10, $0x1;
	s10 =	sld [smem:$0x3FB6];
	_ =	sdelay $0x3  }
0x34: {  	[smem:$0x3FB6] =	sst s10  }
0x35: {  	s10 =	sld [smem:$0x3FB5];
	_ =	sdelay $0x3  }
0x36: {  	p1 =	seq.s32 s10, $0x1;
	s10 =	sld [smem:$0x3FB6];
	_ =	sdelay $0x3  }
0x37: {  	[smem:$0x3FB6] =	sst s10  }
0x38: {  	s10 =	sld [smem:$0x3FB7]  }
0x39: {  	_ = 	snop;
	(pc) =	sbr.ind lr, $3  }
0x3a: {  	_ = 	snop  }
0x3b: {  	_ = 	snop  }
0x3c: {  	p2 =	seq.s32 s10, $0x1;
	s10 =	sld [smem:$0x3FB6]  }
0x3d: {  	_ =	shalt  }
0x3e: {  	_ =	shalt  }
0x3f: {  	_ =	shalt  }
0x40: {  	_ =	shalt  }
0x41: {  	_ =	shalt  }
0x42: {  	_ =	shalt  }
0x43: {  	_ =	shalt  }
0x44: {  	_ =	shalt  }
0x45: {  	_ =	shalt  }
0x46: {  	_ =	shalt  }
0x47: {  	_ =	shalt  }
0x48: {  	_ =	shalt  }
0x49: {  	_ =	shalt  }
0x4a: {  	_ =	shalt  }
0x4b: {  	_ =	shalt  }
0x4c: {  	_ =	shalt  }
0x4d: {  	_ =	shalt  }
0x4e: {  	_ =	shalt  }
0x4f: {  	_ =	shalt  }
0x50: {  	_ =	shalt  }
0x51: {  	_ =	shalt  }
0x52: {  	_ =	shalt  }
0x53: {  	_ =	shalt  }
0x54: {  	_ =	shalt  }
0x55: {  	_ =	shalt  }
0x56: {  	_ =	shalt  }
0x57: {  	_ =	shalt  }
0x58: {  	_ =	shalt  }
0x59: {  	_ =	shalt  }
0x5a: {  	_ =	shalt  }
0x5b: {  	_ =	shalt  }
0x5c: {  	_ =	shalt  }
0x5d: {  	_ =	shalt  }
0x5e: {  	_ =	shalt  }
0x5f: {  	_ =	shalt  }
0x60: {  	_ =	shalt  }
0x61: {  	_ =	shalt  }
0x62: {  	_ =	shalt  }
0x63: {  	_ =	shalt  }
0x64: {  	_ =	shalt  }
0x65: {  	_ =	shalt  }
0x66: {  	_ =	shalt  }
0x67: {  	_ =	shalt  }
0x68: {  	_ =	shalt  }
0x69: {  	_ =	shalt  }
0x6a: {  	_ =	shalt  }
0x6b: {  	_ =	shalt  }
0x6c: {  	_ =	shalt  }
0x6d: {  	_ =	shalt  }
0x6e: {  	_ =	shalt  }
0x6f: {  	_ =	shalt  }
0x70: {  	_ =	shalt  }
0x71: {  	_ =	shalt  }
0x72: {  	_ =	shalt  }
0x73: {  	_ =	shalt  }
0x74: {  	_ =	shalt  }
0x75: {  	_ =	shalt  }
0x76: {  	_ =	shalt  }
0x77: {  	_ =	shalt  }
0x78: {  	_ =	shalt  }
0x79: {  	_ =	shalt  }
0x7a: {  	_ =	shalt  }
0x7b: {  	_ =	shalt  }
0x7c: {  	_ =	shalt  }
0x7d: {  	_ =	shalt  }
0x7e: {  	_ =	shalt  }
0x7f: {  	_ =	shalt  }
0x80: {  	_ =	shalt  }
0x81: {  	_ =	shalt  }
0x82: {  	_ =	shalt  }
0x83: {  	_ =	shalt  }
0x84: {  	_ =	shalt  }
0x85: {  	_ =	shalt  }
0x86: {  	_ =	shalt  }
0x87: {  	_ =	shalt  }
.Lfunc_end0:
.L_simem_size_0:
called_computation.2_lowered:
.L_overlay_start_0:
0x88: {  	s2 =	sld [smem:$0x3FD9]  }
0x89: {  	s3 =	sld [smem:$0x3FFE];
	_ =	sdelay $0x1  }
0x8a: {  	s1 =	srdreg.scid  }
0x8b: {  	s0 =	sand.u32 $0x1, s1  }
0x8c: {  	s17 =	sshll.u32 s0, $0xA;
	s2 =	sadd.s32 s3, s2  }
0x8d: {  	s2 =	sadd.s32 s2, s17  }
0x8e: {  	[smem:$0x3FC2] =	sst s2  }
0x8f: {  	_ = 	snop  }
0x90: {  	s2 =	sld [smem:$0x3FD0];
	(tm) =	ssettm $0x1  }
0x91: {  	s18 =	sld [smem:$0x3FFB];
	_ =	sdelay $0x3  }
0x92: {  	_ =	strace s18  }
0x93: {  	s3 =	sld [smem:$0x3FFC];
	_ =	sdelay $0x3  }
0x94: {  	_ =	strace s3  }
0x95: {  	s3 =	sld [smem:$0x3FFD];
	_ =	sdelay $0x3  }
0x96: {  	_ =	strace s3  }
0x97: {  	_ =	strace $0x8FFFFFFF  }
0x98: {  	s19 =	sld [smem:$0x3FDB];
	_ =	sdelay $0x1  }
0x99: {  	s4 =	simm.s32 $_scs_section_size  }
0x9a: {  	s5 =	simm.s32 $_size__tile_overlayer_lowered;
	s6 =	simm.s32 $_tile_overlayer_lowered  }
0x9b: {  	s22 =	simm.s32 $0x1BFF;
	s21 =	sshll.u32 s6, $0x1;
	s3 =	sadd.s32 s4, s19  }
0x9c: {  	s7 =	simm.s32 $0x0;
	s20 =	sshll.u32 s5, $0x1;
	s5 =	sadd.s32 s21, s3  }
0x9d: {  	[timem:s7], [sflag:s22] =	dma.local [hbm:s5], s20  }
0x9e: {  	_ =	swait.ge [sflag:s22], s20  }
0x9f: {  	s4 =	ssub.s32 $0x0, s20;
	[sflag:s22] =	ssyncset.done $0x0  }
0xa0: {  	[sflag:s22] =	ssyncadd.s32 s4;
	_ =	sdelay $0x1  }
0xa1: {  	s23 =	simm.s32 $0x1B8B  }
0xa2: {  	_ =	swait.ge [sflag:s23], $0x1  }
0xa3: {  	[sflag:s23] =	ssyncset.done $0x0  }
0xa4: {  	s25 =	simm.s32 $0x1B8E;
	s24 =	sld [smem:$0x3FFE];
	[sflag:s23] =	ssyncadd.s32 $0xFFFFFFFF  }
0xa5: {  	s26 =	simm.s32 $execute0_lowered;
	[smem:$0x3FD2] =	sst s25  }
0xa6: {  	s5 =	sshll.u32 s26, $0x1;
	_ =	strace $0x8000004C;
	[dreg:$0x1] =	wrdreg $0xFFFFFFFF  }
0xa7: {  	s28 =	simm.s32 $_size_execute0_lowered;
	s3 =	sadd.s32 s3, s5;
	[dreg:$0x0] =	wrdreg $0x0  }
0xa8: {  	s5 =	sshll.u32 s28, $0x1;
	[dreg:$0x2] =	wrdreg s3  }
0xa9: {  	[dreg:$0x3] =	wrdreg s5  }
0xaa: {  	[dreg:$0x4] =	wrdreg $0xC0  }
0xab: {  	_ =	task [dreg:s7], $0x5FFFF  }
0xac: {  	[dreg:$0x1] =	wrdreg $0xFFFFFFFF  }
0xad: {  	[dreg:$0x0] =	wrdreg $0x60  }
0xae: {  	[dreg:$0x2] =	wrdreg s2  }
0xaf: {  	[dreg:$0x3] =	wrdreg s24  }
0xb0: {  	[dreg:$0x4] =	wrdreg $0x13CE00  }
0xb1: {  	[dreg:$0x5] =	wrdreg $0x9  }
0xb2: {  	_ =	task.clear_ibuf [dreg:s7], $0x6FFFF;
	_ =	strace $0x9000004C  }
0xb3: {  	s29 =	simm.s32 $0x9;
	_ =	strace $0x8000004E  }
0xb4: {  	_ =	swait.ge [sflag:s29], $0x1  }
0xb5: {  	[sflag:s29] =	ssyncadd.s32 $0xFFFFFFFF  }
0xb6: {  	_ =	strace $0x9000004E  }
0xb7: {  	_ =	sfence  }
0xb8: {  	s30 =	sld [smem:$0x0];
	_ =	sdelay $0x2  }
0xb9: {  	s31 =	sshll.u32 s1, $0xD;
	s1 =	sshrl.u32 s1, $0x2  }
0xba: {  	s3 =	sand.u32 $0x4000, s31;
	s1 =	sadd.s32 s1, s30  }
0xbb: {  	s0 =	sor.u32 s3, s0;
	s1 =	sshll.u32 s1, $0x11  }
0xbc: {  	s0 =	sor.u32 s1, s0  }
0xbd: {  	s0 =	sadd.s32 $0x8F2B, s0  }
0xbe: {  	[sflag:s0] =	ssyncadd.remote.s32 $0x1  }
0xbf: {  	_ =	sfence.sel $0xFFFF  }
0xc0: {  	[dreg:$0x0] =	wrdreg $0xFFFFFFFF;
	(pc) =	sbr.abs _section_cstart, $3  }
0xc1: {  	[dreg:$0x1] =	wrdreg $0xFFFFFFFF  }
0xc2: {  	_ =	task.clear_ibuf [dreg:s7], $0x2FFFF;
	_ =	strace $0x9FFFFFFF  }
0xc3: {  	(tm) =	ssettm $0x7FFFFFFF  }
tec
execute0_lowered:
.L_overlay_start_1:
0x0: {  	(tag) =	ssettag $0x1  }
0x1: {  	s2 =	rddreg [dreg:$0x0]  }
0x2: {  	s0 =	rddreg [dreg:$0x1]  }
0x3: {  	s3 =	rddreg [dreg:$0x2];
	s14 =	stileid.u32;
	s4 =	simm.s32 $0x0  }
0x4: {  	s12 =	srdreg.scid;
	s28 =	simm.s32 $0xFCE0;
	s1 =	smul.u32 $0x4E20, s14  }
0x5: {  	s29 =	simm.s32 $0x1;
	s30 =	simm.s32 $0x9C40;
	s6 =	smul.u32 $0x28000, s14  }
0x6: {  	s31 =	simm.s32 $0x2;
	[smem:$0x7FF] =	sst s4;
	s11 =	smul.u32 $0x280, s14  }
0x7: {  	s20 =	smul.u32 $0x14000, s14;
	_ =	strace $0x8000004D;
	s5 =	sshrl.u32 s1, $0x3  }
0x8: {  	s1 =	sand.u32 $0x1, s12;
	s6 =	sshrl.u32 s6, $0x2;
	s17 =	sadd.s32 $0x80, s11  }
0x9: {  	s12 =	sadd.s32 $0x100, s11;
	s21 =	sadd.s32 $0x200, s11;
	s13 =	sadd.s32 s5, s0  }
0xa: {  	s15 =	ssub.s32 $0x2, s1;
	s0 =	sadd.s32 $0x16200, s0;
	s18 =	sshll.u32 s17, $0x6  }
0xb: {  	s19 =	sshll.u32 s12, $0x6;
	s22 =	sshll.u32 s12, $0x7;
	s24 =	sshll.u32 s21, $0x7  }
0xc: {  	s7 =	sshrl.u32 s15, $0x1;
	s16 =	sadd.s32 $0x2800, s13;
	s4 =	sadd.s32 $0xC440, s13  }
0xd: {  	s13 =	sadd.s32 $0x180, s11;
	s8 =	sadd.s32 s18, s3;
	s9 =	sadd.s32 s19, s3  }
0xe: {  	s11 =	sshll.u32 s21, $0x6;
	s18 =	simm.s32 $0x5;
	s21 =	simm.s32 $0x80  }
0xf: {  	s19 =	simm.s32 $0x4;
	s5 =	ssub.s32 s15, s7;
	[dreg:$0x4] =	wrdreg s16  }
0x10: {  	[dreg:$0x5] =	wrdreg s4;
	s7 =	sadd.s32 s6, s3;
	s10 =	sshll.u32 s13, $0x6  }
0x11: {  	s15 =	sshll.u32 s1, $0x6;
	s4 =	sshll.u32 s17, $0x7;
	s11 =	sadd.s32 s11, s3  }
0x12: {  	v0 =	vmov s1;
	s23 =	sshll.u32 s13, $0x7;
	s1 =	simm.s32 $0x8;
	s10 =	sadd.s32 s10, s3  }
0x13: {  	s6 =	sor.u32 s15, s20;
	s4 =	sor.u32 s15, s4;
	s12 =	sor.u32 s15, s24  }
0x14: {  	s17 =	smax.u32 s5, $0x1;
	s20 =	simm.s32 $0x11CE0;
	s6 =	sshrl.u32 s6, $0x3  }
0x15: {  	s24 =	simm.s32 $0x20;
	s4 =	sshrl.u32 s4, $0x3;
	s6 =	sadd.s32 s0, s6  }
0x16: {  	s26 =	sshrl.u32 s12, $0x3;
	s4 =	sadd.s32 s0, s4;
	[dreg:$0x6] =	wrdreg s6  }
0x17: {  	s16 =	sadd.s32 s0, s26;
	s26 =	simm.s32 $0x10;
	[dreg:$0x7] =	wrdreg s4  }
0x18: {  	s4 =	sor.u32 s15, s22;
	s6 =	sor.u32 s15, s23;
	s22 =	simm.s32 $0x9CE0  }
0x19: {  	s23 =	simm.s32 $0xBCE0;
	s4 =	sshrl.u32 s4, $0x3;
	s25 =	sshrl.u32 s6, $0x3  }
0x1a: {  	s4 =	sadd.s32 s0, s4;
	s15 =	sadd.s32 s0, s25;
	s25 =	simm.s32 $0xDCE0  }
0x1b: {  	v1 =	vimm.f32 $0.0e+00;
	s0 =	simm.s32 $0x3;
	[dreg:$0x8] =	wrdreg s4;
	s4 =	simm.s32 $0x0  }
.LBB2_1:
0x1c: {  	s5 =	simm.s32 $0x0;
	s6 =	rddreg [dreg:$0x4]  }
0x1d: {  	[tilespmem:s5], [sflag:$0x5] =	stream.linear.gather [hbm4b:s6+s5], $0x4E20, $0x38;
	[tilespmem:$0x1DCE0] =	vst v63  }
0x1e: {  	_ =	swait.ge [sflag:s18], $0x4E20  }
0x1f: {  	[sflag:s18] =	ssyncset.done $0x0  }
0x20: {  	s12 =	simm.s32 $0x4E20;
	s14 =	rddreg [dreg:$0x5];
	[sflag:s18] =	ssyncadd.s32 $0xFFFFB1E0  }
0x21: {  	[tilespmem:s12], [sflag:$0x5] =	stream.linear.gather [hbm4b:s14+s5], $0x4E20, $0x38;
	[tilespmem:$0x1DCE0] =	vst v63  }
0x22: {  	_ =	swait.ge [sflag:s18], $0x4E20  }
0x23: {  	[sflag:s18] =	ssyncset.done $0x0  }
0x24: {  	s6 =	simm.s32 $0x40;
	s5 =	simm.s32 $0x0;
	[sflag:s18] =	ssyncadd.s32 $0xFFFFB1E0  }
.LBB2_2:
0x25: {  	p0 =	sne.s32 s6, $0x13840;
	v2 =	vld [tilespmem:s5+$0x0];
	_ =	sdelay $0x2  }
.Ltmp0:
0x26: {  	(pc) =	sbr.rel @p0 .LBB2_2-.Ltmp0, $4  }
0x27: {  	_ = 	snop  }
0x28: {  	v2 =	vshll.u32 v2, $0x1  }
0x29: {  	v2 =	vor.u32 v0, v2  }
0x2a: {  	[tilespmem:s5+$0x0] =	vst v2;
	s5 =	sshra.s32 s6, $0x2;
	s6 =	sadd.s32 $0x40, s6  }
0x2b: {  	v2 =	vld [tilespmem:s5+$0x0];
	_ =	sdelay $0x4  }
0x2c: {  	v2 =	vshll.u32 v2, $0x1  }
0x2d: {  	v2 =	vor.u32 v0, v2  }
0x2e: {  	s6 =	simm.s32 $0x100;
	[tilespmem:s5+$0x0] =	vst v2;
	s5 =	simm.s32 $0x0  }
.LBB2_4:
0x2f: {  	p0 =	sne.s32 s6, $0x7F00;
	[tilespmem:s5+$0x11D10] =	vst v1;
	s12 =	smov.u32 s6;
	s6 =	sadd.s32 $0x100, s6  }
.Ltmp1:
0x30: {  	[tilespmem:s5+$0x11D00] =	vst v1;
	(pc) =	sbr.rel @p0 .LBB2_4-.Ltmp1, $3  }
0x31: {  	[tilespmem:s5+$0x11CE0] =	vst v1  }
0x32: {  	[tilespmem:s5+$0x11CF0] =	vst v1;
	_ =	sdelay $0x1  }
0x33: {  	s5 =	sshra.s32 s12, $0x2  }
0x34: {  	[tilespmem:s5+$0x11D10] =	vst v1  }
0x35: {  	[tilespmem:s5+$0x11D00] =	vst v1  }
0x36: {  	[tilespmem:s5+$0x11CE0] =	vst v1  }
0x37: {  	[tilespmem:s5+$0x11CF0] =	vst v1  }
0x38: {  	[spmem:s7] =	stream.linear.scatter [tilespmem:s20], [sflag:$0x5], $0x2000, $0x38;
	[tilespmem:$0x1DCE0] =	vst v63  }
0x39: {  	_ =	swait.ge [sflag:s18], $0x2000  }
0x3a: {  	[sflag:s18] =	ssyncset.done $0x0  }
0x3b: {  	[sflag:s18] =	ssyncadd.s32 $0xFFFFE000  }
0x3c: {  	[spmem:s8] =	stream.linear.scatter [tilespmem:s20], [sflag:$0x5], $0x2000, $0x38;
	[tilespmem:$0x1DCE0] =	vst v63  }
0x3d: {  	_ =	swait.ge [sflag:s18], $0x2000  }
0x3e: {  	[sflag:s18] =	ssyncset.done $0x0  }
0x3f: {  	[sflag:s18] =	ssyncadd.s32 $0xFFFFE000  }
0x40: {  	[spmem:s9] =	stream.linear.scatter [tilespmem:s20], [sflag:$0x5], $0x2000, $0x38;
	[tilespmem:$0x1DCE0] =	vst v63  }
0x41: {  	_ =	swait.ge [sflag:s18], $0x2000  }
0x42: {  	[sflag:s18] =	ssyncset.done $0x0  }
0x43: {  	[sflag:s18] =	ssyncadd.s32 $0xFFFFE000  }
0x44: {  	[spmem:s10] =	stream.linear.scatter [tilespmem:s20], [sflag:$0x5], $0x2000, $0x38;
	[tilespmem:$0x1DCE0] =	vst v63  }
0x45: {  	_ =	swait.ge [sflag:s18], $0x2000  }
0x46: {  	[sflag:s18] =	ssyncset.done $0x0  }
0x47: {  	[sflag:s18] =	ssyncadd.s32 $0xFFFFE000  }
0x48: {  	[spmem:s11] =	stream.linear.scatter [tilespmem:s20], [sflag:$0x5], $0x2000, $0x38;
	[tilespmem:$0x1DCE0] =	vst v63  }
0x49: {  	_ =	swait.ge [sflag:s18], $0x2000  }
0x4a: {  	[sflag:s18] =	ssyncset.done $0x0  }
0x4b: {  	[sflag:s18] =	ssyncadd.s32 $0xFFFFE000  }
0x4c: {  	s12 =	simm.s32 $0x0;
	[bflag:$0x0] =	sbarrier.arrive $0xFFFF  }
0x4d: {  	[tilespmem:s22], [sflag:$0x1] =	stream.indirect.gather [hbm4b:s2+s21], $0x40, s12, s21, $0xb8;
	[tilespmem:$0x1DCE0] =	vst v63  }
0x4e: {  	_ = 	snop  }
0x4f: {  	[tilespmem:s23], [sflag:$0x2] =	stream.indirect.gather [hbm4b:s2+s21], $0x40, s21, s21, $0xb8;
	[tilespmem:$0x1DCE0] =	vst v63  }
0x50: {  	s13 =	simm.s32 $0x100  }
0x51: {  	[tilespmem:s25], [sflag:$0x3] =	stream.indirect.gather [hbm4b:s2+s21], $0x40, s13, s21, $0xb8;
	[tilespmem:$0x1DCE0] =	vst v63  }
0x52: {  	s14 =	simm.s32 $0x180  }
0x53: {  	[tilespmem:s28], [sflag:$0x4] =	stream.indirect.gather [hbm4b:s2+s21], $0x40, s14, s21, $0xb8;
	[tilespmem:$0x1DCE0] =	vst v63  }
0x54: {  	_ =	swait.ge [sflag:s29], $0x2000  }
0x55: {  	[sflag:s29] =	ssyncset.done $0x0  }
0x56: {  	[sflag:s29] =	ssyncadd.s32 $0xFFFFE000  }
0x57: {  	v2 =	vld [tilespmem:$0x4E20]  }
0x58: {  	v3 =	vld [tilespmem:$0x4E30]  }
0x59: {  	v4 =	vld [tilespmem:$0x4E40]  }
0x5a: {  	v5 =	vld [tilespmem:$0x4E50]  }
0x5b: {  	v6 =	vld [tilespmem:$0x4E60]  }
0x5c: {  	v63 =	vld [tilespmem:$0x4E90];
	[tilespmem:$0x9C40] =	vst v2  }
0x5d: {  	v2 =	vld [tilespmem:$0x4E70];
	[tilespmem:$0x9C50] =	vst v3  }
0x5e: {  	v3 =	vld [tilespmem:$0x4E80];
	[tilespmem:$0x9C60] =	vst v4  }
0x5f: {  	[tilespmem:$0x9C70] =	vst v5  }
0x60: {  	[tilespmem:$0x9C80] =	vst v6  }
0x61: {  	[tilespmem:$0x9CB0] =	vst v63  }
0x62: {  	[tilespmem:$0x9C90] =	vst v2  }
0x63: {  	[tilespmem:$0x9CA0] =	vst v3  }
0x64: {  	[spmem:s3] =	stream.indirect.scatter.add.f32 [tilespmem:s22], [sflag:$0x5], $0x40, s30, s21, $0xb8;
	[tilespmem:$0x1DCE0] =	vst v63  }
0x65: {  	_ =	swait.ge [sflag:s18], $0x2000  }
0x66: {  	[sflag:s18] =	ssyncset.done $0x0  }
0x67: {  	s6 =	simm.s32 $0x200;
	[sflag:s18] =	ssyncadd.s32 $0xFFFFE000  }
0x68: {  	[tilespmem:s22], [sflag:$0x1] =	stream.indirect.gather [hbm4b:s2+s21], $0x40, s6, s21, $0xb8;
	[tilespmem:$0x1DCE0] =	vst v63  }
0x69: {  	_ =	swait.ge [sflag:s31], $0x2000  }
0x6a: {  	[sflag:s31] =	ssyncset.done $0x0  }
0x6b: {  	s12 =	simm.s32 $0x0;
	[sflag:s31] =	ssyncadd.s32 $0xFFFFE000  }
0x6c: {  	v2 =	vld [tilespmem:s12+$0x4EA0];
	_ =	sdelay $0x4  }
0x6d: {  	[tilespmem:$0x9C40] =	vst v2  }
0x6e: {  	v2 =	vld [tilespmem:s12+$0x4EB0];
	_ =	sdelay $0x4  }
0x6f: {  	[tilespmem:$0x9C50] =	vst v2  }
0x70: {  	v2 =	vld [tilespmem:s12+$0x4EC0];
	_ =	sdelay $0x4  }
0x71: {  	[tilespmem:$0x9C60] =	vst v2  }
0x72: {  	v2 =	vld [tilespmem:s12+$0x4ED0];
	_ =	sdelay $0x4  }
0x73: {  	[tilespmem:$0x9C70] =	vst v2  }
0x74: {  	v2 =	vld [tilespmem:s12+$0x4EE0];
	_ =	sdelay $0x4  }
0x75: {  	[tilespmem:$0x9C80] =	vst v2  }
0x76: {  	v2 =	vld [tilespmem:s12+$0x4EF0];
	_ =	sdelay $0x4  }
0x77: {  	[tilespmem:$0x9C90] =	vst v2  }
0x78: {  	v2 =	vld [tilespmem:s12+$0x4F00];
	_ =	sdelay $0x4  }
0x79: {  	[tilespmem:$0x9CA0] =	vst v2  }
0x7a: {  	v2 =	vld [tilespmem:s12+$0x4F10];
	_ =	sdelay $0x4  }
0x7b: {  	[tilespmem:$0x9CB0] =	vst v2  }
0x7c: {  	[spmem:s3] =	stream.indirect.scatter.add.f32 [tilespmem:s23], [sflag:$0x5], $0x40, s30, s21, $0xb8;
	[tilespmem:$0x1DCE0] =	vst v63  }
0x7d: {  	_ =	swait.ge [sflag:s18], $0x2000  }
0x7e: {  	[sflag:s18] =	ssyncset.done $0x0  }
0x7f: {  	s6 =	simm.s32 $0x280;
	[sflag:s18] =	ssyncadd.s32 $0xFFFFE000  }
0x80: {  	[tilespmem:s23], [sflag:$0x2] =	stream.indirect.gather [hbm4b:s2+s21], $0x40, s6, s21, $0xb8;
	[tilespmem:$0x1DCE0] =	vst v63  }
0x81: {  	_ =	swait.ge [sflag:s0], $0x2000  }
0x82: {  	[sflag:s0] =	ssyncset.done $0x0  }
0x83: {  	[sflag:s0] =	ssyncadd.s32 $0xFFFFE000  }
0x84: {  	v2 =	vld [tilespmem:s12+$0x4F20];
	_ =	sdelay $0x4  }
0x85: {  	[tilespmem:$0x9C40] =	vst v2  }
0x86: {  	v2 =	vld [tilespmem:s12+$0x4F30];
	_ =	sdelay $0x4  }
0x87: {  	[tilespmem:$0x9C50] =	vst v2  }
0x88: {  	v2 =	vld [tilespmem:s12+$0x4F40];
	_ =	sdelay $0x4  }
0x89: {  	[tilespmem:$0x9C60] =	vst v2  }
0x8a: {  	v2 =	vld [tilespmem:s12+$0x4F50];
	_ =	sdelay $0x4  }
0x8b: {  	[tilespmem:$0x9C70] =	vst v2  }
0x8c: {  	v2 =	vld [tilespmem:s12+$0x4F60];
	_ =	sdelay $0x4  }
0x8d: {  	[tilespmem:$0x9C80] =	vst v2  }
0x8e: {  	v2 =	vld [tilespmem:s12+$0x4F70];
	_ =	sdelay $0x4  }
0x8f: {  	[tilespmem:$0x9C90] =	vst v2  }
0x90: {  	v2 =	vld [tilespmem:s12+$0x4F80];
	_ =	sdelay $0x4  }
0x91: {  	[tilespmem:$0x9CA0] =	vst v2  }
0x92: {  	v2 =	vld [tilespmem:s12+$0x4F90];
	_ =	sdelay $0x4  }
0x93: {  	[tilespmem:$0x9CB0] =	vst v2  }
0x94: {  	[spmem:s3] =	stream.indirect.scatter.add.f32 [tilespmem:s25], [sflag:$0x5], $0x40, s30, s21, $0xb8;
	[tilespmem:$0x1DCE0] =	vst v63  }
0x95: {  	_ =	swait.ge [sflag:s18], $0x2000  }
0x96: {  	[sflag:s18] =	ssyncset.done $0x0  }
0x97: {  	s13 =	simm.s32 $0x300;
	[sflag:s18] =	ssyncadd.s32 $0xFFFFE000  }
0x98: {  	[tilespmem:s25], [sflag:$0x3] =	stream.indirect.gather [hbm4b:s2+s21], $0x40, s13, s21, $0xb8;
	[tilespmem:$0x1DCE0] =	vst v63  }
0x99: {  	_ =	swait.ge [sflag:s19], $0x2000  }
0x9a: {  	[sflag:s19] =	ssyncset.done $0x0  }
0x9b: {  	[sflag:s19] =	ssyncadd.s32 $0xFFFFE000  }
0x9c: {  	v2 =	vld [tilespmem:s12+$0x4FA0];
	_ =	sdelay $0x4  }
0x9d: {  	[tilespmem:$0x9C40] =	vst v2  }
0x9e: {  	v2 =	vld [tilespmem:s12+$0x4FB0];
	_ =	sdelay $0x4  }
0x9f: {  	[tilespmem:$0x9C50] =	vst v2  }
0xa0: {  	v2 =	vld [tilespmem:s12+$0x4FC0];
	_ =	sdelay $0x4  }
0xa1: {  	[tilespmem:$0x9C60] =	vst v2  }
0xa2: {  	v2 =	vld [tilespmem:s12+$0x4FD0];
	_ =	sdelay $0x4  }
0xa3: {  	[tilespmem:$0x9C70] =	vst v2  }
0xa4: {  	v2 =	vld [tilespmem:s12+$0x4FE0];
	_ =	sdelay $0x4  }
0xa5: {  	[tilespmem:$0x9C80] =	vst v2  }
0xa6: {  	v2 =	vld [tilespmem:s12+$0x4FF0];
	_ =	sdelay $0x4  }
0xa7: {  	[tilespmem:$0x9C90] =	vst v2  }
0xa8: {  	v2 =	vld [tilespmem:s12+$0x5000];
	_ =	sdelay $0x4  }
0xa9: {  	[tilespmem:$0x9CA0] =	vst v2  }
0xaa: {  	v2 =	vld [tilespmem:s12+$0x5010];
	_ =	sdelay $0x4  }
0xab: {  	[tilespmem:$0x9CB0] =	vst v2  }
0xac: {  	[spmem:s3] =	stream.indirect.scatter.add.f32 [tilespmem:s28], [sflag:$0x5], $0x40, s30, s21, $0xb8;
	[tilespmem:$0x1DCE0] =	vst v63  }
0xad: {  	_ =	swait.ge [sflag:s18], $0x2000  }
0xae: {  	[sflag:s18] =	ssyncset.done $0x0  }
0xaf: {  	s14 =	simm.s32 $0x380;
	[sflag:s18] =	ssyncadd.s32 $0xFFFFE000  }
0xb0: {  	[tilespmem:s28], [sflag:$0x4] =	stream.indirect.gather [hbm4b:s2+s21], $0x40, s14, s21, $0xb8;
	[tilespmem:$0x1DCE0] =	vst v63  }
0xb1: {  	_ =	swait.ge [sflag:s29], $0x2000  }
0xb2: {  	[sflag:s29] =	ssyncset.done $0x0  }
0xb3: {  	[sflag:s29] =	ssyncadd.s32 $0xFFFFE000  }
0xb4: {  	v2 =	vld [tilespmem:s12+$0x5020];
	_ =	sdelay $0x4  }
0xb5: {  	[tilespmem:$0x9C40] =	vst v2  }
0xb6: {  	v2 =	vld [tilespmem:s12+$0x5030];
	_ =	sdelay $0x4  }
0xb7: {  	[tilespmem:$0x9C50] =	vst v2  }
0xb8: {  	v2 =	vld [tilespmem:s12+$0x5040];
	_ =	sdelay $0x4  }
0xb9: {  	[tilespmem:$0x9C60] =	vst v2  }
0xba: {  	v2 =	vld [tilespmem:s12+$0x5050];
	_ =	sdelay $0x4  }
0xbb: {  	[tilespmem:$0x9C70] =	vst v2  }
0xbc: {  	v2 =	vld [tilespmem:s12+$0x5060];
	_ =	sdelay $0x4  }
0xbd: {  	[tilespmem:$0x9C80] =	vst v2  }
0xbe: {  	v2 =	vld [tilespmem:s12+$0x5070];
	_ =	sdelay $0x4  }
0xbf: {  	[tilespmem:$0x9C90] =	vst v2  }
0xc0: {  	v2 =	vld [tilespmem:s12+$0x5080];
	_ =	sdelay $0x4  }
0xc1: {  	[tilespmem:$0x9CA0] =	vst v2  }
0xc2: {  	v2 =	vld [tilespmem:s12+$0x5090];
	_ =	sdelay $0x4  }
0xc3: {  	[tilespmem:$0x9CB0] =	vst v2  }
0xc4: {  	[spmem:s3] =	stream.indirect.scatter.add.f32 [tilespmem:s22], [sflag:$0x5], $0x40, s30, s21, $0xb8;
	[tilespmem:$0x1DCE0] =	vst v63  }
0xc5: {  	_ =	swait.ge [sflag:s18], $0x2000  }
0xc6: {  	s5 =	simm.s32 $0x200;
	s6 =	simm.s32 $0x1000;
	[sflag:s18] =	ssyncset.done $0x0  }
.LBB2_6:
0xc7: {  	s14 =	sadd.s32 $0x200, s5  }
0xc8: {  	[sflag:s18] =	ssyncadd.s32 $0xFFFFE000;
	s12 =	smov.u32 s6;
	s13 =	sadd.s32 $0x800, s6  }
0xc9: {  	[tilespmem:s22], [sflag:$0x1] =	stream.indirect.gather [hbm4b:s2+s21], $0x40, s14, s21, $0xb8;
	[tilespmem:$0x1DCE0] =	vst v63  }
0xca: {  	p0 =	sne.s32 s6, $0x12800;
	_ =	swait.ge [sflag:s31], $0x2000  }
0xcb: {  	[sflag:s31] =	ssyncset.done $0x0  }
0xcc: {  	[sflag:s31] =	ssyncadd.s32 $0xFFFFE000  }
0xcd: {  	v2 =	vld [tilespmem:s5+$0x4EA0];
	_ =	sdelay $0x4  }
0xce: {  	[tilespmem:$0x9C40] =	vst v2  }
0xcf: {  	v2 =	vld [tilespmem:s5+$0x4EB0];
	_ =	sdelay $0x4  }
0xd0: {  	[tilespmem:$0x9C50] =	vst v2  }
0xd1: {  	v2 =	vld [tilespmem:s5+$0x4EC0];
	_ =	sdelay $0x4  }
0xd2: {  	[tilespmem:$0x9C60] =	vst v2  }
0xd3: {  	v2 =	vld [tilespmem:s5+$0x4ED0];
	_ =	sdelay $0x4  }
0xd4: {  	[tilespmem:$0x9C70] =	vst v2  }
0xd5: {  	v2 =	vld [tilespmem:s5+$0x4EE0];
	_ =	sdelay $0x4  }
0xd6: {  	[tilespmem:$0x9C80] =	vst v2  }
0xd7: {  	v2 =	vld [tilespmem:s5+$0x4EF0];
	_ =	sdelay $0x4  }
0xd8: {  	[tilespmem:$0x9C90] =	vst v2  }
0xd9: {  	v2 =	vld [tilespmem:s5+$0x4F00];
	_ =	sdelay $0x4  }
0xda: {  	[tilespmem:$0x9CA0] =	vst v2  }
0xdb: {  	v2 =	vld [tilespmem:s5+$0x4F10];
	_ =	sdelay $0x4  }
0xdc: {  	[tilespmem:$0x9CB0] =	vst v2  }
0xdd: {  	[spmem:s3] =	stream.indirect.scatter.add.f32 [tilespmem:s23], [sflag:$0x5], $0x40, s30, s21, $0xb8;
	[tilespmem:$0x1DCE0] =	vst v63  }
0xde: {  	_ =	swait.ge [sflag:s18], $0x2000  }
0xdf: {  	[sflag:s18] =	ssyncset.done $0x0  }
0xe0: {  	s6 =	sadd.s32 $0x280, s5;
	[sflag:s18] =	ssyncadd.s32 $0xFFFFE000  }
0xe1: {  	[tilespmem:s23], [sflag:$0x2] =	stream.indirect.gather [hbm4b:s2+s21], $0x40, s6, s21, $0xb8;
	[tilespmem:$0x1DCE0] =	vst v63  }
0xe2: {  	_ =	swait.ge [sflag:s0], $0x2000  }
0xe3: {  	[sflag:s0] =	ssyncset.done $0x0  }
0xe4: {  	[sflag:s0] =	ssyncadd.s32 $0xFFFFE000  }
0xe5: {  	v2 =	vld [tilespmem:s5+$0x4F20];
	_ =	sdelay $0x4  }
0xe6: {  	[tilespmem:$0x9C40] =	vst v2  }
0xe7: {  	v2 =	vld [tilespmem:s5+$0x4F30];
	_ =	sdelay $0x4  }
0xe8: {  	[tilespmem:$0x9C50] =	vst v2  }
0xe9: {  	v2 =	vld [tilespmem:s5+$0x4F40];
	_ =	sdelay $0x4  }
0xea: {  	[tilespmem:$0x9C60] =	vst v2  }
0xeb: {  	v2 =	vld [tilespmem:s5+$0x4F50];
	_ =	sdelay $0x4  }
0xec: {  	[tilespmem:$0x9C70] =	vst v2  }
0xed: {  	v2 =	vld [tilespmem:s5+$0x4F60];
	_ =	sdelay $0x4  }
0xee: {  	[tilespmem:$0x9C80] =	vst v2  }
0xef: {  	v2 =	vld [tilespmem:s5+$0x4F70];
	_ =	sdelay $0x4  }
0xf0: {  	[tilespmem:$0x9C90] =	vst v2  }
0xf1: {  	v2 =	vld [tilespmem:s5+$0x4F80];
	_ =	sdelay $0x4  }
0xf2: {  	[tilespmem:$0x9CA0] =	vst v2  }
0xf3: {  	v2 =	vld [tilespmem:s5+$0x4F90];
	_ =	sdelay $0x4  }
0xf4: {  	[tilespmem:$0x9CB0] =	vst v2  }
0xf5: {  	[spmem:s3] =	stream.indirect.scatter.add.f32 [tilespmem:s25], [sflag:$0x5], $0x40, s30, s21, $0xb8;
	[tilespmem:$0x1DCE0] =	vst v63  }
0xf6: {  	_ =	swait.ge [sflag:s18], $0x2000  }
0xf7: {  	[sflag:s18] =	ssyncset.done $0x0  }
0xf8: {  	s6 =	sadd.s32 $0x300, s5;
	[sflag:s18] =	ssyncadd.s32 $0xFFFFE000  }
0xf9: {  	[tilespmem:s25], [sflag:$0x3] =	stream.indirect.gather [hbm4b:s2+s21], $0x40, s6, s21, $0xb8;
	[tilespmem:$0x1DCE0] =	vst v63  }
0xfa: {  	_ =	swait.ge [sflag:s19], $0x2000  }
0xfb: {  	[sflag:s19] =	ssyncset.done $0x0  }
0xfc: {  	[sflag:s19] =	ssyncadd.s32 $0xFFFFE000  }
0xfd: {  	v2 =	vld [tilespmem:s5+$0x4FA0];
	_ =	sdelay $0x4  }
0xfe: {  	[tilespmem:$0x9C40] =	vst v2  }
0xff: {  	v2 =	vld [tilespmem:s5+$0x4FB0];
	_ =	sdelay $0x4  }
0x100: {  	[tilespmem:$0x9C50] =	vst v2  }
0x101: {  	v2 =	vld [tilespmem:s5+$0x4FC0];
	_ =	sdelay $0x4  }
0x102: {  	[tilespmem:$0x9C60] =	vst v2  }
0x103: {  	v2 =	vld [tilespmem:s5+$0x4FD0];
	_ =	sdelay $0x4  }
0x104: {  	[tilespmem:$0x9C70] =	vst v2  }
0x105: {  	v2 =	vld [tilespmem:s5+$0x4FE0];
	_ =	sdelay $0x4  }
0x106: {  	[tilespmem:$0x9C80] =	vst v2  }
0x107: {  	v2 =	vld [tilespmem:s5+$0x4FF0];
	_ =	sdelay $0x4  }
0x108: {  	[tilespmem:$0x9C90] =	vst v2  }
0x109: {  	v2 =	vld [tilespmem:s5+$0x5000];
	_ =	sdelay $0x4  }
0x10a: {  	[tilespmem:$0x9CA0] =	vst v2  }
0x10b: {  	v2 =	vld [tilespmem:s5+$0x5010];
	_ =	sdelay $0x4  }
0x10c: {  	[tilespmem:$0x9CB0] =	vst v2  }
0x10d: {  	[spmem:s3] =	stream.indirect.scatter.add.f32 [tilespmem:s28], [sflag:$0x5], $0x40, s30, s21, $0xb8;
	[tilespmem:$0x1DCE0] =	vst v63  }
0x10e: {  	_ =	swait.ge [sflag:s18], $0x2000  }
0x10f: {  	[sflag:s18] =	ssyncset.done $0x0  }
0x110: {  	s6 =	sadd.s32 $0x380, s5;
	[sflag:s18] =	ssyncadd.s32 $0xFFFFE000  }
0x111: {  	[tilespmem:s28], [sflag:$0x4] =	stream.indirect.gather [hbm4b:s2+s21], $0x40, s6, s21, $0xb8;
	[tilespmem:$0x1DCE0] =	vst v63  }
0x112: {  	_ =	swait.ge [sflag:s29], $0x2000  }
0x113: {  	[sflag:s29] =	ssyncset.done $0x0  }
0x114: {  	[sflag:s29] =	ssyncadd.s32 $0xFFFFE000  }
0x115: {  	v2 =	vld [tilespmem:s5+$0x5020];
	_ =	sdelay $0x4  }
0x116: {  	[tilespmem:$0x9C40] =	vst v2  }
0x117: {  	v2 =	vld [tilespmem:s5+$0x5030];
	_ =	sdelay $0x4  }
0x118: {  	[tilespmem:$0x9C50] =	vst v2  }
0x119: {  	v2 =	vld [tilespmem:s5+$0x5040];
	_ =	sdelay $0x4  }
0x11a: {  	[tilespmem:$0x9C60] =	vst v2  }
0x11b: {  	v2 =	vld [tilespmem:s5+$0x5050];
	_ =	sdelay $0x4  }
0x11c: {  	[tilespmem:$0x9C70] =	vst v2  }
0x11d: {  	v2 =	vld [tilespmem:s5+$0x5060];
	_ =	sdelay $0x4  }
0x11e: {  	[tilespmem:$0x9C80] =	vst v2  }
0x11f: {  	v2 =	vld [tilespmem:s5+$0x5070];
	_ =	sdelay $0x4  }
0x120: {  	[tilespmem:$0x9C90] =	vst v2  }
0x121: {  	v2 =	vld [tilespmem:s5+$0x5080];
	_ =	sdelay $0x4  }
0x122: {  	[tilespmem:$0x9CA0] =	vst v2  }
0x123: {  	v2 =	vld [tilespmem:s5+$0x5090];
	_ =	sdelay $0x3  }
.Ltmp2:
0x124: {  	(pc) =	sbr.rel @p0 .LBB2_6-.Ltmp2, $4  }
0x125: {  	[tilespmem:$0x9CB0] =	vst v2  }
0x126: {  	[spmem:s3] =	stream.indirect.scatter.add.f32 [tilespmem:s22], [sflag:$0x5], $0x40, s30, s21, $0xb8;
	[tilespmem:$0x1DCE0] =	vst v63  }
0x127: {  	_ =	swait.ge [sflag:s18], $0x2000  }
0x128: {  	s6 =	smov.u32 s13;
	s5 =	sshra.s32 s12, $0x2;
	[sflag:s18] =	ssyncset.done $0x0  }
0x129: {  	s6 =	sadd.s32 $0x200, s5;
	[sflag:s18] =	ssyncadd.s32 $0xFFFFE000  }
0x12a: {  	[tilespmem:s22], [sflag:$0x1] =	stream.indirect.gather [hbm4b:s2+s21], $0x40, s6, s21, $0xb8;
	[tilespmem:$0x1DCE0] =	vst v63  }
0x12b: {  	_ =	swait.ge [sflag:s31], $0x2000  }
0x12c: {  	[sflag:s31] =	ssyncset.done $0x0  }
0x12d: {  	[sflag:s31] =	ssyncadd.s32 $0xFFFFE000  }
0x12e: {  	v2 =	vld [tilespmem:s5+$0x4EA0];
	_ =	sdelay $0x4  }
0x12f: {  	[tilespmem:$0x9C40] =	vst v2  }
0x130: {  	v2 =	vld [tilespmem:s5+$0x4EB0];
	_ =	sdelay $0x4  }
0x131: {  	[tilespmem:$0x9C50] =	vst v2  }
0x132: {  	v2 =	vld [tilespmem:s5+$0x4EC0];
	_ =	sdelay $0x4  }
0x133: {  	[tilespmem:$0x9C60] =	vst v2  }
0x134: {  	v2 =	vld [tilespmem:s5+$0x4ED0];
	_ =	sdelay $0x4  }
0x135: {  	[tilespmem:$0x9C70] =	vst v2  }
0x136: {  	v2 =	vld [tilespmem:s5+$0x4EE0];
	_ =	sdelay $0x4  }
0x137: {  	[tilespmem:$0x9C80] =	vst v2  }
0x138: {  	v2 =	vld [tilespmem:s5+$0x4EF0];
	_ =	sdelay $0x4  }
0x139: {  	[tilespmem:$0x9C90] =	vst v2  }
0x13a: {  	v2 =	vld [tilespmem:s5+$0x4F00];
	_ =	sdelay $0x4  }
0x13b: {  	[tilespmem:$0x9CA0] =	vst v2  }
0x13c: {  	v2 =	vld [tilespmem:s5+$0x4F10];
	_ =	sdelay $0x4  }
0x13d: {  	[tilespmem:$0x9CB0] =	vst v2  }
0x13e: {  	[spmem:s3] =	stream.indirect.scatter.add.f32 [tilespmem:s23], [sflag:$0x5], $0x40, s30, s21, $0xb8;
	[tilespmem:$0x1DCE0] =	vst v63  }
0x13f: {  	_ =	swait.ge [sflag:s18], $0x2000  }
0x140: {  	[sflag:s18] =	ssyncset.done $0x0  }
0x141: {  	s12 =	sadd.s32 $0x280, s5;
	[sflag:s18] =	ssyncadd.s32 $0xFFFFE000  }
0x142: {  	[tilespmem:s23], [sflag:$0x2] =	stream.indirect.gather [hbm4b:s2+s21], $0x40, s12, s21, $0xb8;
	[tilespmem:$0x1DCE0] =	vst v63  }
0x143: {  	_ =	swait.ge [sflag:s0], $0x2000  }
0x144: {  	[sflag:s0] =	ssyncset.done $0x0  }
0x145: {  	[sflag:s0] =	ssyncadd.s32 $0xFFFFE000  }
0x146: {  	v2 =	vld [tilespmem:s5+$0x4F20];
	_ =	sdelay $0x4  }
0x147: {  	[tilespmem:$0x9C40] =	vst v2  }
0x148: {  	v2 =	vld [tilespmem:s5+$0x4F30];
	_ =	sdelay $0x4  }
0x149: {  	[tilespmem:$0x9C50] =	vst v2  }
0x14a: {  	v2 =	vld [tilespmem:s5+$0x4F40];
	_ =	sdelay $0x4  }
0x14b: {  	[tilespmem:$0x9C60] =	vst v2  }
0x14c: {  	v2 =	vld [tilespmem:s5+$0x4F50];
	_ =	sdelay $0x4  }
0x14d: {  	[tilespmem:$0x9C70] =	vst v2  }
0x14e: {  	v2 =	vld [tilespmem:s5+$0x4F60];
	_ =	sdelay $0x4  }
0x14f: {  	[tilespmem:$0x9C80] =	vst v2  }
0x150: {  	v2 =	vld [tilespmem:s5+$0x4F70];
	_ =	sdelay $0x4  }
0x151: {  	[tilespmem:$0x9C90] =	vst v2  }
0x152: {  	v2 =	vld [tilespmem:s5+$0x4F80];
	_ =	sdelay $0x4  }
0x153: {  	[tilespmem:$0x9CA0] =	vst v2  }
0x154: {  	v2 =	vld [tilespmem:s5+$0x4F90];
	_ =	sdelay $0x4  }
0x155: {  	[tilespmem:$0x9CB0] =	vst v2  }
0x156: {  	[spmem:s3] =	stream.indirect.scatter.add.f32 [tilespmem:s25], [sflag:$0x5], $0x40, s30, s21, $0xb8;
	[tilespmem:$0x1DCE0] =	vst v63  }
0x157: {  	_ =	swait.ge [sflag:s18], $0x2000  }
0x158: {  	[sflag:s18] =	ssyncset.done $0x0  }
0x159: {  	s13 =	sadd.s32 $0x300, s5;
	[sflag:s18] =	ssyncadd.s32 $0xFFFFE000  }
0x15a: {  	[tilespmem:s25], [sflag:$0x3] =	stream.indirect.gather [hbm4b:s2+s21], $0x40, s13, s21, $0xb8;
	[tilespmem:$0x1DCE0] =	vst v63  }
0x15b: {  	_ =	swait.ge [sflag:s19], $0x2000  }
0x15c: {  	[sflag:s19] =	ssyncset.done $0x0  }
0x15d: {  	[sflag:s19] =	ssyncadd.s32 $0xFFFFE000  }
0x15e: {  	v2 =	vld [tilespmem:s5+$0x4FA0];
	_ =	sdelay $0x4  }
0x15f: {  	[tilespmem:$0x9C40] =	vst v2  }
0x160: {  	v2 =	vld [tilespmem:s5+$0x4FB0];
	_ =	sdelay $0x4  }
0x161: {  	[tilespmem:$0x9C50] =	vst v2  }
0x162: {  	v2 =	vld [tilespmem:s5+$0x4FC0];
	_ =	sdelay $0x4  }
0x163: {  	[tilespmem:$0x9C60] =	vst v2  }
0x164: {  	v2 =	vld [tilespmem:s5+$0x4FD0];
	_ =	sdelay $0x4  }
0x165: {  	[tilespmem:$0x9C70] =	vst v2  }
0x166: {  	v2 =	vld [tilespmem:s5+$0x4FE0];
	_ =	sdelay $0x4  }
0x167: {  	[tilespmem:$0x9C80] =	vst v2  }
0x168: {  	v2 =	vld [tilespmem:s5+$0x4FF0];
	_ =	sdelay $0x4  }
0x169: {  	[tilespmem:$0x9C90] =	vst v2  }
0x16a: {  	v2 =	vld [tilespmem:s5+$0x5000];
	_ =	sdelay $0x4  }
0x16b: {  	[tilespmem:$0x9CA0] =	vst v2  }
0x16c: {  	v2 =	vld [tilespmem:s5+$0x5010];
	_ =	sdelay $0x4  }
0x16d: {  	[tilespmem:$0x9CB0] =	vst v2  }
0x16e: {  	[spmem:s3] =	stream.indirect.scatter.add.f32 [tilespmem:s28], [sflag:$0x5], $0x40, s30, s21, $0xb8;
	[tilespmem:$0x1DCE0] =	vst v63  }
0x16f: {  	_ =	swait.ge [sflag:s18], $0x2000  }
0x170: {  	[sflag:s18] =	ssyncset.done $0x0  }
0x171: {  	s14 =	sadd.s32 $0x380, s5;
	[sflag:s18] =	ssyncadd.s32 $0xFFFFE000  }
0x172: {  	[tilespmem:s28], [sflag:$0x4] =	stream.indirect.gather [hbm4b:s2+s21], $0x40, s14, s21, $0xb8;
	[tilespmem:$0x1DCE0] =	vst v63  }
0x173: {  	_ =	swait.ge [sflag:s29], $0x2000  }
0x174: {  	[sflag:s29] =	ssyncset.done $0x0  }
0x175: {  	[sflag:s29] =	ssyncadd.s32 $0xFFFFE000  }
0x176: {  	v2 =	vld [tilespmem:s5+$0x5020];
	_ =	sdelay $0x4  }
0x177: {  	[tilespmem:$0x9C40] =	vst v2  }
0x178: {  	v2 =	vld [tilespmem:s5+$0x5030];
	_ =	sdelay $0x4  }
0x179: {  	[tilespmem:$0x9C50] =	vst v2  }
0x17a: {  	v2 =	vld [tilespmem:s5+$0x5040];
	_ =	sdelay $0x4  }
0x17b: {  	[tilespmem:$0x9C60] =	vst v2  }
0x17c: {  	v2 =	vld [tilespmem:s5+$0x5050];
	_ =	sdelay $0x4  }
0x17d: {  	[tilespmem:$0x9C70] =	vst v2  }
0x17e: {  	v2 =	vld [tilespmem:s5+$0x5060];
	_ =	sdelay $0x4  }
0x17f: {  	[tilespmem:$0x9C80] =	vst v2  }
0x180: {  	v2 =	vld [tilespmem:s5+$0x5070];
	_ =	sdelay $0x4  }
0x181: {  	[tilespmem:$0x9C90] =	vst v2  }
0x182: {  	v2 =	vld [tilespmem:s5+$0x5080];
	_ =	sdelay $0x4  }
0x183: {  	[tilespmem:$0x9CA0] =	vst v2  }
0x184: {  	v2 =	vld [tilespmem:s5+$0x5090];
	_ =	sdelay $0x4  }
0x185: {  	[tilespmem:$0x9CB0] =	vst v2  }
0x186: {  	[spmem:s3] =	stream.indirect.scatter.add.f32 [tilespmem:s22], [sflag:$0x5], $0x40, s30, s21, $0xb8;
	[tilespmem:$0x1DCE0] =	vst v63  }
0x187: {  	_ =	swait.ge [sflag:s18], $0x2000  }
0x188: {  	[sflag:s18] =	ssyncset.done $0x0  }
0x189: {  	[sflag:s18] =	ssyncadd.s32 $0xFFFFE000  }
0x18a: {  	_ =	swait.ge [sflag:s31], $0x2000  }
0x18b: {  	[sflag:s31] =	ssyncset.done $0x0  }
0x18c: {  	[sflag:s31] =	ssyncadd.s32 $0xFFFFE000  }
0x18d: {  	v2 =	vld [tilespmem:$0x9AA0]  }
0x18e: {  	v3 =	vld [tilespmem:$0x9AB0]  }
0x18f: {  	v4 =	vld [tilespmem:$0x9AC0]  }
0x190: {  	v5 =	vld [tilespmem:$0x9AD0]  }
0x191: {  	v6 =	vld [tilespmem:$0x9AE0]  }
0x192: {  	v55 =	vld [tilespmem:$0x9B10];
	[tilespmem:$0x9C40] =	vst v2  }
0x193: {  	v2 =	vld [tilespmem:$0x9AF0];
	[tilespmem:$0x9C50] =	vst v3  }
0x194: {  	v3 =	vld [tilespmem:$0x9B00];
	[tilespmem:$0x9C60] =	vst v4  }
0x195: {  	[tilespmem:$0x9C70] =	vst v5  }
0x196: {  	[tilespmem:$0x9C80] =	vst v6  }
0x197: {  	[tilespmem:$0x9CB0] =	vst v55  }
0x198: {  	[tilespmem:$0x9C90] =	vst v2  }
0x199: {  	[tilespmem:$0x9CA0] =	vst v3  }
0x19a: {  	[spmem:s3] =	stream.indirect.scatter.add.f32 [tilespmem:s23], [sflag:$0x5], $0x40, s30, s21, $0xb8;
	[tilespmem:$0x1DCE0] =	vst v63  }
0x19b: {  	_ =	swait.ge [sflag:s18], $0x2000  }
0x19c: {  	[sflag:s18] =	ssyncset.done $0x0  }
0x19d: {  	[sflag:s18] =	ssyncadd.s32 $0xFFFFE000  }
0x19e: {  	_ =	swait.ge [sflag:s0], $0x2000  }
0x19f: {  	[sflag:s0] =	ssyncset.done $0x0  }
0x1a0: {  	[sflag:s0] =	ssyncadd.s32 $0xFFFFE000  }
0x1a1: {  	v2 =	vld [tilespmem:$0x9B20]  }
0x1a2: {  	v3 =	vld [tilespmem:$0x9B30]  }
0x1a3: {  	v56 =	vld [tilespmem:$0x9B40]  }
0x1a4: {  	v57 =	vld [tilespmem:$0x9B50]  }
0x1a5: {  	v58 =	vld [tilespmem:$0x9B60]  }
0x1a6: {  	v59 =	vld [tilespmem:$0x9B90];
	[tilespmem:$0x9C40] =	vst v2  }
0x1a7: {  	v2 =	vld [tilespmem:$0x9B70];
	[tilespmem:$0x9C50] =	vst v3  }
0x1a8: {  	v3 =	vld [tilespmem:$0x9B80];
	[tilespmem:$0x9C60] =	vst v56  }
0x1a9: {  	[tilespmem:$0x9C70] =	vst v57  }
0x1aa: {  	[tilespmem:$0x9C80] =	vst v58  }
0x1ab: {  	[tilespmem:$0x9CB0] =	vst v59  }
0x1ac: {  	[tilespmem:$0x9C90] =	vst v2  }
0x1ad: {  	[tilespmem:$0x9CA0] =	vst v3  }
0x1ae: {  	[spmem:s3] =	stream.indirect.scatter.add.f32 [tilespmem:s25], [sflag:$0x5], $0x40, s30, s21, $0xb8;
	[tilespmem:$0x1DCE0] =	vst v63  }
0x1af: {  	_ =	swait.ge [sflag:s18], $0x2000  }
0x1b0: {  	[sflag:s18] =	ssyncset.done $0x0  }
0x1b1: {  	[sflag:s18] =	ssyncadd.s32 $0xFFFFE000  }
0x1b2: {  	_ =	swait.ge [sflag:s19], $0x2000  }
0x1b3: {  	[sflag:s19] =	ssyncset.done $0x0  }
0x1b4: {  	[sflag:s19] =	ssyncadd.s32 $0xFFFFE000  }
0x1b5: {  	v2 =	vld [tilespmem:$0x9BA0]  }
0x1b6: {  	v3 =	vld [tilespmem:$0x9BB0]  }
0x1b7: {  	v60 =	vld [tilespmem:$0x9BC0]  }
0x1b8: {  	v61 =	vld [tilespmem:$0x9BD0]  }
0x1b9: {  	v62 =	vld [tilespmem:$0x9BE0]  }
0x1ba: {  	v63 =	vld [tilespmem:$0x9C10];
	[tilespmem:$0x9C40] =	vst v2  }
0x1bb: {  	v2 =	vld [tilespmem:$0x9BF0];
	[tilespmem:$0x9C50] =	vst v3  }
0x1bc: {  	v3 =	vld [tilespmem:$0x9C00];
	[tilespmem:$0x9C60] =	vst v60  }
0x1bd: {  	[tilespmem:$0x9C70] =	vst v61  }
0x1be: {  	[tilespmem:$0x9C80] =	vst v62  }
0x1bf: {  	[tilespmem:$0x9CB0] =	vst v63  }
0x1c0: {  	[tilespmem:$0x9C90] =	vst v2  }
0x1c1: {  	[tilespmem:$0x9CA0] =	vst v3  }
0x1c2: {  	[spmem:s3] =	stream.indirect.scatter.add.f32 [tilespmem:s28], [sflag:$0x5], $0x40, s30, s21, $0xb8;
	[tilespmem:$0x1DCE0] =	vst v63  }
0x1c3: {  	_ =	swait.ge [sflag:s18], $0x2000  }
0x1c4: {  	[sflag:s18] =	ssyncset.done $0x0  }
0x1c5: {  	[sflag:s18] =	ssyncadd.s32 $0xFFFFE000  }
0x1c6: {  	v2 =	vld [tilespmem:$0x9C20]  }
0x1c7: {  	v3 =	vld [tilespmem:$0x9C30];
	_ =	sdelay $0x3  }
0x1c8: {  	[tilespmem:$0x9CC0] =	vst v2  }
0x1c9: {  	s6 =	simm.s32 $0x4E00;
	[tilespmem:$0x9CD0] =	vst v3  }
0x1ca: {  	[tilespmem:s22], [sflag:$0x1] =	stream.indirect.gather [hbm4b:s2+s24], $0x40, s6, s24, $0xb8;
	[tilespmem:$0x1DCE0] =	vst v63  }
0x1cb: {  	_ =	swait.ge [sflag:s29], $0x800  }
0x1cc: {  	[sflag:s29] =	ssyncset.done $0x0  }
0x1cd: {  	s12 =	simm.s32 $0x9CC0;
	[sflag:s29] =	ssyncadd.s32 $0xFFFFF800  }
0x1ce: {  	[spmem:s3] =	stream.indirect.scatter.add.f32 [tilespmem:s22], [sflag:$0x5], $0x40, s12, s24, $0xb8;
	[tilespmem:$0x1DCE0] =	vst v63  }
0x1cf: {  	_ =	swait.ge [sflag:s18], $0x800  }
0x1d0: {  	[sflag:s18] =	ssyncset.done $0x0  }
0x1d1: {  	s13 =	stileid.u32;
	[sflag:s18] =	ssyncadd.s32 $0xFFFFF800  }
0x1d2: {  	s5 =	sshll.u32 s13, $0x6;
	[bflag:$0x0] =	sbarrier.arrive $0xFFFF  }
0x1d3: {  	s14 =	sshrl.u32 s7, $0x3;
	s5 =	sor.u32 $0x1C05, s5;
	s12 =	rddreg [dreg:$0x6]  }
0x1d4: {  	[hbm:s12@s26], [sflag:s5] =	dma.strided [spmem:s14@s1], $0x400, s29, $0x8   }
0x1d5: {  	_ =	swait.ge [sflag:s18], $0x400  }
0x1d6: {  	[sflag:s18] =	ssyncset.done $0x0  }
0x1d7: {  	s13 =	sshrl.u32 s8, $0x3;
	s14 =	rddreg [dreg:$0x7];
	[sflag:s18] =	ssyncadd.s32 $0xFFFFFC00  }
0x1d8: {  	[hbm:s14@s26], [sflag:s5] =	dma.strided [spmem:s13@s1], $0x400, s29, $0x8   }
0x1d9: {  	_ =	swait.ge [sflag:s18], $0x400  }
0x1da: {  	[sflag:s18] =	ssyncset.done $0x0  }
0x1db: {  	s13 =	sshrl.u32 s9, $0x3;
	s14 =	rddreg [dreg:$0x8];
	[sflag:s18] =	ssyncadd.s32 $0xFFFFFC00  }
0x1dc: {  	[hbm:s14@s26], [sflag:s5] =	dma.strided [spmem:s13@s1], $0x400, s29, $0x8   }
0x1dd: {  	_ =	swait.ge [sflag:s18], $0x400  }
0x1de: {  	[sflag:s18] =	ssyncset.done $0x0  }
0x1df: {  	s13 =	sshrl.u32 s10, $0x3;
	[sflag:s18] =	ssyncadd.s32 $0xFFFFFC00  }
0x1e0: {  	[hbm:s15@s26], [sflag:s5] =	dma.strided [spmem:s13@s1], $0x400, s29, $0x8   }
0x1e1: {  	s4 =	sadd.s32 $0x1, s4;
	_ =	swait.ge [sflag:s18], $0x400  }
0x1e2: {  	p0 =	sne.s32 s4, s17;
	[sflag:s18] =	ssyncset.done $0x0  }
.Ltmp3:
0x1e3: {  	s14 =	sshrl.u32 s11, $0x3;
	[sflag:s18] =	ssyncadd.s32 $0xFFFFFC00;
	(pc) =	sbr.rel @p0 .LBB2_1-.Ltmp3, $4  }
0x1e4: {  	[hbm:s16@s26], [sflag:s5] =	dma.strided [spmem:s14@s1], $0x400, s29, $0x8   }
0x1e5: {  	_ =	swait.ge [sflag:s18], $0x400  }
0x1e6: {  	[sflag:s18] =	ssyncset.done $0x0  }
0x1e7: {  	[sflag:s18] =	ssyncadd.s32 $0xFFFFFC00  }
0x1e8: {  	_ =	sfence.sel $0x180000  }
0x1e9: {  	[bflag:$0x0] =	sbarrier.arrive $0xFFFF  }
0x1ea: {  	_ =	strace $0x9000004D  }
0x1eb: {  	s0 =	stileid.u32;
	[bflag:$0x2] =	sbarrier.arrive $0xFFFF  }
0x1ec: {  	p0 =	sne.s32 s0, $0x0;
	s0 =	rddreg [dreg:$0x3]  }
0x1ed: {  	s0 =	sadd.s32 @!p0 $0x100000, s0  }
0x1ee: {  	[sflag:s0] =	ssyncadd.tile.s32 @!p0 $0x1;
	_ =	shalt  }
.Lfunc_end2:
_tile_overlayer_lowered:
.L_overlay_start_2:
0x1ef: {  	(tag) =	ssettag $0x2  }
0x1f0: {  	s0 =	rddreg [dreg:$0x0];
	s2 =	stileid.u32  }
0x1f1: {  	s1 =	rddreg [dreg:$0x1];
	p0 =	sne.s32 s2, $0x0  }
0x1f2: {  	s3 =	rddreg [dreg:$0x2];
	[bflag:$0x3] =	sbarrier.arrive $0xFFFF;
	s2 =	simm.s32 @!p0 $0x1C05  }
0x1f3: {  	[timem:s3], [sflag:s2] =	dma.local @!p0 [hbm:s0], s1  }
0x1f4: {  	s0 =	simm.s32 @!p0 $0x5  }
0x1f5: {  	_ =	swait.ge @!p0 [sflag:s0], s1  }
0x1f6: {  	s1 =	ssub.s32 @!p0 $0x0, s1;
	[sflag:s0] =	ssyncset.done @!p0 $0x0  }
0x1f7: {  	[sflag:s0] =	ssyncadd.s32 @!p0 s1  }
0x1f8: {  	[bflag:$0x3] =	sbarrier.arrive $0xFFFF  }
0x1f9: {  	_ =	shalt  }

// kernel: kernel.8.cloned.1.call-start
scs
__scs_entry_jumppad:
0x0: {  	(pc) =	sbr.rel $0x88, $3  }
0x1: {  	(tag) =	ssettag $0x0;
	lr =	simm.s32 $0x1  }
0x2: {  	[smem:$0x3F9B] =	sst lr;
	_ =	strace $0xD0000000  }
0x3: {  	_ = 	snop  }
0x4: {  	_ = 	snop  }
0x5: {  	_ = 	snop  }
0x6: {  	_ = 	snop  }
0x7: {  	_ = 	snop  }
__scs_overlays_trampoline_lowered:
0x8: {  	[smem:$0x3FAA] =	sst s0  }
0x9: {  	[smem:$0x3FAB] =	sst s1  }
0xa: {  	[smem:$0x3FAC] =	sst s2  }
0xb: {  	[smem:$0x3FAD] =	sst s3  }
0xc: {  	[smem:$0x3FAE] =	sst s4  }
0xd: {  	[smem:$0x3FAF] =	sst s5  }
0xe: {  	[smem:$0x3FB0] =	sst s6  }
0xf: {  	[smem:$0x3FB1] =	sst s7  }
0x10: {  	[smem:$0x3FB2] =	sst s8  }
0x11: {  	[smem:$0x3FB3] =	sst s9;
	s0 =	simm.s32 @!p0 $0x0  }
0x12: {  	s1 =	sld [smem:$0x3F99];
	s0 =	simm.s32 @p0 $0x1  }
0x13: {  	[smem:$0x3FB4] =	sst s0;
	s0 =	simm.s32 @!p1 $0x0  }
0x14: {  	s2 =	sld [smem:$0x3F98];
	s0 =	simm.s32 @p1 $0x1  }
0x15: {  	[smem:$0x3FB5] =	sst s0;
	s0 =	simm.s32 @!p2 $0x0  }
0x16: {  	s3 =	sld [smem:$0x3FDB];
	s0 =	simm.s32 @p2 $0x1  }
0x17: {  	s4 =	simm.s32 $0x1BF5;
	[smem:$0x3FB7] =	sst s0  }
0x18: {  	s0 =	sld [smem:$0x3F9A];
	_ =	swait.ge [sflag:s4], $0x0  }
0x19: {  	s7 =	sld [smem:$0x3F9B]  }
0x1a: {  	s8 =	sadd.s32 $0xFFFFE003, lr  }
0x1b: {  	s9 =	sadd.s32 $0xFFFFFEF7, lr;
	s5 =	simm.s32 $0xFFFFFFFF;
	p2 =	slt.u32 s8, $0xFFFFF086  }
0x1c: {  	p1 =	slt.u32 s9, $0xF7A;
	s5 =	simm.s32 @!p2 $0x0  }
0x1d: {  	s5 =	simm.s32 @p1 $0x1;
	p0 =	seq.s32 s7, s2  }
0x1e: {  	s7 =	smul.u32 @!p0 $0xF7A, s2;
	p2 =	seq.s32 @!p0 s5, $0x0  }
0x1f: {  	s9 =	smul.u32 $0xF7A, s1;
	s8 =	simm.s32 @!p0 $0x1BF5;
	p2 =	por !p2, p0  }
0x20: {  	[sflag:s8] =	ssyncset.s32 @!p0 $0xFFFFF086;
	s6 =	sadd.s32 @!p0 s3, s7;
	s7 =	simm.s32 @!p0 $0x108  }
0x21: {  	s3 =	sadd.s32 s3, s9;
	s6 =	sadd.s32 @!p0 $0x88, s6;
	s7 =	simm.s32 @p2 $0x1082  }
0x22: {  	[simem:s7], [sflag:s8] =	dma.local @!p0 [hbm:s6], $0xF7A  }
0x23: {  	s9 =	sor.u32 $0xD0000000, s2;
	s6 =	simm.s32 $0x108;
	_ =	swait.ge @!p0 [sflag:s8], $0x0  }
0x24: {  	s3 =	sadd.s32 $0x88, s3;
	s6 =	simm.s32 @!p1 $0x1082;
	[sflag:s4] =	ssyncset.s32 $0xFFFFF086  }
0x25: {  	[simem:s6], [sflag:s4] =	dma.local [hbm:s3], $0xF7A  }
0x26: {  	[smem:$0x3F9B] =	sst s1;
	(tag) =	ssettag s2;
	_ =	strace s9  }
0x27: {  	s1 =	sld [smem:$0x3FAB]  }
0x28: {  	s2 =	sld [smem:$0x3FAC]  }
0x29: {  	s4 =	sld [smem:$0x3FAE]  }
0x2a: {  	p0 =	seq.s32 s5, $0x0;
	s5 =	sld [smem:$0x3FAF]  }
0x2b: {  	s6 =	sld [smem:$0x3FB0]  }
0x2c: {  	s7 =	sld [smem:$0x3FB1]  }
0x2d: {  	s3 =	simm.s32 $0x108;
	s8 =	sld [smem:$0x3FB2]  }
0x2e: {  	s3 =	simm.s32 @!p0 $0x1082;
	s9 =	sld [smem:$0x3FB3]  }
0x2f: {  	lr =	sadd.s32 s0, s3;
	s0 =	sld [smem:$0x3FAA]  }
0x30: {  	s3 =	sld [smem:$0x3FAD]  }
0x31: {  	[smem:$0x3FB6] =	sst s10  }
0x32: {  	s10 =	sld [smem:$0x3FB4];
	_ =	sdelay $0x3  }
0x33: {  	p0 =	seq.s32 s10, $0x1;
	s10 =	sld [smem:$0x3FB6];
	_ =	sdelay $0x3  }
0x34: {  	[smem:$0x3FB6] =	sst s10  }
0x35: {  	s10 =	sld [smem:$0x3FB5];
	_ =	sdelay $0x3  }
0x36: {  	p1 =	seq.s32 s10, $0x1;
	s10 =	sld [smem:$0x3FB6];
	_ =	sdelay $0x3  }
0x37: {  	[smem:$0x3FB6] =	sst s10  }
0x38: {  	s10 =	sld [smem:$0x3FB7]  }
0x39: {  	_ = 	snop;
	(pc) =	sbr.ind lr, $3  }
0x3a: {  	_ = 	snop  }
0x3b: {  	_ = 	snop  }
0x3c: {  	p2 =	seq.s32 s10, $0x1;
	s10 =	sld [smem:$0x3FB6]  }
0x3d: {  	_ =	shalt  }
0x3e: {  	_ =	shalt  }
0x3f: {  	_ =	shalt  }
0x40: {  	_ =	shalt  }
0x41: {  	_ =	shalt  }
0x42: {  	_ =	shalt  }
0x43: {  	_ =	shalt  }
0x44: {  	_ =	shalt  }
0x45: {  	_ =	shalt  }
0x46: {  	_ =	shalt  }
0x47: {  	_ =	shalt  }
0x48: {  	_ =	shalt  }
0x49: {  	_ =	shalt  }
0x4a: {  	_ =	shalt  }
0x4b: {  	_ =	shalt  }
0x4c: {  	_ =	shalt  }
0x4d: {  	_ =	shalt  }
0x4e: {  	_ =	shalt  }
0x4f: {  	_ =	shalt  }
0x50: {  	_ =	shalt  }
0x51: {  	_ =	shalt  }
0x52: {  	_ =	shalt  }
0x53: {  	_ =	shalt  }
0x54: {  	_ =	shalt  }
0x55: {  	_ =	shalt  }
0x56: {  	_ =	shalt  }
0x57: {  	_ =	shalt  }
0x58: {  	_ =	shalt  }
0x59: {  	_ =	shalt  }
0x5a: {  	_ =	shalt  }
0x5b: {  	_ =	shalt  }
0x5c: {  	_ =	shalt  }
0x5d: {  	_ =	shalt  }
0x5e: {  	_ =	shalt  }
0x5f: {  	_ =	shalt  }
0x60: {  	_ =	shalt  }
0x61: {  	_ =	shalt  }
0x62: {  	_ =	shalt  }
0x63: {  	_ =	shalt  }
0x64: {  	_ =	shalt  }
0x65: {  	_ =	shalt  }
0x66: {  	_ =	shalt  }
0x67: {  	_ =	shalt  }
0x68: {  	_ =	shalt  }
0x69: {  	_ =	shalt  }
0x6a: {  	_ =	shalt  }
0x6b: {  	_ =	shalt  }
0x6c: {  	_ =	shalt  }
0x6d: {  	_ =	shalt  }
0x6e: {  	_ =	shalt  }
0x6f: {  	_ =	shalt  }
0x70: {  	_ =	shalt  }
0x71: {  	_ =	shalt  }
0x72: {  	_ =	shalt  }
0x73: {  	_ =	shalt  }
0x74: {  	_ =	shalt  }
0x75: {  	_ =	shalt  }
0x76: {  	_ =	shalt  }
0x77: {  	_ =	shalt  }
0x78: {  	_ =	shalt  }
0x79: {  	_ =	shalt  }
0x7a: {  	_ =	shalt  }
0x7b: {  	_ =	shalt  }
0x7c: {  	_ =	shalt  }
0x7d: {  	_ =	shalt  }
0x7e: {  	_ =	shalt  }
0x7f: {  	_ =	shalt  }
0x80: {  	_ =	shalt  }
0x81: {  	_ =	shalt  }
0x82: {  	_ =	shalt  }
0x83: {  	_ =	shalt  }
0x84: {  	_ =	shalt  }
0x85: {  	_ =	shalt  }
0x86: {  	_ =	shalt  }
0x87: {  	_ =	shalt  }
.Lfunc_end0:
.L_simem_size_0:
called_computation_lowered:
.L_overlay_start_0:
0x88: {  	s2 =	sld [smem:$0x3FD9]  }
0x89: {  	s3 =	sld [smem:$0x3FFE];
	_ =	sdelay $0x1  }
0x8a: {  	s1 =	srdreg.scid  }
0x8b: {  	s0 =	sand.u32 $0x1, s1  }
0x8c: {  	s17 =	sshll.u32 s0, $0xA;
	s2 =	sadd.s32 s3, s2  }
0x8d: {  	s2 =	sadd.s32 s2, s17  }
0x8e: {  	[smem:$0x3FC2] =	sst s2  }
0x8f: {  	_ = 	snop  }
0x90: {  	s2 =	sld [smem:$0x3FD0];
	(tm) =	ssettm $0x1  }
0x91: {  	s18 =	sld [smem:$0x3FFB];
	_ =	sdelay $0x3  }
0x92: {  	_ =	strace s18  }
0x93: {  	s3 =	sld [smem:$0x3FFC];
	_ =	sdelay $0x3  }
0x94: {  	_ =	strace s3  }
0x95: {  	s3 =	sld [smem:$0x3FFD];
	_ =	sdelay $0x3  }
0x96: {  	_ =	strace s3  }
0x97: {  	_ =	strace $0x8FFFFFFF  }
0x98: {  	s19 =	sld [smem:$0x3FDB];
	_ =	sdelay $0x1  }
0x99: {  	s4 =	simm.s32 $_scs_section_size  }
0x9a: {  	s5 =	simm.s32 $_size__tile_overlayer_lowered;
	s6 =	simm.s32 $_tile_overlayer_lowered  }
0x9b: {  	s22 =	simm.s32 $0x1BFF;
	s21 =	sshll.u32 s6, $0x1;
	s3 =	sadd.s32 s4, s19  }
0x9c: {  	s7 =	simm.s32 $0x0;
	s20 =	sshll.u32 s5, $0x1;
	s5 =	sadd.s32 s21, s3  }
0x9d: {  	[timem:s7], [sflag:s22] =	dma.local [hbm:s5], s20  }
0x9e: {  	_ =	swait.ge [sflag:s22], s20  }
0x9f: {  	s4 =	ssub.s32 $0x0, s20;
	[sflag:s22] =	ssyncset.done $0x0  }
0xa0: {  	[sflag:s22] =	ssyncadd.s32 s4;
	_ =	sdelay $0x1  }
0xa1: {  	s23 =	simm.s32 $0x1B8B  }
0xa2: {  	_ =	swait.ge [sflag:s23], $0x1  }
0xa3: {  	[sflag:s23] =	ssyncset.done $0x0  }
0xa4: {  	s25 =	simm.s32 $0x1B8E;
	s24 =	sld [smem:$0x3FFE];
	[sflag:s23] =	ssyncadd.s32 $0xFFFFFFFF  }
0xa5: {  	s26 =	simm.s32 $execute0_lowered;
	[smem:$0x3FD2] =	sst s25  }
0xa6: {  	s5 =	sshll.u32 s26, $0x1;
	_ =	strace $0x80000046;
	[dreg:$0x1] =	wrdreg $0xFFFFFFFF  }
0xa7: {  	s28 =	simm.s32 $_size_execute0_lowered;
	s3 =	sadd.s32 s3, s5;
	[dreg:$0x0] =	wrdreg $0x0  }
0xa8: {  	s5 =	sshll.u32 s28, $0x1;
	[dreg:$0x2] =	wrdreg s3  }
0xa9: {  	[dreg:$0x3] =	wrdreg s5  }
0xaa: {  	[dreg:$0x4] =	wrdreg $0xC0  }
0xab: {  	_ =	task [dreg:s7], $0x5FFFF  }
0xac: {  	[dreg:$0x1] =	wrdreg $0xFFFFFFFF  }
0xad: {  	[dreg:$0x0] =	wrdreg $0x60  }
0xae: {  	[dreg:$0x2] =	wrdreg s24  }
0xaf: {  	[dreg:$0x3] =	wrdreg s2  }
0xb0: {  	[dreg:$0x4] =	wrdreg $0x77100  }
0xb1: {  	[dreg:$0x5] =	wrdreg $0x9  }
0xb2: {  	_ =	task.clear_ibuf [dreg:s7], $0x6FFFF;
	_ =	strace $0x90000046  }
0xb3: {  	s29 =	simm.s32 $0x9;
	_ =	strace $0x80000048  }
0xb4: {  	_ =	swait.ge [sflag:s29], $0x1  }
0xb5: {  	[sflag:s29] =	ssyncadd.s32 $0xFFFFFFFF  }
0xb6: {  	_ =	strace $0x90000048  }
0xb7: {  	_ =	sfence  }
0xb8: {  	s30 =	sld [smem:$0x0];
	_ =	sdelay $0x2  }
0xb9: {  	s31 =	sshll.u32 s1, $0xD;
	s1 =	sshrl.u32 s1, $0x2  }
0xba: {  	s3 =	sand.u32 $0x4000, s31;
	s1 =	sadd.s32 s1, s30  }
0xbb: {  	s0 =	sor.u32 s3, s0;
	s1 =	sshll.u32 s1, $0x11  }
0xbc: {  	s0 =	sor.u32 s1, s0  }
0xbd: {  	s0 =	sadd.s32 $0x8F2B, s0  }
0xbe: {  	[sflag:s0] =	ssyncadd.remote.s32 $0x1  }
0xbf: {  	_ =	sfence.sel $0xFFFF  }
0xc0: {  	[dreg:$0x0] =	wrdreg $0xFFFFFFFF;
	(pc) =	sbr.abs _section_cstart, $3  }
0xc1: {  	[dreg:$0x1] =	wrdreg $0xFFFFFFFF  }
0xc2: {  	_ =	task.clear_ibuf [dreg:s7], $0x2FFFF;
	_ =	strace $0x9FFFFFFF  }
0xc3: {  	(tm) =	ssettm $0x7FFFFFFF  }
tec
execute0_lowered:
.L_overlay_start_1:
0x0: {  	(tag) =	ssettag $0x1  }
0x1: {  	s0 =	rddreg [dreg:$0x0]  }
0x2: {  	s1 =	srdreg.scid;
	s21 =	rddreg [dreg:$0x1]  }
0x3: {  	s5 =	rddreg [dreg:$0x2];
	s8 =	stileid.u32  }
0x4: {  	s2 =	simm.s32 $0x0;
	s23 =	simm.s32 $0x1;
	s24 =	simm.s32 $0x2710  }
0x5: {  	s25 =	simm.s32 $0x4F10;
	s26 =	simm.s32 $0x7490;
	s28 =	simm.s32 $0x0  }
0x6: {  	s1 =	sand.u32 $0x1, s1;
	[smem:$0x7FF] =	sst s2;
	s6 =	smul.u32 $0xA000, s8  }
0x7: {  	s19 =	smul.u32 $0x280, s8;
	s3 =	sshll.u32 s1, $0x4;
	_ =	strace $0x80000047  }
0x8: {  	s4 =	ssub.s32 $0x2, s1;
	s31 =	smul.u32 $0x2800, s1;
	s1 =	simm.s32 $0x7210  }
0x9: {  	s3 =	sor.u32 s8, s3;
	s7 =	sshrl.u32 s4, $0x1;
	s30 =	sshrl.u32 s6, $0x2  }
0xa: {  	s22 =	ssub.s32 s4, s7;
	s4 =	sadd.s32 s30, s5;
	s5 =	sadd.s32 s19, s5  }
0xb: {  	s3 =	smul.u32 $0x2710, s3;
	s6 =	sadd.s32 $0x2800, s5;
	s7 =	sadd.s32 $0x5000, s5  }
0xc: {  	s8 =	sadd.s32 $0x7800, s5;
	s9 =	sadd.s32 $0xA000, s5;
	s10 =	sadd.s32 $0xC800, s5  }
0xd: {  	s11 =	sadd.s32 $0xF000, s5;
	s12 =	sadd.s32 $0x11800, s5;
	s13 =	sadd.s32 $0x14000, s5  }
0xe: {  	s14 =	sadd.s32 $0x16800, s5;
	s15 =	sadd.s32 $0x19000, s5;
	s3 =	sshrl.u32 s3, $0x3  }
0xf: {  	s16 =	sadd.s32 $0x1B800, s5;
	s17 =	sadd.s32 $0x1E000, s5;
	s0 =	sadd.s32 s0, s3  }
0x10: {  	s18 =	sadd.s32 $0x20800, s5;
	s3 =	sadd.s32 $0xC440, s0;
	s0 =	sadd.s32 s19, s31  }
0x11: {  	s20 =	sadd.s32 $0x25800, s5;
	s22 =	smax.u32 s22, $0x1;
	s0 =	sshrl.u32 s0, $0x3  }
0x12: {  	v0 =	vimm.f32 $0.0e+00;
	v1 =	vimm.f32 $1.000000000e+00;
	s19 =	sadd.s32 $0x23000, s5;
	s21 =	sadd.s32 s21, s0;
	s0 =	simm.s32 $0x6F90  }
.LBB2_1:
0x13: {  	[tilespmem:s2], [sflag:$0x1] =	stream.linear.gather [hbm4b:s3+s2], $0x2710, $0x38;
	[tilespmem:$0x9F10] =	vst v63  }
0x14: {  	_ =	swait.ge [sflag:s23], $0x2710  }
0x15: {  	[sflag:s23] =	ssyncset.done $0x0  }
0x16: {  	s29 =	simm.s32 $0x0;
	[sflag:s23] =	ssyncadd.s32 $0xFFFFD8F0  }
.LBB2_2:
0x17: {  	p0 =	sne.s32 s29, $0x9FC0  }
.Ltmp0:
0x18: {  	_ = 	snop;
	(pc) =	sbr.rel @p0 .LBB2_2-.Ltmp0, $3  }
0x19: {  	_ =	sdelay $0x1  }
0x1a: {  	s30 =	sshra.s32 s29, $0x2  }
0x1b: {  	s29 =	sadd.s32 $0x40, s29;
	[tilespmem:s30+$0x2710] =	vst v0  }
0x1c: {  	s30 =	simm.s32 $0x0;
	s29 =	simm.s32 $0x40  }
.LBB2_4:
0x1d: {  	p0 =	sne.s32 s29, $0x9C00;
	v2 =	vld [tilespmem:s30+$0x0];
	_ =	sdelay $0x3  }
.Ltmp1:
0x1e: {  	(pc) =	sbr.rel @p0 .LBB2_4-.Ltmp1, $2  }
0x1f: {  	_ =	sdelay $0x2  }
0x20: {  	s30 =	sshra.s32 s29, $0x2;
	s29 =	sadd.s32 $0x40, s29;
	[tilespmem:v2+s24+$0x0] =	vst.idx.add.f32.msk $0xffff, v1  }
0x21: {  	v2 =	vld [tilespmem:s30+$0x0];
	_ =	sdelay $0x7  }
0x22: {  	[tilespmem:v2+s24+$0x0] =	vst.idx.add.f32.msk $0xffff, v1  }
0x23: {  	[spmem:s4] =	stream.linear.scatter [tilespmem:s24], [sflag:$0x1], $0x2800, $0x38;
	[tilespmem:$0x9F10] =	vst v63  }
0x24: {  	_ =	swait.ge [sflag:s23], $0x2800  }
0x25: {  	[sflag:s23] =	ssyncset.done $0x0  }
0x26: {  	[sflag:s23] =	ssyncadd.s32 $0xFFFFD800  }
0x27: {  	[bflag:$0x0] =	sbarrier.arrive $0xFFFF  }
0x28: {  	[tilespmem:s25], [sflag:$0x1] =	stream.linear.gather [spmem:s5], $0x280, $0x38;
	[tilespmem:$0x9F10] =	vst v63  }
0x29: {  	_ =	swait.ge [sflag:s23], $0x280  }
0x2a: {  	[sflag:s23] =	ssyncset.done $0x0  }
0x2b: {  	s29 =	simm.s32 $0x5190;
	[sflag:s23] =	ssyncadd.s32 $0xFFFFFD80  }
0x2c: {  	[tilespmem:s29], [sflag:$0x1] =	stream.linear.gather [spmem:s6], $0x280, $0x38;
	[tilespmem:$0x9F10] =	vst v63  }
0x2d: {  	_ =	swait.ge [sflag:s23], $0x280  }
0x2e: {  	[sflag:s23] =	ssyncset.done $0x0  }
0x2f: {  	s29 =	simm.s32 $0x5410;
	[sflag:s23] =	ssyncadd.s32 $0xFFFFFD80  }
0x30: {  	[tilespmem:s29], [sflag:$0x1] =	stream.linear.gather [spmem:s7], $0x280, $0x38;
	[tilespmem:$0x9F10] =	vst v63  }
0x31: {  	_ =	swait.ge [sflag:s23], $0x280  }
0x32: {  	[sflag:s23] =	ssyncset.done $0x0  }
0x33: {  	s29 =	simm.s32 $0x5690;
	[sflag:s23] =	ssyncadd.s32 $0xFFFFFD80  }
0x34: {  	[tilespmem:s29], [sflag:$0x1] =	stream.linear.gather [spmem:s8], $0x280, $0x38;
	[tilespmem:$0x9F10] =	vst v63  }
0x35: {  	_ =	swait.ge [sflag:s23], $0x280  }
0x36: {  	[sflag:s23] =	ssyncset.done $0x0  }
0x37: {  	s29 =	simm.s32 $0x5910;
	[sflag:s23] =	ssyncadd.s32 $0xFFFFFD80  }
0x38: {  	[tilespmem:s29], [sflag:$0x1] =	stream.linear.gather [spmem:s9], $0x280, $0x38;
	[tilespmem:$0x9F10] =	vst v63  }
0x39: {  	_ =	swait.ge [sflag:s23], $0x280  }
0x3a: {  	[sflag:s23] =	ssyncset.done $0x0  }
0x3b: {  	s29 =	simm.s32 $0x5B90;
	[sflag:s23] =	ssyncadd.s32 $0xFFFFFD80  }
0x3c: {  	[tilespmem:s29], [sflag:$0x1] =	stream.linear.gather [spmem:s10], $0x280, $0x38;
	[tilespmem:$0x9F10] =	vst v63  }
0x3d: {  	_ =	swait.ge [sflag:s23], $0x280  }
0x3e: {  	[sflag:s23] =	ssyncset.done $0x0  }
0x3f: {  	s29 =	simm.s32 $0x5E10;
	[sflag:s23] =	ssyncadd.s32 $0xFFFFFD80  }
0x40: {  	[tilespmem:s29], [sflag:$0x1] =	stream.linear.gather [spmem:s11], $0x280, $0x38;
	[tilespmem:$0x9F10] =	vst v63  }
0x41: {  	_ =	swait.ge [sflag:s23], $0x280  }
0x42: {  	[sflag:s23] =	ssyncset.done $0x0  }
0x43: {  	s29 =	simm.s32 $0x6090;
	[sflag:s23] =	ssyncadd.s32 $0xFFFFFD80  }
0x44: {  	[tilespmem:s29], [sflag:$0x1] =	stream.linear.gather [spmem:s12], $0x280, $0x38;
	[tilespmem:$0x9F10] =	vst v63  }
0x45: {  	_ =	swait.ge [sflag:s23], $0x280  }
0x46: {  	[sflag:s23] =	ssyncset.done $0x0  }
0x47: {  	s29 =	simm.s32 $0x6310;
	[sflag:s23] =	ssyncadd.s32 $0xFFFFFD80  }
0x48: {  	[tilespmem:s29], [sflag:$0x1] =	stream.linear.gather [spmem:s13], $0x280, $0x38;
	[tilespmem:$0x9F10] =	vst v63  }
0x49: {  	_ =	swait.ge [sflag:s23], $0x280  }
0x4a: {  	[sflag:s23] =	ssyncset.done $0x0  }
0x4b: {  	s29 =	simm.s32 $0x6590;
	[sflag:s23] =	ssyncadd.s32 $0xFFFFFD80  }
0x4c: {  	[tilespmem:s29], [sflag:$0x1] =	stream.linear.gather [spmem:s14], $0x280, $0x38;
	[tilespmem:$0x9F10] =	vst v63  }
0x4d: {  	_ =	swait.ge [sflag:s23], $0x280  }
0x4e: {  	[sflag:s23] =	ssyncset.done $0x0  }
0x4f: {  	s29 =	simm.s32 $0x6810;
	[sflag:s23] =	ssyncadd.s32 $0xFFFFFD80  }
0x50: {  	[tilespmem:s29], [sflag:$0x1] =	stream.linear.gather [spmem:s15], $0x280, $0x38;
	[tilespmem:$0x9F10] =	vst v63  }
0x51: {  	_ =	swait.ge [sflag:s23], $0x280  }
0x52: {  	[sflag:s23] =	ssyncset.done $0x0  }
0x53: {  	s29 =	simm.s32 $0x6A90;
	[sflag:s23] =	ssyncadd.s32 $0xFFFFFD80  }
0x54: {  	[tilespmem:s29], [sflag:$0x1] =	stream.linear.gather [spmem:s16], $0x280, $0x38;
	[tilespmem:$0x9F10] =	vst v63  }
0x55: {  	_ =	swait.ge [sflag:s23], $0x280  }
0x56: {  	[sflag:s23] =	ssyncset.done $0x0  }
0x57: {  	s29 =	simm.s32 $0x6D10;
	[sflag:s23] =	ssyncadd.s32 $0xFFFFFD80  }
0x58: {  	[tilespmem:s29], [sflag:$0x1] =	stream.linear.gather [spmem:s17], $0x280, $0x38;
	[tilespmem:$0x9F10] =	vst v63  }
0x59: {  	_ =	swait.ge [sflag:s23], $0x280  }
0x5a: {  	[sflag:s23] =	ssyncset.done $0x0  }
0x5b: {  	[sflag:s23] =	ssyncadd.s32 $0xFFFFFD80  }
0x5c: {  	[tilespmem:s0], [sflag:$0x1] =	stream.linear.gather [spmem:s18], $0x280, $0x38;
	[tilespmem:$0x9F10] =	vst v63  }
0x5d: {  	_ =	swait.ge [sflag:s23], $0x280  }
0x5e: {  	[sflag:s23] =	ssyncset.done $0x0  }
0x5f: {  	[sflag:s23] =	ssyncadd.s32 $0xFFFFFD80  }
0x60: {  	[tilespmem:s1], [sflag:$0x1] =	stream.linear.gather [spmem:s19], $0x280, $0x38;
	[tilespmem:$0x9F10] =	vst v63  }
0x61: {  	_ =	swait.ge [sflag:s23], $0x280  }
0x62: {  	[sflag:s23] =	ssyncset.done $0x0  }
0x63: {  	[sflag:s23] =	ssyncadd.s32 $0xFFFFFD80  }
0x64: {  	[tilespmem:s26], [sflag:$0x1] =	stream.linear.gather [spmem:s20], $0x280, $0x38;
	[tilespmem:$0x9F10] =	vst v63  }
0x65: {  	_ =	swait.ge [sflag:s23], $0x280  }
0x66: {  	[sflag:s23] =	ssyncset.done $0x0  }
0x67: {  	s29 =	simm.s32 $0xFFFFFD80;
	[sflag:s23] =	ssyncadd.s32 $0xFFFFFD80  }
0x68: {  	s30 =	simm.s32 $0xFFFFF640;
	v2 =	vld [tilespmem:s29+$0x5410]  }
.LBB2_6:
0x69: {  	p0 =	sne.s32 s30, $0xFFFFFFC0;
	v3 =	vld [tilespmem:s29+$0x5190];
	_ =	sdelay $0x1  }
0x6a: {  	v4 =	vld [tilespmem:s29+$0x5690];
	_ =	sdelay $0x1  }
0x6b: {  	v5 =	vld [tilespmem:s29+$0x5910]  }
0x6c: {  	v2 =	vadd.f32 v2, v3  }
0x6d: {  	v3 =	vld [tilespmem:s29+$0x5B90]  }
0x6e: {  	v2 =	vadd.f32 v4, v2  }
0x6f: {  	v4 =	vld [tilespmem:s29+$0x5E10]  }
0x70: {  	v2 =	vadd.f32 v5, v2  }
0x71: {  	v5 =	vld [tilespmem:s29+$0x6090]  }
0x72: {  	v2 =	vadd.f32 v3, v2  }
0x73: {  	v3 =	vld [tilespmem:s29+$0x6310]  }
0x74: {  	v2 =	vadd.f32 v4, v2  }
0x75: {  	v4 =	vld [tilespmem:s29+$0x6590]  }
0x76: {  	v2 =	vadd.f32 v5, v2  }
0x77: {  	v5 =	vld [tilespmem:s29+$0x6810]  }
0x78: {  	v2 =	vadd.f32 v3, v2  }
0x79: {  	v3 =	vld [tilespmem:s29+$0x6A90]  }
0x7a: {  	v2 =	vadd.f32 v4, v2  }
0x7b: {  	v4 =	vld [tilespmem:s29+$0x6D10]  }
0x7c: {  	v2 =	vadd.f32 v5, v2  }
0x7d: {  	v5 =	vld [tilespmem:s29+$0x6F90]  }
0x7e: {  	v2 =	vadd.f32 v3, v2  }
0x7f: {  	v3 =	vld [tilespmem:s29+$0x7210]  }
0x80: {  	v2 =	vadd.f32 v4, v2  }
0x81: {  	v4 =	vld [tilespmem:s29+$0x7490]  }
0x82: {  	v2 =	vadd.f32 v5, v2  }
0x83: {  	v5 =	vld [tilespmem:s29+$0x7710]  }
0x84: {  	v2 =	vadd.f32 v3, v2;
	_ =	sdelay $0x1  }
.Ltmp2:
0x85: {  	v2 =	vadd.f32 v4, v2;
	(pc) =	sbr.rel @p0 .LBB2_6-.Ltmp2, $4  }
0x86: {  	_ = 	snop  }
0x87: {  	v3 =	vadd.f32 v5, v2  }
0x88: {  	s31 =	sshra.s32 s30, $0x2  }
0x89: {  	s30 =	sadd.s32 $0x40, s30;
	v2 =	vld [tilespmem:s31+$0x5410];
	[tilespmem:s29+$0x5190] =	vst v3;
	s29 =	smov.u32 s31  }
0x8a: {  	v3 =	vld [tilespmem:s29+$0x5190];
	_ =	sdelay $0x1  }
0x8b: {  	v4 =	vld [tilespmem:s29+$0x5690];
	_ =	sdelay $0x1  }
0x8c: {  	v5 =	vld [tilespmem:s29+$0x5910]  }
0x8d: {  	v2 =	vadd.f32 v2, v3  }
0x8e: {  	v3 =	vld [tilespmem:s29+$0x5B90]  }
0x8f: {  	v2 =	vadd.f32 v4, v2  }
0x90: {  	v56 =	vld [tilespmem:s29+$0x5E10]  }
0x91: {  	v2 =	vadd.f32 v5, v2  }
0x92: {  	v57 =	vld [tilespmem:s29+$0x6090]  }
0x93: {  	v2 =	vadd.f32 v3, v2  }
0x94: {  	v3 =	vld [tilespmem:s29+$0x6310]  }
0x95: {  	v2 =	vadd.f32 v56, v2  }
0x96: {  	v58 =	vld [tilespmem:s29+$0x6590]  }
0x97: {  	v2 =	vadd.f32 v57, v2  }
0x98: {  	v59 =	vld [tilespmem:s29+$0x6810]  }
0x99: {  	v2 =	vadd.f32 v3, v2  }
0x9a: {  	v3 =	vld [tilespmem:s29+$0x6A90]  }
0x9b: {  	v2 =	vadd.f32 v58, v2  }
0x9c: {  	v60 =	vld [tilespmem:s29+$0x6D10]  }
0x9d: {  	v2 =	vadd.f32 v59, v2  }
0x9e: {  	v61 =	vld [tilespmem:s29+$0x6F90]  }
0x9f: {  	v2 =	vadd.f32 v3, v2  }
0xa0: {  	v3 =	vld [tilespmem:s29+$0x7210]  }
0xa1: {  	v2 =	vadd.f32 v60, v2  }
0xa2: {  	v62 =	vld [tilespmem:s29+$0x7490]  }
0xa3: {  	v2 =	vadd.f32 v61, v2  }
0xa4: {  	v63 =	vld [tilespmem:s29+$0x7710]  }
0xa5: {  	v2 =	vadd.f32 v3, v2;
	_ =	sdelay $0x1  }
0xa6: {  	v2 =	vadd.f32 v62, v2;
	_ =	sdelay $0x1  }
0xa7: {  	s28 =	sadd.s32 $0x1, s28;
	v2 =	vadd.f32 v63, v2  }
0xa8: {  	p0 =	sne.s32 s28, s22  }
.Ltmp3:
0xa9: {  	[tilespmem:s29+$0x5190] =	vst v2;
	(pc) =	sbr.rel @p0 .LBB2_1-.Ltmp3, $4  }
0xaa: {  	[hbm4b:s21+s2] =	stream.linear.scatter [tilespmem:s25], [sflag:$0x1], $0x280, $0x38;
	[tilespmem:$0x9F10] =	vst v63  }
0xab: {  	_ =	swait.ge [sflag:s23], $0x280  }
0xac: {  	[sflag:s23] =	ssyncset.done $0x0  }
0xad: {  	[sflag:s23] =	ssyncadd.s32 $0xFFFFFD80  }
0xae: {  	_ =	sfence.sel $0x180000  }
0xaf: {  	[bflag:$0x0] =	sbarrier.arrive $0xFFFF  }
0xb0: {  	_ =	strace $0x90000047  }
0xb1: {  	s0 =	stileid.u32;
	[bflag:$0x2] =	sbarrier.arrive $0xFFFF  }
0xb2: {  	p0 =	sne.s32 s0, $0x0;
	s0 =	rddreg [dreg:$0x3]  }
0xb3: {  	s0 =	sadd.s32 @!p0 $0x100000, s0  }
0xb4: {  	[sflag:s0] =	ssyncadd.tile.s32 @!p0 $0x1;
	_ =	shalt  }
.Lfunc_end2:
_tile_overlayer_lowered:
.L_overlay_start_2:
0xb5: {  	(tag) =	ssettag $0x2  }
0xb6: {  	s0 =	rddreg [dreg:$0x0];
	s2 =	stileid.u32  }
0xb7: {  	s1 =	rddreg [dreg:$0x1];
	p0 =	sne.s32 s2, $0x0  }
0xb8: {  	s3 =	rddreg [dreg:$0x2];
	[bflag:$0x3] =	sbarrier.arrive $0xFFFF;
	s2 =	simm.s32 @!p0 $0x1C01  }
0xb9: {  	[timem:s3], [sflag:s2] =	dma.local @!p0 [hbm:s0], s1  }
0xba: {  	s0 =	simm.s32 @!p0 $0x1  }
0xbb: {  	_ =	swait.ge @!p0 [sflag:s0], s1  }
0xbc: {  	s1 =	ssub.s32 @!p0 $0x0, s1;
	[sflag:s0] =	ssyncset.done @!p0 $0x0  }
0xbd: {  	[sflag:s0] =	ssyncadd.s32 @!p0 s1  }
0xbe: {  	[bflag:$0x3] =	sbarrier.arrive $0xFFFF  }
0xbf: {  	_ =	shalt  }

</sc_bundles>
